<compile_context>
chip_gen: v7x
topology: tpu7x:2x2x1
jax: 0.10.2.dev20260603
libtpu: 0.0.44.dev20260713+nightly
codegen_flags: <defaults>
</compile_context>

<pallas_src>
import functools

import jax
import jax.numpy as jnp
from jax import lax
from jax.experimental import pallas as pl
from jax.experimental.pallas import tpu as pltpu
from jax.experimental.pallas import tpu_sc as plsc

N = 10000
D = 128
E = 320000
NC, NS, L = 2, 16, 16
NW = NC * NS

N_PAD = 10240
BLK = 128
NBLK_E = E // BLK
A_BLKS, A_EXTRA = NBLK_E // NW, NBLK_E % NW
EPT_MAX = (A_BLKS + 1) * BLK
ROWS_PT = N_PAD // NS
ZROWS = 128

_mesh = plsc.VectorSubcoreMesh(
    core_axis_name="c", subcore_axis_name="s", num_cores=NC, num_subcores=NS)


@functools.partial(
    pl.kernel,
    out_type=jax.ShapeDtypeStruct((6, NW, N_PAD), jnp.float32),
    mesh=_mesh,
    scratch_types=[
        pltpu.VMEM((N_PAD,), jnp.float32),
        pltpu.VMEM((N_PAD,), jnp.float32),
        pltpu.VMEM((EPT_MAX,), jnp.int32),
        pltpu.VMEM((EPT_MAX,), jnp.int32),
        pltpu.SemaphoreType.DMA,
        pltpu.SemaphoreType.DMA,
    ],
    compiler_params=pltpu.CompilerParams(needs_layout_passes=False),
)
def _deg_kernel(e0, e1, e2, out, degA, degB, idxA, idxB, isem, wsem):
    cid = lax.axis_index("c")
    sid = lax.axis_index("s")
    wid = sid * NC + cid
    has_extra = wid < A_EXTRA
    start = (wid * A_BLKS + jnp.minimum(wid, A_EXTRA)) * BLK
    nvec8 = A_BLKS + jnp.where(has_extra, 1, 0)
    ones = jnp.ones((L,), jnp.float32)
    zeros = jnp.zeros((L,), jnp.float32)

    def load_idx(a, idx_v, sem):
        which = a // 3
        er = (e0, e1, e2)[a % 3]

        @pl.when(has_extra)
        def _():
            pltpu.async_copy(er.at[pl.ds(which * E + start, EPT_MAX)],
                             idx_v, sem)

        @pl.when(jnp.logical_not(has_extra))
        def _():
            pltpu.async_copy(er.at[pl.ds(which * E + start, A_BLKS * BLK)],
                             idx_v.at[pl.ds(0, A_BLKS * BLK)], sem)

    def drain_idx(idx_v, sem):
        @pl.when(has_extra)
        def _():
            pltpu.make_async_copy(e0.at[pl.ds(0, EPT_MAX)], idx_v,
                                  sem).wait()

        @pl.when(jnp.logical_not(has_extra))
        def _():
            pltpu.make_async_copy(e0.at[pl.ds(0, A_BLKS * BLK)],
                                  idx_v.at[pl.ds(0, A_BLKS * BLK)],
                                  sem).wait()

    for a in range(6):
        deg_v = (degA, degB)[a % 2]
        idx_v = (idxA, idxB)[a % 2]
        if a >= 2:
            pltpu.make_async_copy(deg_v, out.at[a - 2, wid], wsem).wait()

        def zbody(j, c):
            for u in range(8):
                deg_v[pl.ds((j * 8 + u) * L, L)] = zeros
            return c
        lax.fori_loop(0, N_PAD // (8 * L), zbody, 0)

        if a == 0:
            load_idx(0, idxA, isem)
            drain_idx(idxA, isem)
        if a < 5:
            load_idx(a + 1, (idxA, idxB)[(a + 1) % 2], isem)
        if a >= 1:
            drain_idx(idx_v, isem)

        def body(j, c):
            for u in range(8):
                iv = idx_v[pl.ds((j * 8 + u) * L, L)]
                plsc.addupdate_scatter(deg_v, [iv], ones)
            return c
        lax.fori_loop(0, nvec8, body, 0)

        pltpu.async_copy(deg_v, out.at[a, wid], wsem)
    for a in (4, 5):
        pltpu.make_async_copy((degA, degB)[a % 2], out.at[a, wid],
                              wsem).wait()


def _norm_h_body(degs_ref, x_ref, h0_ref, h1_ref, h2_ref, nd_ref):
    deg = jnp.sum(degs_ref[...], axis=1)
    norm = jnp.where(deg > 0, lax.rsqrt(jnp.maximum(deg, 1e-12)), 0.0)
    i = pl.program_id(0)
    valid = (i * NBLK + lax.broadcasted_iota(jnp.int32, (NBLK, 1), 0)) < N
    x = x_ref[...]
    for r, h_ref in enumerate((h0_ref, h1_ref, h2_ref)):
        h_ref[...] = jnp.where(valid, x * norm[r][:, None], 0.0)
    nd_ref[...] = norm[3:6]


NBLK = 2048


def _norm_h(degs, x):
    grid = (N_PAD // NBLK,)
    return pl.pallas_call(
        _norm_h_body,
        grid=grid,
        in_specs=[
            pl.BlockSpec((6, NW, NBLK), lambda i: (0, 0, i)),
            pl.BlockSpec((NBLK, D), lambda i: (i, 0)),
        ],
        out_specs=[
            pl.BlockSpec((NBLK, D), lambda i: (i, 0)),
            pl.BlockSpec((NBLK, D), lambda i: (i, 0)),
            pl.BlockSpec((NBLK, D), lambda i: (i, 0)),
            pl.BlockSpec((3, NBLK), lambda i: (0, i)),
        ],
        out_shape=[
            jax.ShapeDtypeStruct((N_PAD, D), jnp.float32),
            jax.ShapeDtypeStruct((N_PAD, D), jnp.float32),
            jax.ShapeDtypeStruct((N_PAD, D), jnp.float32),
            jax.ShapeDtypeStruct((3, N_PAD), jnp.float32),
        ],
    )(degs, x)


ROWS_LO = 624
ROWS_HI = N - (NS - 1) * ROWS_LO


@functools.partial(
    pl.kernel,
    out_type=jax.ShapeDtypeStruct((3, NC, N, D), jnp.float32),
    mesh=_mesh,
    scratch_types=[
        pltpu.VMEM_SHARED((N, D), jnp.float32),
        pltpu.VMEM((4, 2, BLK), jnp.int32),
        pltpu.VMEM((3, BLK, D), jnp.float32),
        pltpu.SemaphoreType.DMA,
        pltpu.SemaphoreType.DMA,
        pltpu.SemaphoreType.DMA,
    ],
    compiler_params=pltpu.CompilerParams(needs_layout_passes=False),
)
def _agg_kernel(h0, h1, h2, e0, e1, e2, out, acc_sh, idx2, rows4,
                gsem0, isem, ssem):
    cid = lax.axis_index("c")
    sid = lax.axis_index("s")
    zeros = jnp.zeros((L,), jnp.float32)
    last = sid == NS - 1
    rstart = sid * ROWS_LO

    blks_per_core = E // NC // BLK
    nblk = blks_per_core // NS + jnp.where(
        sid < blks_per_core % NS, 1, 0)

    for r in range(3):
        er = (e0, e1, e2)[r]
        hr = (h0, h1, h2)[r]

        def zf(i, c):
            for u in range(D // L):
                rows4[0, i, pl.ds(u * L, L)] = zeros
            return c
        lax.fori_loop(0, BLK, zf, 0)
        for j in range(ROWS_LO // BLK):
            pltpu.sync_copy(rows4.at[0],
                            acc_sh.at[pl.ds(rstart + j * BLK, BLK)])

        @pl.when(last)
        def _():
            pltpu.sync_copy(rows4.at[0],
                            acc_sh.at[pl.ds(rstart + 512, BLK)])

        @pl.when(jnp.logical_not(last))
        def _():
            pltpu.sync_copy(
                rows4.at[0, pl.ds(0, ROWS_LO - 512)],
                acc_sh.at[pl.ds(rstart + 512, ROWS_LO - 512)])
        plsc.subcore_barrier()

        g0 = cid * blks_per_core + sid
        for j in range(3):
            pltpu.sync_copy(er.at[g0 + j * NS], idx2.at[j])
        pltpu.async_copy(hr.at[idx2.at[0, 0]], rows4.at[0], gsem0)
        pltpu.async_copy(hr.at[idx2.at[1, 0]], rows4.at[1], gsem0)

        def ebody(k, c):
            p3 = lax.rem(k, 3)
            p4 = lax.rem(k, 4)

            @pl.when(jnp.logical_and(k >= 1, k + 2 < nblk))
            def _():
                pltpu.make_async_copy(er.at[g0], idx2.at[0], isem).wait()
                pltpu.make_async_copy(
                    hr.at[pl.ds(0, BLK)], rows4.at[0], ssem).wait()

            @pl.when(k + 2 < nblk)
            def _():
                pltpu.async_copy(hr.at[idx2.at[lax.rem(k + 2, 4), 0]],
                                 rows4.at[lax.rem(k + 2, 3)], gsem0)

            @pl.when(k + 3 < nblk)
            def _():
                pltpu.async_copy(er.at[g0 + (k + 3) * NS],
                                 idx2.at[lax.rem(k + 3, 4)], isem)
            pltpu.make_async_copy(
                hr.at[pl.ds(0, BLK)], rows4.at[p3], gsem0).wait()
            pltpu.async_copy(rows4.at[p3], acc_sh.at[idx2.at[p4, 1]], ssem,
                             add=True)
            return c
        lax.fori_loop(0, nblk, ebody, 0)
        for _ in range(3):
            pltpu.make_async_copy(hr.at[pl.ds(0, BLK)], rows4.at[0],
                                  ssem).wait()
        plsc.subcore_barrier()

        @pl.when(last)
        def _():
            pltpu.sync_copy(acc_sh.at[pl.ds(rstart, ROWS_HI)],
                            out.at[r, cid, pl.ds(rstart, ROWS_HI)])

        @pl.when(jnp.logical_not(last))
        def _():
            pltpu.sync_copy(acc_sh.at[pl.ds(rstart, ROWS_LO)],
                            out.at[r, cid, pl.ds(rstart, ROWS_LO)])


def _final_body(aggp_ref, nd_ref, W_ref, bm_ref, out_ref):
    nd = nd_ref[...]
    acc = bm_ref[...] * jnp.ones((aggp_ref.shape[2], 1), jnp.float32)
    for r in range(3):
        s = (aggp_ref[r, 0] + aggp_ref[r, 1]) * nd[r][:, None]
        acc = acc + (1.0 / 3.0) * jnp.dot(
            s, W_ref[r], preferred_element_type=jnp.float32)
    out_ref[...] = acc


def _final(aggp, nd, Ws, bm):
    grid = (pl.cdiv(N, NBLK),)
    return pl.pallas_call(
        _final_body,
        grid=grid,
        in_specs=[
            pl.BlockSpec((3, NC, NBLK, D), lambda i: (0, 0, i, 0)),
            pl.BlockSpec((3, NBLK), lambda i: (0, i)),
            pl.BlockSpec((3, D, D), lambda i: (0, 0, 0)),
            pl.BlockSpec((1, D), lambda i: (0, 0)),
        ],
        out_specs=pl.BlockSpec((NBLK, D), lambda i: (i, 0)),
        out_shape=jax.ShapeDtypeStruct((N, D), jnp.float32),
    )(aggp, nd, Ws, bm)


def _pad_edge_blocks(e):
    nb_core = E // NC // BLK
    pad = BPT * NS - nb_core
    srcb = e[0].reshape(NC, nb_core, BLK)
    dstb = e[1].reshape(NC, nb_core, BLK)
    srcp = jnp.pad(srcb, ((0, 0), (0, pad), (0, 0)), constant_values=N)
    dstp = jnp.pad(dstb, ((0, 0), (0, pad), (0, 0)),
                   constant_values=N_PAD - 1)
    return jnp.stack([srcp, dstp])


def kernel(x, edge_index_r0, edge_index_r1, edge_index_r2,
           W_r0, b_r0, W_r1, b_r1, W_r2, b_r2):
    e0 = edge_index_r0.reshape(2 * E)
    e1 = edge_index_r1.reshape(2 * E)
    e2 = edge_index_r2.reshape(2 * E)
    degs = _deg_kernel(e0, e1, e2)
    h0, h1, h2, nd = _norm_h(degs, x)
    ei0 = edge_index_r0.reshape(2, NBLK_E, BLK).transpose(1, 0, 2)
    ei1 = edge_index_r1.reshape(2, NBLK_E, BLK).transpose(1, 0, 2)
    ei2 = edge_index_r2.reshape(2, NBLK_E, BLK).transpose(1, 0, 2)
    aggp = _agg_kernel(h0, h1, h2, ei0, ei1, ei2)
    Ws = jnp.stack([W_r0, W_r1, W_r2])
    bm = ((b_r0 + b_r1 + b_r2) / 3.0).reshape(1, D)
    return _final(aggp, nd, Ws, bm)

# --- scband reference (transcript-rebuilt; emitter-appended) ---
"""Pipeline reference for scband-het-graph-layer-8160437862809 (READ-ONLY COPY).

The authoritative reference and input builder live on the scoring server;
editing this copy changes nothing except your own understanding.
"""

import jax, jax.numpy as jnp
import numpy as np

N_NODES = 10000
D = 128
N_EDGES = 320000


def setup_inputs(seed: int = 0) -> dict:
    key = jax.random.key(seed)
    ks = jax.random.split(key, 12)
    x = jax.random.normal(ks[0], (N_NODES, D), dtype=jnp.float32)
    edge_index_r0 = jax.random.randint(ks[1], (2, N_EDGES), 0, N_NODES, dtype=jnp.int64 if jax.config.jax_enable_x64 else jnp.int32)
    edge_index_r1 = jax.random.randint(ks[2], (2, N_EDGES), 0, N_NODES, dtype=jnp.int64 if jax.config.jax_enable_x64 else jnp.int32)
    edge_index_r2 = jax.random.randint(ks[3], (2, N_EDGES), 0, N_NODES, dtype=jnp.int64 if jax.config.jax_enable_x64 else jnp.int32)
    scale = 1.0 / np.sqrt(D)
    W_r0 = jax.random.uniform(ks[4], (D, D), jnp.float32, -scale, scale)
    b_r0 = jnp.zeros((D,), jnp.float32)
    W_r1 = jax.random.uniform(ks[5], (D, D), jnp.float32, -scale, scale)
    b_r1 = jnp.zeros((D,), jnp.float32)
    W_r2 = jax.random.uniform(ks[6], (D, D), jnp.float32, -scale, scale)
    b_r2 = jnp.zeros((D,), jnp.float32)
    return {"x": x, "edge_index_r0": edge_index_r0, "edge_index_r1": edge_index_r1,
            "edge_index_r2": edge_index_r2, "W_r0": W_r0, "b_r0": b_r0,
            "W_r1": W_r1, "b_r1": b_r1, "W_r2": W_r2, "b_r2": b_r2}


def _gcn_conv(x, edge_index, W, b):
    # DGL GraphConv(norm='both'), in_feats == out_feats -> aggregate first, then linear
    src = edge_index[0]
    dst = edge_index[1]
    n = x.shape[0]
    ones = jnp.ones((edge_index.shape[1],), jnp.float32)
    out_deg = jnp.zeros((n,), jnp.float32).at[src].add(ones)
    norm_src = jnp.where(out_deg > 0, jax.lax.rsqrt(jnp.maximum(out_deg, 1e-12)), 0.0)
    h = x * norm_src[:, None]
    agg = jnp.zeros_like(x).at[dst].add(jnp.take(h, src, axis=0))
    in_deg = jnp.zeros((n,), jnp.float32).at[dst].add(ones)
    norm_dst = jnp.where(in_deg > 0, jax.lax.rsqrt(jnp.maximum(in_deg, 1e-12)), 0.0)
    agg = agg * norm_dst[:, None]
    return agg @ W + b


def reference(x, edge_index_r0, edge_index_r1, edge_index_r2,
              W_r0, b_r0, W_r1, b_r1, W_r2, b_r2):
    out0 = _gcn_conv(x, edge_index_r0, W_r0, b_r0)
    out1 = _gcn_conv(x, edge_index_r1, W_r1, b_r1)
    out2 = _gcn_conv(x, edge_index_r2, W_r2, b_r2)
    rel_embs = jnp.stack([out0, out1, out2], axis=0)
    # ChannelCombine with het_combine='mean': mean over relation channels
    res = jnp.mean(rel_embs, axis=0)
    return res

if __name__ == "__main__":
    import jax
    _d = setup_inputs()
    print(jax.jit(kernel)(*tuple(_d.values())))

</pallas_src>

<mosaic_0001>
#map = affine_map<(d0, d1) -> (0)>
#map1 = affine_map<(d0, d1) -> (0, 0, 0)>
module attributes {stable_mosaic.version = 14 : i64} {
  func.func @_deg_kernel(%arg0: i32, %arg1: i32, %arg2: memref<640000xi32, #tpu.memory_space<hbm>>, %arg3: memref<640000xi32, #tpu.memory_space<hbm>>, %arg4: memref<640000xi32, #tpu.memory_space<hbm>>, %arg5: memref<6x32x10240xf32, #tpu.memory_space<hbm>>, %arg6: memref<10240xf32, #tpu.memory_space<vmem>>, %arg7: memref<10240xf32, #tpu.memory_space<vmem>>, %arg8: memref<10112xi32, #tpu.memory_space<vmem>>, %arg9: memref<10112xi32, #tpu.memory_space<vmem>>, %arg10: memref<!tpu.dma_semaphore, #tpu.memory_space<semaphore_mem>>, %arg11: memref<!tpu.dma_semaphore, #tpu.memory_space<semaphore_mem>>) attributes {dimension_semantics = [#tpu.dimension_semantics<core_parallel>, #tpu.dimension_semantics<subcore_parallel>], iteration_bounds = array<i64: 2, 16>, scalar_prefetch = 0 : i64, scratch_operands = 6 : i64, tpu.core_type = #tpu.core_type<sc_vector_subcore>, window_params = [{transform_indices = #map}, {transform_indices = #map}, {transform_indices = #map}, {transform_indices = #map1}]} {
    %mul3A = arith.constant 2 : i32
    %mul3A_0 = arith.muli %arg1, %mul3A : i32
    %add3A = arith.addi %mul3A_0, %arg0 : i32
    %lt3A = arith.constant 4 : i32
    %lt3A_1 = arith.cmpi slt, %add3A, %lt3A : i32
    %mul3A_2 = arith.constant 78 : i32
    %mul3A_3 = arith.muli %add3A, %mul3A_2 : i32
    %min3A = arith.constant 4 : i32
    %min3A_4 = arith.minsi %add3A, %min3A : i32
    %add3A_5 = arith.addi %mul3A_3, %min3A_4 : i32
    %mul3A_6 = arith.constant 128 : i32
    %mul3A_7 = arith.muli %add3A_5, %mul3A_6 : i32
    %jit3A = arith.constant 1 : i32
    %jit3A_8 = arith.constant 0 : i32
    %select_n3A = arith.select %lt3A_1, %jit3A, %jit3A_8 : i32
    %add3A_9 = arith.constant 78 : i32
    %add3A_10 = arith.addi %add3A_9, %select_n3A : i32
    %broadcast_in_dim3A = arith.constant 1.000000e+00 : f32
    %broadcast_in_dim3A_11 = vector.broadcast %broadcast_in_dim3A : f32 to vector<16xf32>
    %broadcast_in_dim3A_12 = arith.constant 0.000000e+00 : f32
    %broadcast_in_dim3A_13 = vector.broadcast %broadcast_in_dim3A_12 : f32 to vector<16xf32>
    %scan3A = arith.constant 0 : i32
    %scan3A_14 = arith.constant 0 : i32
    %scan3A_15 = arith.constant 80 : i32
    %scan3A_16 = arith.addi %scan3A_14, %scan3A_15 : i32
    %scan3A_17 = arith.constant 1 : i32
    scf.for %scan3A_283 = %scan3A_14 to %scan3A_16 step %scan3A_17  : i32 {
      %mul3A_284 = arith.constant 8 : i32
      %mul3A_285 = arith.muli %scan3A_283, %mul3A_284 : i32
      %add3A_286 = arith.constant 0 : i32
      %add3A_287 = arith.addi %mul3A_285, %add3A_286 : i32
      %mul3A_288 = arith.constant 16 : i32
      %mul3A_289 = arith.muli %add3A_287, %mul3A_288 : i32
      %swap3A = arith.index_cast %mul3A_289 : i32 to index
      %swap3A_290 = tpu.vector_load %arg6[%swap3A] {strides = array<i32>} : memref<10240xf32, #tpu.memory_space<vmem>>, vector<16xf32>,
      tpu.vector_store %arg6[%swap3A], %broadcast_in_dim3A_13 {strides = array<i32>} : memref<10240xf32, #tpu.memory_space<vmem>>, vector<16xf32>,
      %mul3A_291 = arith.constant 8 : i32
      %mul3A_292 = arith.muli %scan3A_283, %mul3A_291 : i32
      %add3A_293 = arith.constant 1 : i32
      %add3A_294 = arith.addi %mul3A_292, %add3A_293 : i32
      %mul3A_295 = arith.constant 16 : i32
      %mul3A_296 = arith.muli %add3A_294, %mul3A_295 : i32
      %swap3A_297 = arith.index_cast %mul3A_296 : i32 to index
      %swap3A_298 = tpu.vector_load %arg6[%swap3A_297] {strides = array<i32>} : memref<10240xf32, #tpu.memory_space<vmem>>, vector<16xf32>,
      tpu.vector_store %arg6[%swap3A_297], %broadcast_in_dim3A_13 {strides = array<i32>} : memref<10240xf32, #tpu.memory_space<vmem>>, vector<16xf32>,
      %mul3A_299 = arith.constant 8 : i32
      %mul3A_300 = arith.muli %scan3A_283, %mul3A_299 : i32
      %add3A_301 = arith.constant 2 : i32
      %add3A_302 = arith.addi %mul3A_300, %add3A_301 : i32
      %mul3A_303 = arith.constant 16 : i32
      %mul3A_304 = arith.muli %add3A_302, %mul3A_303 : i32
      %swap3A_305 = arith.index_cast %mul3A_304 : i32 to index
      %swap3A_306 = tpu.vector_load %arg6[%swap3A_305] {strides = array<i32>} : memref<10240xf32, #tpu.memory_space<vmem>>, vector<16xf32>,
      tpu.vector_store %arg6[%swap3A_305], %broadcast_in_dim3A_13 {strides = array<i32>} : memref<10240xf32, #tpu.memory_space<vmem>>, vector<16xf32>,
      %mul3A_307 = arith.constant 8 : i32
      %mul3A_308 = arith.muli %scan3A_283, %mul3A_307 : i32
      %add3A_309 = arith.constant 3 : i32
      %add3A_310 = arith.addi %mul3A_308, %add3A_309 : i32
      %mul3A_311 = arith.constant 16 : i32
      %mul3A_312 = arith.muli %add3A_310, %mul3A_311 : i32
      %swap3A_313 = arith.index_cast %mul3A_312 : i32 to index
      %swap3A_314 = tpu.vector_load %arg6[%swap3A_313] {strides = array<i32>} : memref<10240xf32, #tpu.memory_space<vmem>>, vector<16xf32>,
      tpu.vector_store %arg6[%swap3A_313], %broadcast_in_dim3A_13 {strides = array<i32>} : memref<10240xf32, #tpu.memory_space<vmem>>, vector<16xf32>,
      %mul3A_315 = arith.constant 8 : i32
      %mul3A_316 = arith.muli %scan3A_283, %mul3A_315 : i32
      %add3A_317 = arith.constant 4 : i32
      %add3A_318 = arith.addi %mul3A_316, %add3A_317 : i32
      %mul3A_319 = arith.constant 16 : i32
      %mul3A_320 = arith.muli %add3A_318, %mul3A_319 : i32
      %swap3A_321 = arith.index_cast %mul3A_320 : i32 to index
      %swap3A_322 = tpu.vector_load %arg6[%swap3A_321] {strides = array<i32>} : memref<10240xf32, #tpu.memory_space<vmem>>, vector<16xf32>,
      tpu.vector_store %arg6[%swap3A_321], %broadcast_in_dim3A_13 {strides = array<i32>} : memref<10240xf32, #tpu.memory_space<vmem>>, vector<16xf32>,
      %mul3A_323 = arith.constant 8 : i32
      %mul3A_324 = arith.muli %scan3A_283, %mul3A_323 : i32
      %add3A_325 = arith.constant 5 : i32
      %add3A_326 = arith.addi %mul3A_324, %add3A_325 : i32
      %mul3A_327 = arith.constant 16 : i32
      %mul3A_328 = arith.muli %add3A_326, %mul3A_327 : i32
      %swap3A_329 = arith.index_cast %mul3A_328 : i32 to index
      %swap3A_330 = tpu.vector_load %arg6[%swap3A_329] {strides = array<i32>} : memref<10240xf32, #tpu.memory_space<vmem>>, vector<16xf32>,
      tpu.vector_store %arg6[%swap3A_329], %broadcast_in_dim3A_13 {strides = array<i32>} : memref<10240xf32, #tpu.memory_space<vmem>>, vector<16xf32>,
      %mul3A_331 = arith.constant 8 : i32
      %mul3A_332 = arith.muli %scan3A_283, %mul3A_331 : i32
      %add3A_333 = arith.constant 6 : i32
      %add3A_334 = arith.addi %mul3A_332, %add3A_333 : i32
      %mul3A_335 = arith.constant 16 : i32
      %mul3A_336 = arith.muli %add3A_334, %mul3A_335 : i32
      %swap3A_337 = arith.index_cast %mul3A_336 : i32 to index
      %swap3A_338 = tpu.vector_load %arg6[%swap3A_337] {strides = array<i32>} : memref<10240xf32, #tpu.memory_space<vmem>>, vector<16xf32>,
      tpu.vector_store %arg6[%swap3A_337], %broadcast_in_dim3A_13 {strides = array<i32>} : memref<10240xf32, #tpu.memory_space<vmem>>, vector<16xf32>,
      %mul3A_339 = arith.constant 8 : i32
      %mul3A_340 = arith.muli %scan3A_283, %mul3A_339 : i32
      %add3A_341 = arith.constant 7 : i32
      %add3A_342 = arith.addi %mul3A_340, %add3A_341 : i32
      %mul3A_343 = arith.constant 16 : i32
      %mul3A_344 = arith.muli %add3A_342, %mul3A_343 : i32
      %swap3A_345 = arith.index_cast %mul3A_344 : i32 to index
      %swap3A_346 = tpu.vector_load %arg6[%swap3A_345] {strides = array<i32>} : memref<10240xf32, #tpu.memory_space<vmem>>, vector<16xf32>,
      tpu.vector_store %arg6[%swap3A_345], %broadcast_in_dim3A_13 {strides = array<i32>} : memref<10240xf32, #tpu.memory_space<vmem>>, vector<16xf32>,
    }
    %scan3A_18 = arith.constant 80 : i32
    %convert_element_type3A = arith.extui %lt3A_1 : i1 to i32
    %cond3A = arith.constant 0 : i32
    %cond3A_19 = arith.cmpi ne, %convert_element_type3A, %cond3A : i32
    scf.if %cond3A_19 {
      %add3A_283 = arith.constant 0 : i32
      %add3A_284 = arith.addi %add3A_283, %mul3A_7 : i32
      %dma_start3A_285 = tpu.memref_slice %arg2[%add3A_284] : memref<640000xi32, #tpu.memory_space<hbm>> -> memref<10112xi32, #tpu.memory_space<hbm>>
      %dma_start3A_286 = tpu.memref_slice %arg2[%add3A_284] : memref<640000xi32, #tpu.memory_space<hbm>> -> memref<10112xi32, #tpu.memory_space<hbm>>
      tpu.enqueue_dma source(%dma_start3A_286 : memref<10112xi32, #tpu.memory_space<hbm>>) target(%arg8 : memref<10112xi32, #tpu.memory_space<vmem>>) target_semaphore(%arg10 : memref<!tpu.dma_semaphore, #tpu.memory_space<semaphore_mem>>)
    } else {
    }
    %not3A = arith.constant true
    %not3A_20 = arith.xori %lt3A_1, %not3A : i1
    %convert_element_type3A_21 = arith.extui %not3A_20 : i1 to i32
    %cond3A_22 = arith.constant 0 : i32
    %cond3A_23 = arith.cmpi ne, %convert_element_type3A_21, %cond3A_22 : i32
    scf.if %cond3A_23 {
      %add3A_283 = arith.constant 0 : i32
      %add3A_284 = arith.addi %add3A_283, %mul3A_7 : i32
      %dma_start3A_285 = arith.constant 0 : i32
      %dma_start3A_286 = tpu.memref_slice %arg8[%dma_start3A_285] : memref<10112xi32, #tpu.memory_space<vmem>> -> memref<9984xi32, #tpu.memory_space<vmem>>
      %dma_start3A_287 = tpu.memref_slice %arg2[%add3A_284] : memref<640000xi32, #tpu.memory_space<hbm>> -> memref<9984xi32, #tpu.memory_space<hbm>>
      %dma_start3A_288 = arith.constant 0 : i32
      %dma_start3A_289 = tpu.memref_slice %arg8[%dma_start3A_288] : memref<10112xi32, #tpu.memory_space<vmem>> -> memref<9984xi32, #tpu.memory_space<vmem>>
      %dma_start3A_290 = tpu.memref_slice %arg2[%add3A_284] : memref<640000xi32, #tpu.memory_space<hbm>> -> memref<9984xi32, #tpu.memory_space<hbm>>
      tpu.enqueue_dma source(%dma_start3A_290 : memref<9984xi32, #tpu.memory_space<hbm>>) target(%dma_start3A_289 : memref<9984xi32, #tpu.memory_space<vmem>>) target_semaphore(%arg10 : memref<!tpu.dma_semaphore, #tpu.memory_space<semaphore_mem>>)
    } else {
    }
    %convert_element_type3A_24 = arith.extui %lt3A_1 : i1 to i32
    %cond3A_25 = arith.constant 0 : i32
    %cond3A_26 = arith.cmpi ne, %convert_element_type3A_24, %cond3A_25 : i32
    scf.if %cond3A_26 {
      %dma_wait3A_283 = arith.constant 0 : i32
      %dma_wait3A_284 = tpu.memref_slice %arg2[%dma_wait3A_283] : memref<640000xi32, #tpu.memory_space<hbm>> -> memref<10112xi32, #tpu.memory_space<hbm>>
      %dma_wait3A_285 = arith.constant 0 : i32
      %dma_wait3A_286 = tpu.memref_slice %arg2[%dma_wait3A_285] : memref<640000xi32, #tpu.memory_space<hbm>> -> memref<10112xi32, #tpu.memory_space<hbm>>
      tpu.wait_dma2 semaphore(%arg10 : memref<!tpu.dma_semaphore, #tpu.memory_space<semaphore_mem>>) src(%dma_wait3A_286 : memref<10112xi32, #tpu.memory_space<hbm>>) dst(%arg8 : memref<10112xi32, #tpu.memory_space<vmem>>)
    } else {
    }
    %not3A_27 = arith.constant true
    %not3A_28 = arith.xori %lt3A_1, %not3A_27 : i1
    %convert_element_type3A_29 = arith.extui %not3A_28 : i1 to i32
    %cond3A_30 = arith.constant 0 : i32
    %cond3A_31 = arith.cmpi ne, %convert_element_type3A_29, %cond3A_30 : i32
    scf.if %cond3A_31 {
      %dma_wait3A_283 = arith.constant 0 : i32
      %dma_wait3A_284 = tpu.memref_slice %arg8[%dma_wait3A_283] : memref<10112xi32, #tpu.memory_space<vmem>> -> memref<9984xi32, #tpu.memory_space<vmem>>
      %dma_wait3A_285 = arith.constant 0 : i32
      %dma_wait3A_286 = tpu.memref_slice %arg2[%dma_wait3A_285] : memref<640000xi32, #tpu.memory_space<hbm>> -> memref<9984xi32, #tpu.memory_space<hbm>>
      %dma_wait3A_287 = arith.constant 0 : i32
      %dma_wait3A_288 = tpu.memref_slice %arg8[%dma_wait3A_287] : memref<10112xi32, #tpu.memory_space<vmem>> -> memref<9984xi32, #tpu.memory_space<vmem>>
      %dma_wait3A_289 = arith.constant 0 : i32
      %dma_wait3A_290 = tpu.memref_slice %arg2[%dma_wait3A_289] : memref<640000xi32, #tpu.memory_space<hbm>> -> memref<9984xi32, #tpu.memory_space<hbm>>
      tpu.wait_dma2 semaphore(%arg10 : memref<!tpu.dma_semaphore, #tpu.memory_space<semaphore_mem>>) src(%dma_wait3A_290 : memref<9984xi32, #tpu.memory_space<hbm>>) dst(%dma_wait3A_288 : memref<9984xi32, #tpu.memory_space<vmem>>)
    } else {
    }
    %convert_element_type3A_32 = arith.extui %lt3A_1 : i1 to i32
    %cond3A_33 = arith.constant 0 : i32
    %cond3A_34 = arith.cmpi ne, %convert_element_type3A_32, %cond3A_33 : i32
    scf.if %cond3A_34 {
      %add3A_283 = arith.constant 0 : i32
      %add3A_284 = arith.addi %add3A_283, %mul3A_7 : i32
      %dma_start3A_285 = tpu.memref_slice %arg3[%add3A_284] : memref<640000xi32, #tpu.memory_space<hbm>> -> memref<10112xi32, #tpu.memory_space<hbm>>
      %dma_start3A_286 = tpu.memref_slice %arg3[%add3A_284] : memref<640000xi32, #tpu.memory_space<hbm>> -> memref<10112xi32, #tpu.memory_space<hbm>>
      tpu.enqueue_dma source(%dma_start3A_286 : memref<10112xi32, #tpu.memory_space<hbm>>) target(%arg9 : memref<10112xi32, #tpu.memory_space<vmem>>) target_semaphore(%arg10 : memref<!tpu.dma_semaphore, #tpu.memory_space<semaphore_mem>>)
    } else {
    }
    %not3A_35 = arith.constant true
    %not3A_36 = arith.xori %lt3A_1, %not3A_35 : i1
    %convert_element_type3A_37 = arith.extui %not3A_36 : i1 to i32
    %cond3A_38 = arith.constant 0 : i32
    %cond3A_39 = arith.cmpi ne, %convert_element_type3A_37, %cond3A_38 : i32
    scf.if %cond3A_39 {
      %add3A_283 = arith.constant 0 : i32
      %add3A_284 = arith.addi %add3A_283, %mul3A_7 : i32
      %dma_start3A_285 = arith.constant 0 : i32
      %dma_start3A_286 = tpu.memref_slice %arg9[%dma_start3A_285] : memref<10112xi32, #tpu.memory_space<vmem>> -> memref<9984xi32, #tpu.memory_space<vmem>>
      %dma_start3A_287 = tpu.memref_slice %arg3[%add3A_284] : memref<640000xi32, #tpu.memory_space<hbm>> -> memref<9984xi32, #tpu.memory_space<hbm>>
      %dma_start3A_288 = arith.constant 0 : i32
      %dma_start3A_289 = tpu.memref_slice %arg9[%dma_start3A_288] : memref<10112xi32, #tpu.memory_space<vmem>> -> memref<9984xi32, #tpu.memory_space<vmem>>
      %dma_start3A_290 = tpu.memref_slice %arg3[%add3A_284] : memref<640000xi32, #tpu.memory_space<hbm>> -> memref<9984xi32, #tpu.memory_space<hbm>>
      tpu.enqueue_dma source(%dma_start3A_290 : memref<9984xi32, #tpu.memory_space<hbm>>) target(%dma_start3A_289 : memref<9984xi32, #tpu.memory_space<vmem>>) target_semaphore(%arg10 : memref<!tpu.dma_semaphore, #tpu.memory_space<semaphore_mem>>)
    } else {
    }
    %while3A = arith.constant 0 : i32
    %while3A_40 = arith.constant 0 : i32
    %while3A_41 = arith.subi %add3A_10, %while3A_40 : i32
    %while3A_42 = arith.addi %while3A_40, %while3A_41 : i32
    %while3A_43 = arith.constant 1 : i32
    %while3A_44 = arith.divsi %while3A_41, %while3A_43 : i32
    %while3A_45 = arith.muli %while3A_44, %while3A_43 : i32
    %while3A_46 = arith.addi %while3A_40, %while3A_45 : i32
    %while3A_47 = arith.constant 1 : i32
    scf.for %while3A_283 = %while3A_40 to %while3A_46 step %while3A_47  : i32 {
      %mul3A_284 = arith.constant 8 : i32
      %mul3A_285 = arith.muli %while3A_283, %mul3A_284 : i32
      %add3A_286 = arith.constant 0 : i32
      %add3A_287 = arith.addi %mul3A_285, %add3A_286 : i32
      %mul3A_288 = arith.constant 16 : i32
      %mul3A_289 = arith.muli %add3A_287, %mul3A_288 : i32
      %get3A = arith.index_cast %mul3A_289 : i32 to index
      %get3A_290 = tpu.vector_load %arg8[%get3A] {strides = array<i32>} : memref<10112xi32, #tpu.memory_space<vmem>>, vector<16xi32>,
      tpu.vector_store_idx %arg6[%get3A_290], %broadcast_in_dim3A_11 {add = true} : memref<10240xf32, #tpu.memory_space<vmem>>[vector<16xi32>], vector<16xf32>,
      %mul3A_291 = arith.constant 8 : i32
      %mul3A_292 = arith.muli %while3A_283, %mul3A_291 : i32
      %add3A_293 = arith.constant 1 : i32
      %add3A_294 = arith.addi %mul3A_292, %add3A_293 : i32
      %mul3A_295 = arith.constant 16 : i32
      %mul3A_296 = arith.muli %add3A_294, %mul3A_295 : i32
      %get3A_297 = arith.index_cast %mul3A_296 : i32 to index
      %get3A_298 = tpu.vector_load %arg8[%get3A_297] {strides = array<i32>} : memref<10112xi32, #tpu.memory_space<vmem>>, vector<16xi32>,
      tpu.vector_store_idx %arg6[%get3A_298], %broadcast_in_dim3A_11 {add = true} : memref<10240xf32, #tpu.memory_space<vmem>>[vector<16xi32>], vector<16xf32>,
      %mul3A_299 = arith.constant 8 : i32
      %mul3A_300 = arith.muli %while3A_283, %mul3A_299 : i32
      %add3A_301 = arith.constant 2 : i32
      %add3A_302 = arith.addi %mul3A_300, %add3A_301 : i32
      %mul3A_303 = arith.constant 16 : i32
      %mul3A_304 = arith.muli %add3A_302, %mul3A_303 : i32
      %get3A_305 = arith.index_cast %mul3A_304 : i32 to index
      %get3A_306 = tpu.vector_load %arg8[%get3A_305] {strides = array<i32>} : memref<10112xi32, #tpu.memory_space<vmem>>, vector<16xi32>,
      tpu.vector_store_idx %arg6[%get3A_306], %broadcast_in_dim3A_11 {add = true} : memref<10240xf32, #tpu.memory_space<vmem>>[vector<16xi32>], vector<16xf32>,
      %mul3A_307 = arith.constant 8 : i32
      %mul3A_308 = arith.muli %while3A_283, %mul3A_307 : i32
      %add3A_309 = arith.constant 3 : i32
      %add3A_310 = arith.addi %mul3A_308, %add3A_309 : i32
      %mul3A_311 = arith.constant 16 : i32
      %mul3A_312 = arith.muli %add3A_310, %mul3A_311 : i32
      %get3A_313 = arith.index_cast %mul3A_312 : i32 to index
      %get3A_314 = tpu.vector_load %arg8[%get3A_313] {strides = array<i32>} : memref<10112xi32, #tpu.memory_space<vmem>>, vector<16xi32>,
      tpu.vector_store_idx %arg6[%get3A_314], %broadcast_in_dim3A_11 {add = true} : memref<10240xf32, #tpu.memory_space<vmem>>[vector<16xi32>], vector<16xf32>,
      %mul3A_315 = arith.constant 8 : i32
      %mul3A_316 = arith.muli %while3A_283, %mul3A_315 : i32
      %add3A_317 = arith.constant 4 : i32
      %add3A_318 = arith.addi %mul3A_316, %add3A_317 : i32
      %mul3A_319 = arith.constant 16 : i32
      %mul3A_320 = arith.muli %add3A_318, %mul3A_319 : i32
      %get3A_321 = arith.index_cast %mul3A_320 : i32 to index
      %get3A_322 = tpu.vector_load %arg8[%get3A_321] {strides = array<i32>} : memref<10112xi32, #tpu.memory_space<vmem>>, vector<16xi32>,
      tpu.vector_store_idx %arg6[%get3A_322], %broadcast_in_dim3A_11 {add = true} : memref<10240xf32, #tpu.memory_space<vmem>>[vector<16xi32>], vector<16xf32>,
      %mul3A_323 = arith.constant 8 : i32
      %mul3A_324 = arith.muli %while3A_283, %mul3A_323 : i32
      %add3A_325 = arith.constant 5 : i32
      %add3A_326 = arith.addi %mul3A_324, %add3A_325 : i32
      %mul3A_327 = arith.constant 16 : i32
      %mul3A_328 = arith.muli %add3A_326, %mul3A_327 : i32
      %get3A_329 = arith.index_cast %mul3A_328 : i32 to index
      %get3A_330 = tpu.vector_load %arg8[%get3A_329] {strides = array<i32>} : memref<10112xi32, #tpu.memory_space<vmem>>, vector<16xi32>,
      tpu.vector_store_idx %arg6[%get3A_330], %broadcast_in_dim3A_11 {add = true} : memref<10240xf32, #tpu.memory_space<vmem>>[vector<16xi32>], vector<16xf32>,
      %mul3A_331 = arith.constant 8 : i32
      %mul3A_332 = arith.muli %while3A_283, %mul3A_331 : i32
      %add3A_333 = arith.constant 6 : i32
      %add3A_334 = arith.addi %mul3A_332, %add3A_333 : i32
      %mul3A_335 = arith.constant 16 : i32
      %mul3A_336 = arith.muli %add3A_334, %mul3A_335 : i32
      %get3A_337 = arith.index_cast %mul3A_336 : i32 to index
      %get3A_338 = tpu.vector_load %arg8[%get3A_337] {strides = array<i32>} : memref<10112xi32, #tpu.memory_space<vmem>>, vector<16xi32>,
      tpu.vector_store_idx %arg6[%get3A_338], %broadcast_in_dim3A_11 {add = true} : memref<10240xf32, #tpu.memory_space<vmem>>[vector<16xi32>], vector<16xf32>,
      %mul3A_339 = arith.constant 8 : i32
      %mul3A_340 = arith.muli %while3A_283, %mul3A_339 : i32
      %add3A_341 = arith.constant 7 : i32
      %add3A_342 = arith.addi %mul3A_340, %add3A_341 : i32
      %mul3A_343 = arith.constant 16 : i32
      %mul3A_344 = arith.muli %add3A_342, %mul3A_343 : i32
      %get3A_345 = arith.index_cast %mul3A_344 : i32 to index
      %get3A_346 = tpu.vector_load %arg8[%get3A_345] {strides = array<i32>} : memref<10112xi32, #tpu.memory_space<vmem>>, vector<16xi32>,
      tpu.vector_store_idx %arg6[%get3A_346], %broadcast_in_dim3A_11 {add = true} : memref<10240xf32, #tpu.memory_space<vmem>>[vector<16xi32>], vector<16xf32>,
    }
    %while3A_48 = arith.constant 1 : i32
    scf.for %while3A_283 = %while3A_46 to %while3A_42 step %while3A_48  : i32 {
      %mul3A_284 = arith.constant 8 : i32
      %mul3A_285 = arith.muli %while3A_283, %mul3A_284 : i32
      %add3A_286 = arith.constant 0 : i32
      %add3A_287 = arith.addi %mul3A_285, %add3A_286 : i32
      %mul3A_288 = arith.constant 16 : i32
      %mul3A_289 = arith.muli %add3A_287, %mul3A_288 : i32
      %get3A = arith.index_cast %mul3A_289 : i32 to index
      %get3A_290 = tpu.vector_load %arg8[%get3A] {strides = array<i32>} : memref<10112xi32, #tpu.memory_space<vmem>>, vector<16xi32>,
      tpu.vector_store_idx %arg6[%get3A_290], %broadcast_in_dim3A_11 {add = true} : memref<10240xf32, #tpu.memory_space<vmem>>[vector<16xi32>], vector<16xf32>,
      %mul3A_291 = arith.constant 8 : i32
      %mul3A_292 = arith.muli %while3A_283, %mul3A_291 : i32
      %add3A_293 = arith.constant 1 : i32
      %add3A_294 = arith.addi %mul3A_292, %add3A_293 : i32
      %mul3A_295 = arith.constant 16 : i32
      %mul3A_296 = arith.muli %add3A_294, %mul3A_295 : i32
      %get3A_297 = arith.index_cast %mul3A_296 : i32 to index
      %get3A_298 = tpu.vector_load %arg8[%get3A_297] {strides = array<i32>} : memref<10112xi32, #tpu.memory_space<vmem>>, vector<16xi32>,
      tpu.vector_store_idx %arg6[%get3A_298], %broadcast_in_dim3A_11 {add = true} : memref<10240xf32, #tpu.memory_space<vmem>>[vector<16xi32>], vector<16xf32>,
      %mul3A_299 = arith.constant 8 : i32
      %mul3A_300 = arith.muli %while3A_283, %mul3A_299 : i32
      %add3A_301 = arith.constant 2 : i32
      %add3A_302 = arith.addi %mul3A_300, %add3A_301 : i32
      %mul3A_303 = arith.constant 16 : i32
      %mul3A_304 = arith.muli %add3A_302, %mul3A_303 : i32
      %get3A_305 = arith.index_cast %mul3A_304 : i32 to index
      %get3A_306 = tpu.vector_load %arg8[%get3A_305] {strides = array<i32>} : memref<10112xi32, #tpu.memory_space<vmem>>, vector<16xi32>,
      tpu.vector_store_idx %arg6[%get3A_306], %broadcast_in_dim3A_11 {add = true} : memref<10240xf32, #tpu.memory_space<vmem>>[vector<16xi32>], vector<16xf32>,
      %mul3A_307 = arith.constant 8 : i32
      %mul3A_308 = arith.muli %while3A_283, %mul3A_307 : i32
      %add3A_309 = arith.constant 3 : i32
      %add3A_310 = arith.addi %mul3A_308, %add3A_309 : i32
      %mul3A_311 = arith.constant 16 : i32
      %mul3A_312 = arith.muli %add3A_310, %mul3A_311 : i32
      %get3A_313 = arith.index_cast %mul3A_312 : i32 to index
      %get3A_314 = tpu.vector_load %arg8[%get3A_313] {strides = array<i32>} : memref<10112xi32, #tpu.memory_space<vmem>>, vector<16xi32>,
      tpu.vector_store_idx %arg6[%get3A_314], %broadcast_in_dim3A_11 {add = true} : memref<10240xf32, #tpu.memory_space<vmem>>[vector<16xi32>], vector<16xf32>,
      %mul3A_315 = arith.constant 8 : i32
      %mul3A_316 = arith.muli %while3A_283, %mul3A_315 : i32
      %add3A_317 = arith.constant 4 : i32
      %add3A_318 = arith.addi %mul3A_316, %add3A_317 : i32
      %mul3A_319 = arith.constant 16 : i32
      %mul3A_320 = arith.muli %add3A_318, %mul3A_319 : i32
      %get3A_321 = arith.index_cast %mul3A_320 : i32 to index
      %get3A_322 = tpu.vector_load %arg8[%get3A_321] {strides = array<i32>} : memref<10112xi32, #tpu.memory_space<vmem>>, vector<16xi32>,
      tpu.vector_store_idx %arg6[%get3A_322], %broadcast_in_dim3A_11 {add = true} : memref<10240xf32, #tpu.memory_space<vmem>>[vector<16xi32>], vector<16xf32>,
      %mul3A_323 = arith.constant 8 : i32
      %mul3A_324 = arith.muli %while3A_283, %mul3A_323 : i32
      %add3A_325 = arith.constant 5 : i32
      %add3A_326 = arith.addi %mul3A_324, %add3A_325 : i32
      %mul3A_327 = arith.constant 16 : i32
      %mul3A_328 = arith.muli %add3A_326, %mul3A_327 : i32
      %get3A_329 = arith.index_cast %mul3A_328 : i32 to index
      %get3A_330 = tpu.vector_load %arg8[%get3A_329] {strides = array<i32>} : memref<10112xi32, #tpu.memory_space<vmem>>, vector<16xi32>,
      tpu.vector_store_idx %arg6[%get3A_330], %broadcast_in_dim3A_11 {add = true} : memref<10240xf32, #tpu.memory_space<vmem>>[vector<16xi32>], vector<16xf32>,
      %mul3A_331 = arith.constant 8 : i32
      %mul3A_332 = arith.muli %while3A_283, %mul3A_331 : i32
      %add3A_333 = arith.constant 6 : i32
      %add3A_334 = arith.addi %mul3A_332, %add3A_333 : i32
      %mul3A_335 = arith.constant 16 : i32
      %mul3A_336 = arith.muli %add3A_334, %mul3A_335 : i32
      %get3A_337 = arith.index_cast %mul3A_336 : i32 to index
      %get3A_338 = tpu.vector_load %arg8[%get3A_337] {strides = array<i32>} : memref<10112xi32, #tpu.memory_space<vmem>>, vector<16xi32>,
      tpu.vector_store_idx %arg6[%get3A_338], %broadcast_in_dim3A_11 {add = true} : memref<10240xf32, #tpu.memory_space<vmem>>[vector<16xi32>], vector<16xf32>,
      %mul3A_339 = arith.constant 8 : i32
      %mul3A_340 = arith.muli %while3A_283, %mul3A_339 : i32
      %add3A_341 = arith.constant 7 : i32
      %add3A_342 = arith.addi %mul3A_340, %add3A_341 : i32
      %mul3A_343 = arith.constant 16 : i32
      %mul3A_344 = arith.muli %add3A_342, %mul3A_343 : i32
      %get3A_345 = arith.index_cast %mul3A_344 : i32 to index
      %get3A_346 = tpu.vector_load %arg8[%get3A_345] {strides = array<i32>} : memref<10112xi32, #tpu.memory_space<vmem>>, vector<16xi32>,
      tpu.vector_store_idx %arg6[%get3A_346], %broadcast_in_dim3A_11 {add = true} : memref<10240xf32, #tpu.memory_space<vmem>>[vector<16xi32>], vector<16xf32>,
    }
    %dma_start3A = arith.constant 0 : i32
    %dma_start3A_49 = arith.constant 0 : i32
    %dma_start3A_50 = tpu.memref_slice %arg5[%dma_start3A, %add3A, %dma_start3A_49] : memref<6x32x10240xf32, #tpu.memory_space<hbm>> -> memref<1x1x10240xf32, #tpu.memory_space<hbm>>
    %dma_start3A_51 = tpu.memref_squeeze %dma_start3A_50 : memref<1x1x10240xf32, #tpu.memory_space<hbm>> -> memref<10240xf32, #tpu.memory_space<hbm>>
    %dma_start3A_52 = arith.constant 0 : i32
    %dma_start3A_53 = tpu.memref_slice %arg5[%dma_start3A, %add3A, %dma_start3A_52] : memref<6x32x10240xf32, #tpu.memory_space<hbm>> -> memref<1x1x10240xf32, #tpu.memory_space<hbm>>
    %dma_start3A_54 = tpu.memref_squeeze %dma_start3A_53 : memref<1x1x10240xf32, #tpu.memory_space<hbm>> -> memref<10240xf32, #tpu.memory_space<hbm>>
    tpu.enqueue_dma source(%arg6 : memref<10240xf32, #tpu.memory_space<vmem>>) target(%dma_start3A_54 : memref<10240xf32, #tpu.memory_space<hbm>>) target_semaphore(%arg11 : memref<!tpu.dma_semaphore, #tpu.memory_space<semaphore_mem>>)
    %scan3A_55 = arith.constant 0 : i32
    %scan3A_56 = arith.constant 0 : i32
    %scan3A_57 = arith.constant 80 : i32
    %scan3A_58 = arith.addi %scan3A_56, %scan3A_57 : i32
    %scan3A_59 = arith.constant 1 : i32
    scf.for %scan3A_283 = %scan3A_56 to %scan3A_58 step %scan3A_59  : i32 {
      %mul3A_284 = arith.constant 8 : i32
      %mul3A_285 = arith.muli %scan3A_283, %mul3A_284 : i32
      %add3A_286 = arith.constant 0 : i32
      %add3A_287 = arith.addi %mul3A_285, %add3A_286 : i32
      %mul3A_288 = arith.constant 16 : i32
      %mul3A_289 = arith.muli %add3A_287, %mul3A_288 : i32
      %swap3A = arith.index_cast %mul3A_289 : i32 to index
      %swap3A_290 = tpu.vector_load %arg7[%swap3A] {strides = array<i32>} : memref<10240xf32, #tpu.memory_space<vmem>>, vector<16xf32>,
      tpu.vector_store %arg7[%swap3A], %broadcast_in_dim3A_13 {strides = array<i32>} : memref<10240xf32, #tpu.memory_space<vmem>>, vector<16xf32>,
      %mul3A_291 = arith.constant 8 : i32
      %mul3A_292 = arith.muli %scan3A_283, %mul3A_291 : i32
      %add3A_293 = arith.constant 1 : i32
      %add3A_294 = arith.addi %mul3A_292, %add3A_293 : i32
      %mul3A_295 = arith.constant 16 : i32
      %mul3A_296 = arith.muli %add3A_294, %mul3A_295 : i32
      %swap3A_297 = arith.index_cast %mul3A_296 : i32 to index
      %swap3A_298 = tpu.vector_load %arg7[%swap3A_297] {strides = array<i32>} : memref<10240xf32, #tpu.memory_space<vmem>>, vector<16xf32>,
      tpu.vector_store %arg7[%swap3A_297], %broadcast_in_dim3A_13 {strides = array<i32>} : memref<10240xf32, #tpu.memory_space<vmem>>, vector<16xf32>,
      %mul3A_299 = arith.constant 8 : i32
      %mul3A_300 = arith.muli %scan3A_283, %mul3A_299 : i32
      %add3A_301 = arith.constant 2 : i32
      %add3A_302 = arith.addi %mul3A_300, %add3A_301 : i32
      %mul3A_303 = arith.constant 16 : i32
      %mul3A_304 = arith.muli %add3A_302, %mul3A_303 : i32
      %swap3A_305 = arith.index_cast %mul3A_304 : i32 to index
      %swap3A_306 = tpu.vector_load %arg7[%swap3A_305] {strides = array<i32>} : memref<10240xf32, #tpu.memory_space<vmem>>, vector<16xf32>,
      tpu.vector_store %arg7[%swap3A_305], %broadcast_in_dim3A_13 {strides = array<i32>} : memref<10240xf32, #tpu.memory_space<vmem>>, vector<16xf32>,
      %mul3A_307 = arith.constant 8 : i32
      %mul3A_308 = arith.muli %scan3A_283, %mul3A_307 : i32
      %add3A_309 = arith.constant 3 : i32
      %add3A_310 = arith.addi %mul3A_308, %add3A_309 : i32
      %mul3A_311 = arith.constant 16 : i32
      %mul3A_312 = arith.muli %add3A_310, %mul3A_311 : i32
      %swap3A_313 = arith.index_cast %mul3A_312 : i32 to index
      %swap3A_314 = tpu.vector_load %arg7[%swap3A_313] {strides = array<i32>} : memref<10240xf32, #tpu.memory_space<vmem>>, vector<16xf32>,
      tpu.vector_store %arg7[%swap3A_313], %broadcast_in_dim3A_13 {strides = array<i32>} : memref<10240xf32, #tpu.memory_space<vmem>>, vector<16xf32>,
      %mul3A_315 = arith.constant 8 : i32
      %mul3A_316 = arith.muli %scan3A_283, %mul3A_315 : i32
      %add3A_317 = arith.constant 4 : i32
      %add3A_318 = arith.addi %mul3A_316, %add3A_317 : i32
      %mul3A_319 = arith.constant 16 : i32
      %mul3A_320 = arith.muli %add3A_318, %mul3A_319 : i32
      %swap3A_321 = arith.index_cast %mul3A_320 : i32 to index
      %swap3A_322 = tpu.vector_load %arg7[%swap3A_321] {strides = array<i32>} : memref<10240xf32, #tpu.memory_space<vmem>>, vector<16xf32>,
      tpu.vector_store %arg7[%swap3A_321], %broadcast_in_dim3A_13 {strides = array<i32>} : memref<10240xf32, #tpu.memory_space<vmem>>, vector<16xf32>,
      %mul3A_323 = arith.constant 8 : i32
      %mul3A_324 = arith.muli %scan3A_283, %mul3A_323 : i32
      %add3A_325 = arith.constant 5 : i32
      %add3A_326 = arith.addi %mul3A_324, %add3A_325 : i32
      %mul3A_327 = arith.constant 16 : i32
      %mul3A_328 = arith.muli %add3A_326, %mul3A_327 : i32
      %swap3A_329 = arith.index_cast %mul3A_328 : i32 to index
      %swap3A_330 = tpu.vector_load %arg7[%swap3A_329] {strides = array<i32>} : memref<10240xf32, #tpu.memory_space<vmem>>, vector<16xf32>,
      tpu.vector_store %arg7[%swap3A_329], %broadcast_in_dim3A_13 {strides = array<i32>} : memref<10240xf32, #tpu.memory_space<vmem>>, vector<16xf32>,
      %mul3A_331 = arith.constant 8 : i32
      %mul3A_332 = arith.muli %scan3A_283, %mul3A_331 : i32
      %add3A_333 = arith.constant 6 : i32
      %add3A_334 = arith.addi %mul3A_332, %add3A_333 : i32
      %mul3A_335 = arith.constant 16 : i32
      %mul3A_336 = arith.muli %add3A_334, %mul3A_335 : i32
      %swap3A_337 = arith.index_cast %mul3A_336 : i32 to index
      %swap3A_338 = tpu.vector_load %arg7[%swap3A_337] {strides = array<i32>} : memref<10240xf32, #tpu.memory_space<vmem>>, vector<16xf32>,
      tpu.vector_store %arg7[%swap3A_337], %broadcast_in_dim3A_13 {strides = array<i32>} : memref<10240xf32, #tpu.memory_space<vmem>>, vector<16xf32>,
      %mul3A_339 = arith.constant 8 : i32
      %mul3A_340 = arith.muli %scan3A_283, %mul3A_339 : i32
      %add3A_341 = arith.constant 7 : i32
      %add3A_342 = arith.addi %mul3A_340, %add3A_341 : i32
      %mul3A_343 = arith.constant 16 : i32
      %mul3A_344 = arith.muli %add3A_342, %mul3A_343 : i32
      %swap3A_345 = arith.index_cast %mul3A_344 : i32 to index
      %swap3A_346 = tpu.vector_load %arg7[%swap3A_345] {strides = array<i32>} : memref<10240xf32, #tpu.memory_space<vmem>>, vector<16xf32>,
      tpu.vector_store %arg7[%swap3A_345], %broadcast_in_dim3A_13 {strides = array<i32>} : memref<10240xf32, #tpu.memory_space<vmem>>, vector<16xf32>,
    }
    %scan3A_60 = arith.constant 80 : i32
    %convert_element_type3A_61 = arith.extui %lt3A_1 : i1 to i32
    %cond3A_62 = arith.constant 0 : i32
    %cond3A_63 = arith.cmpi ne, %convert_element_type3A_61, %cond3A_62 : i32
    scf.if %cond3A_63 {
      %add3A_283 = arith.constant 0 : i32
      %add3A_284 = arith.addi %add3A_283, %mul3A_7 : i32
      %dma_start3A_285 = tpu.memref_slice %arg4[%add3A_284] : memref<640000xi32, #tpu.memory_space<hbm>> -> memref<10112xi32, #tpu.memory_space<hbm>>
      %dma_start3A_286 = tpu.memref_slice %arg4[%add3A_284] : memref<640000xi32, #tpu.memory_space<hbm>> -> memref<10112xi32, #tpu.memory_space<hbm>>
      tpu.enqueue_dma source(%dma_start3A_286 : memref<10112xi32, #tpu.memory_space<hbm>>) target(%arg8 : memref<10112xi32, #tpu.memory_space<vmem>>) target_semaphore(%arg10 : memref<!tpu.dma_semaphore, #tpu.memory_space<semaphore_mem>>)
    } else {
    }
    %not3A_64 = arith.constant true
    %not3A_65 = arith.xori %lt3A_1, %not3A_64 : i1
    %convert_element_type3A_66 = arith.extui %not3A_65 : i1 to i32
    %cond3A_67 = arith.constant 0 : i32
    %cond3A_68 = arith.cmpi ne, %convert_element_type3A_66, %cond3A_67 : i32
    scf.if %cond3A_68 {
      %add3A_283 = arith.constant 0 : i32
      %add3A_284 = arith.addi %add3A_283, %mul3A_7 : i32
      %dma_start3A_285 = arith.constant 0 : i32
      %dma_start3A_286 = tpu.memref_slice %arg8[%dma_start3A_285] : memref<10112xi32, #tpu.memory_space<vmem>> -> memref<9984xi32, #tpu.memory_space<vmem>>
      %dma_start3A_287 = tpu.memref_slice %arg4[%add3A_284] : memref<640000xi32, #tpu.memory_space<hbm>> -> memref<9984xi32, #tpu.memory_space<hbm>>
      %dma_start3A_288 = arith.constant 0 : i32
      %dma_start3A_289 = tpu.memref_slice %arg8[%dma_start3A_288] : memref<10112xi32, #tpu.memory_space<vmem>> -> memref<9984xi32, #tpu.memory_space<vmem>>
      %dma_start3A_290 = tpu.memref_slice %arg4[%add3A_284] : memref<640000xi32, #tpu.memory_space<hbm>> -> memref<9984xi32, #tpu.memory_space<hbm>>
      tpu.enqueue_dma source(%dma_start3A_290 : memref<9984xi32, #tpu.memory_space<hbm>>) target(%dma_start3A_289 : memref<9984xi32, #tpu.memory_space<vmem>>) target_semaphore(%arg10 : memref<!tpu.dma_semaphore, #tpu.memory_space<semaphore_mem>>)
    } else {
    }
    %convert_element_type3A_69 = arith.extui %lt3A_1 : i1 to i32
    %cond3A_70 = arith.constant 0 : i32
    %cond3A_71 = arith.cmpi ne, %convert_element_type3A_69, %cond3A_70 : i32
    scf.if %cond3A_71 {
      %dma_wait3A_283 = arith.constant 0 : i32
      %dma_wait3A_284 = tpu.memref_slice %arg2[%dma_wait3A_283] : memref<640000xi32, #tpu.memory_space<hbm>> -> memref<10112xi32, #tpu.memory_space<hbm>>
      %dma_wait3A_285 = arith.constant 0 : i32
      %dma_wait3A_286 = tpu.memref_slice %arg2[%dma_wait3A_285] : memref<640000xi32, #tpu.memory_space<hbm>> -> memref<10112xi32, #tpu.memory_space<hbm>>
      tpu.wait_dma2 semaphore(%arg10 : memref<!tpu.dma_semaphore, #tpu.memory_space<semaphore_mem>>) src(%dma_wait3A_286 : memref<10112xi32, #tpu.memory_space<hbm>>) dst(%arg9 : memref<10112xi32, #tpu.memory_space<vmem>>)
    } else {
    }
    %not3A_72 = arith.constant true
    %not3A_73 = arith.xori %lt3A_1, %not3A_72 : i1
    %convert_element_type3A_74 = arith.extui %not3A_73 : i1 to i32
    %cond3A_75 = arith.constant 0 : i32
    %cond3A_76 = arith.cmpi ne, %convert_element_type3A_74, %cond3A_75 : i32
    scf.if %cond3A_76 {
      %dma_wait3A_283 = arith.constant 0 : i32
      %dma_wait3A_284 = tpu.memref_slice %arg9[%dma_wait3A_283] : memref<10112xi32, #tpu.memory_space<vmem>> -> memref<9984xi32, #tpu.memory_space<vmem>>
      %dma_wait3A_285 = arith.constant 0 : i32
      %dma_wait3A_286 = tpu.memref_slice %arg2[%dma_wait3A_285] : memref<640000xi32, #tpu.memory_space<hbm>> -> memref<9984xi32, #tpu.memory_space<hbm>>
      %dma_wait3A_287 = arith.constant 0 : i32
      %dma_wait3A_288 = tpu.memref_slice %arg9[%dma_wait3A_287] : memref<10112xi32, #tpu.memory_space<vmem>> -> memref<9984xi32, #tpu.memory_space<vmem>>
      %dma_wait3A_289 = arith.constant 0 : i32
      %dma_wait3A_290 = tpu.memref_slice %arg2[%dma_wait3A_289] : memref<640000xi32, #tpu.memory_space<hbm>> -> memref<9984xi32, #tpu.memory_space<hbm>>
      tpu.wait_dma2 semaphore(%arg10 : memref<!tpu.dma_semaphore, #tpu.memory_space<semaphore_mem>>) src(%dma_wait3A_290 : memref<9984xi32, #tpu.memory_space<hbm>>) dst(%dma_wait3A_288 : memref<9984xi32, #tpu.memory_space<vmem>>)
    } else {
    }
    %while3A_77 = arith.constant 0 : i32
    %while3A_78 = arith.constant 0 : i32
    %while3A_79 = arith.subi %add3A_10, %while3A_78 : i32
    %while3A_80 = arith.addi %while3A_78, %while3A_79 : i32
    %while3A_81 = arith.constant 1 : i32
    %while3A_82 = arith.divsi %while3A_79, %while3A_81 : i32
    %while3A_83 = arith.muli %while3A_82, %while3A_81 : i32
    %while3A_84 = arith.addi %while3A_78, %while3A_83 : i32
    %while3A_85 = arith.constant 1 : i32
    scf.for %while3A_283 = %while3A_78 to %while3A_84 step %while3A_85  : i32 {
      %mul3A_284 = arith.constant 8 : i32
      %mul3A_285 = arith.muli %while3A_283, %mul3A_284 : i32
      %add3A_286 = arith.constant 0 : i32
      %add3A_287 = arith.addi %mul3A_285, %add3A_286 : i32
      %mul3A_288 = arith.constant 16 : i32
      %mul3A_289 = arith.muli %add3A_287, %mul3A_288 : i32
      %get3A = arith.index_cast %mul3A_289 : i32 to index
      %get3A_290 = tpu.vector_load %arg9[%get3A] {strides = array<i32>} : memref<10112xi32, #tpu.memory_space<vmem>>, vector<16xi32>,
      tpu.vector_store_idx %arg7[%get3A_290], %broadcast_in_dim3A_11 {add = true} : memref<10240xf32, #tpu.memory_space<vmem>>[vector<16xi32>], vector<16xf32>,
      %mul3A_291 = arith.constant 8 : i32
      %mul3A_292 = arith.muli %while3A_283, %mul3A_291 : i32
      %add3A_293 = arith.constant 1 : i32
      %add3A_294 = arith.addi %mul3A_292, %add3A_293 : i32
      %mul3A_295 = arith.constant 16 : i32
      %mul3A_296 = arith.muli %add3A_294, %mul3A_295 : i32
      %get3A_297 = arith.index_cast %mul3A_296 : i32 to index
      %get3A_298 = tpu.vector_load %arg9[%get3A_297] {strides = array<i32>} : memref<10112xi32, #tpu.memory_space<vmem>>, vector<16xi32>,
      tpu.vector_store_idx %arg7[%get3A_298], %broadcast_in_dim3A_11 {add = true} : memref<10240xf32, #tpu.memory_space<vmem>>[vector<16xi32>], vector<16xf32>,
      %mul3A_299 = arith.constant 8 : i32
      %mul3A_300 = arith.muli %while3A_283, %mul3A_299 : i32
      %add3A_301 = arith.constant 2 : i32
      %add3A_302 = arith.addi %mul3A_300, %add3A_301 : i32
      %mul3A_303 = arith.constant 16 : i32
      %mul3A_304 = arith.muli %add3A_302, %mul3A_303 : i32
      %get3A_305 = arith.index_cast %mul3A_304 : i32 to index
      %get3A_306 = tpu.vector_load %arg9[%get3A_305] {strides = array<i32>} : memref<10112xi32, #tpu.memory_space<vmem>>, vector<16xi32>,
      tpu.vector_store_idx %arg7[%get3A_306], %broadcast_in_dim3A_11 {add = true} : memref<10240xf32, #tpu.memory_space<vmem>>[vector<16xi32>], vector<16xf32>,
      %mul3A_307 = arith.constant 8 : i32
      %mul3A_308 = arith.muli %while3A_283, %mul3A_307 : i32
      %add3A_309 = arith.constant 3 : i32
      %add3A_310 = arith.addi %mul3A_308, %add3A_309 : i32
      %mul3A_311 = arith.constant 16 : i32
      %mul3A_312 = arith.muli %add3A_310, %mul3A_311 : i32
      %get3A_313 = arith.index_cast %mul3A_312 : i32 to index
      %get3A_314 = tpu.vector_load %arg9[%get3A_313] {strides = array<i32>} : memref<10112xi32, #tpu.memory_space<vmem>>, vector<16xi32>,
      tpu.vector_store_idx %arg7[%get3A_314], %broadcast_in_dim3A_11 {add = true} : memref<10240xf32, #tpu.memory_space<vmem>>[vector<16xi32>], vector<16xf32>,
      %mul3A_315 = arith.constant 8 : i32
      %mul3A_316 = arith.muli %while3A_283, %mul3A_315 : i32
      %add3A_317 = arith.constant 4 : i32
      %add3A_318 = arith.addi %mul3A_316, %add3A_317 : i32
      %mul3A_319 = arith.constant 16 : i32
      %mul3A_320 = arith.muli %add3A_318, %mul3A_319 : i32
      %get3A_321 = arith.index_cast %mul3A_320 : i32 to index
      %get3A_322 = tpu.vector_load %arg9[%get3A_321] {strides = array<i32>} : memref<10112xi32, #tpu.memory_space<vmem>>, vector<16xi32>,
      tpu.vector_store_idx %arg7[%get3A_322], %broadcast_in_dim3A_11 {add = true} : memref<10240xf32, #tpu.memory_space<vmem>>[vector<16xi32>], vector<16xf32>,
      %mul3A_323 = arith.constant 8 : i32
      %mul3A_324 = arith.muli %while3A_283, %mul3A_323 : i32
      %add3A_325 = arith.constant 5 : i32
      %add3A_326 = arith.addi %mul3A_324, %add3A_325 : i32
      %mul3A_327 = arith.constant 16 : i32
      %mul3A_328 = arith.muli %add3A_326, %mul3A_327 : i32
      %get3A_329 = arith.index_cast %mul3A_328 : i32 to index
      %get3A_330 = tpu.vector_load %arg9[%get3A_329] {strides = array<i32>} : memref<10112xi32, #tpu.memory_space<vmem>>, vector<16xi32>,
      tpu.vector_store_idx %arg7[%get3A_330], %broadcast_in_dim3A_11 {add = true} : memref<10240xf32, #tpu.memory_space<vmem>>[vector<16xi32>], vector<16xf32>,
      %mul3A_331 = arith.constant 8 : i32
      %mul3A_332 = arith.muli %while3A_283, %mul3A_331 : i32
      %add3A_333 = arith.constant 6 : i32
      %add3A_334 = arith.addi %mul3A_332, %add3A_333 : i32
      %mul3A_335 = arith.constant 16 : i32
      %mul3A_336 = arith.muli %add3A_334, %mul3A_335 : i32
      %get3A_337 = arith.index_cast %mul3A_336 : i32 to index
      %get3A_338 = tpu.vector_load %arg9[%get3A_337] {strides = array<i32>} : memref<10112xi32, #tpu.memory_space<vmem>>, vector<16xi32>,
      tpu.vector_store_idx %arg7[%get3A_338], %broadcast_in_dim3A_11 {add = true} : memref<10240xf32, #tpu.memory_space<vmem>>[vector<16xi32>], vector<16xf32>,
      %mul3A_339 = arith.constant 8 : i32
      %mul3A_340 = arith.muli %while3A_283, %mul3A_339 : i32
      %add3A_341 = arith.constant 7 : i32
      %add3A_342 = arith.addi %mul3A_340, %add3A_341 : i32
      %mul3A_343 = arith.constant 16 : i32
      %mul3A_344 = arith.muli %add3A_342, %mul3A_343 : i32
      %get3A_345 = arith.index_cast %mul3A_344 : i32 to index
      %get3A_346 = tpu.vector_load %arg9[%get3A_345] {strides = array<i32>} : memref<10112xi32, #tpu.memory_space<vmem>>, vector<16xi32>,
      tpu.vector_store_idx %arg7[%get3A_346], %broadcast_in_dim3A_11 {add = true} : memref<10240xf32, #tpu.memory_space<vmem>>[vector<16xi32>], vector<16xf32>,
    }
    %while3A_86 = arith.constant 1 : i32
    scf.for %while3A_283 = %while3A_84 to %while3A_80 step %while3A_86  : i32 {
      %mul3A_284 = arith.constant 8 : i32
      %mul3A_285 = arith.muli %while3A_283, %mul3A_284 : i32
      %add3A_286 = arith.constant 0 : i32
      %add3A_287 = arith.addi %mul3A_285, %add3A_286 : i32
      %mul3A_288 = arith.constant 16 : i32
      %mul3A_289 = arith.muli %add3A_287, %mul3A_288 : i32
      %get3A = arith.index_cast %mul3A_289 : i32 to index
      %get3A_290 = tpu.vector_load %arg9[%get3A] {strides = array<i32>} : memref<10112xi32, #tpu.memory_space<vmem>>, vector<16xi32>,
      tpu.vector_store_idx %arg7[%get3A_290], %broadcast_in_dim3A_11 {add = true} : memref<10240xf32, #tpu.memory_space<vmem>>[vector<16xi32>], vector<16xf32>,
      %mul3A_291 = arith.constant 8 : i32
      %mul3A_292 = arith.muli %while3A_283, %mul3A_291 : i32
      %add3A_293 = arith.constant 1 : i32
      %add3A_294 = arith.addi %mul3A_292, %add3A_293 : i32
      %mul3A_295 = arith.constant 16 : i32
      %mul3A_296 = arith.muli %add3A_294, %mul3A_295 : i32
      %get3A_297 = arith.index_cast %mul3A_296 : i32 to index
      %get3A_298 = tpu.vector_load %arg9[%get3A_297] {strides = array<i32>} : memref<10112xi32, #tpu.memory_space<vmem>>, vector<16xi32>,
      tpu.vector_store_idx %arg7[%get3A_298], %broadcast_in_dim3A_11 {add = true} : memref<10240xf32, #tpu.memory_space<vmem>>[vector<16xi32>], vector<16xf32>,
      %mul3A_299 = arith.constant 8 : i32
      %mul3A_300 = arith.muli %while3A_283, %mul3A_299 : i32
      %add3A_301 = arith.constant 2 : i32
      %add3A_302 = arith.addi %mul3A_300, %add3A_301 : i32
      %mul3A_303 = arith.constant 16 : i32
      %mul3A_304 = arith.muli %add3A_302, %mul3A_303 : i32
      %get3A_305 = arith.index_cast %mul3A_304 : i32 to index
      %get3A_306 = tpu.vector_load %arg9[%get3A_305] {strides = array<i32>} : memref<10112xi32, #tpu.memory_space<vmem>>, vector<16xi32>,
      tpu.vector_store_idx %arg7[%get3A_306], %broadcast_in_dim3A_11 {add = true} : memref<10240xf32, #tpu.memory_space<vmem>>[vector<16xi32>], vector<16xf32>,
      %mul3A_307 = arith.constant 8 : i32
      %mul3A_308 = arith.muli %while3A_283, %mul3A_307 : i32
      %add3A_309 = arith.constant 3 : i32
      %add3A_310 = arith.addi %mul3A_308, %add3A_309 : i32
      %mul3A_311 = arith.constant 16 : i32
      %mul3A_312 = arith.muli %add3A_310, %mul3A_311 : i32
      %get3A_313 = arith.index_cast %mul3A_312 : i32 to index
      %get3A_314 = tpu.vector_load %arg9[%get3A_313] {strides = array<i32>} : memref<10112xi32, #tpu.memory_space<vmem>>, vector<16xi32>,
      tpu.vector_store_idx %arg7[%get3A_314], %broadcast_in_dim3A_11 {add = true} : memref<10240xf32, #tpu.memory_space<vmem>>[vector<16xi32>], vector<16xf32>,
      %mul3A_315 = arith.constant 8 : i32
      %mul3A_316 = arith.muli %while3A_283, %mul3A_315 : i32
      %add3A_317 = arith.constant 4 : i32
      %add3A_318 = arith.addi %mul3A_316, %add3A_317 : i32
      %mul3A_319 = arith.constant 16 : i32
      %mul3A_320 = arith.muli %add3A_318, %mul3A_319 : i32
      %get3A_321 = arith.index_cast %mul3A_320 : i32 to index
      %get3A_322 = tpu.vector_load %arg9[%get3A_321] {strides = array<i32>} : memref<10112xi32, #tpu.memory_space<vmem>>, vector<16xi32>,
      tpu.vector_store_idx %arg7[%get3A_322], %broadcast_in_dim3A_11 {add = true} : memref<10240xf32, #tpu.memory_space<vmem>>[vector<16xi32>], vector<16xf32>,
      %mul3A_323 = arith.constant 8 : i32
      %mul3A_324 = arith.muli %while3A_283, %mul3A_323 : i32
      %add3A_325 = arith.constant 5 : i32
      %add3A_326 = arith.addi %mul3A_324, %add3A_325 : i32
      %mul3A_327 = arith.constant 16 : i32
      %mul3A_328 = arith.muli %add3A_326, %mul3A_327 : i32
      %get3A_329 = arith.index_cast %mul3A_328 : i32 to index
      %get3A_330 = tpu.vector_load %arg9[%get3A_329] {strides = array<i32>} : memref<10112xi32, #tpu.memory_space<vmem>>, vector<16xi32>,
      tpu.vector_store_idx %arg7[%get3A_330], %broadcast_in_dim3A_11 {add = true} : memref<10240xf32, #tpu.memory_space<vmem>>[vector<16xi32>], vector<16xf32>,
      %mul3A_331 = arith.constant 8 : i32
      %mul3A_332 = arith.muli %while3A_283, %mul3A_331 : i32
      %add3A_333 = arith.constant 6 : i32
      %add3A_334 = arith.addi %mul3A_332, %add3A_333 : i32
      %mul3A_335 = arith.constant 16 : i32
      %mul3A_336 = arith.muli %add3A_334, %mul3A_335 : i32
      %get3A_337 = arith.index_cast %mul3A_336 : i32 to index
      %get3A_338 = tpu.vector_load %arg9[%get3A_337] {strides = array<i32>} : memref<10112xi32, #tpu.memory_space<vmem>>, vector<16xi32>,
      tpu.vector_store_idx %arg7[%get3A_338], %broadcast_in_dim3A_11 {add = true} : memref<10240xf32, #tpu.memory_space<vmem>>[vector<16xi32>], vector<16xf32>,
      %mul3A_339 = arith.constant 8 : i32
      %mul3A_340 = arith.muli %while3A_283, %mul3A_339 : i32
      %add3A_341 = arith.constant 7 : i32
      %add3A_342 = arith.addi %mul3A_340, %add3A_341 : i32
      %mul3A_343 = arith.constant 16 : i32
      %mul3A_344 = arith.muli %add3A_342, %mul3A_343 : i32
      %get3A_345 = arith.index_cast %mul3A_344 : i32 to index
      %get3A_346 = tpu.vector_load %arg9[%get3A_345] {strides = array<i32>} : memref<10112xi32, #tpu.memory_space<vmem>>, vector<16xi32>,
      tpu.vector_store_idx %arg7[%get3A_346], %broadcast_in_dim3A_11 {add = true} : memref<10240xf32, #tpu.memory_space<vmem>>[vector<16xi32>], vector<16xf32>,
    }
    %dma_start3A_87 = arith.constant 1 : i32
    %dma_start3A_88 = arith.constant 0 : i32
    %dma_start3A_89 = tpu.memref_slice %arg5[%dma_start3A_87, %add3A, %dma_start3A_88] : memref<6x32x10240xf32, #tpu.memory_space<hbm>> -> memref<1x1x10240xf32, #tpu.memory_space<hbm>>
    %dma_start3A_90 = tpu.memref_squeeze %dma_start3A_89 : memref<1x1x10240xf32, #tpu.memory_space<hbm>> -> memref<10240xf32, #tpu.memory_space<hbm>>
    %dma_start3A_91 = arith.constant 0 : i32
    %dma_start3A_92 = tpu.memref_slice %arg5[%dma_start3A_87, %add3A, %dma_start3A_91] : memref<6x32x10240xf32, #tpu.memory_space<hbm>> -> memref<1x1x10240xf32, #tpu.memory_space<hbm>>
    %dma_start3A_93 = tpu.memref_squeeze %dma_start3A_92 : memref<1x1x10240xf32, #tpu.memory_space<hbm>> -> memref<10240xf32, #tpu.memory_space<hbm>>
    tpu.enqueue_dma source(%arg7 : memref<10240xf32, #tpu.memory_space<vmem>>) target(%dma_start3A_93 : memref<10240xf32, #tpu.memory_space<hbm>>) target_semaphore(%arg11 : memref<!tpu.dma_semaphore, #tpu.memory_space<semaphore_mem>>)
    %dma_wait3A = arith.constant 0 : i32
    %dma_wait3A_94 = arith.constant 0 : i32
    %dma_wait3A_95 = tpu.memref_slice %arg5[%dma_wait3A, %add3A, %dma_wait3A_94] : memref<6x32x10240xf32, #tpu.memory_space<hbm>> -> memref<1x1x10240xf32, #tpu.memory_space<hbm>>
    %dma_wait3A_96 = tpu.memref_squeeze %dma_wait3A_95 : memref<1x1x10240xf32, #tpu.memory_space<hbm>> -> memref<10240xf32, #tpu.memory_space<hbm>>
    %dma_wait3A_97 = arith.constant 0 : i32
    %dma_wait3A_98 = tpu.memref_slice %arg5[%dma_wait3A, %add3A, %dma_wait3A_97] : memref<6x32x10240xf32, #tpu.memory_space<hbm>> -> memref<1x1x10240xf32, #tpu.memory_space<hbm>>
    %dma_wait3A_99 = tpu.memref_squeeze %dma_wait3A_98 : memref<1x1x10240xf32, #tpu.memory_space<hbm>> -> memref<10240xf32, #tpu.memory_space<hbm>>
    tpu.wait_dma2 semaphore(%arg11 : memref<!tpu.dma_semaphore, #tpu.memory_space<semaphore_mem>>) src(%arg6 : memref<10240xf32, #tpu.memory_space<vmem>>) dst(%dma_wait3A_99 : memref<10240xf32, #tpu.memory_space<hbm>>)
    %scan3A_100 = arith.constant 0 : i32
    %scan3A_101 = arith.constant 0 : i32
    %scan3A_102 = arith.constant 80 : i32
    %scan3A_103 = arith.addi %scan3A_101, %scan3A_102 : i32
    %scan3A_104 = arith.constant 1 : i32
    scf.for %scan3A_283 = %scan3A_101 to %scan3A_103 step %scan3A_104  : i32 {
      %mul3A_284 = arith.constant 8 : i32
      %mul3A_285 = arith.muli %scan3A_283, %mul3A_284 : i32
      %add3A_286 = arith.constant 0 : i32
      %add3A_287 = arith.addi %mul3A_285, %add3A_286 : i32
      %mul3A_288 = arith.constant 16 : i32
      %mul3A_289 = arith.muli %add3A_287, %mul3A_288 : i32
      %swap3A = arith.index_cast %mul3A_289 : i32 to index
      %swap3A_290 = tpu.vector_load %arg6[%swap3A] {strides = array<i32>} : memref<10240xf32, #tpu.memory_space<vmem>>, vector<16xf32>,
      tpu.vector_store %arg6[%swap3A], %broadcast_in_dim3A_13 {strides = array<i32>} : memref<10240xf32, #tpu.memory_space<vmem>>, vector<16xf32>,
      %mul3A_291 = arith.constant 8 : i32
      %mul3A_292 = arith.muli %scan3A_283, %mul3A_291 : i32
      %add3A_293 = arith.constant 1 : i32
      %add3A_294 = arith.addi %mul3A_292, %add3A_293 : i32
      %mul3A_295 = arith.constant 16 : i32
      %mul3A_296 = arith.muli %add3A_294, %mul3A_295 : i32
      %swap3A_297 = arith.index_cast %mul3A_296 : i32 to index
      %swap3A_298 = tpu.vector_load %arg6[%swap3A_297] {strides = array<i32>} : memref<10240xf32, #tpu.memory_space<vmem>>, vector<16xf32>,
      tpu.vector_store %arg6[%swap3A_297], %broadcast_in_dim3A_13 {strides = array<i32>} : memref<10240xf32, #tpu.memory_space<vmem>>, vector<16xf32>,
      %mul3A_299 = arith.constant 8 : i32
      %mul3A_300 = arith.muli %scan3A_283, %mul3A_299 : i32
      %add3A_301 = arith.constant 2 : i32
      %add3A_302 = arith.addi %mul3A_300, %add3A_301 : i32
      %mul3A_303 = arith.constant 16 : i32
      %mul3A_304 = arith.muli %add3A_302, %mul3A_303 : i32
      %swap3A_305 = arith.index_cast %mul3A_304 : i32 to index
      %swap3A_306 = tpu.vector_load %arg6[%swap3A_305] {strides = array<i32>} : memref<10240xf32, #tpu.memory_space<vmem>>, vector<16xf32>,
      tpu.vector_store %arg6[%swap3A_305], %broadcast_in_dim3A_13 {strides = array<i32>} : memref<10240xf32, #tpu.memory_space<vmem>>, vector<16xf32>,
      %mul3A_307 = arith.constant 8 : i32
      %mul3A_308 = arith.muli %scan3A_283, %mul3A_307 : i32
      %add3A_309 = arith.constant 3 : i32
      %add3A_310 = arith.addi %mul3A_308, %add3A_309 : i32
      %mul3A_311 = arith.constant 16 : i32
      %mul3A_312 = arith.muli %add3A_310, %mul3A_311 : i32
      %swap3A_313 = arith.index_cast %mul3A_312 : i32 to index
      %swap3A_314 = tpu.vector_load %arg6[%swap3A_313] {strides = array<i32>} : memref<10240xf32, #tpu.memory_space<vmem>>, vector<16xf32>,
      tpu.vector_store %arg6[%swap3A_313], %broadcast_in_dim3A_13 {strides = array<i32>} : memref<10240xf32, #tpu.memory_space<vmem>>, vector<16xf32>,
      %mul3A_315 = arith.constant 8 : i32
      %mul3A_316 = arith.muli %scan3A_283, %mul3A_315 : i32
      %add3A_317 = arith.constant 4 : i32
      %add3A_318 = arith.addi %mul3A_316, %add3A_317 : i32
      %mul3A_319 = arith.constant 16 : i32
      %mul3A_320 = arith.muli %add3A_318, %mul3A_319 : i32
      %swap3A_321 = arith.index_cast %mul3A_320 : i32 to index
      %swap3A_322 = tpu.vector_load %arg6[%swap3A_321] {strides = array<i32>} : memref<10240xf32, #tpu.memory_space<vmem>>, vector<16xf32>,
      tpu.vector_store %arg6[%swap3A_321], %broadcast_in_dim3A_13 {strides = array<i32>} : memref<10240xf32, #tpu.memory_space<vmem>>, vector<16xf32>,
      %mul3A_323 = arith.constant 8 : i32
      %mul3A_324 = arith.muli %scan3A_283, %mul3A_323 : i32
      %add3A_325 = arith.constant 5 : i32
      %add3A_326 = arith.addi %mul3A_324, %add3A_325 : i32
      %mul3A_327 = arith.constant 16 : i32
      %mul3A_328 = arith.muli %add3A_326, %mul3A_327 : i32
      %swap3A_329 = arith.index_cast %mul3A_328 : i32 to index
      %swap3A_330 = tpu.vector_load %arg6[%swap3A_329] {strides = array<i32>} : memref<10240xf32, #tpu.memory_space<vmem>>, vector<16xf32>,
      tpu.vector_store %arg6[%swap3A_329], %broadcast_in_dim3A_13 {strides = array<i32>} : memref<10240xf32, #tpu.memory_space<vmem>>, vector<16xf32>,
      %mul3A_331 = arith.constant 8 : i32
      %mul3A_332 = arith.muli %scan3A_283, %mul3A_331 : i32
      %add3A_333 = arith.constant 6 : i32
      %add3A_334 = arith.addi %mul3A_332, %add3A_333 : i32
      %mul3A_335 = arith.constant 16 : i32
      %mul3A_336 = arith.muli %add3A_334, %mul3A_335 : i32
      %swap3A_337 = arith.index_cast %mul3A_336 : i32 to index
      %swap3A_338 = tpu.vector_load %arg6[%swap3A_337] {strides = array<i32>} : memref<10240xf32, #tpu.memory_space<vmem>>, vector<16xf32>,
      tpu.vector_store %arg6[%swap3A_337], %broadcast_in_dim3A_13 {strides = array<i32>} : memref<10240xf32, #tpu.memory_space<vmem>>, vector<16xf32>,
      %mul3A_339 = arith.constant 8 : i32
      %mul3A_340 = arith.muli %scan3A_283, %mul3A_339 : i32
      %add3A_341 = arith.constant 7 : i32
      %add3A_342 = arith.addi %mul3A_340, %add3A_341 : i32
      %mul3A_343 = arith.constant 16 : i32
      %mul3A_344 = arith.muli %add3A_342, %mul3A_343 : i32
      %swap3A_345 = arith.index_cast %mul3A_344 : i32 to index
      %swap3A_346 = tpu.vector_load %arg6[%swap3A_345] {strides = array<i32>} : memref<10240xf32, #tpu.memory_space<vmem>>, vector<16xf32>,
      tpu.vector_store %arg6[%swap3A_345], %broadcast_in_dim3A_13 {strides = array<i32>} : memref<10240xf32, #tpu.memory_space<vmem>>, vector<16xf32>,
    }
    %scan3A_105 = arith.constant 80 : i32
    %convert_element_type3A_106 = arith.extui %lt3A_1 : i1 to i32
    %cond3A_107 = arith.constant 0 : i32
    %cond3A_108 = arith.cmpi ne, %convert_element_type3A_106, %cond3A_107 : i32
    scf.if %cond3A_108 {
      %add3A_283 = arith.constant 320000 : i32
      %add3A_284 = arith.addi %add3A_283, %mul3A_7 : i32
      %dma_start3A_285 = tpu.memref_slice %arg2[%add3A_284] : memref<640000xi32, #tpu.memory_space<hbm>> -> memref<10112xi32, #tpu.memory_space<hbm>>
      %dma_start3A_286 = tpu.memref_slice %arg2[%add3A_284] : memref<640000xi32, #tpu.memory_space<hbm>> -> memref<10112xi32, #tpu.memory_space<hbm>>
      tpu.enqueue_dma source(%dma_start3A_286 : memref<10112xi32, #tpu.memory_space<hbm>>) target(%arg9 : memref<10112xi32, #tpu.memory_space<vmem>>) target_semaphore(%arg10 : memref<!tpu.dma_semaphore, #tpu.memory_space<semaphore_mem>>)
    } else {
    }
    %not3A_109 = arith.constant true
    %not3A_110 = arith.xori %lt3A_1, %not3A_109 : i1
    %convert_element_type3A_111 = arith.extui %not3A_110 : i1 to i32
    %cond3A_112 = arith.constant 0 : i32
    %cond3A_113 = arith.cmpi ne, %convert_element_type3A_111, %cond3A_112 : i32
    scf.if %cond3A_113 {
      %add3A_283 = arith.constant 320000 : i32
      %add3A_284 = arith.addi %add3A_283, %mul3A_7 : i32
      %dma_start3A_285 = arith.constant 0 : i32
      %dma_start3A_286 = tpu.memref_slice %arg9[%dma_start3A_285] : memref<10112xi32, #tpu.memory_space<vmem>> -> memref<9984xi32, #tpu.memory_space<vmem>>
      %dma_start3A_287 = tpu.memref_slice %arg2[%add3A_284] : memref<640000xi32, #tpu.memory_space<hbm>> -> memref<9984xi32, #tpu.memory_space<hbm>>
      %dma_start3A_288 = arith.constant 0 : i32
      %dma_start3A_289 = tpu.memref_slice %arg9[%dma_start3A_288] : memref<10112xi32, #tpu.memory_space<vmem>> -> memref<9984xi32, #tpu.memory_space<vmem>>
      %dma_start3A_290 = tpu.memref_slice %arg2[%add3A_284] : memref<640000xi32, #tpu.memory_space<hbm>> -> memref<9984xi32, #tpu.memory_space<hbm>>
      tpu.enqueue_dma source(%dma_start3A_290 : memref<9984xi32, #tpu.memory_space<hbm>>) target(%dma_start3A_289 : memref<9984xi32, #tpu.memory_space<vmem>>) target_semaphore(%arg10 : memref<!tpu.dma_semaphore, #tpu.memory_space<semaphore_mem>>)
    } else {
    }
    %convert_element_type3A_114 = arith.extui %lt3A_1 : i1 to i32
    %cond3A_115 = arith.constant 0 : i32
    %cond3A_116 = arith.cmpi ne, %convert_element_type3A_114, %cond3A_115 : i32
    scf.if %cond3A_116 {
      %dma_wait3A_283 = arith.constant 0 : i32
      %dma_wait3A_284 = tpu.memref_slice %arg2[%dma_wait3A_283] : memref<640000xi32, #tpu.memory_space<hbm>> -> memref<10112xi32, #tpu.memory_space<hbm>>
      %dma_wait3A_285 = arith.constant 0 : i32
      %dma_wait3A_286 = tpu.memref_slice %arg2[%dma_wait3A_285] : memref<640000xi32, #tpu.memory_space<hbm>> -> memref<10112xi32, #tpu.memory_space<hbm>>
      tpu.wait_dma2 semaphore(%arg10 : memref<!tpu.dma_semaphore, #tpu.memory_space<semaphore_mem>>) src(%dma_wait3A_286 : memref<10112xi32, #tpu.memory_space<hbm>>) dst(%arg8 : memref<10112xi32, #tpu.memory_space<vmem>>)
    } else {
    }
    %not3A_117 = arith.constant true
    %not3A_118 = arith.xori %lt3A_1, %not3A_117 : i1
    %convert_element_type3A_119 = arith.extui %not3A_118 : i1 to i32
    %cond3A_120 = arith.constant 0 : i32
    %cond3A_121 = arith.cmpi ne, %convert_element_type3A_119, %cond3A_120 : i32
    scf.if %cond3A_121 {
      %dma_wait3A_283 = arith.constant 0 : i32
      %dma_wait3A_284 = tpu.memref_slice %arg8[%dma_wait3A_283] : memref<10112xi32, #tpu.memory_space<vmem>> -> memref<9984xi32, #tpu.memory_space<vmem>>
      %dma_wait3A_285 = arith.constant 0 : i32
      %dma_wait3A_286 = tpu.memref_slice %arg2[%dma_wait3A_285] : memref<640000xi32, #tpu.memory_space<hbm>> -> memref<9984xi32, #tpu.memory_space<hbm>>
      %dma_wait3A_287 = arith.constant 0 : i32
      %dma_wait3A_288 = tpu.memref_slice %arg8[%dma_wait3A_287] : memref<10112xi32, #tpu.memory_space<vmem>> -> memref<9984xi32, #tpu.memory_space<vmem>>
      %dma_wait3A_289 = arith.constant 0 : i32
      %dma_wait3A_290 = tpu.memref_slice %arg2[%dma_wait3A_289] : memref<640000xi32, #tpu.memory_space<hbm>> -> memref<9984xi32, #tpu.memory_space<hbm>>
      tpu.wait_dma2 semaphore(%arg10 : memref<!tpu.dma_semaphore, #tpu.memory_space<semaphore_mem>>) src(%dma_wait3A_290 : memref<9984xi32, #tpu.memory_space<hbm>>) dst(%dma_wait3A_288 : memref<9984xi32, #tpu.memory_space<vmem>>)
    } else {
    }
    %while3A_122 = arith.constant 0 : i32
    %while3A_123 = arith.constant 0 : i32
    %while3A_124 = arith.subi %add3A_10, %while3A_123 : i32
    %while3A_125 = arith.addi %while3A_123, %while3A_124 : i32
    %while3A_126 = arith.constant 1 : i32
    %while3A_127 = arith.divsi %while3A_124, %while3A_126 : i32
    %while3A_128 = arith.muli %while3A_127, %while3A_126 : i32
    %while3A_129 = arith.addi %while3A_123, %while3A_128 : i32
    %while3A_130 = arith.constant 1 : i32
    scf.for %while3A_283 = %while3A_123 to %while3A_129 step %while3A_130  : i32 {
      %mul3A_284 = arith.constant 8 : i32
      %mul3A_285 = arith.muli %while3A_283, %mul3A_284 : i32
      %add3A_286 = arith.constant 0 : i32
      %add3A_287 = arith.addi %mul3A_285, %add3A_286 : i32
      %mul3A_288 = arith.constant 16 : i32
      %mul3A_289 = arith.muli %add3A_287, %mul3A_288 : i32
      %get3A = arith.index_cast %mul3A_289 : i32 to index
      %get3A_290 = tpu.vector_load %arg8[%get3A] {strides = array<i32>} : memref<10112xi32, #tpu.memory_space<vmem>>, vector<16xi32>,
      tpu.vector_store_idx %arg6[%get3A_290], %broadcast_in_dim3A_11 {add = true} : memref<10240xf32, #tpu.memory_space<vmem>>[vector<16xi32>], vector<16xf32>,
      %mul3A_291 = arith.constant 8 : i32
      %mul3A_292 = arith.muli %while3A_283, %mul3A_291 : i32
      %add3A_293 = arith.constant 1 : i32
      %add3A_294 = arith.addi %mul3A_292, %add3A_293 : i32
      %mul3A_295 = arith.constant 16 : i32
      %mul3A_296 = arith.muli %add3A_294, %mul3A_295 : i32
      %get3A_297 = arith.index_cast %mul3A_296 : i32 to index
      %get3A_298 = tpu.vector_load %arg8[%get3A_297] {strides = array<i32>} : memref<10112xi32, #tpu.memory_space<vmem>>, vector<16xi32>,
      tpu.vector_store_idx %arg6[%get3A_298], %broadcast_in_dim3A_11 {add = true} : memref<10240xf32, #tpu.memory_space<vmem>>[vector<16xi32>], vector<16xf32>,
      %mul3A_299 = arith.constant 8 : i32
      %mul3A_300 = arith.muli %while3A_283, %mul3A_299 : i32
      %add3A_301 = arith.constant 2 : i32
      %add3A_302 = arith.addi %mul3A_300, %add3A_301 : i32
      %mul3A_303 = arith.constant 16 : i32
      %mul3A_304 = arith.muli %add3A_302, %mul3A_303 : i32
      %get3A_305 = arith.index_cast %mul3A_304 : i32 to index
      %get3A_306 = tpu.vector_load %arg8[%get3A_305] {strides = array<i32>} : memref<10112xi32, #tpu.memory_space<vmem>>, vector<16xi32>,
      tpu.vector_store_idx %arg6[%get3A_306], %broadcast_in_dim3A_11 {add = true} : memref<10240xf32, #tpu.memory_space<vmem>>[vector<16xi32>], vector<16xf32>,
      %mul3A_307 = arith.constant 8 : i32
      %mul3A_308 = arith.muli %while3A_283, %mul3A_307 : i32
      %add3A_309 = arith.constant 3 : i32
      %add3A_310 = arith.addi %mul3A_308, %add3A_309 : i32
      %mul3A_311 = arith.constant 16 : i32
      %mul3A_312 = arith.muli %add3A_310, %mul3A_311 : i32
      %get3A_313 = arith.index_cast %mul3A_312 : i32 to index
      %get3A_314 = tpu.vector_load %arg8[%get3A_313] {strides = array<i32>} : memref<10112xi32, #tpu.memory_space<vmem>>, vector<16xi32>,
      tpu.vector_store_idx %arg6[%get3A_314], %broadcast_in_dim3A_11 {add = true} : memref<10240xf32, #tpu.memory_space<vmem>>[vector<16xi32>], vector<16xf32>,
      %mul3A_315 = arith.constant 8 : i32
      %mul3A_316 = arith.muli %while3A_283, %mul3A_315 : i32
      %add3A_317 = arith.constant 4 : i32
      %add3A_318 = arith.addi %mul3A_316, %add3A_317 : i32
      %mul3A_319 = arith.constant 16 : i32
      %mul3A_320 = arith.muli %add3A_318, %mul3A_319 : i32
      %get3A_321 = arith.index_cast %mul3A_320 : i32 to index
      %get3A_322 = tpu.vector_load %arg8[%get3A_321] {strides = array<i32>} : memref<10112xi32, #tpu.memory_space<vmem>>, vector<16xi32>,
      tpu.vector_store_idx %arg6[%get3A_322], %broadcast_in_dim3A_11 {add = true} : memref<10240xf32, #tpu.memory_space<vmem>>[vector<16xi32>], vector<16xf32>,
      %mul3A_323 = arith.constant 8 : i32
      %mul3A_324 = arith.muli %while3A_283, %mul3A_323 : i32
      %add3A_325 = arith.constant 5 : i32
      %add3A_326 = arith.addi %mul3A_324, %add3A_325 : i32
      %mul3A_327 = arith.constant 16 : i32
      %mul3A_328 = arith.muli %add3A_326, %mul3A_327 : i32
      %get3A_329 = arith.index_cast %mul3A_328 : i32 to index
      %get3A_330 = tpu.vector_load %arg8[%get3A_329] {strides = array<i32>} : memref<10112xi32, #tpu.memory_space<vmem>>, vector<16xi32>,
      tpu.vector_store_idx %arg6[%get3A_330], %broadcast_in_dim3A_11 {add = true} : memref<10240xf32, #tpu.memory_space<vmem>>[vector<16xi32>], vector<16xf32>,
      %mul3A_331 = arith.constant 8 : i32
      %mul3A_332 = arith.muli %while3A_283, %mul3A_331 : i32
      %add3A_333 = arith.constant 6 : i32
      %add3A_334 = arith.addi %mul3A_332, %add3A_333 : i32
      %mul3A_335 = arith.constant 16 : i32
      %mul3A_336 = arith.muli %add3A_334, %mul3A_335 : i32
      %get3A_337 = arith.index_cast %mul3A_336 : i32 to index
      %get3A_338 = tpu.vector_load %arg8[%get3A_337] {strides = array<i32>} : memref<10112xi32, #tpu.memory_space<vmem>>, vector<16xi32>,
      tpu.vector_store_idx %arg6[%get3A_338], %broadcast_in_dim3A_11 {add = true} : memref<10240xf32, #tpu.memory_space<vmem>>[vector<16xi32>], vector<16xf32>,
      %mul3A_339 = arith.constant 8 : i32
      %mul3A_340 = arith.muli %while3A_283, %mul3A_339 : i32
      %add3A_341 = arith.constant 7 : i32
      %add3A_342 = arith.addi %mul3A_340, %add3A_341 : i32
      %mul3A_343 = arith.constant 16 : i32
      %mul3A_344 = arith.muli %add3A_342, %mul3A_343 : i32
      %get3A_345 = arith.index_cast %mul3A_344 : i32 to index
      %get3A_346 = tpu.vector_load %arg8[%get3A_345] {strides = array<i32>} : memref<10112xi32, #tpu.memory_space<vmem>>, vector<16xi32>,
      tpu.vector_store_idx %arg6[%get3A_346], %broadcast_in_dim3A_11 {add = true} : memref<10240xf32, #tpu.memory_space<vmem>>[vector<16xi32>], vector<16xf32>,
    }
    %while3A_131 = arith.constant 1 : i32
    scf.for %while3A_283 = %while3A_129 to %while3A_125 step %while3A_131  : i32 {
      %mul3A_284 = arith.constant 8 : i32
      %mul3A_285 = arith.muli %while3A_283, %mul3A_284 : i32
      %add3A_286 = arith.constant 0 : i32
      %add3A_287 = arith.addi %mul3A_285, %add3A_286 : i32
      %mul3A_288 = arith.constant 16 : i32
      %mul3A_289 = arith.muli %add3A_287, %mul3A_288 : i32
      %get3A = arith.index_cast %mul3A_289 : i32 to index
      %get3A_290 = tpu.vector_load %arg8[%get3A] {strides = array<i32>} : memref<10112xi32, #tpu.memory_space<vmem>>, vector<16xi32>,
      tpu.vector_store_idx %arg6[%get3A_290], %broadcast_in_dim3A_11 {add = true} : memref<10240xf32, #tpu.memory_space<vmem>>[vector<16xi32>], vector<16xf32>,
      %mul3A_291 = arith.constant 8 : i32
      %mul3A_292 = arith.muli %while3A_283, %mul3A_291 : i32
      %add3A_293 = arith.constant 1 : i32
      %add3A_294 = arith.addi %mul3A_292, %add3A_293 : i32
      %mul3A_295 = arith.constant 16 : i32
      %mul3A_296 = arith.muli %add3A_294, %mul3A_295 : i32
      %get3A_297 = arith.index_cast %mul3A_296 : i32 to index
      %get3A_298 = tpu.vector_load %arg8[%get3A_297] {strides = array<i32>} : memref<10112xi32, #tpu.memory_space<vmem>>, vector<16xi32>,
      tpu.vector_store_idx %arg6[%get3A_298], %broadcast_in_dim3A_11 {add = true} : memref<10240xf32, #tpu.memory_space<vmem>>[vector<16xi32>], vector<16xf32>,
      %mul3A_299 = arith.constant 8 : i32
      %mul3A_300 = arith.muli %while3A_283, %mul3A_299 : i32
      %add3A_301 = arith.constant 2 : i32
      %add3A_302 = arith.addi %mul3A_300, %add3A_301 : i32
      %mul3A_303 = arith.constant 16 : i32
      %mul3A_304 = arith.muli %add3A_302, %mul3A_303 : i32
      %get3A_305 = arith.index_cast %mul3A_304 : i32 to index
      %get3A_306 = tpu.vector_load %arg8[%get3A_305] {strides = array<i32>} : memref<10112xi32, #tpu.memory_space<vmem>>, vector<16xi32>,
      tpu.vector_store_idx %arg6[%get3A_306], %broadcast_in_dim3A_11 {add = true} : memref<10240xf32, #tpu.memory_space<vmem>>[vector<16xi32>], vector<16xf32>,
      %mul3A_307 = arith.constant 8 : i32
      %mul3A_308 = arith.muli %while3A_283, %mul3A_307 : i32
      %add3A_309 = arith.constant 3 : i32
      %add3A_310 = arith.addi %mul3A_308, %add3A_309 : i32
      %mul3A_311 = arith.constant 16 : i32
      %mul3A_312 = arith.muli %add3A_310, %mul3A_311 : i32
      %get3A_313 = arith.index_cast %mul3A_312 : i32 to index
      %get3A_314 = tpu.vector_load %arg8[%get3A_313] {strides = array<i32>} : memref<10112xi32, #tpu.memory_space<vmem>>, vector<16xi32>,
      tpu.vector_store_idx %arg6[%get3A_314], %broadcast_in_dim3A_11 {add = true} : memref<10240xf32, #tpu.memory_space<vmem>>[vector<16xi32>], vector<16xf32>,
      %mul3A_315 = arith.constant 8 : i32
      %mul3A_316 = arith.muli %while3A_283, %mul3A_315 : i32
      %add3A_317 = arith.constant 4 : i32
      %add3A_318 = arith.addi %mul3A_316, %add3A_317 : i32
      %mul3A_319 = arith.constant 16 : i32
      %mul3A_320 = arith.muli %add3A_318, %mul3A_319 : i32
      %get3A_321 = arith.index_cast %mul3A_320 : i32 to index
      %get3A_322 = tpu.vector_load %arg8[%get3A_321] {strides = array<i32>} : memref<10112xi32, #tpu.memory_space<vmem>>, vector<16xi32>,
      tpu.vector_store_idx %arg6[%get3A_322], %broadcast_in_dim3A_11 {add = true} : memref<10240xf32, #tpu.memory_space<vmem>>[vector<16xi32>], vector<16xf32>,
      %mul3A_323 = arith.constant 8 : i32
      %mul3A_324 = arith.muli %while3A_283, %mul3A_323 : i32
      %add3A_325 = arith.constant 5 : i32
      %add3A_326 = arith.addi %mul3A_324, %add3A_325 : i32
      %mul3A_327 = arith.constant 16 : i32
      %mul3A_328 = arith.muli %add3A_326, %mul3A_327 : i32
      %get3A_329 = arith.index_cast %mul3A_328 : i32 to index
      %get3A_330 = tpu.vector_load %arg8[%get3A_329] {strides = array<i32>} : memref<10112xi32, #tpu.memory_space<vmem>>, vector<16xi32>,
      tpu.vector_store_idx %arg6[%get3A_330], %broadcast_in_dim3A_11 {add = true} : memref<10240xf32, #tpu.memory_space<vmem>>[vector<16xi32>], vector<16xf32>,
      %mul3A_331 = arith.constant 8 : i32
      %mul3A_332 = arith.muli %while3A_283, %mul3A_331 : i32
      %add3A_333 = arith.constant 6 : i32
      %add3A_334 = arith.addi %mul3A_332, %add3A_333 : i32
      %mul3A_335 = arith.constant 16 : i32
      %mul3A_336 = arith.muli %add3A_334, %mul3A_335 : i32
      %get3A_337 = arith.index_cast %mul3A_336 : i32 to index
      %get3A_338 = tpu.vector_load %arg8[%get3A_337] {strides = array<i32>} : memref<10112xi32, #tpu.memory_space<vmem>>, vector<16xi32>,
      tpu.vector_store_idx %arg6[%get3A_338], %broadcast_in_dim3A_11 {add = true} : memref<10240xf32, #tpu.memory_space<vmem>>[vector<16xi32>], vector<16xf32>,
      %mul3A_339 = arith.constant 8 : i32
      %mul3A_340 = arith.muli %while3A_283, %mul3A_339 : i32
      %add3A_341 = arith.constant 7 : i32
      %add3A_342 = arith.addi %mul3A_340, %add3A_341 : i32
      %mul3A_343 = arith.constant 16 : i32
      %mul3A_344 = arith.muli %add3A_342, %mul3A_343 : i32
      %get3A_345 = arith.index_cast %mul3A_344 : i32 to index
      %get3A_346 = tpu.vector_load %arg8[%get3A_345] {strides = array<i32>} : memref<10112xi32, #tpu.memory_space<vmem>>, vector<16xi32>,
      tpu.vector_store_idx %arg6[%get3A_346], %broadcast_in_dim3A_11 {add = true} : memref<10240xf32, #tpu.memory_space<vmem>>[vector<16xi32>], vector<16xf32>,
    }
    %dma_start3A_132 = arith.constant 2 : i32
    %dma_start3A_133 = arith.constant 0 : i32
    %dma_start3A_134 = tpu.memref_slice %arg5[%dma_start3A_132, %add3A, %dma_start3A_133] : memref<6x32x10240xf32, #tpu.memory_space<hbm>> -> memref<1x1x10240xf32, #tpu.memory_space<hbm>>
    %dma_start3A_135 = tpu.memref_squeeze %dma_start3A_134 : memref<1x1x10240xf32, #tpu.memory_space<hbm>> -> memref<10240xf32, #tpu.memory_space<hbm>>
    %dma_start3A_136 = arith.constant 0 : i32
    %dma_start3A_137 = tpu.memref_slice %arg5[%dma_start3A_132, %add3A, %dma_start3A_136] : memref<6x32x10240xf32, #tpu.memory_space<hbm>> -> memref<1x1x10240xf32, #tpu.memory_space<hbm>>
    %dma_start3A_138 = tpu.memref_squeeze %dma_start3A_137 : memref<1x1x10240xf32, #tpu.memory_space<hbm>> -> memref<10240xf32, #tpu.memory_space<hbm>>
    tpu.enqueue_dma source(%arg6 : memref<10240xf32, #tpu.memory_space<vmem>>) target(%dma_start3A_138 : memref<10240xf32, #tpu.memory_space<hbm>>) target_semaphore(%arg11 : memref<!tpu.dma_semaphore, #tpu.memory_space<semaphore_mem>>)
    %dma_wait3A_139 = arith.constant 1 : i32
    %dma_wait3A_140 = arith.constant 0 : i32
    %dma_wait3A_141 = tpu.memref_slice %arg5[%dma_wait3A_139, %add3A, %dma_wait3A_140] : memref<6x32x10240xf32, #tpu.memory_space<hbm>> -> memref<1x1x10240xf32, #tpu.memory_space<hbm>>
    %dma_wait3A_142 = tpu.memref_squeeze %dma_wait3A_141 : memref<1x1x10240xf32, #tpu.memory_space<hbm>> -> memref<10240xf32, #tpu.memory_space<hbm>>
    %dma_wait3A_143 = arith.constant 0 : i32
    %dma_wait3A_144 = tpu.memref_slice %arg5[%dma_wait3A_139, %add3A, %dma_wait3A_143] : memref<6x32x10240xf32, #tpu.memory_space<hbm>> -> memref<1x1x10240xf32, #tpu.memory_space<hbm>>
    %dma_wait3A_145 = tpu.memref_squeeze %dma_wait3A_144 : memref<1x1x10240xf32, #tpu.memory_space<hbm>> -> memref<10240xf32, #tpu.memory_space<hbm>>
    tpu.wait_dma2 semaphore(%arg11 : memref<!tpu.dma_semaphore, #tpu.memory_space<semaphore_mem>>) src(%arg7 : memref<10240xf32, #tpu.memory_space<vmem>>) dst(%dma_wait3A_145 : memref<10240xf32, #tpu.memory_space<hbm>>)
    %scan3A_146 = arith.constant 0 : i32
    %scan3A_147 = arith.constant 0 : i32
    %scan3A_148 = arith.constant 80 : i32
    %scan3A_149 = arith.addi %scan3A_147, %scan3A_148 : i32
    %scan3A_150 = arith.constant 1 : i32
    scf.for %scan3A_283 = %scan3A_147 to %scan3A_149 step %scan3A_150  : i32 {
      %mul3A_284 = arith.constant 8 : i32
      %mul3A_285 = arith.muli %scan3A_283, %mul3A_284 : i32
      %add3A_286 = arith.constant 0 : i32
      %add3A_287 = arith.addi %mul3A_285, %add3A_286 : i32
      %mul3A_288 = arith.constant 16 : i32
      %mul3A_289 = arith.muli %add3A_287, %mul3A_288 : i32
      %swap3A = arith.index_cast %mul3A_289 : i32 to index
      %swap3A_290 = tpu.vector_load %arg7[%swap3A] {strides = array<i32>} : memref<10240xf32, #tpu.memory_space<vmem>>, vector<16xf32>,
      tpu.vector_store %arg7[%swap3A], %broadcast_in_dim3A_13 {strides = array<i32>} : memref<10240xf32, #tpu.memory_space<vmem>>, vector<16xf32>,
      %mul3A_291 = arith.constant 8 : i32
      %mul3A_292 = arith.muli %scan3A_283, %mul3A_291 : i32
      %add3A_293 = arith.constant 1 : i32
      %add3A_294 = arith.addi %mul3A_292, %add3A_293 : i32
      %mul3A_295 = arith.constant 16 : i32
      %mul3A_296 = arith.muli %add3A_294, %mul3A_295 : i32
      %swap3A_297 = arith.index_cast %mul3A_296 : i32 to index
      %swap3A_298 = tpu.vector_load %arg7[%swap3A_297] {strides = array<i32>} : memref<10240xf32, #tpu.memory_space<vmem>>, vector<16xf32>,
      tpu.vector_store %arg7[%swap3A_297], %broadcast_in_dim3A_13 {strides = array<i32>} : memref<10240xf32, #tpu.memory_space<vmem>>, vector<16xf32>,
      %mul3A_299 = arith.constant 8 : i32
      %mul3A_300 = arith.muli %scan3A_283, %mul3A_299 : i32
      %add3A_301 = arith.constant 2 : i32
      %add3A_302 = arith.addi %mul3A_300, %add3A_301 : i32
      %mul3A_303 = arith.constant 16 : i32
      %mul3A_304 = arith.muli %add3A_302, %mul3A_303 : i32
      %swap3A_305 = arith.index_cast %mul3A_304 : i32 to index
      %swap3A_306 = tpu.vector_load %arg7[%swap3A_305] {strides = array<i32>} : memref<10240xf32, #tpu.memory_space<vmem>>, vector<16xf32>,
      tpu.vector_store %arg7[%swap3A_305], %broadcast_in_dim3A_13 {strides = array<i32>} : memref<10240xf32, #tpu.memory_space<vmem>>, vector<16xf32>,
      %mul3A_307 = arith.constant 8 : i32
      %mul3A_308 = arith.muli %scan3A_283, %mul3A_307 : i32
      %add3A_309 = arith.constant 3 : i32
      %add3A_310 = arith.addi %mul3A_308, %add3A_309 : i32
      %mul3A_311 = arith.constant 16 : i32
      %mul3A_312 = arith.muli %add3A_310, %mul3A_311 : i32
      %swap3A_313 = arith.index_cast %mul3A_312 : i32 to index
      %swap3A_314 = tpu.vector_load %arg7[%swap3A_313] {strides = array<i32>} : memref<10240xf32, #tpu.memory_space<vmem>>, vector<16xf32>,
      tpu.vector_store %arg7[%swap3A_313], %broadcast_in_dim3A_13 {strides = array<i32>} : memref<10240xf32, #tpu.memory_space<vmem>>, vector<16xf32>,
      %mul3A_315 = arith.constant 8 : i32
      %mul3A_316 = arith.muli %scan3A_283, %mul3A_315 : i32
      %add3A_317 = arith.constant 4 : i32
      %add3A_318 = arith.addi %mul3A_316, %add3A_317 : i32
      %mul3A_319 = arith.constant 16 : i32
      %mul3A_320 = arith.muli %add3A_318, %mul3A_319 : i32
      %swap3A_321 = arith.index_cast %mul3A_320 : i32 to index
      %swap3A_322 = tpu.vector_load %arg7[%swap3A_321] {strides = array<i32>} : memref<10240xf32, #tpu.memory_space<vmem>>, vector<16xf32>,
      tpu.vector_store %arg7[%swap3A_321], %broadcast_in_dim3A_13 {strides = array<i32>} : memref<10240xf32, #tpu.memory_space<vmem>>, vector<16xf32>,
      %mul3A_323 = arith.constant 8 : i32
      %mul3A_324 = arith.muli %scan3A_283, %mul3A_323 : i32
      %add3A_325 = arith.constant 5 : i32
      %add3A_326 = arith.addi %mul3A_324, %add3A_325 : i32
      %mul3A_327 = arith.constant 16 : i32
      %mul3A_328 = arith.muli %add3A_326, %mul3A_327 : i32
      %swap3A_329 = arith.index_cast %mul3A_328 : i32 to index
      %swap3A_330 = tpu.vector_load %arg7[%swap3A_329] {strides = array<i32>} : memref<10240xf32, #tpu.memory_space<vmem>>, vector<16xf32>,
      tpu.vector_store %arg7[%swap3A_329], %broadcast_in_dim3A_13 {strides = array<i32>} : memref<10240xf32, #tpu.memory_space<vmem>>, vector<16xf32>,
      %mul3A_331 = arith.constant 8 : i32
      %mul3A_332 = arith.muli %scan3A_283, %mul3A_331 : i32
      %add3A_333 = arith.constant 6 : i32
      %add3A_334 = arith.addi %mul3A_332, %add3A_333 : i32
      %mul3A_335 = arith.constant 16 : i32
      %mul3A_336 = arith.muli %add3A_334, %mul3A_335 : i32
      %swap3A_337 = arith.index_cast %mul3A_336 : i32 to index
      %swap3A_338 = tpu.vector_load %arg7[%swap3A_337] {strides = array<i32>} : memref<10240xf32, #tpu.memory_space<vmem>>, vector<16xf32>,
      tpu.vector_store %arg7[%swap3A_337], %broadcast_in_dim3A_13 {strides = array<i32>} : memref<10240xf32, #tpu.memory_space<vmem>>, vector<16xf32>,
      %mul3A_339 = arith.constant 8 : i32
      %mul3A_340 = arith.muli %scan3A_283, %mul3A_339 : i32
      %add3A_341 = arith.constant 7 : i32
      %add3A_342 = arith.addi %mul3A_340, %add3A_341 : i32
      %mul3A_343 = arith.constant 16 : i32
      %mul3A_344 = arith.muli %add3A_342, %mul3A_343 : i32
      %swap3A_345 = arith.index_cast %mul3A_344 : i32 to index
      %swap3A_346 = tpu.vector_load %arg7[%swap3A_345] {strides = array<i32>} : memref<10240xf32, #tpu.memory_space<vmem>>, vector<16xf32>,
      tpu.vector_store %arg7[%swap3A_345], %broadcast_in_dim3A_13 {strides = array<i32>} : memref<10240xf32, #tpu.memory_space<vmem>>, vector<16xf32>,
    }
    %scan3A_151 = arith.constant 80 : i32
    %convert_element_type3A_152 = arith.extui %lt3A_1 : i1 to i32
    %cond3A_153 = arith.constant 0 : i32
    %cond3A_154 = arith.cmpi ne, %convert_element_type3A_152, %cond3A_153 : i32
    scf.if %cond3A_154 {
      %add3A_283 = arith.constant 320000 : i32
      %add3A_284 = arith.addi %add3A_283, %mul3A_7 : i32
      %dma_start3A_285 = tpu.memref_slice %arg3[%add3A_284] : memref<640000xi32, #tpu.memory_space<hbm>> -> memref<10112xi32, #tpu.memory_space<hbm>>
      %dma_start3A_286 = tpu.memref_slice %arg3[%add3A_284] : memref<640000xi32, #tpu.memory_space<hbm>> -> memref<10112xi32, #tpu.memory_space<hbm>>
      tpu.enqueue_dma source(%dma_start3A_286 : memref<10112xi32, #tpu.memory_space<hbm>>) target(%arg8 : memref<10112xi32, #tpu.memory_space<vmem>>) target_semaphore(%arg10 : memref<!tpu.dma_semaphore, #tpu.memory_space<semaphore_mem>>)
    } else {
    }
    %not3A_155 = arith.constant true
    %not3A_156 = arith.xori %lt3A_1, %not3A_155 : i1
    %convert_element_type3A_157 = arith.extui %not3A_156 : i1 to i32
    %cond3A_158 = arith.constant 0 : i32
    %cond3A_159 = arith.cmpi ne, %convert_element_type3A_157, %cond3A_158 : i32
    scf.if %cond3A_159 {
      %add3A_283 = arith.constant 320000 : i32
      %add3A_284 = arith.addi %add3A_283, %mul3A_7 : i32
      %dma_start3A_285 = arith.constant 0 : i32
      %dma_start3A_286 = tpu.memref_slice %arg8[%dma_start3A_285] : memref<10112xi32, #tpu.memory_space<vmem>> -> memref<9984xi32, #tpu.memory_space<vmem>>
      %dma_start3A_287 = tpu.memref_slice %arg3[%add3A_284] : memref<640000xi32, #tpu.memory_space<hbm>> -> memref<9984xi32, #tpu.memory_space<hbm>>
      %dma_start3A_288 = arith.constant 0 : i32
      %dma_start3A_289 = tpu.memref_slice %arg8[%dma_start3A_288] : memref<10112xi32, #tpu.memory_space<vmem>> -> memref<9984xi32, #tpu.memory_space<vmem>>
      %dma_start3A_290 = tpu.memref_slice %arg3[%add3A_284] : memref<640000xi32, #tpu.memory_space<hbm>> -> memref<9984xi32, #tpu.memory_space<hbm>>
      tpu.enqueue_dma source(%dma_start3A_290 : memref<9984xi32, #tpu.memory_space<hbm>>) target(%dma_start3A_289 : memref<9984xi32, #tpu.memory_space<vmem>>) target_semaphore(%arg10 : memref<!tpu.dma_semaphore, #tpu.memory_space<semaphore_mem>>)
    } else {
    }
    %convert_element_type3A_160 = arith.extui %lt3A_1 : i1 to i32
    %cond3A_161 = arith.constant 0 : i32
    %cond3A_162 = arith.cmpi ne, %convert_element_type3A_160, %cond3A_161 : i32
    scf.if %cond3A_162 {
      %dma_wait3A_283 = arith.constant 0 : i32
      %dma_wait3A_284 = tpu.memref_slice %arg2[%dma_wait3A_283] : memref<640000xi32, #tpu.memory_space<hbm>> -> memref<10112xi32, #tpu.memory_space<hbm>>
      %dma_wait3A_285 = arith.constant 0 : i32
      %dma_wait3A_286 = tpu.memref_slice %arg2[%dma_wait3A_285] : memref<640000xi32, #tpu.memory_space<hbm>> -> memref<10112xi32, #tpu.memory_space<hbm>>
      tpu.wait_dma2 semaphore(%arg10 : memref<!tpu.dma_semaphore, #tpu.memory_space<semaphore_mem>>) src(%dma_wait3A_286 : memref<10112xi32, #tpu.memory_space<hbm>>) dst(%arg9 : memref<10112xi32, #tpu.memory_space<vmem>>)
    } else {
    }
    %not3A_163 = arith.constant true
    %not3A_164 = arith.xori %lt3A_1, %not3A_163 : i1
    %convert_element_type3A_165 = arith.extui %not3A_164 : i1 to i32
    %cond3A_166 = arith.constant 0 : i32
    %cond3A_167 = arith.cmpi ne, %convert_element_type3A_165, %cond3A_166 : i32
    scf.if %cond3A_167 {
      %dma_wait3A_283 = arith.constant 0 : i32
      %dma_wait3A_284 = tpu.memref_slice %arg9[%dma_wait3A_283] : memref<10112xi32, #tpu.memory_space<vmem>> -> memref<9984xi32, #tpu.memory_space<vmem>>
      %dma_wait3A_285 = arith.constant 0 : i32
      %dma_wait3A_286 = tpu.memref_slice %arg2[%dma_wait3A_285] : memref<640000xi32, #tpu.memory_space<hbm>> -> memref<9984xi32, #tpu.memory_space<hbm>>
      %dma_wait3A_287 = arith.constant 0 : i32
      %dma_wait3A_288 = tpu.memref_slice %arg9[%dma_wait3A_287] : memref<10112xi32, #tpu.memory_space<vmem>> -> memref<9984xi32, #tpu.memory_space<vmem>>
      %dma_wait3A_289 = arith.constant 0 : i32
      %dma_wait3A_290 = tpu.memref_slice %arg2[%dma_wait3A_289] : memref<640000xi32, #tpu.memory_space<hbm>> -> memref<9984xi32, #tpu.memory_space<hbm>>
      tpu.wait_dma2 semaphore(%arg10 : memref<!tpu.dma_semaphore, #tpu.memory_space<semaphore_mem>>) src(%dma_wait3A_290 : memref<9984xi32, #tpu.memory_space<hbm>>) dst(%dma_wait3A_288 : memref<9984xi32, #tpu.memory_space<vmem>>)
    } else {
    }
    %while3A_168 = arith.constant 0 : i32
    %while3A_169 = arith.constant 0 : i32
    %while3A_170 = arith.subi %add3A_10, %while3A_169 : i32
    %while3A_171 = arith.addi %while3A_169, %while3A_170 : i32
    %while3A_172 = arith.constant 1 : i32
    %while3A_173 = arith.divsi %while3A_170, %while3A_172 : i32
    %while3A_174 = arith.muli %while3A_173, %while3A_172 : i32
    %while3A_175 = arith.addi %while3A_169, %while3A_174 : i32
    %while3A_176 = arith.constant 1 : i32
    scf.for %while3A_283 = %while3A_169 to %while3A_175 step %while3A_176  : i32 {
      %mul3A_284 = arith.constant 8 : i32
      %mul3A_285 = arith.muli %while3A_283, %mul3A_284 : i32
      %add3A_286 = arith.constant 0 : i32
      %add3A_287 = arith.addi %mul3A_285, %add3A_286 : i32
      %mul3A_288 = arith.constant 16 : i32
      %mul3A_289 = arith.muli %add3A_287, %mul3A_288 : i32
      %get3A = arith.index_cast %mul3A_289 : i32 to index
      %get3A_290 = tpu.vector_load %arg9[%get3A] {strides = array<i32>} : memref<10112xi32, #tpu.memory_space<vmem>>, vector<16xi32>,
      tpu.vector_store_idx %arg7[%get3A_290], %broadcast_in_dim3A_11 {add = true} : memref<10240xf32, #tpu.memory_space<vmem>>[vector<16xi32>], vector<16xf32>,
      %mul3A_291 = arith.constant 8 : i32
      %mul3A_292 = arith.muli %while3A_283, %mul3A_291 : i32
      %add3A_293 = arith.constant 1 : i32
      %add3A_294 = arith.addi %mul3A_292, %add3A_293 : i32
      %mul3A_295 = arith.constant 16 : i32
      %mul3A_296 = arith.muli %add3A_294, %mul3A_295 : i32
      %get3A_297 = arith.index_cast %mul3A_296 : i32 to index
      %get3A_298 = tpu.vector_load %arg9[%get3A_297] {strides = array<i32>} : memref<10112xi32, #tpu.memory_space<vmem>>, vector<16xi32>,
      tpu.vector_store_idx %arg7[%get3A_298], %broadcast_in_dim3A_11 {add = true} : memref<10240xf32, #tpu.memory_space<vmem>>[vector<16xi32>], vector<16xf32>,
      %mul3A_299 = arith.constant 8 : i32
      %mul3A_300 = arith.muli %while3A_283, %mul3A_299 : i32
      %add3A_301 = arith.constant 2 : i32
      %add3A_302 = arith.addi %mul3A_300, %add3A_301 : i32
      %mul3A_303 = arith.constant 16 : i32
      %mul3A_304 = arith.muli %add3A_302, %mul3A_303 : i32
      %get3A_305 = arith.index_cast %mul3A_304 : i32 to index
      %get3A_306 = tpu.vector_load %arg9[%get3A_305] {strides = array<i32>} : memref<10112xi32, #tpu.memory_space<vmem>>, vector<16xi32>,
      tpu.vector_store_idx %arg7[%get3A_306], %broadcast_in_dim3A_11 {add = true} : memref<10240xf32, #tpu.memory_space<vmem>>[vector<16xi32>], vector<16xf32>,
      %mul3A_307 = arith.constant 8 : i32
      %mul3A_308 = arith.muli %while3A_283, %mul3A_307 : i32
      %add3A_309 = arith.constant 3 : i32
      %add3A_310 = arith.addi %mul3A_308, %add3A_309 : i32
      %mul3A_311 = arith.constant 16 : i32
      %mul3A_312 = arith.muli %add3A_310, %mul3A_311 : i32
      %get3A_313 = arith.index_cast %mul3A_312 : i32 to index
      %get3A_314 = tpu.vector_load %arg9[%get3A_313] {strides = array<i32>} : memref<10112xi32, #tpu.memory_space<vmem>>, vector<16xi32>,
      tpu.vector_store_idx %arg7[%get3A_314], %broadcast_in_dim3A_11 {add = true} : memref<10240xf32, #tpu.memory_space<vmem>>[vector<16xi32>], vector<16xf32>,
      %mul3A_315 = arith.constant 8 : i32
      %mul3A_316 = arith.muli %while3A_283, %mul3A_315 : i32
      %add3A_317 = arith.constant 4 : i32
      %add3A_318 = arith.addi %mul3A_316, %add3A_317 : i32
      %mul3A_319 = arith.constant 16 : i32
      %mul3A_320 = arith.muli %add3A_318, %mul3A_319 : i32
      %get3A_321 = arith.index_cast %mul3A_320 : i32 to index
      %get3A_322 = tpu.vector_load %arg9[%get3A_321] {strides = array<i32>} : memref<10112xi32, #tpu.memory_space<vmem>>, vector<16xi32>,
      tpu.vector_store_idx %arg7[%get3A_322], %broadcast_in_dim3A_11 {add = true} : memref<10240xf32, #tpu.memory_space<vmem>>[vector<16xi32>], vector<16xf32>,
      %mul3A_323 = arith.constant 8 : i32
      %mul3A_324 = arith.muli %while3A_283, %mul3A_323 : i32
      %add3A_325 = arith.constant 5 : i32
      %add3A_326 = arith.addi %mul3A_324, %add3A_325 : i32
      %mul3A_327 = arith.constant 16 : i32
      %mul3A_328 = arith.muli %add3A_326, %mul3A_327 : i32
      %get3A_329 = arith.index_cast %mul3A_328 : i32 to index
      %get3A_330 = tpu.vector_load %arg9[%get3A_329] {strides = array<i32>} : memref<10112xi32, #tpu.memory_space<vmem>>, vector<16xi32>,
      tpu.vector_store_idx %arg7[%get3A_330], %broadcast_in_dim3A_11 {add = true} : memref<10240xf32, #tpu.memory_space<vmem>>[vector<16xi32>], vector<16xf32>,
      %mul3A_331 = arith.constant 8 : i32
      %mul3A_332 = arith.muli %while3A_283, %mul3A_331 : i32
      %add3A_333 = arith.constant 6 : i32
      %add3A_334 = arith.addi %mul3A_332, %add3A_333 : i32
      %mul3A_335 = arith.constant 16 : i32
      %mul3A_336 = arith.muli %add3A_334, %mul3A_335 : i32
      %get3A_337 = arith.index_cast %mul3A_336 : i32 to index
      %get3A_338 = tpu.vector_load %arg9[%get3A_337] {strides = array<i32>} : memref<10112xi32, #tpu.memory_space<vmem>>, vector<16xi32>,
      tpu.vector_store_idx %arg7[%get3A_338], %broadcast_in_dim3A_11 {add = true} : memref<10240xf32, #tpu.memory_space<vmem>>[vector<16xi32>], vector<16xf32>,
      %mul3A_339 = arith.constant 8 : i32
      %mul3A_340 = arith.muli %while3A_283, %mul3A_339 : i32
      %add3A_341 = arith.constant 7 : i32
      %add3A_342 = arith.addi %mul3A_340, %add3A_341 : i32
      %mul3A_343 = arith.constant 16 : i32
      %mul3A_344 = arith.muli %add3A_342, %mul3A_343 : i32
      %get3A_345 = arith.index_cast %mul3A_344 : i32 to index
      %get3A_346 = tpu.vector_load %arg9[%get3A_345] {strides = array<i32>} : memref<10112xi32, #tpu.memory_space<vmem>>, vector<16xi32>,
      tpu.vector_store_idx %arg7[%get3A_346], %broadcast_in_dim3A_11 {add = true} : memref<10240xf32, #tpu.memory_space<vmem>>[vector<16xi32>], vector<16xf32>,
    }
    %while3A_177 = arith.constant 1 : i32
    scf.for %while3A_283 = %while3A_175 to %while3A_171 step %while3A_177  : i32 {
      %mul3A_284 = arith.constant 8 : i32
      %mul3A_285 = arith.muli %while3A_283, %mul3A_284 : i32
      %add3A_286 = arith.constant 0 : i32
      %add3A_287 = arith.addi %mul3A_285, %add3A_286 : i32
      %mul3A_288 = arith.constant 16 : i32
      %mul3A_289 = arith.muli %add3A_287, %mul3A_288 : i32
      %get3A = arith.index_cast %mul3A_289 : i32 to index
      %get3A_290 = tpu.vector_load %arg9[%get3A] {strides = array<i32>} : memref<10112xi32, #tpu.memory_space<vmem>>, vector<16xi32>,
      tpu.vector_store_idx %arg7[%get3A_290], %broadcast_in_dim3A_11 {add = true} : memref<10240xf32, #tpu.memory_space<vmem>>[vector<16xi32>], vector<16xf32>,
      %mul3A_291 = arith.constant 8 : i32
      %mul3A_292 = arith.muli %while3A_283, %mul3A_291 : i32
      %add3A_293 = arith.constant 1 : i32
      %add3A_294 = arith.addi %mul3A_292, %add3A_293 : i32
      %mul3A_295 = arith.constant 16 : i32
      %mul3A_296 = arith.muli %add3A_294, %mul3A_295 : i32
      %get3A_297 = arith.index_cast %mul3A_296 : i32 to index
      %get3A_298 = tpu.vector_load %arg9[%get3A_297] {strides = array<i32>} : memref<10112xi32, #tpu.memory_space<vmem>>, vector<16xi32>,
      tpu.vector_store_idx %arg7[%get3A_298], %broadcast_in_dim3A_11 {add = true} : memref<10240xf32, #tpu.memory_space<vmem>>[vector<16xi32>], vector<16xf32>,
      %mul3A_299 = arith.constant 8 : i32
      %mul3A_300 = arith.muli %while3A_283, %mul3A_299 : i32
      %add3A_301 = arith.constant 2 : i32
      %add3A_302 = arith.addi %mul3A_300, %add3A_301 : i32
      %mul3A_303 = arith.constant 16 : i32
      %mul3A_304 = arith.muli %add3A_302, %mul3A_303 : i32
      %get3A_305 = arith.index_cast %mul3A_304 : i32 to index
      %get3A_306 = tpu.vector_load %arg9[%get3A_305] {strides = array<i32>} : memref<10112xi32, #tpu.memory_space<vmem>>, vector<16xi32>,
      tpu.vector_store_idx %arg7[%get3A_306], %broadcast_in_dim3A_11 {add = true} : memref<10240xf32, #tpu.memory_space<vmem>>[vector<16xi32>], vector<16xf32>,
      %mul3A_307 = arith.constant 8 : i32
      %mul3A_308 = arith.muli %while3A_283, %mul3A_307 : i32
      %add3A_309 = arith.constant 3 : i32
      %add3A_310 = arith.addi %mul3A_308, %add3A_309 : i32
      %mul3A_311 = arith.constant 16 : i32
      %mul3A_312 = arith.muli %add3A_310, %mul3A_311 : i32
      %get3A_313 = arith.index_cast %mul3A_312 : i32 to index
      %get3A_314 = tpu.vector_load %arg9[%get3A_313] {strides = array<i32>} : memref<10112xi32, #tpu.memory_space<vmem>>, vector<16xi32>,
      tpu.vector_store_idx %arg7[%get3A_314], %broadcast_in_dim3A_11 {add = true} : memref<10240xf32, #tpu.memory_space<vmem>>[vector<16xi32>], vector<16xf32>,
      %mul3A_315 = arith.constant 8 : i32
      %mul3A_316 = arith.muli %while3A_283, %mul3A_315 : i32
      %add3A_317 = arith.constant 4 : i32
      %add3A_318 = arith.addi %mul3A_316, %add3A_317 : i32
      %mul3A_319 = arith.constant 16 : i32
      %mul3A_320 = arith.muli %add3A_318, %mul3A_319 : i32
      %get3A_321 = arith.index_cast %mul3A_320 : i32 to index
      %get3A_322 = tpu.vector_load %arg9[%get3A_321] {strides = array<i32>} : memref<10112xi32, #tpu.memory_space<vmem>>, vector<16xi32>,
      tpu.vector_store_idx %arg7[%get3A_322], %broadcast_in_dim3A_11 {add = true} : memref<10240xf32, #tpu.memory_space<vmem>>[vector<16xi32>], vector<16xf32>,
      %mul3A_323 = arith.constant 8 : i32
      %mul3A_324 = arith.muli %while3A_283, %mul3A_323 : i32
      %add3A_325 = arith.constant 5 : i32
      %add3A_326 = arith.addi %mul3A_324, %add3A_325 : i32
      %mul3A_327 = arith.constant 16 : i32
      %mul3A_328 = arith.muli %add3A_326, %mul3A_327 : i32
      %get3A_329 = arith.index_cast %mul3A_328 : i32 to index
      %get3A_330 = tpu.vector_load %arg9[%get3A_329] {strides = array<i32>} : memref<10112xi32, #tpu.memory_space<vmem>>, vector<16xi32>,
      tpu.vector_store_idx %arg7[%get3A_330], %broadcast_in_dim3A_11 {add = true} : memref<10240xf32, #tpu.memory_space<vmem>>[vector<16xi32>], vector<16xf32>,
      %mul3A_331 = arith.constant 8 : i32
      %mul3A_332 = arith.muli %while3A_283, %mul3A_331 : i32
      %add3A_333 = arith.constant 6 : i32
      %add3A_334 = arith.addi %mul3A_332, %add3A_333 : i32
      %mul3A_335 = arith.constant 16 : i32
      %mul3A_336 = arith.muli %add3A_334, %mul3A_335 : i32
      %get3A_337 = arith.index_cast %mul3A_336 : i32 to index
      %get3A_338 = tpu.vector_load %arg9[%get3A_337] {strides = array<i32>} : memref<10112xi32, #tpu.memory_space<vmem>>, vector<16xi32>,
      tpu.vector_store_idx %arg7[%get3A_338], %broadcast_in_dim3A_11 {add = true} : memref<10240xf32, #tpu.memory_space<vmem>>[vector<16xi32>], vector<16xf32>,
      %mul3A_339 = arith.constant 8 : i32
      %mul3A_340 = arith.muli %while3A_283, %mul3A_339 : i32
      %add3A_341 = arith.constant 7 : i32
      %add3A_342 = arith.addi %mul3A_340, %add3A_341 : i32
      %mul3A_343 = arith.constant 16 : i32
      %mul3A_344 = arith.muli %add3A_342, %mul3A_343 : i32
      %get3A_345 = arith.index_cast %mul3A_344 : i32 to index
      %get3A_346 = tpu.vector_load %arg9[%get3A_345] {strides = array<i32>} : memref<10112xi32, #tpu.memory_space<vmem>>, vector<16xi32>,
      tpu.vector_store_idx %arg7[%get3A_346], %broadcast_in_dim3A_11 {add = true} : memref<10240xf32, #tpu.memory_space<vmem>>[vector<16xi32>], vector<16xf32>,
    }
    %dma_start3A_178 = arith.constant 3 : i32
    %dma_start3A_179 = arith.constant 0 : i32
    %dma_start3A_180 = tpu.memref_slice %arg5[%dma_start3A_178, %add3A, %dma_start3A_179] : memref<6x32x10240xf32, #tpu.memory_space<hbm>> -> memref<1x1x10240xf32, #tpu.memory_space<hbm>>
    %dma_start3A_181 = tpu.memref_squeeze %dma_start3A_180 : memref<1x1x10240xf32, #tpu.memory_space<hbm>> -> memref<10240xf32, #tpu.memory_space<hbm>>
    %dma_start3A_182 = arith.constant 0 : i32
    %dma_start3A_183 = tpu.memref_slice %arg5[%dma_start3A_178, %add3A, %dma_start3A_182] : memref<6x32x10240xf32, #tpu.memory_space<hbm>> -> memref<1x1x10240xf32, #tpu.memory_space<hbm>>
    %dma_start3A_184 = tpu.memref_squeeze %dma_start3A_183 : memref<1x1x10240xf32, #tpu.memory_space<hbm>> -> memref<10240xf32, #tpu.memory_space<hbm>>
    tpu.enqueue_dma source(%arg7 : memref<10240xf32, #tpu.memory_space<vmem>>) target(%dma_start3A_184 : memref<10240xf32, #tpu.memory_space<hbm>>) target_semaphore(%arg11 : memref<!tpu.dma_semaphore, #tpu.memory_space<semaphore_mem>>)
    %dma_wait3A_185 = arith.constant 2 : i32
    %dma_wait3A_186 = arith.constant 0 : i32
    %dma_wait3A_187 = tpu.memref_slice %arg5[%dma_wait3A_185, %add3A, %dma_wait3A_186] : memref<6x32x10240xf32, #tpu.memory_space<hbm>> -> memref<1x1x10240xf32, #tpu.memory_space<hbm>>
    %dma_wait3A_188 = tpu.memref_squeeze %dma_wait3A_187 : memref<1x1x10240xf32, #tpu.memory_space<hbm>> -> memref<10240xf32, #tpu.memory_space<hbm>>
    %dma_wait3A_189 = arith.constant 0 : i32
    %dma_wait3A_190 = tpu.memref_slice %arg5[%dma_wait3A_185, %add3A, %dma_wait3A_189] : memref<6x32x10240xf32, #tpu.memory_space<hbm>> -> memref<1x1x10240xf32, #tpu.memory_space<hbm>>
    %dma_wait3A_191 = tpu.memref_squeeze %dma_wait3A_190 : memref<1x1x10240xf32, #tpu.memory_space<hbm>> -> memref<10240xf32, #tpu.memory_space<hbm>>
    tpu.wait_dma2 semaphore(%arg11 : memref<!tpu.dma_semaphore, #tpu.memory_space<semaphore_mem>>) src(%arg6 : memref<10240xf32, #tpu.memory_space<vmem>>) dst(%dma_wait3A_191 : memref<10240xf32, #tpu.memory_space<hbm>>)
    %scan3A_192 = arith.constant 0 : i32
    %scan3A_193 = arith.constant 0 : i32
    %scan3A_194 = arith.constant 80 : i32
    %scan3A_195 = arith.addi %scan3A_193, %scan3A_194 : i32
    %scan3A_196 = arith.constant 1 : i32
    scf.for %scan3A_283 = %scan3A_193 to %scan3A_195 step %scan3A_196  : i32 {
      %mul3A_284 = arith.constant 8 : i32
      %mul3A_285 = arith.muli %scan3A_283, %mul3A_284 : i32
      %add3A_286 = arith.constant 0 : i32
      %add3A_287 = arith.addi %mul3A_285, %add3A_286 : i32
      %mul3A_288 = arith.constant 16 : i32
      %mul3A_289 = arith.muli %add3A_287, %mul3A_288 : i32
      %swap3A = arith.index_cast %mul3A_289 : i32 to index
      %swap3A_290 = tpu.vector_load %arg6[%swap3A] {strides = array<i32>} : memref<10240xf32, #tpu.memory_space<vmem>>, vector<16xf32>,
      tpu.vector_store %arg6[%swap3A], %broadcast_in_dim3A_13 {strides = array<i32>} : memref<10240xf32, #tpu.memory_space<vmem>>, vector<16xf32>,
      %mul3A_291 = arith.constant 8 : i32
      %mul3A_292 = arith.muli %scan3A_283, %mul3A_291 : i32
      %add3A_293 = arith.constant 1 : i32
      %add3A_294 = arith.addi %mul3A_292, %add3A_293 : i32
      %mul3A_295 = arith.constant 16 : i32
      %mul3A_296 = arith.muli %add3A_294, %mul3A_295 : i32
      %swap3A_297 = arith.index_cast %mul3A_296 : i32 to index
      %swap3A_298 = tpu.vector_load %arg6[%swap3A_297] {strides = array<i32>} : memref<10240xf32, #tpu.memory_space<vmem>>, vector<16xf32>,
      tpu.vector_store %arg6[%swap3A_297], %broadcast_in_dim3A_13 {strides = array<i32>} : memref<10240xf32, #tpu.memory_space<vmem>>, vector<16xf32>,
      %mul3A_299 = arith.constant 8 : i32
      %mul3A_300 = arith.muli %scan3A_283, %mul3A_299 : i32
      %add3A_301 = arith.constant 2 : i32
      %add3A_302 = arith.addi %mul3A_300, %add3A_301 : i32
      %mul3A_303 = arith.constant 16 : i32
      %mul3A_304 = arith.muli %add3A_302, %mul3A_303 : i32
      %swap3A_305 = arith.index_cast %mul3A_304 : i32 to index
      %swap3A_306 = tpu.vector_load %arg6[%swap3A_305] {strides = array<i32>} : memref<10240xf32, #tpu.memory_space<vmem>>, vector<16xf32>,
      tpu.vector_store %arg6[%swap3A_305], %broadcast_in_dim3A_13 {strides = array<i32>} : memref<10240xf32, #tpu.memory_space<vmem>>, vector<16xf32>,
      %mul3A_307 = arith.constant 8 : i32
      %mul3A_308 = arith.muli %scan3A_283, %mul3A_307 : i32
      %add3A_309 = arith.constant 3 : i32
      %add3A_310 = arith.addi %mul3A_308, %add3A_309 : i32
      %mul3A_311 = arith.constant 16 : i32
      %mul3A_312 = arith.muli %add3A_310, %mul3A_311 : i32
      %swap3A_313 = arith.index_cast %mul3A_312 : i32 to index
      %swap3A_314 = tpu.vector_load %arg6[%swap3A_313] {strides = array<i32>} : memref<10240xf32, #tpu.memory_space<vmem>>, vector<16xf32>,
      tpu.vector_store %arg6[%swap3A_313], %broadcast_in_dim3A_13 {strides = array<i32>} : memref<10240xf32, #tpu.memory_space<vmem>>, vector<16xf32>,
      %mul3A_315 = arith.constant 8 : i32
      %mul3A_316 = arith.muli %scan3A_283, %mul3A_315 : i32
      %add3A_317 = arith.constant 4 : i32
      %add3A_318 = arith.addi %mul3A_316, %add3A_317 : i32
      %mul3A_319 = arith.constant 16 : i32
      %mul3A_320 = arith.muli %add3A_318, %mul3A_319 : i32
      %swap3A_321 = arith.index_cast %mul3A_320 : i32 to index
      %swap3A_322 = tpu.vector_load %arg6[%swap3A_321] {strides = array<i32>} : memref<10240xf32, #tpu.memory_space<vmem>>, vector<16xf32>,
      tpu.vector_store %arg6[%swap3A_321], %broadcast_in_dim3A_13 {strides = array<i32>} : memref<10240xf32, #tpu.memory_space<vmem>>, vector<16xf32>,
      %mul3A_323 = arith.constant 8 : i32
      %mul3A_324 = arith.muli %scan3A_283, %mul3A_323 : i32
      %add3A_325 = arith.constant 5 : i32
      %add3A_326 = arith.addi %mul3A_324, %add3A_325 : i32
      %mul3A_327 = arith.constant 16 : i32
      %mul3A_328 = arith.muli %add3A_326, %mul3A_327 : i32
      %swap3A_329 = arith.index_cast %mul3A_328 : i32 to index
      %swap3A_330 = tpu.vector_load %arg6[%swap3A_329] {strides = array<i32>} : memref<10240xf32, #tpu.memory_space<vmem>>, vector<16xf32>,
      tpu.vector_store %arg6[%swap3A_329], %broadcast_in_dim3A_13 {strides = array<i32>} : memref<10240xf32, #tpu.memory_space<vmem>>, vector<16xf32>,
      %mul3A_331 = arith.constant 8 : i32
      %mul3A_332 = arith.muli %scan3A_283, %mul3A_331 : i32
      %add3A_333 = arith.constant 6 : i32
      %add3A_334 = arith.addi %mul3A_332, %add3A_333 : i32
      %mul3A_335 = arith.constant 16 : i32
      %mul3A_336 = arith.muli %add3A_334, %mul3A_335 : i32
      %swap3A_337 = arith.index_cast %mul3A_336 : i32 to index
      %swap3A_338 = tpu.vector_load %arg6[%swap3A_337] {strides = array<i32>} : memref<10240xf32, #tpu.memory_space<vmem>>, vector<16xf32>,
      tpu.vector_store %arg6[%swap3A_337], %broadcast_in_dim3A_13 {strides = array<i32>} : memref<10240xf32, #tpu.memory_space<vmem>>, vector<16xf32>,
      %mul3A_339 = arith.constant 8 : i32
      %mul3A_340 = arith.muli %scan3A_283, %mul3A_339 : i32
      %add3A_341 = arith.constant 7 : i32
      %add3A_342 = arith.addi %mul3A_340, %add3A_341 : i32
      %mul3A_343 = arith.constant 16 : i32
      %mul3A_344 = arith.muli %add3A_342, %mul3A_343 : i32
      %swap3A_345 = arith.index_cast %mul3A_344 : i32 to index
      %swap3A_346 = tpu.vector_load %arg6[%swap3A_345] {strides = array<i32>} : memref<10240xf32, #tpu.memory_space<vmem>>, vector<16xf32>,
      tpu.vector_store %arg6[%swap3A_345], %broadcast_in_dim3A_13 {strides = array<i32>} : memref<10240xf32, #tpu.memory_space<vmem>>, vector<16xf32>,
    }
    %scan3A_197 = arith.constant 80 : i32
    %convert_element_type3A_198 = arith.extui %lt3A_1 : i1 to i32
    %cond3A_199 = arith.constant 0 : i32
    %cond3A_200 = arith.cmpi ne, %convert_element_type3A_198, %cond3A_199 : i32
    scf.if %cond3A_200 {
      %add3A_283 = arith.constant 320000 : i32
      %add3A_284 = arith.addi %add3A_283, %mul3A_7 : i32
      %dma_start3A_285 = tpu.memref_slice %arg4[%add3A_284] : memref<640000xi32, #tpu.memory_space<hbm>> -> memref<10112xi32, #tpu.memory_space<hbm>>
      %dma_start3A_286 = tpu.memref_slice %arg4[%add3A_284] : memref<640000xi32, #tpu.memory_space<hbm>> -> memref<10112xi32, #tpu.memory_space<hbm>>
      tpu.enqueue_dma source(%dma_start3A_286 : memref<10112xi32, #tpu.memory_space<hbm>>) target(%arg9 : memref<10112xi32, #tpu.memory_space<vmem>>) target_semaphore(%arg10 : memref<!tpu.dma_semaphore, #tpu.memory_space<semaphore_mem>>)
    } else {
    }
    %not3A_201 = arith.constant true
    %not3A_202 = arith.xori %lt3A_1, %not3A_201 : i1
    %convert_element_type3A_203 = arith.extui %not3A_202 : i1 to i32
    %cond3A_204 = arith.constant 0 : i32
    %cond3A_205 = arith.cmpi ne, %convert_element_type3A_203, %cond3A_204 : i32
    scf.if %cond3A_205 {
      %add3A_283 = arith.constant 320000 : i32
      %add3A_284 = arith.addi %add3A_283, %mul3A_7 : i32
      %dma_start3A_285 = arith.constant 0 : i32
      %dma_start3A_286 = tpu.memref_slice %arg9[%dma_start3A_285] : memref<10112xi32, #tpu.memory_space<vmem>> -> memref<9984xi32, #tpu.memory_space<vmem>>
      %dma_start3A_287 = tpu.memref_slice %arg4[%add3A_284] : memref<640000xi32, #tpu.memory_space<hbm>> -> memref<9984xi32, #tpu.memory_space<hbm>>
      %dma_start3A_288 = arith.constant 0 : i32
      %dma_start3A_289 = tpu.memref_slice %arg9[%dma_start3A_288] : memref<10112xi32, #tpu.memory_space<vmem>> -> memref<9984xi32, #tpu.memory_space<vmem>>
      %dma_start3A_290 = tpu.memref_slice %arg4[%add3A_284] : memref<640000xi32, #tpu.memory_space<hbm>> -> memref<9984xi32, #tpu.memory_space<hbm>>
      tpu.enqueue_dma source(%dma_start3A_290 : memref<9984xi32, #tpu.memory_space<hbm>>) target(%dma_start3A_289 : memref<9984xi32, #tpu.memory_space<vmem>>) target_semaphore(%arg10 : memref<!tpu.dma_semaphore, #tpu.memory_space<semaphore_mem>>)
    } else {
    }
    %convert_element_type3A_206 = arith.extui %lt3A_1 : i1 to i32
    %cond3A_207 = arith.constant 0 : i32
    %cond3A_208 = arith.cmpi ne, %convert_element_type3A_206, %cond3A_207 : i32
    scf.if %cond3A_208 {
      %dma_wait3A_283 = arith.constant 0 : i32
      %dma_wait3A_284 = tpu.memref_slice %arg2[%dma_wait3A_283] : memref<640000xi32, #tpu.memory_space<hbm>> -> memref<10112xi32, #tpu.memory_space<hbm>>
      %dma_wait3A_285 = arith.constant 0 : i32
      %dma_wait3A_286 = tpu.memref_slice %arg2[%dma_wait3A_285] : memref<640000xi32, #tpu.memory_space<hbm>> -> memref<10112xi32, #tpu.memory_space<hbm>>
      tpu.wait_dma2 semaphore(%arg10 : memref<!tpu.dma_semaphore, #tpu.memory_space<semaphore_mem>>) src(%dma_wait3A_286 : memref<10112xi32, #tpu.memory_space<hbm>>) dst(%arg8 : memref<10112xi32, #tpu.memory_space<vmem>>)
    } else {
    }
    %not3A_209 = arith.constant true
    %not3A_210 = arith.xori %lt3A_1, %not3A_209 : i1
    %convert_element_type3A_211 = arith.extui %not3A_210 : i1 to i32
    %cond3A_212 = arith.constant 0 : i32
    %cond3A_213 = arith.cmpi ne, %convert_element_type3A_211, %cond3A_212 : i32
    scf.if %cond3A_213 {
      %dma_wait3A_283 = arith.constant 0 : i32
      %dma_wait3A_284 = tpu.memref_slice %arg8[%dma_wait3A_283] : memref<10112xi32, #tpu.memory_space<vmem>> -> memref<9984xi32, #tpu.memory_space<vmem>>
      %dma_wait3A_285 = arith.constant 0 : i32
      %dma_wait3A_286 = tpu.memref_slice %arg2[%dma_wait3A_285] : memref<640000xi32, #tpu.memory_space<hbm>> -> memref<9984xi32, #tpu.memory_space<hbm>>
      %dma_wait3A_287 = arith.constant 0 : i32
      %dma_wait3A_288 = tpu.memref_slice %arg8[%dma_wait3A_287] : memref<10112xi32, #tpu.memory_space<vmem>> -> memref<9984xi32, #tpu.memory_space<vmem>>
      %dma_wait3A_289 = arith.constant 0 : i32
      %dma_wait3A_290 = tpu.memref_slice %arg2[%dma_wait3A_289] : memref<640000xi32, #tpu.memory_space<hbm>> -> memref<9984xi32, #tpu.memory_space<hbm>>
      tpu.wait_dma2 semaphore(%arg10 : memref<!tpu.dma_semaphore, #tpu.memory_space<semaphore_mem>>) src(%dma_wait3A_290 : memref<9984xi32, #tpu.memory_space<hbm>>) dst(%dma_wait3A_288 : memref<9984xi32, #tpu.memory_space<vmem>>)
    } else {
    }
    %while3A_214 = arith.constant 0 : i32
    %while3A_215 = arith.constant 0 : i32
    %while3A_216 = arith.subi %add3A_10, %while3A_215 : i32
    %while3A_217 = arith.addi %while3A_215, %while3A_216 : i32
    %while3A_218 = arith.constant 1 : i32
    %while3A_219 = arith.divsi %while3A_216, %while3A_218 : i32
    %while3A_220 = arith.muli %while3A_219, %while3A_218 : i32
    %while3A_221 = arith.addi %while3A_215, %while3A_220 : i32
    %while3A_222 = arith.constant 1 : i32
    scf.for %while3A_283 = %while3A_215 to %while3A_221 step %while3A_222  : i32 {
      %mul3A_284 = arith.constant 8 : i32
      %mul3A_285 = arith.muli %while3A_283, %mul3A_284 : i32
      %add3A_286 = arith.constant 0 : i32
      %add3A_287 = arith.addi %mul3A_285, %add3A_286 : i32
      %mul3A_288 = arith.constant 16 : i32
      %mul3A_289 = arith.muli %add3A_287, %mul3A_288 : i32
      %get3A = arith.index_cast %mul3A_289 : i32 to index
      %get3A_290 = tpu.vector_load %arg8[%get3A] {strides = array<i32>} : memref<10112xi32, #tpu.memory_space<vmem>>, vector<16xi32>,
      tpu.vector_store_idx %arg6[%get3A_290], %broadcast_in_dim3A_11 {add = true} : memref<10240xf32, #tpu.memory_space<vmem>>[vector<16xi32>], vector<16xf32>,
      %mul3A_291 = arith.constant 8 : i32
      %mul3A_292 = arith.muli %while3A_283, %mul3A_291 : i32
      %add3A_293 = arith.constant 1 : i32
      %add3A_294 = arith.addi %mul3A_292, %add3A_293 : i32
      %mul3A_295 = arith.constant 16 : i32
      %mul3A_296 = arith.muli %add3A_294, %mul3A_295 : i32
      %get3A_297 = arith.index_cast %mul3A_296 : i32 to index
      %get3A_298 = tpu.vector_load %arg8[%get3A_297] {strides = array<i32>} : memref<10112xi32, #tpu.memory_space<vmem>>, vector<16xi32>,
      tpu.vector_store_idx %arg6[%get3A_298], %broadcast_in_dim3A_11 {add = true} : memref<10240xf32, #tpu.memory_space<vmem>>[vector<16xi32>], vector<16xf32>,
      %mul3A_299 = arith.constant 8 : i32
      %mul3A_300 = arith.muli %while3A_283, %mul3A_299 : i32
      %add3A_301 = arith.constant 2 : i32
      %add3A_302 = arith.addi %mul3A_300, %add3A_301 : i32
      %mul3A_303 = arith.constant 16 : i32
      %mul3A_304 = arith.muli %add3A_302, %mul3A_303 : i32
      %get3A_305 = arith.index_cast %mul3A_304 : i32 to index
      %get3A_306 = tpu.vector_load %arg8[%get3A_305] {strides = array<i32>} : memref<10112xi32, #tpu.memory_space<vmem>>, vector<16xi32>,
      tpu.vector_store_idx %arg6[%get3A_306], %broadcast_in_dim3A_11 {add = true} : memref<10240xf32, #tpu.memory_space<vmem>>[vector<16xi32>], vector<16xf32>,
      %mul3A_307 = arith.constant 8 : i32
      %mul3A_308 = arith.muli %while3A_283, %mul3A_307 : i32
      %add3A_309 = arith.constant 3 : i32
      %add3A_310 = arith.addi %mul3A_308, %add3A_309 : i32
      %mul3A_311 = arith.constant 16 : i32
      %mul3A_312 = arith.muli %add3A_310, %mul3A_311 : i32
      %get3A_313 = arith.index_cast %mul3A_312 : i32 to index
      %get3A_314 = tpu.vector_load %arg8[%get3A_313] {strides = array<i32>} : memref<10112xi32, #tpu.memory_space<vmem>>, vector<16xi32>,
      tpu.vector_store_idx %arg6[%get3A_314], %broadcast_in_dim3A_11 {add = true} : memref<10240xf32, #tpu.memory_space<vmem>>[vector<16xi32>], vector<16xf32>,
      %mul3A_315 = arith.constant 8 : i32
      %mul3A_316 = arith.muli %while3A_283, %mul3A_315 : i32
      %add3A_317 = arith.constant 4 : i32
      %add3A_318 = arith.addi %mul3A_316, %add3A_317 : i32
      %mul3A_319 = arith.constant 16 : i32
      %mul3A_320 = arith.muli %add3A_318, %mul3A_319 : i32
      %get3A_321 = arith.index_cast %mul3A_320 : i32 to index
      %get3A_322 = tpu.vector_load %arg8[%get3A_321] {strides = array<i32>} : memref<10112xi32, #tpu.memory_space<vmem>>, vector<16xi32>,
      tpu.vector_store_idx %arg6[%get3A_322], %broadcast_in_dim3A_11 {add = true} : memref<10240xf32, #tpu.memory_space<vmem>>[vector<16xi32>], vector<16xf32>,
      %mul3A_323 = arith.constant 8 : i32
      %mul3A_324 = arith.muli %while3A_283, %mul3A_323 : i32
      %add3A_325 = arith.constant 5 : i32
      %add3A_326 = arith.addi %mul3A_324, %add3A_325 : i32
      %mul3A_327 = arith.constant 16 : i32
      %mul3A_328 = arith.muli %add3A_326, %mul3A_327 : i32
      %get3A_329 = arith.index_cast %mul3A_328 : i32 to index
      %get3A_330 = tpu.vector_load %arg8[%get3A_329] {strides = array<i32>} : memref<10112xi32, #tpu.memory_space<vmem>>, vector<16xi32>,
      tpu.vector_store_idx %arg6[%get3A_330], %broadcast_in_dim3A_11 {add = true} : memref<10240xf32, #tpu.memory_space<vmem>>[vector<16xi32>], vector<16xf32>,
      %mul3A_331 = arith.constant 8 : i32
      %mul3A_332 = arith.muli %while3A_283, %mul3A_331 : i32
      %add3A_333 = arith.constant 6 : i32
      %add3A_334 = arith.addi %mul3A_332, %add3A_333 : i32
      %mul3A_335 = arith.constant 16 : i32
      %mul3A_336 = arith.muli %add3A_334, %mul3A_335 : i32
      %get3A_337 = arith.index_cast %mul3A_336 : i32 to index
      %get3A_338 = tpu.vector_load %arg8[%get3A_337] {strides = array<i32>} : memref<10112xi32, #tpu.memory_space<vmem>>, vector<16xi32>,
      tpu.vector_store_idx %arg6[%get3A_338], %broadcast_in_dim3A_11 {add = true} : memref<10240xf32, #tpu.memory_space<vmem>>[vector<16xi32>], vector<16xf32>,
      %mul3A_339 = arith.constant 8 : i32
      %mul3A_340 = arith.muli %while3A_283, %mul3A_339 : i32
      %add3A_341 = arith.constant 7 : i32
      %add3A_342 = arith.addi %mul3A_340, %add3A_341 : i32
      %mul3A_343 = arith.constant 16 : i32
      %mul3A_344 = arith.muli %add3A_342, %mul3A_343 : i32
      %get3A_345 = arith.index_cast %mul3A_344 : i32 to index
      %get3A_346 = tpu.vector_load %arg8[%get3A_345] {strides = array<i32>} : memref<10112xi32, #tpu.memory_space<vmem>>, vector<16xi32>,
      tpu.vector_store_idx %arg6[%get3A_346], %broadcast_in_dim3A_11 {add = true} : memref<10240xf32, #tpu.memory_space<vmem>>[vector<16xi32>], vector<16xf32>,
    }
    %while3A_223 = arith.constant 1 : i32
    scf.for %while3A_283 = %while3A_221 to %while3A_217 step %while3A_223  : i32 {
      %mul3A_284 = arith.constant 8 : i32
      %mul3A_285 = arith.muli %while3A_283, %mul3A_284 : i32
      %add3A_286 = arith.constant 0 : i32
      %add3A_287 = arith.addi %mul3A_285, %add3A_286 : i32
      %mul3A_288 = arith.constant 16 : i32
      %mul3A_289 = arith.muli %add3A_287, %mul3A_288 : i32
      %get3A = arith.index_cast %mul3A_289 : i32 to index
      %get3A_290 = tpu.vector_load %arg8[%get3A] {strides = array<i32>} : memref<10112xi32, #tpu.memory_space<vmem>>, vector<16xi32>,
      tpu.vector_store_idx %arg6[%get3A_290], %broadcast_in_dim3A_11 {add = true} : memref<10240xf32, #tpu.memory_space<vmem>>[vector<16xi32>], vector<16xf32>,
      %mul3A_291 = arith.constant 8 : i32
      %mul3A_292 = arith.muli %while3A_283, %mul3A_291 : i32
      %add3A_293 = arith.constant 1 : i32
      %add3A_294 = arith.addi %mul3A_292, %add3A_293 : i32
      %mul3A_295 = arith.constant 16 : i32
      %mul3A_296 = arith.muli %add3A_294, %mul3A_295 : i32
      %get3A_297 = arith.index_cast %mul3A_296 : i32 to index
      %get3A_298 = tpu.vector_load %arg8[%get3A_297] {strides = array<i32>} : memref<10112xi32, #tpu.memory_space<vmem>>, vector<16xi32>,
      tpu.vector_store_idx %arg6[%get3A_298], %broadcast_in_dim3A_11 {add = true} : memref<10240xf32, #tpu.memory_space<vmem>>[vector<16xi32>], vector<16xf32>,
      %mul3A_299 = arith.constant 8 : i32
      %mul3A_300 = arith.muli %while3A_283, %mul3A_299 : i32
      %add3A_301 = arith.constant 2 : i32
      %add3A_302 = arith.addi %mul3A_300, %add3A_301 : i32
      %mul3A_303 = arith.constant 16 : i32
      %mul3A_304 = arith.muli %add3A_302, %mul3A_303 : i32
      %get3A_305 = arith.index_cast %mul3A_304 : i32 to index
      %get3A_306 = tpu.vector_load %arg8[%get3A_305] {strides = array<i32>} : memref<10112xi32, #tpu.memory_space<vmem>>, vector<16xi32>,
      tpu.vector_store_idx %arg6[%get3A_306], %broadcast_in_dim3A_11 {add = true} : memref<10240xf32, #tpu.memory_space<vmem>>[vector<16xi32>], vector<16xf32>,
      %mul3A_307 = arith.constant 8 : i32
      %mul3A_308 = arith.muli %while3A_283, %mul3A_307 : i32
      %add3A_309 = arith.constant 3 : i32
      %add3A_310 = arith.addi %mul3A_308, %add3A_309 : i32
      %mul3A_311 = arith.constant 16 : i32
      %mul3A_312 = arith.muli %add3A_310, %mul3A_311 : i32
      %get3A_313 = arith.index_cast %mul3A_312 : i32 to index
      %get3A_314 = tpu.vector_load %arg8[%get3A_313] {strides = array<i32>} : memref<10112xi32, #tpu.memory_space<vmem>>, vector<16xi32>,
      tpu.vector_store_idx %arg6[%get3A_314], %broadcast_in_dim3A_11 {add = true} : memref<10240xf32, #tpu.memory_space<vmem>>[vector<16xi32>], vector<16xf32>,
      %mul3A_315 = arith.constant 8 : i32
      %mul3A_316 = arith.muli %while3A_283, %mul3A_315 : i32
      %add3A_317 = arith.constant 4 : i32
      %add3A_318 = arith.addi %mul3A_316, %add3A_317 : i32
      %mul3A_319 = arith.constant 16 : i32
      %mul3A_320 = arith.muli %add3A_318, %mul3A_319 : i32
      %get3A_321 = arith.index_cast %mul3A_320 : i32 to index
      %get3A_322 = tpu.vector_load %arg8[%get3A_321] {strides = array<i32>} : memref<10112xi32, #tpu.memory_space<vmem>>, vector<16xi32>,
      tpu.vector_store_idx %arg6[%get3A_322], %broadcast_in_dim3A_11 {add = true} : memref<10240xf32, #tpu.memory_space<vmem>>[vector<16xi32>], vector<16xf32>,
      %mul3A_323 = arith.constant 8 : i32
      %mul3A_324 = arith.muli %while3A_283, %mul3A_323 : i32
      %add3A_325 = arith.constant 5 : i32
      %add3A_326 = arith.addi %mul3A_324, %add3A_325 : i32
      %mul3A_327 = arith.constant 16 : i32
      %mul3A_328 = arith.muli %add3A_326, %mul3A_327 : i32
      %get3A_329 = arith.index_cast %mul3A_328 : i32 to index
      %get3A_330 = tpu.vector_load %arg8[%get3A_329] {strides = array<i32>} : memref<10112xi32, #tpu.memory_space<vmem>>, vector<16xi32>,
      tpu.vector_store_idx %arg6[%get3A_330], %broadcast_in_dim3A_11 {add = true} : memref<10240xf32, #tpu.memory_space<vmem>>[vector<16xi32>], vector<16xf32>,
      %mul3A_331 = arith.constant 8 : i32
      %mul3A_332 = arith.muli %while3A_283, %mul3A_331 : i32
      %add3A_333 = arith.constant 6 : i32
      %add3A_334 = arith.addi %mul3A_332, %add3A_333 : i32
      %mul3A_335 = arith.constant 16 : i32
      %mul3A_336 = arith.muli %add3A_334, %mul3A_335 : i32
      %get3A_337 = arith.index_cast %mul3A_336 : i32 to index
      %get3A_338 = tpu.vector_load %arg8[%get3A_337] {strides = array<i32>} : memref<10112xi32, #tpu.memory_space<vmem>>, vector<16xi32>,
      tpu.vector_store_idx %arg6[%get3A_338], %broadcast_in_dim3A_11 {add = true} : memref<10240xf32, #tpu.memory_space<vmem>>[vector<16xi32>], vector<16xf32>,
      %mul3A_339 = arith.constant 8 : i32
      %mul3A_340 = arith.muli %while3A_283, %mul3A_339 : i32
      %add3A_341 = arith.constant 7 : i32
      %add3A_342 = arith.addi %mul3A_340, %add3A_341 : i32
      %mul3A_343 = arith.constant 16 : i32
      %mul3A_344 = arith.muli %add3A_342, %mul3A_343 : i32
      %get3A_345 = arith.index_cast %mul3A_344 : i32 to index
      %get3A_346 = tpu.vector_load %arg8[%get3A_345] {strides = array<i32>} : memref<10112xi32, #tpu.memory_space<vmem>>, vector<16xi32>,
      tpu.vector_store_idx %arg6[%get3A_346], %broadcast_in_dim3A_11 {add = true} : memref<10240xf32, #tpu.memory_space<vmem>>[vector<16xi32>], vector<16xf32>,
    }
    %dma_start3A_224 = arith.constant 4 : i32
    %dma_start3A_225 = arith.constant 0 : i32
    %dma_start3A_226 = tpu.memref_slice %arg5[%dma_start3A_224, %add3A, %dma_start3A_225] : memref<6x32x10240xf32, #tpu.memory_space<hbm>> -> memref<1x1x10240xf32, #tpu.memory_space<hbm>>
    %dma_start3A_227 = tpu.memref_squeeze %dma_start3A_226 : memref<1x1x10240xf32, #tpu.memory_space<hbm>> -> memref<10240xf32, #tpu.memory_space<hbm>>
    %dma_start3A_228 = arith.constant 0 : i32
    %dma_start3A_229 = tpu.memref_slice %arg5[%dma_start3A_224, %add3A, %dma_start3A_228] : memref<6x32x10240xf32, #tpu.memory_space<hbm>> -> memref<1x1x10240xf32, #tpu.memory_space<hbm>>
    %dma_start3A_230 = tpu.memref_squeeze %dma_start3A_229 : memref<1x1x10240xf32, #tpu.memory_space<hbm>> -> memref<10240xf32, #tpu.memory_space<hbm>>
    tpu.enqueue_dma source(%arg6 : memref<10240xf32, #tpu.memory_space<vmem>>) target(%dma_start3A_230 : memref<10240xf32, #tpu.memory_space<hbm>>) target_semaphore(%arg11 : memref<!tpu.dma_semaphore, #tpu.memory_space<semaphore_mem>>)
    %dma_wait3A_231 = arith.constant 3 : i32
    %dma_wait3A_232 = arith.constant 0 : i32
    %dma_wait3A_233 = tpu.memref_slice %arg5[%dma_wait3A_231, %add3A, %dma_wait3A_232] : memref<6x32x10240xf32, #tpu.memory_space<hbm>> -> memref<1x1x10240xf32, #tpu.memory_space<hbm>>
    %dma_wait3A_234 = tpu.memref_squeeze %dma_wait3A_233 : memref<1x1x10240xf32, #tpu.memory_space<hbm>> -> memref<10240xf32, #tpu.memory_space<hbm>>
    %dma_wait3A_235 = arith.constant 0 : i32
    %dma_wait3A_236 = tpu.memref_slice %arg5[%dma_wait3A_231, %add3A, %dma_wait3A_235] : memref<6x32x10240xf32, #tpu.memory_space<hbm>> -> memref<1x1x10240xf32, #tpu.memory_space<hbm>>
    %dma_wait3A_237 = tpu.memref_squeeze %dma_wait3A_236 : memref<1x1x10240xf32, #tpu.memory_space<hbm>> -> memref<10240xf32, #tpu.memory_space<hbm>>
    tpu.wait_dma2 semaphore(%arg11 : memref<!tpu.dma_semaphore, #tpu.memory_space<semaphore_mem>>) src(%arg7 : memref<10240xf32, #tpu.memory_space<vmem>>) dst(%dma_wait3A_237 : memref<10240xf32, #tpu.memory_space<hbm>>)
    %scan3A_238 = arith.constant 0 : i32
    %scan3A_239 = arith.constant 0 : i32
    %scan3A_240 = arith.constant 80 : i32
    %scan3A_241 = arith.addi %scan3A_239, %scan3A_240 : i32
    %scan3A_242 = arith.constant 1 : i32
    scf.for %scan3A_283 = %scan3A_239 to %scan3A_241 step %scan3A_242  : i32 {
      %mul3A_284 = arith.constant 8 : i32
      %mul3A_285 = arith.muli %scan3A_283, %mul3A_284 : i32
      %add3A_286 = arith.constant 0 : i32
      %add3A_287 = arith.addi %mul3A_285, %add3A_286 : i32
      %mul3A_288 = arith.constant 16 : i32
      %mul3A_289 = arith.muli %add3A_287, %mul3A_288 : i32
      %swap3A = arith.index_cast %mul3A_289 : i32 to index
      %swap3A_290 = tpu.vector_load %arg7[%swap3A] {strides = array<i32>} : memref<10240xf32, #tpu.memory_space<vmem>>, vector<16xf32>,
      tpu.vector_store %arg7[%swap3A], %broadcast_in_dim3A_13 {strides = array<i32>} : memref<10240xf32, #tpu.memory_space<vmem>>, vector<16xf32>,
      %mul3A_291 = arith.constant 8 : i32
      %mul3A_292 = arith.muli %scan3A_283, %mul3A_291 : i32
      %add3A_293 = arith.constant 1 : i32
      %add3A_294 = arith.addi %mul3A_292, %add3A_293 : i32
      %mul3A_295 = arith.constant 16 : i32
      %mul3A_296 = arith.muli %add3A_294, %mul3A_295 : i32
      %swap3A_297 = arith.index_cast %mul3A_296 : i32 to index
      %swap3A_298 = tpu.vector_load %arg7[%swap3A_297] {strides = array<i32>} : memref<10240xf32, #tpu.memory_space<vmem>>, vector<16xf32>,
      tpu.vector_store %arg7[%swap3A_297], %broadcast_in_dim3A_13 {strides = array<i32>} : memref<10240xf32, #tpu.memory_space<vmem>>, vector<16xf32>,
      %mul3A_299 = arith.constant 8 : i32
      %mul3A_300 = arith.muli %scan3A_283, %mul3A_299 : i32
      %add3A_301 = arith.constant 2 : i32
      %add3A_302 = arith.addi %mul3A_300, %add3A_301 : i32
      %mul3A_303 = arith.constant 16 : i32
      %mul3A_304 = arith.muli %add3A_302, %mul3A_303 : i32
      %swap3A_305 = arith.index_cast %mul3A_304 : i32 to index
      %swap3A_306 = tpu.vector_load %arg7[%swap3A_305] {strides = array<i32>} : memref<10240xf32, #tpu.memory_space<vmem>>, vector<16xf32>,
      tpu.vector_store %arg7[%swap3A_305], %broadcast_in_dim3A_13 {strides = array<i32>} : memref<10240xf32, #tpu.memory_space<vmem>>, vector<16xf32>,
      %mul3A_307 = arith.constant 8 : i32
      %mul3A_308 = arith.muli %scan3A_283, %mul3A_307 : i32
      %add3A_309 = arith.constant 3 : i32
      %add3A_310 = arith.addi %mul3A_308, %add3A_309 : i32
      %mul3A_311 = arith.constant 16 : i32
      %mul3A_312 = arith.muli %add3A_310, %mul3A_311 : i32
      %swap3A_313 = arith.index_cast %mul3A_312 : i32 to index
      %swap3A_314 = tpu.vector_load %arg7[%swap3A_313] {strides = array<i32>} : memref<10240xf32, #tpu.memory_space<vmem>>, vector<16xf32>,
      tpu.vector_store %arg7[%swap3A_313], %broadcast_in_dim3A_13 {strides = array<i32>} : memref<10240xf32, #tpu.memory_space<vmem>>, vector<16xf32>,
      %mul3A_315 = arith.constant 8 : i32
      %mul3A_316 = arith.muli %scan3A_283, %mul3A_315 : i32
      %add3A_317 = arith.constant 4 : i32
      %add3A_318 = arith.addi %mul3A_316, %add3A_317 : i32
      %mul3A_319 = arith.constant 16 : i32
      %mul3A_320 = arith.muli %add3A_318, %mul3A_319 : i32
      %swap3A_321 = arith.index_cast %mul3A_320 : i32 to index
      %swap3A_322 = tpu.vector_load %arg7[%swap3A_321] {strides = array<i32>} : memref<10240xf32, #tpu.memory_space<vmem>>, vector<16xf32>,
      tpu.vector_store %arg7[%swap3A_321], %broadcast_in_dim3A_13 {strides = array<i32>} : memref<10240xf32, #tpu.memory_space<vmem>>, vector<16xf32>,
      %mul3A_323 = arith.constant 8 : i32
      %mul3A_324 = arith.muli %scan3A_283, %mul3A_323 : i32
      %add3A_325 = arith.constant 5 : i32
      %add3A_326 = arith.addi %mul3A_324, %add3A_325 : i32
      %mul3A_327 = arith.constant 16 : i32
      %mul3A_328 = arith.muli %add3A_326, %mul3A_327 : i32
      %swap3A_329 = arith.index_cast %mul3A_328 : i32 to index
      %swap3A_330 = tpu.vector_load %arg7[%swap3A_329] {strides = array<i32>} : memref<10240xf32, #tpu.memory_space<vmem>>, vector<16xf32>,
      tpu.vector_store %arg7[%swap3A_329], %broadcast_in_dim3A_13 {strides = array<i32>} : memref<10240xf32, #tpu.memory_space<vmem>>, vector<16xf32>,
      %mul3A_331 = arith.constant 8 : i32
      %mul3A_332 = arith.muli %scan3A_283, %mul3A_331 : i32
      %add3A_333 = arith.constant 6 : i32
      %add3A_334 = arith.addi %mul3A_332, %add3A_333 : i32
      %mul3A_335 = arith.constant 16 : i32
      %mul3A_336 = arith.muli %add3A_334, %mul3A_335 : i32
      %swap3A_337 = arith.index_cast %mul3A_336 : i32 to index
      %swap3A_338 = tpu.vector_load %arg7[%swap3A_337] {strides = array<i32>} : memref<10240xf32, #tpu.memory_space<vmem>>, vector<16xf32>,
      tpu.vector_store %arg7[%swap3A_337], %broadcast_in_dim3A_13 {strides = array<i32>} : memref<10240xf32, #tpu.memory_space<vmem>>, vector<16xf32>,
      %mul3A_339 = arith.constant 8 : i32
      %mul3A_340 = arith.muli %scan3A_283, %mul3A_339 : i32
      %add3A_341 = arith.constant 7 : i32
      %add3A_342 = arith.addi %mul3A_340, %add3A_341 : i32
      %mul3A_343 = arith.constant 16 : i32
      %mul3A_344 = arith.muli %add3A_342, %mul3A_343 : i32
      %swap3A_345 = arith.index_cast %mul3A_344 : i32 to index
      %swap3A_346 = tpu.vector_load %arg7[%swap3A_345] {strides = array<i32>} : memref<10240xf32, #tpu.memory_space<vmem>>, vector<16xf32>,
      tpu.vector_store %arg7[%swap3A_345], %broadcast_in_dim3A_13 {strides = array<i32>} : memref<10240xf32, #tpu.memory_space<vmem>>, vector<16xf32>,
    }
    %scan3A_243 = arith.constant 80 : i32
    %convert_element_type3A_244 = arith.extui %lt3A_1 : i1 to i32
    %cond3A_245 = arith.constant 0 : i32
    %cond3A_246 = arith.cmpi ne, %convert_element_type3A_244, %cond3A_245 : i32
    scf.if %cond3A_246 {
      %dma_wait3A_283 = arith.constant 0 : i32
      %dma_wait3A_284 = tpu.memref_slice %arg2[%dma_wait3A_283] : memref<640000xi32, #tpu.memory_space<hbm>> -> memref<10112xi32, #tpu.memory_space<hbm>>
      %dma_wait3A_285 = arith.constant 0 : i32
      %dma_wait3A_286 = tpu.memref_slice %arg2[%dma_wait3A_285] : memref<640000xi32, #tpu.memory_space<hbm>> -> memref<10112xi32, #tpu.memory_space<hbm>>
      tpu.wait_dma2 semaphore(%arg10 : memref<!tpu.dma_semaphore, #tpu.memory_space<semaphore_mem>>) src(%dma_wait3A_286 : memref<10112xi32, #tpu.memory_space<hbm>>) dst(%arg9 : memref<10112xi32, #tpu.memory_space<vmem>>)
    } else {
    }
    %not3A_247 = arith.constant true
    %not3A_248 = arith.xori %lt3A_1, %not3A_247 : i1
    %convert_element_type3A_249 = arith.extui %not3A_248 : i1 to i32
    %cond3A_250 = arith.constant 0 : i32
    %cond3A_251 = arith.cmpi ne, %convert_element_type3A_249, %cond3A_250 : i32
    scf.if %cond3A_251 {
      %dma_wait3A_283 = arith.constant 0 : i32
      %dma_wait3A_284 = tpu.memref_slice %arg9[%dma_wait3A_283] : memref<10112xi32, #tpu.memory_space<vmem>> -> memref<9984xi32, #tpu.memory_space<vmem>>
      %dma_wait3A_285 = arith.constant 0 : i32
      %dma_wait3A_286 = tpu.memref_slice %arg2[%dma_wait3A_285] : memref<640000xi32, #tpu.memory_space<hbm>> -> memref<9984xi32, #tpu.memory_space<hbm>>
      %dma_wait3A_287 = arith.constant 0 : i32
      %dma_wait3A_288 = tpu.memref_slice %arg9[%dma_wait3A_287] : memref<10112xi32, #tpu.memory_space<vmem>> -> memref<9984xi32, #tpu.memory_space<vmem>>
      %dma_wait3A_289 = arith.constant 0 : i32
      %dma_wait3A_290 = tpu.memref_slice %arg2[%dma_wait3A_289] : memref<640000xi32, #tpu.memory_space<hbm>> -> memref<9984xi32, #tpu.memory_space<hbm>>
      tpu.wait_dma2 semaphore(%arg10 : memref<!tpu.dma_semaphore, #tpu.memory_space<semaphore_mem>>) src(%dma_wait3A_290 : memref<9984xi32, #tpu.memory_space<hbm>>) dst(%dma_wait3A_288 : memref<9984xi32, #tpu.memory_space<vmem>>)
    } else {
    }
    %while3A_252 = arith.constant 0 : i32
    %while3A_253 = arith.constant 0 : i32
    %while3A_254 = arith.subi %add3A_10, %while3A_253 : i32
    %while3A_255 = arith.addi %while3A_253, %while3A_254 : i32
    %while3A_256 = arith.constant 1 : i32
    %while3A_257 = arith.divsi %while3A_254, %while3A_256 : i32
    %while3A_258 = arith.muli %while3A_257, %while3A_256 : i32
    %while3A_259 = arith.addi %while3A_253, %while3A_258 : i32
    %while3A_260 = arith.constant 1 : i32
    scf.for %while3A_283 = %while3A_253 to %while3A_259 step %while3A_260  : i32 {
      %mul3A_284 = arith.constant 8 : i32
      %mul3A_285 = arith.muli %while3A_283, %mul3A_284 : i32
      %add3A_286 = arith.constant 0 : i32
      %add3A_287 = arith.addi %mul3A_285, %add3A_286 : i32
      %mul3A_288 = arith.constant 16 : i32
      %mul3A_289 = arith.muli %add3A_287, %mul3A_288 : i32
      %get3A = arith.index_cast %mul3A_289 : i32 to index
      %get3A_290 = tpu.vector_load %arg9[%get3A] {strides = array<i32>} : memref<10112xi32, #tpu.memory_space<vmem>>, vector<16xi32>,
      tpu.vector_store_idx %arg7[%get3A_290], %broadcast_in_dim3A_11 {add = true} : memref<10240xf32, #tpu.memory_space<vmem>>[vector<16xi32>], vector<16xf32>,
      %mul3A_291 = arith.constant 8 : i32
      %mul3A_292 = arith.muli %while3A_283, %mul3A_291 : i32
      %add3A_293 = arith.constant 1 : i32
      %add3A_294 = arith.addi %mul3A_292, %add3A_293 : i32
      %mul3A_295 = arith.constant 16 : i32
      %mul3A_296 = arith.muli %add3A_294, %mul3A_295 : i32
      %get3A_297 = arith.index_cast %mul3A_296 : i32 to index
      %get3A_298 = tpu.vector_load %arg9[%get3A_297] {strides = array<i32>} : memref<10112xi32, #tpu.memory_space<vmem>>, vector<16xi32>,
      tpu.vector_store_idx %arg7[%get3A_298], %broadcast_in_dim3A_11 {add = true} : memref<10240xf32, #tpu.memory_space<vmem>>[vector<16xi32>], vector<16xf32>,
      %mul3A_299 = arith.constant 8 : i32
      %mul3A_300 = arith.muli %while3A_283, %mul3A_299 : i32
      %add3A_301 = arith.constant 2 : i32
      %add3A_302 = arith.addi %mul3A_300, %add3A_301 : i32
      %mul3A_303 = arith.constant 16 : i32
      %mul3A_304 = arith.muli %add3A_302, %mul3A_303 : i32
      %get3A_305 = arith.index_cast %mul3A_304 : i32 to index
      %get3A_306 = tpu.vector_load %arg9[%get3A_305] {strides = array<i32>} : memref<10112xi32, #tpu.memory_space<vmem>>, vector<16xi32>,
      tpu.vector_store_idx %arg7[%get3A_306], %broadcast_in_dim3A_11 {add = true} : memref<10240xf32, #tpu.memory_space<vmem>>[vector<16xi32>], vector<16xf32>,
      %mul3A_307 = arith.constant 8 : i32
      %mul3A_308 = arith.muli %while3A_283, %mul3A_307 : i32
      %add3A_309 = arith.constant 3 : i32
      %add3A_310 = arith.addi %mul3A_308, %add3A_309 : i32
      %mul3A_311 = arith.constant 16 : i32
      %mul3A_312 = arith.muli %add3A_310, %mul3A_311 : i32
      %get3A_313 = arith.index_cast %mul3A_312 : i32 to index
      %get3A_314 = tpu.vector_load %arg9[%get3A_313] {strides = array<i32>} : memref<10112xi32, #tpu.memory_space<vmem>>, vector<16xi32>,
      tpu.vector_store_idx %arg7[%get3A_314], %broadcast_in_dim3A_11 {add = true} : memref<10240xf32, #tpu.memory_space<vmem>>[vector<16xi32>], vector<16xf32>,
      %mul3A_315 = arith.constant 8 : i32
      %mul3A_316 = arith.muli %while3A_283, %mul3A_315 : i32
      %add3A_317 = arith.constant 4 : i32
      %add3A_318 = arith.addi %mul3A_316, %add3A_317 : i32
      %mul3A_319 = arith.constant 16 : i32
      %mul3A_320 = arith.muli %add3A_318, %mul3A_319 : i32
      %get3A_321 = arith.index_cast %mul3A_320 : i32 to index
      %get3A_322 = tpu.vector_load %arg9[%get3A_321] {strides = array<i32>} : memref<10112xi32, #tpu.memory_space<vmem>>, vector<16xi32>,
      tpu.vector_store_idx %arg7[%get3A_322], %broadcast_in_dim3A_11 {add = true} : memref<10240xf32, #tpu.memory_space<vmem>>[vector<16xi32>], vector<16xf32>,
      %mul3A_323 = arith.constant 8 : i32
      %mul3A_324 = arith.muli %while3A_283, %mul3A_323 : i32
      %add3A_325 = arith.constant 5 : i32
      %add3A_326 = arith.addi %mul3A_324, %add3A_325 : i32
      %mul3A_327 = arith.constant 16 : i32
      %mul3A_328 = arith.muli %add3A_326, %mul3A_327 : i32
      %get3A_329 = arith.index_cast %mul3A_328 : i32 to index
      %get3A_330 = tpu.vector_load %arg9[%get3A_329] {strides = array<i32>} : memref<10112xi32, #tpu.memory_space<vmem>>, vector<16xi32>,
      tpu.vector_store_idx %arg7[%get3A_330], %broadcast_in_dim3A_11 {add = true} : memref<10240xf32, #tpu.memory_space<vmem>>[vector<16xi32>], vector<16xf32>,
      %mul3A_331 = arith.constant 8 : i32
      %mul3A_332 = arith.muli %while3A_283, %mul3A_331 : i32
      %add3A_333 = arith.constant 6 : i32
      %add3A_334 = arith.addi %mul3A_332, %add3A_333 : i32
      %mul3A_335 = arith.constant 16 : i32
      %mul3A_336 = arith.muli %add3A_334, %mul3A_335 : i32
      %get3A_337 = arith.index_cast %mul3A_336 : i32 to index
      %get3A_338 = tpu.vector_load %arg9[%get3A_337] {strides = array<i32>} : memref<10112xi32, #tpu.memory_space<vmem>>, vector<16xi32>,
      tpu.vector_store_idx %arg7[%get3A_338], %broadcast_in_dim3A_11 {add = true} : memref<10240xf32, #tpu.memory_space<vmem>>[vector<16xi32>], vector<16xf32>,
      %mul3A_339 = arith.constant 8 : i32
      %mul3A_340 = arith.muli %while3A_283, %mul3A_339 : i32
      %add3A_341 = arith.constant 7 : i32
      %add3A_342 = arith.addi %mul3A_340, %add3A_341 : i32
      %mul3A_343 = arith.constant 16 : i32
      %mul3A_344 = arith.muli %add3A_342, %mul3A_343 : i32
      %get3A_345 = arith.index_cast %mul3A_344 : i32 to index
      %get3A_346 = tpu.vector_load %arg9[%get3A_345] {strides = array<i32>} : memref<10112xi32, #tpu.memory_space<vmem>>, vector<16xi32>,
      tpu.vector_store_idx %arg7[%get3A_346], %broadcast_in_dim3A_11 {add = true} : memref<10240xf32, #tpu.memory_space<vmem>>[vector<16xi32>], vector<16xf32>,
    }
    %while3A_261 = arith.constant 1 : i32
    scf.for %while3A_283 = %while3A_259 to %while3A_255 step %while3A_261  : i32 {
      %mul3A_284 = arith.constant 8 : i32
      %mul3A_285 = arith.muli %while3A_283, %mul3A_284 : i32
      %add3A_286 = arith.constant 0 : i32
      %add3A_287 = arith.addi %mul3A_285, %add3A_286 : i32
      %mul3A_288 = arith.constant 16 : i32
      %mul3A_289 = arith.muli %add3A_287, %mul3A_288 : i32
      %get3A = arith.index_cast %mul3A_289 : i32 to index
      %get3A_290 = tpu.vector_load %arg9[%get3A] {strides = array<i32>} : memref<10112xi32, #tpu.memory_space<vmem>>, vector<16xi32>,
      tpu.vector_store_idx %arg7[%get3A_290], %broadcast_in_dim3A_11 {add = true} : memref<10240xf32, #tpu.memory_space<vmem>>[vector<16xi32>], vector<16xf32>,
      %mul3A_291 = arith.constant 8 : i32
      %mul3A_292 = arith.muli %while3A_283, %mul3A_291 : i32
      %add3A_293 = arith.constant 1 : i32
      %add3A_294 = arith.addi %mul3A_292, %add3A_293 : i32
      %mul3A_295 = arith.constant 16 : i32
      %mul3A_296 = arith.muli %add3A_294, %mul3A_295 : i32
      %get3A_297 = arith.index_cast %mul3A_296 : i32 to index
      %get3A_298 = tpu.vector_load %arg9[%get3A_297] {strides = array<i32>} : memref<10112xi32, #tpu.memory_space<vmem>>, vector<16xi32>,
      tpu.vector_store_idx %arg7[%get3A_298], %broadcast_in_dim3A_11 {add = true} : memref<10240xf32, #tpu.memory_space<vmem>>[vector<16xi32>], vector<16xf32>,
      %mul3A_299 = arith.constant 8 : i32
      %mul3A_300 = arith.muli %while3A_283, %mul3A_299 : i32
      %add3A_301 = arith.constant 2 : i32
      %add3A_302 = arith.addi %mul3A_300, %add3A_301 : i32
      %mul3A_303 = arith.constant 16 : i32
      %mul3A_304 = arith.muli %add3A_302, %mul3A_303 : i32
      %get3A_305 = arith.index_cast %mul3A_304 : i32 to index
      %get3A_306 = tpu.vector_load %arg9[%get3A_305] {strides = array<i32>} : memref<10112xi32, #tpu.memory_space<vmem>>, vector<16xi32>,
      tpu.vector_store_idx %arg7[%get3A_306], %broadcast_in_dim3A_11 {add = true} : memref<10240xf32, #tpu.memory_space<vmem>>[vector<16xi32>], vector<16xf32>,
      %mul3A_307 = arith.constant 8 : i32
      %mul3A_308 = arith.muli %while3A_283, %mul3A_307 : i32
      %add3A_309 = arith.constant 3 : i32
      %add3A_310 = arith.addi %mul3A_308, %add3A_309 : i32
      %mul3A_311 = arith.constant 16 : i32
      %mul3A_312 = arith.muli %add3A_310, %mul3A_311 : i32
      %get3A_313 = arith.index_cast %mul3A_312 : i32 to index
      %get3A_314 = tpu.vector_load %arg9[%get3A_313] {strides = array<i32>} : memref<10112xi32, #tpu.memory_space<vmem>>, vector<16xi32>,
      tpu.vector_store_idx %arg7[%get3A_314], %broadcast_in_dim3A_11 {add = true} : memref<10240xf32, #tpu.memory_space<vmem>>[vector<16xi32>], vector<16xf32>,
      %mul3A_315 = arith.constant 8 : i32
      %mul3A_316 = arith.muli %while3A_283, %mul3A_315 : i32
      %add3A_317 = arith.constant 4 : i32
      %add3A_318 = arith.addi %mul3A_316, %add3A_317 : i32
      %mul3A_319 = arith.constant 16 : i32
      %mul3A_320 = arith.muli %add3A_318, %mul3A_319 : i32
      %get3A_321 = arith.index_cast %mul3A_320 : i32 to index
      %get3A_322 = tpu.vector_load %arg9[%get3A_321] {strides = array<i32>} : memref<10112xi32, #tpu.memory_space<vmem>>, vector<16xi32>,
      tpu.vector_store_idx %arg7[%get3A_322], %broadcast_in_dim3A_11 {add = true} : memref<10240xf32, #tpu.memory_space<vmem>>[vector<16xi32>], vector<16xf32>,
      %mul3A_323 = arith.constant 8 : i32
      %mul3A_324 = arith.muli %while3A_283, %mul3A_323 : i32
      %add3A_325 = arith.constant 5 : i32
      %add3A_326 = arith.addi %mul3A_324, %add3A_325 : i32
      %mul3A_327 = arith.constant 16 : i32
      %mul3A_328 = arith.muli %add3A_326, %mul3A_327 : i32
      %get3A_329 = arith.index_cast %mul3A_328 : i32 to index
      %get3A_330 = tpu.vector_load %arg9[%get3A_329] {strides = array<i32>} : memref<10112xi32, #tpu.memory_space<vmem>>, vector<16xi32>,
      tpu.vector_store_idx %arg7[%get3A_330], %broadcast_in_dim3A_11 {add = true} : memref<10240xf32, #tpu.memory_space<vmem>>[vector<16xi32>], vector<16xf32>,
      %mul3A_331 = arith.constant 8 : i32
      %mul3A_332 = arith.muli %while3A_283, %mul3A_331 : i32
      %add3A_333 = arith.constant 6 : i32
      %add3A_334 = arith.addi %mul3A_332, %add3A_333 : i32
      %mul3A_335 = arith.constant 16 : i32
      %mul3A_336 = arith.muli %add3A_334, %mul3A_335 : i32
      %get3A_337 = arith.index_cast %mul3A_336 : i32 to index
      %get3A_338 = tpu.vector_load %arg9[%get3A_337] {strides = array<i32>} : memref<10112xi32, #tpu.memory_space<vmem>>, vector<16xi32>,
      tpu.vector_store_idx %arg7[%get3A_338], %broadcast_in_dim3A_11 {add = true} : memref<10240xf32, #tpu.memory_space<vmem>>[vector<16xi32>], vector<16xf32>,
      %mul3A_339 = arith.constant 8 : i32
      %mul3A_340 = arith.muli %while3A_283, %mul3A_339 : i32
      %add3A_341 = arith.constant 7 : i32
      %add3A_342 = arith.addi %mul3A_340, %add3A_341 : i32
      %mul3A_343 = arith.constant 16 : i32
      %mul3A_344 = arith.muli %add3A_342, %mul3A_343 : i32
      %get3A_345 = arith.index_cast %mul3A_344 : i32 to index
      %get3A_346 = tpu.vector_load %arg9[%get3A_345] {strides = array<i32>} : memref<10112xi32, #tpu.memory_space<vmem>>, vector<16xi32>,
      tpu.vector_store_idx %arg7[%get3A_346], %broadcast_in_dim3A_11 {add = true} : memref<10240xf32, #tpu.memory_space<vmem>>[vector<16xi32>], vector<16xf32>,
    }
    %dma_start3A_262 = arith.constant 5 : i32
    %dma_start3A_263 = arith.constant 0 : i32
    %dma_start3A_264 = tpu.memref_slice %arg5[%dma_start3A_262, %add3A, %dma_start3A_263] : memref<6x32x10240xf32, #tpu.memory_space<hbm>> -> memref<1x1x10240xf32, #tpu.memory_space<hbm>>
    %dma_start3A_265 = tpu.memref_squeeze %dma_start3A_264 : memref<1x1x10240xf32, #tpu.memory_space<hbm>> -> memref<10240xf32, #tpu.memory_space<hbm>>
    %dma_start3A_266 = arith.constant 0 : i32
    %dma_start3A_267 = tpu.memref_slice %arg5[%dma_start3A_262, %add3A, %dma_start3A_266] : memref<6x32x10240xf32, #tpu.memory_space<hbm>> -> memref<1x1x10240xf32, #tpu.memory_space<hbm>>
    %dma_start3A_268 = tpu.memref_squeeze %dma_start3A_267 : memref<1x1x10240xf32, #tpu.memory_space<hbm>> -> memref<10240xf32, #tpu.memory_space<hbm>>
    tpu.enqueue_dma source(%arg7 : memref<10240xf32, #tpu.memory_space<vmem>>) target(%dma_start3A_268 : memref<10240xf32, #tpu.memory_space<hbm>>) target_semaphore(%arg11 : memref<!tpu.dma_semaphore, #tpu.memory_space<semaphore_mem>>)
    %dma_wait3A_269 = arith.constant 4 : i32
    %dma_wait3A_270 = arith.constant 0 : i32
    %dma_wait3A_271 = tpu.memref_slice %arg5[%dma_wait3A_269, %add3A, %dma_wait3A_270] : memref<6x32x10240xf32, #tpu.memory_space<hbm>> -> memref<1x1x10240xf32, #tpu.memory_space<hbm>>
    %dma_wait3A_272 = tpu.memref_squeeze %dma_wait3A_271 : memref<1x1x10240xf32, #tpu.memory_space<hbm>> -> memref<10240xf32, #tpu.memory_space<hbm>>
    %dma_wait3A_273 = arith.constant 0 : i32
    %dma_wait3A_274 = tpu.memref_slice %arg5[%dma_wait3A_269, %add3A, %dma_wait3A_273] : memref<6x32x10240xf32, #tpu.memory_space<hbm>> -> memref<1x1x10240xf32, #tpu.memory_space<hbm>>
    %dma_wait3A_275 = tpu.memref_squeeze %dma_wait3A_274 : memref<1x1x10240xf32, #tpu.memory_space<hbm>> -> memref<10240xf32, #tpu.memory_space<hbm>>
    tpu.wait_dma2 semaphore(%arg11 : memref<!tpu.dma_semaphore, #tpu.memory_space<semaphore_mem>>) src(%arg6 : memref<10240xf32, #tpu.memory_space<vmem>>) dst(%dma_wait3A_275 : memref<10240xf32, #tpu.memory_space<hbm>>)
    %dma_wait3A_276 = arith.constant 5 : i32
    %dma_wait3A_277 = arith.constant 0 : i32
    %dma_wait3A_278 = tpu.memref_slice %arg5[%dma_wait3A_276, %add3A, %dma_wait3A_277] : memref<6x32x10240xf32, #tpu.memory_space<hbm>> -> memref<1x1x10240xf32, #tpu.memory_space<hbm>>
    %dma_wait3A_279 = tpu.memref_squeeze %dma_wait3A_278 : memref<1x1x10240xf32, #tpu.memory_space<hbm>> -> memref<10240xf32, #tpu.memory_space<hbm>>
    %dma_wait3A_280 = arith.constant 0 : i32
    %dma_wait3A_281 = tpu.memref_slice %arg5[%dma_wait3A_276, %add3A, %dma_wait3A_280] : memref<6x32x10240xf32, #tpu.memory_space<hbm>> -> memref<1x1x10240xf32, #tpu.memory_space<hbm>>
    %dma_wait3A_282 = tpu.memref_squeeze %dma_wait3A_281 : memref<1x1x10240xf32, #tpu.memory_space<hbm>> -> memref<10240xf32, #tpu.memory_space<hbm>>
    tpu.wait_dma2 semaphore(%arg11 : memref<!tpu.dma_semaphore, #tpu.memory_space<semaphore_mem>>) src(%arg7 : memref<10240xf32, #tpu.memory_space<vmem>>) dst(%dma_wait3A_282 : memref<10240xf32, #tpu.memory_space<hbm>>)
    return
  }
}

#map = affine_map<(d0, d1) -> (0, 0)>
#map1 = affine_map<(d0, d1) -> (0, 0, 0)>
#map2 = affine_map<(d0, d1) -> (0, 0, 0, 0)>
module attributes {stable_mosaic.version = 14 : i64} {
  func.func @_agg_kernel(%arg0: i32, %arg1: i32, %arg2: memref<10240x128xf32, #tpu.memory_space<hbm>>, %arg3: memref<10240x128xf32, #tpu.memory_space<hbm>>, %arg4: memref<10240x128xf32, #tpu.memory_space<hbm>>, %arg5: memref<2500x2x128xi32, #tpu.memory_space<hbm>>, %arg6: memref<2500x2x128xi32, #tpu.memory_space<hbm>>, %arg7: memref<2500x2x128xi32, #tpu.memory_space<hbm>>, %arg8: memref<3x2x10000x128xf32, #tpu.memory_space<hbm>>, %arg9: memref<10000x128xf32, #tpu.memory_space<vmem_shared>>, %arg10: memref<4x2x128xi32, #tpu.memory_space<vmem>>, %arg11: memref<3x128x128xf32, #tpu.memory_space<vmem>>, %arg12: memref<!tpu.dma_semaphore, #tpu.memory_space<semaphore_mem>>, %arg13: memref<!tpu.dma_semaphore, #tpu.memory_space<semaphore_mem>>, %arg14: memref<!tpu.dma_semaphore, #tpu.memory_space<semaphore_mem>>) attributes {dimension_semantics = [#tpu.dimension_semantics<core_parallel>, #tpu.dimension_semantics<subcore_parallel>], iteration_bounds = array<i64: 2, 16>, scalar_prefetch = 0 : i64, scratch_operands = 6 : i64, tpu.core_type = #tpu.core_type<sc_vector_subcore>, window_params = [{transform_indices = #map}, {transform_indices = #map}, {transform_indices = #map}, {transform_indices = #map1}, {transform_indices = #map1}, {transform_indices = #map1}, {transform_indices = #map2}]} {
    %broadcast_in_dim3A = arith.constant 0.000000e+00 : f32
    %broadcast_in_dim3A_0 = vector.broadcast %broadcast_in_dim3A : f32 to vector<16xf32>
    %eq3A = arith.constant 15 : i32
    %eq3A_1 = arith.cmpi eq, %arg1, %eq3A : i32
    %mul3A = arith.constant 624 : i32
    %mul3A_2 = arith.muli %arg1, %mul3A : i32
    %lt3A = arith.constant 2 : i32
    %lt3A_3 = arith.cmpi slt, %arg1, %lt3A : i32
    %jit3A = arith.constant 1 : i32
    %jit3A_4 = arith.constant 0 : i32
    %select_n3A = arith.select %lt3A_3, %jit3A, %jit3A_4 : i32
    %add3A = arith.constant 78 : i32
    %add3A_5 = arith.addi %add3A, %select_n3A : i32
    %scan3A = arith.constant 0 : i32
    %scan3A_6 = arith.constant 0 : i32
    %scan3A_7 = arith.constant 128 : i32
    %scan3A_8 = arith.addi %scan3A_6, %scan3A_7 : i32
    %scan3A_9 = arith.constant 1 : i32
    scf.for %scan3A_384 = %scan3A_6 to %scan3A_8 step %scan3A_9  : i32 {
      %swap3A = arith.constant 0 : i32
      %swap3A_385 = arith.index_cast %swap3A : i32 to index
      %swap3A_386 = arith.index_cast %scan3A_384 : i32 to index
      %swap3A_387 = arith.constant 0 : index
      %swap3A_388 = tpu.vector_load %arg11[%swap3A_385, %swap3A_386, %swap3A_387] {strides = array<i32>} : memref<3x128x128xf32, #tpu.memory_space<vmem>>, vector<16xf32>,
      tpu.vector_store %arg11[%swap3A_385, %swap3A_386, %swap3A_387], %broadcast_in_dim3A_0 {strides = array<i32>} : memref<3x128x128xf32, #tpu.memory_space<vmem>>, vector<16xf32>,
      %swap3A_389 = arith.constant 0 : i32
      %swap3A_390 = arith.index_cast %swap3A_389 : i32 to index
      %swap3A_391 = arith.index_cast %scan3A_384 : i32 to index
      %swap3A_392 = arith.constant 16 : index
      %swap3A_393 = tpu.vector_load %arg11[%swap3A_390, %swap3A_391, %swap3A_392] {strides = array<i32>} : memref<3x128x128xf32, #tpu.memory_space<vmem>>, vector<16xf32>,
      tpu.vector_store %arg11[%swap3A_390, %swap3A_391, %swap3A_392], %broadcast_in_dim3A_0 {strides = array<i32>} : memref<3x128x128xf32, #tpu.memory_space<vmem>>, vector<16xf32>,
      %swap3A_394 = arith.constant 0 : i32
      %swap3A_395 = arith.index_cast %swap3A_394 : i32 to index
      %swap3A_396 = arith.index_cast %scan3A_384 : i32 to index
      %swap3A_397 = arith.constant 32 : index
      %swap3A_398 = tpu.vector_load %arg11[%swap3A_395, %swap3A_396, %swap3A_397] {strides = array<i32>} : memref<3x128x128xf32, #tpu.memory_space<vmem>>, vector<16xf32>,
      tpu.vector_store %arg11[%swap3A_395, %swap3A_396, %swap3A_397], %broadcast_in_dim3A_0 {strides = array<i32>} : memref<3x128x128xf32, #tpu.memory_space<vmem>>, vector<16xf32>,
      %swap3A_399 = arith.constant 0 : i32
      %swap3A_400 = arith.index_cast %swap3A_399 : i32 to index
      %swap3A_401 = arith.index_cast %scan3A_384 : i32 to index
      %swap3A_402 = arith.constant 48 : index
      %swap3A_403 = tpu.vector_load %arg11[%swap3A_400, %swap3A_401, %swap3A_402] {strides = array<i32>} : memref<3x128x128xf32, #tpu.memory_space<vmem>>, vector<16xf32>,
      tpu.vector_store %arg11[%swap3A_400, %swap3A_401, %swap3A_402], %broadcast_in_dim3A_0 {strides = array<i32>} : memref<3x128x128xf32, #tpu.memory_space<vmem>>, vector<16xf32>,
      %swap3A_404 = arith.constant 0 : i32
      %swap3A_405 = arith.index_cast %swap3A_404 : i32 to index
      %swap3A_406 = arith.index_cast %scan3A_384 : i32 to index
      %swap3A_407 = arith.constant 64 : index
      %swap3A_408 = tpu.vector_load %arg11[%swap3A_405, %swap3A_406, %swap3A_407] {strides = array<i32>} : memref<3x128x128xf32, #tpu.memory_space<vmem>>, vector<16xf32>,
      tpu.vector_store %arg11[%swap3A_405, %swap3A_406, %swap3A_407], %broadcast_in_dim3A_0 {strides = array<i32>} : memref<3x128x128xf32, #tpu.memory_space<vmem>>, vector<16xf32>,
      %swap3A_409 = arith.constant 0 : i32
      %swap3A_410 = arith.index_cast %swap3A_409 : i32 to index
      %swap3A_411 = arith.index_cast %scan3A_384 : i32 to index
      %swap3A_412 = arith.constant 80 : index
      %swap3A_413 = tpu.vector_load %arg11[%swap3A_410, %swap3A_411, %swap3A_412] {strides = array<i32>} : memref<3x128x128xf32, #tpu.memory_space<vmem>>, vector<16xf32>,
      tpu.vector_store %arg11[%swap3A_410, %swap3A_411, %swap3A_412], %broadcast_in_dim3A_0 {strides = array<i32>} : memref<3x128x128xf32, #tpu.memory_space<vmem>>, vector<16xf32>,
      %swap3A_414 = arith.constant 0 : i32
      %swap3A_415 = arith.index_cast %swap3A_414 : i32 to index
      %swap3A_416 = arith.index_cast %scan3A_384 : i32 to index
      %swap3A_417 = arith.constant 96 : index
      %swap3A_418 = tpu.vector_load %arg11[%swap3A_415, %swap3A_416, %swap3A_417] {strides = array<i32>} : memref<3x128x128xf32, #tpu.memory_space<vmem>>, vector<16xf32>,
      tpu.vector_store %arg11[%swap3A_415, %swap3A_416, %swap3A_417], %broadcast_in_dim3A_0 {strides = array<i32>} : memref<3x128x128xf32, #tpu.memory_space<vmem>>, vector<16xf32>,
      %swap3A_419 = arith.constant 0 : i32
      %swap3A_420 = arith.index_cast %swap3A_419 : i32 to index
      %swap3A_421 = arith.index_cast %scan3A_384 : i32 to index
      %swap3A_422 = arith.constant 112 : index
      %swap3A_423 = tpu.vector_load %arg11[%swap3A_420, %swap3A_421, %swap3A_422] {strides = array<i32>} : memref<3x128x128xf32, #tpu.memory_space<vmem>>, vector<16xf32>,
      tpu.vector_store %arg11[%swap3A_420, %swap3A_421, %swap3A_422], %broadcast_in_dim3A_0 {strides = array<i32>} : memref<3x128x128xf32, #tpu.memory_space<vmem>>, vector<16xf32>,
    }
    %scan3A_10 = arith.constant 128 : i32
    %add3A_11 = arith.constant 0 : i32
    %add3A_12 = arith.addi %mul3A_2, %add3A_11 : i32
    %run_scoped3A = arith.constant 0 : i32
    "tpu.region"() ({
      %run_scoped3A_384 = tpu.sem_alloc : memref<!tpu.dma_semaphore, #tpu.memory_space<semaphore_mem>>
      %dma_start3A_385 = arith.constant 0 : i32
      %dma_start3A_386 = arith.constant 0 : i32
      %dma_start3A_387 = tpu.memref_slice %arg11[%run_scoped3A, %dma_start3A_385, %dma_start3A_386] : memref<3x128x128xf32, #tpu.memory_space<vmem>> -> memref<1x128x128xf32, #tpu.memory_space<vmem>>
      %dma_start3A_388 = tpu.memref_squeeze %dma_start3A_387 : memref<1x128x128xf32, #tpu.memory_space<vmem>> -> memref<128x128xf32, #tpu.memory_space<vmem>>
      %dma_start3A_389 = arith.constant 0 : i32
      %dma_start3A_390 = tpu.memref_slice %arg9[%add3A_12, %dma_start3A_389] : memref<10000x128xf32, #tpu.memory_space<vmem_shared>> -> memref<128x128xf32, #tpu.memory_space<vmem_shared>>
      %dma_start3A_391 = arith.constant 0 : i32
      %dma_start3A_392 = tpu.memref_slice %arg9[%add3A_12, %dma_start3A_391] : memref<10000x128xf32, #tpu.memory_space<vmem_shared>> -> memref<128x128xf32, #tpu.memory_space<vmem_shared>>
      %dma_start3A_393 = arith.constant 0 : i32
      %dma_start3A_394 = arith.constant 0 : i32
      %dma_start3A_395 = tpu.memref_slice %arg11[%run_scoped3A, %dma_start3A_393, %dma_start3A_394] : memref<3x128x128xf32, #tpu.memory_space<vmem>> -> memref<1x128x128xf32, #tpu.memory_space<vmem>>
      %dma_start3A_396 = tpu.memref_squeeze %dma_start3A_395 : memref<1x128x128xf32, #tpu.memory_space<vmem>> -> memref<128x128xf32, #tpu.memory_space<vmem>>
      tpu.enqueue_dma source(%dma_start3A_396 : memref<128x128xf32, #tpu.memory_space<vmem>>) target(%dma_start3A_392 : memref<128x128xf32, #tpu.memory_space<vmem_shared>>) target_semaphore(%run_scoped3A_384 : memref<!tpu.dma_semaphore, #tpu.memory_space<semaphore_mem>>)
      %dma_wait3A_397 = arith.constant 0 : i32
      %dma_wait3A_398 = arith.constant 0 : i32
      %dma_wait3A_399 = tpu.memref_slice %arg11[%run_scoped3A, %dma_wait3A_397, %dma_wait3A_398] : memref<3x128x128xf32, #tpu.memory_space<vmem>> -> memref<1x128x128xf32, #tpu.memory_space<vmem>>
      %dma_wait3A_400 = tpu.memref_squeeze %dma_wait3A_399 : memref<1x128x128xf32, #tpu.memory_space<vmem>> -> memref<128x128xf32, #tpu.memory_space<vmem>>
      %dma_wait3A_401 = arith.constant 0 : i32
      %dma_wait3A_402 = tpu.memref_slice %arg9[%add3A_12, %dma_wait3A_401] : memref<10000x128xf32, #tpu.memory_space<vmem_shared>> -> memref<128x128xf32, #tpu.memory_space<vmem_shared>>
      %dma_wait3A_403 = arith.constant 0 : i32
      %dma_wait3A_404 = tpu.memref_slice %arg9[%add3A_12, %dma_wait3A_403] : memref<10000x128xf32, #tpu.memory_space<vmem_shared>> -> memref<128x128xf32, #tpu.memory_space<vmem_shared>>
      %dma_wait3A_405 = arith.constant 0 : i32
      %dma_wait3A_406 = arith.constant 0 : i32
      %dma_wait3A_407 = tpu.memref_slice %arg11[%run_scoped3A, %dma_wait3A_405, %dma_wait3A_406] : memref<3x128x128xf32, #tpu.memory_space<vmem>> -> memref<1x128x128xf32, #tpu.memory_space<vmem>>
      %dma_wait3A_408 = tpu.memref_squeeze %dma_wait3A_407 : memref<1x128x128xf32, #tpu.memory_space<vmem>> -> memref<128x128xf32, #tpu.memory_space<vmem>>
      tpu.wait_dma2 semaphore(%run_scoped3A_384 : memref<!tpu.dma_semaphore, #tpu.memory_space<semaphore_mem>>) src(%dma_wait3A_408 : memref<128x128xf32, #tpu.memory_space<vmem>>) dst(%dma_wait3A_404 : memref<128x128xf32, #tpu.memory_space<vmem_shared>>)
      tpu.yield
    }) : () -> ()
    %add3A_13 = arith.constant 128 : i32
    %add3A_14 = arith.addi %mul3A_2, %add3A_13 : i32
    %run_scoped3A_15 = arith.constant 0 : i32
    "tpu.region"() ({
      %run_scoped3A_384 = tpu.sem_alloc : memref<!tpu.dma_semaphore, #tpu.memory_space<semaphore_mem>>
      %dma_start3A_385 = arith.constant 0 : i32
      %dma_start3A_386 = arith.constant 0 : i32
      %dma_start3A_387 = tpu.memref_slice %arg11[%run_scoped3A_15, %dma_start3A_385, %dma_start3A_386] : memref<3x128x128xf32, #tpu.memory_space<vmem>> -> memref<1x128x128xf32, #tpu.memory_space<vmem>>
      %dma_start3A_388 = tpu.memref_squeeze %dma_start3A_387 : memref<1x128x128xf32, #tpu.memory_space<vmem>> -> memref<128x128xf32, #tpu.memory_space<vmem>>
      %dma_start3A_389 = arith.constant 0 : i32
      %dma_start3A_390 = tpu.memref_slice %arg9[%add3A_14, %dma_start3A_389] : memref<10000x128xf32, #tpu.memory_space<vmem_shared>> -> memref<128x128xf32, #tpu.memory_space<vmem_shared>>
      %dma_start3A_391 = arith.constant 0 : i32
      %dma_start3A_392 = tpu.memref_slice %arg9[%add3A_14, %dma_start3A_391] : memref<10000x128xf32, #tpu.memory_space<vmem_shared>> -> memref<128x128xf32, #tpu.memory_space<vmem_shared>>
      %dma_start3A_393 = arith.constant 0 : i32
      %dma_start3A_394 = arith.constant 0 : i32
      %dma_start3A_395 = tpu.memref_slice %arg11[%run_scoped3A_15, %dma_start3A_393, %dma_start3A_394] : memref<3x128x128xf32, #tpu.memory_space<vmem>> -> memref<1x128x128xf32, #tpu.memory_space<vmem>>
      %dma_start3A_396 = tpu.memref_squeeze %dma_start3A_395 : memref<1x128x128xf32, #tpu.memory_space<vmem>> -> memref<128x128xf32, #tpu.memory_space<vmem>>
      tpu.enqueue_dma source(%dma_start3A_396 : memref<128x128xf32, #tpu.memory_space<vmem>>) target(%dma_start3A_392 : memref<128x128xf32, #tpu.memory_space<vmem_shared>>) target_semaphore(%run_scoped3A_384 : memref<!tpu.dma_semaphore, #tpu.memory_space<semaphore_mem>>)
      %dma_wait3A_397 = arith.constant 0 : i32
      %dma_wait3A_398 = arith.constant 0 : i32
      %dma_wait3A_399 = tpu.memref_slice %arg11[%run_scoped3A_15, %dma_wait3A_397, %dma_wait3A_398] : memref<3x128x128xf32, #tpu.memory_space<vmem>> -> memref<1x128x128xf32, #tpu.memory_space<vmem>>
      %dma_wait3A_400 = tpu.memref_squeeze %dma_wait3A_399 : memref<1x128x128xf32, #tpu.memory_space<vmem>> -> memref<128x128xf32, #tpu.memory_space<vmem>>
      %dma_wait3A_401 = arith.constant 0 : i32
      %dma_wait3A_402 = tpu.memref_slice %arg9[%add3A_14, %dma_wait3A_401] : memref<10000x128xf32, #tpu.memory_space<vmem_shared>> -> memref<128x128xf32, #tpu.memory_space<vmem_shared>>
      %dma_wait3A_403 = arith.constant 0 : i32
      %dma_wait3A_404 = tpu.memref_slice %arg9[%add3A_14, %dma_wait3A_403] : memref<10000x128xf32, #tpu.memory_space<vmem_shared>> -> memref<128x128xf32, #tpu.memory_space<vmem_shared>>
      %dma_wait3A_405 = arith.constant 0 : i32
      %dma_wait3A_406 = arith.constant 0 : i32
      %dma_wait3A_407 = tpu.memref_slice %arg11[%run_scoped3A_15, %dma_wait3A_405, %dma_wait3A_406] : memref<3x128x128xf32, #tpu.memory_space<vmem>> -> memref<1x128x128xf32, #tpu.memory_space<vmem>>
      %dma_wait3A_408 = tpu.memref_squeeze %dma_wait3A_407 : memref<1x128x128xf32, #tpu.memory_space<vmem>> -> memref<128x128xf32, #tpu.memory_space<vmem>>
      tpu.wait_dma2 semaphore(%run_scoped3A_384 : memref<!tpu.dma_semaphore, #tpu.memory_space<semaphore_mem>>) src(%dma_wait3A_408 : memref<128x128xf32, #tpu.memory_space<vmem>>) dst(%dma_wait3A_404 : memref<128x128xf32, #tpu.memory_space<vmem_shared>>)
      tpu.yield
    }) : () -> ()
    %add3A_16 = arith.constant 256 : i32
    %add3A_17 = arith.addi %mul3A_2, %add3A_16 : i32
    %run_scoped3A_18 = arith.constant 0 : i32
    "tpu.region"() ({
      %run_scoped3A_384 = tpu.sem_alloc : memref<!tpu.dma_semaphore, #tpu.memory_space<semaphore_mem>>
      %dma_start3A_385 = arith.constant 0 : i32
      %dma_start3A_386 = arith.constant 0 : i32
      %dma_start3A_387 = tpu.memref_slice %arg11[%run_scoped3A_18, %dma_start3A_385, %dma_start3A_386] : memref<3x128x128xf32, #tpu.memory_space<vmem>> -> memref<1x128x128xf32, #tpu.memory_space<vmem>>
      %dma_start3A_388 = tpu.memref_squeeze %dma_start3A_387 : memref<1x128x128xf32, #tpu.memory_space<vmem>> -> memref<128x128xf32, #tpu.memory_space<vmem>>
      %dma_start3A_389 = arith.constant 0 : i32
      %dma_start3A_390 = tpu.memref_slice %arg9[%add3A_17, %dma_start3A_389] : memref<10000x128xf32, #tpu.memory_space<vmem_shared>> -> memref<128x128xf32, #tpu.memory_space<vmem_shared>>
      %dma_start3A_391 = arith.constant 0 : i32
      %dma_start3A_392 = tpu.memref_slice %arg9[%add3A_17, %dma_start3A_391] : memref<10000x128xf32, #tpu.memory_space<vmem_shared>> -> memref<128x128xf32, #tpu.memory_space<vmem_shared>>
      %dma_start3A_393 = arith.constant 0 : i32
      %dma_start3A_394 = arith.constant 0 : i32
      %dma_start3A_395 = tpu.memref_slice %arg11[%run_scoped3A_18, %dma_start3A_393, %dma_start3A_394] : memref<3x128x128xf32, #tpu.memory_space<vmem>> -> memref<1x128x128xf32, #tpu.memory_space<vmem>>
      %dma_start3A_396 = tpu.memref_squeeze %dma_start3A_395 : memref<1x128x128xf32, #tpu.memory_space<vmem>> -> memref<128x128xf32, #tpu.memory_space<vmem>>
      tpu.enqueue_dma source(%dma_start3A_396 : memref<128x128xf32, #tpu.memory_space<vmem>>) target(%dma_start3A_392 : memref<128x128xf32, #tpu.memory_space<vmem_shared>>) target_semaphore(%run_scoped3A_384 : memref<!tpu.dma_semaphore, #tpu.memory_space<semaphore_mem>>)
      %dma_wait3A_397 = arith.constant 0 : i32
      %dma_wait3A_398 = arith.constant 0 : i32
      %dma_wait3A_399 = tpu.memref_slice %arg11[%run_scoped3A_18, %dma_wait3A_397, %dma_wait3A_398] : memref<3x128x128xf32, #tpu.memory_space<vmem>> -> memref<1x128x128xf32, #tpu.memory_space<vmem>>
      %dma_wait3A_400 = tpu.memref_squeeze %dma_wait3A_399 : memref<1x128x128xf32, #tpu.memory_space<vmem>> -> memref<128x128xf32, #tpu.memory_space<vmem>>
      %dma_wait3A_401 = arith.constant 0 : i32
      %dma_wait3A_402 = tpu.memref_slice %arg9[%add3A_17, %dma_wait3A_401] : memref<10000x128xf32, #tpu.memory_space<vmem_shared>> -> memref<128x128xf32, #tpu.memory_space<vmem_shared>>
      %dma_wait3A_403 = arith.constant 0 : i32
      %dma_wait3A_404 = tpu.memref_slice %arg9[%add3A_17, %dma_wait3A_403] : memref<10000x128xf32, #tpu.memory_space<vmem_shared>> -> memref<128x128xf32, #tpu.memory_space<vmem_shared>>
      %dma_wait3A_405 = arith.constant 0 : i32
      %dma_wait3A_406 = arith.constant 0 : i32
      %dma_wait3A_407 = tpu.memref_slice %arg11[%run_scoped3A_18, %dma_wait3A_405, %dma_wait3A_406] : memref<3x128x128xf32, #tpu.memory_space<vmem>> -> memref<1x128x128xf32, #tpu.memory_space<vmem>>
      %dma_wait3A_408 = tpu.memref_squeeze %dma_wait3A_407 : memref<1x128x128xf32, #tpu.memory_space<vmem>> -> memref<128x128xf32, #tpu.memory_space<vmem>>
      tpu.wait_dma2 semaphore(%run_scoped3A_384 : memref<!tpu.dma_semaphore, #tpu.memory_space<semaphore_mem>>) src(%dma_wait3A_408 : memref<128x128xf32, #tpu.memory_space<vmem>>) dst(%dma_wait3A_404 : memref<128x128xf32, #tpu.memory_space<vmem_shared>>)
      tpu.yield
    }) : () -> ()
    %add3A_19 = arith.constant 384 : i32
    %add3A_20 = arith.addi %mul3A_2, %add3A_19 : i32
    %run_scoped3A_21 = arith.constant 0 : i32
    "tpu.region"() ({
      %run_scoped3A_384 = tpu.sem_alloc : memref<!tpu.dma_semaphore, #tpu.memory_space<semaphore_mem>>
      %dma_start3A_385 = arith.constant 0 : i32
      %dma_start3A_386 = arith.constant 0 : i32
      %dma_start3A_387 = tpu.memref_slice %arg11[%run_scoped3A_21, %dma_start3A_385, %dma_start3A_386] : memref<3x128x128xf32, #tpu.memory_space<vmem>> -> memref<1x128x128xf32, #tpu.memory_space<vmem>>
      %dma_start3A_388 = tpu.memref_squeeze %dma_start3A_387 : memref<1x128x128xf32, #tpu.memory_space<vmem>> -> memref<128x128xf32, #tpu.memory_space<vmem>>
      %dma_start3A_389 = arith.constant 0 : i32
      %dma_start3A_390 = tpu.memref_slice %arg9[%add3A_20, %dma_start3A_389] : memref<10000x128xf32, #tpu.memory_space<vmem_shared>> -> memref<128x128xf32, #tpu.memory_space<vmem_shared>>
      %dma_start3A_391 = arith.constant 0 : i32
      %dma_start3A_392 = tpu.memref_slice %arg9[%add3A_20, %dma_start3A_391] : memref<10000x128xf32, #tpu.memory_space<vmem_shared>> -> memref<128x128xf32, #tpu.memory_space<vmem_shared>>
      %dma_start3A_393 = arith.constant 0 : i32
      %dma_start3A_394 = arith.constant 0 : i32
      %dma_start3A_395 = tpu.memref_slice %arg11[%run_scoped3A_21, %dma_start3A_393, %dma_start3A_394] : memref<3x128x128xf32, #tpu.memory_space<vmem>> -> memref<1x128x128xf32, #tpu.memory_space<vmem>>
      %dma_start3A_396 = tpu.memref_squeeze %dma_start3A_395 : memref<1x128x128xf32, #tpu.memory_space<vmem>> -> memref<128x128xf32, #tpu.memory_space<vmem>>
      tpu.enqueue_dma source(%dma_start3A_396 : memref<128x128xf32, #tpu.memory_space<vmem>>) target(%dma_start3A_392 : memref<128x128xf32, #tpu.memory_space<vmem_shared>>) target_semaphore(%run_scoped3A_384 : memref<!tpu.dma_semaphore, #tpu.memory_space<semaphore_mem>>)
      %dma_wait3A_397 = arith.constant 0 : i32
      %dma_wait3A_398 = arith.constant 0 : i32
      %dma_wait3A_399 = tpu.memref_slice %arg11[%run_scoped3A_21, %dma_wait3A_397, %dma_wait3A_398] : memref<3x128x128xf32, #tpu.memory_space<vmem>> -> memref<1x128x128xf32, #tpu.memory_space<vmem>>
      %dma_wait3A_400 = tpu.memref_squeeze %dma_wait3A_399 : memref<1x128x128xf32, #tpu.memory_space<vmem>> -> memref<128x128xf32, #tpu.memory_space<vmem>>
      %dma_wait3A_401 = arith.constant 0 : i32
      %dma_wait3A_402 = tpu.memref_slice %arg9[%add3A_20, %dma_wait3A_401] : memref<10000x128xf32, #tpu.memory_space<vmem_shared>> -> memref<128x128xf32, #tpu.memory_space<vmem_shared>>
      %dma_wait3A_403 = arith.constant 0 : i32
      %dma_wait3A_404 = tpu.memref_slice %arg9[%add3A_20, %dma_wait3A_403] : memref<10000x128xf32, #tpu.memory_space<vmem_shared>> -> memref<128x128xf32, #tpu.memory_space<vmem_shared>>
      %dma_wait3A_405 = arith.constant 0 : i32
      %dma_wait3A_406 = arith.constant 0 : i32
      %dma_wait3A_407 = tpu.memref_slice %arg11[%run_scoped3A_21, %dma_wait3A_405, %dma_wait3A_406] : memref<3x128x128xf32, #tpu.memory_space<vmem>> -> memref<1x128x128xf32, #tpu.memory_space<vmem>>
      %dma_wait3A_408 = tpu.memref_squeeze %dma_wait3A_407 : memref<1x128x128xf32, #tpu.memory_space<vmem>> -> memref<128x128xf32, #tpu.memory_space<vmem>>
      tpu.wait_dma2 semaphore(%run_scoped3A_384 : memref<!tpu.dma_semaphore, #tpu.memory_space<semaphore_mem>>) src(%dma_wait3A_408 : memref<128x128xf32, #tpu.memory_space<vmem>>) dst(%dma_wait3A_404 : memref<128x128xf32, #tpu.memory_space<vmem_shared>>)
      tpu.yield
    }) : () -> ()
    %convert_element_type3A = arith.extui %eq3A_1 : i1 to i32
    %cond3A = arith.constant 0 : i32
    %cond3A_22 = arith.cmpi ne, %convert_element_type3A, %cond3A : i32
    scf.if %cond3A_22 {
      %add3A_384 = arith.constant 512 : i32
      %add3A_385 = arith.addi %mul3A_2, %add3A_384 : i32
      %run_scoped3A_386 = arith.constant 0 : i32
      "tpu.region"() ({
        %run_scoped3A_387 = tpu.sem_alloc : memref<!tpu.dma_semaphore, #tpu.memory_space<semaphore_mem>>
        %dma_start3A_388 = arith.constant 0 : i32
        %dma_start3A_389 = arith.constant 0 : i32
        %dma_start3A_390 = tpu.memref_slice %arg11[%run_scoped3A_386, %dma_start3A_388, %dma_start3A_389] : memref<3x128x128xf32, #tpu.memory_space<vmem>> -> memref<1x128x128xf32, #tpu.memory_space<vmem>>
        %dma_start3A_391 = tpu.memref_squeeze %dma_start3A_390 : memref<1x128x128xf32, #tpu.memory_space<vmem>> -> memref<128x128xf32, #tpu.memory_space<vmem>>
        %dma_start3A_392 = arith.constant 0 : i32
        %dma_start3A_393 = tpu.memref_slice %arg9[%add3A_385, %dma_start3A_392] : memref<10000x128xf32, #tpu.memory_space<vmem_shared>> -> memref<128x128xf32, #tpu.memory_space<vmem_shared>>
        %dma_start3A_394 = arith.constant 0 : i32
        %dma_start3A_395 = tpu.memref_slice %arg9[%add3A_385, %dma_start3A_394] : memref<10000x128xf32, #tpu.memory_space<vmem_shared>> -> memref<128x128xf32, #tpu.memory_space<vmem_shared>>
        %dma_start3A_396 = arith.constant 0 : i32
        %dma_start3A_397 = arith.constant 0 : i32
        %dma_start3A_398 = tpu.memref_slice %arg11[%run_scoped3A_386, %dma_start3A_396, %dma_start3A_397] : memref<3x128x128xf32, #tpu.memory_space<vmem>> -> memref<1x128x128xf32, #tpu.memory_space<vmem>>
        %dma_start3A_399 = tpu.memref_squeeze %dma_start3A_398 : memref<1x128x128xf32, #tpu.memory_space<vmem>> -> memref<128x128xf32, #tpu.memory_space<vmem>>
        tpu.enqueue_dma source(%dma_start3A_399 : memref<128x128xf32, #tpu.memory_space<vmem>>) target(%dma_start3A_395 : memref<128x128xf32, #tpu.memory_space<vmem_shared>>) target_semaphore(%run_scoped3A_387 : memref<!tpu.dma_semaphore, #tpu.memory_space<semaphore_mem>>)
        %dma_wait3A_400 = arith.constant 0 : i32
        %dma_wait3A_401 = arith.constant 0 : i32
        %dma_wait3A_402 = tpu.memref_slice %arg11[%run_scoped3A_386, %dma_wait3A_400, %dma_wait3A_401] : memref<3x128x128xf32, #tpu.memory_space<vmem>> -> memref<1x128x128xf32, #tpu.memory_space<vmem>>
        %dma_wait3A_403 = tpu.memref_squeeze %dma_wait3A_402 : memref<1x128x128xf32, #tpu.memory_space<vmem>> -> memref<128x128xf32, #tpu.memory_space<vmem>>
        %dma_wait3A_404 = arith.constant 0 : i32
        %dma_wait3A_405 = tpu.memref_slice %arg9[%add3A_385, %dma_wait3A_404] : memref<10000x128xf32, #tpu.memory_space<vmem_shared>> -> memref<128x128xf32, #tpu.memory_space<vmem_shared>>
        %dma_wait3A_406 = arith.constant 0 : i32
        %dma_wait3A_407 = tpu.memref_slice %arg9[%add3A_385, %dma_wait3A_406] : memref<10000x128xf32, #tpu.memory_space<vmem_shared>> -> memref<128x128xf32, #tpu.memory_space<vmem_shared>>
        %dma_wait3A_408 = arith.constant 0 : i32
        %dma_wait3A_409 = arith.constant 0 : i32
        %dma_wait3A_410 = tpu.memref_slice %arg11[%run_scoped3A_386, %dma_wait3A_408, %dma_wait3A_409] : memref<3x128x128xf32, #tpu.memory_space<vmem>> -> memref<1x128x128xf32, #tpu.memory_space<vmem>>
        %dma_wait3A_411 = tpu.memref_squeeze %dma_wait3A_410 : memref<1x128x128xf32, #tpu.memory_space<vmem>> -> memref<128x128xf32, #tpu.memory_space<vmem>>
        tpu.wait_dma2 semaphore(%run_scoped3A_387 : memref<!tpu.dma_semaphore, #tpu.memory_space<semaphore_mem>>) src(%dma_wait3A_411 : memref<128x128xf32, #tpu.memory_space<vmem>>) dst(%dma_wait3A_407 : memref<128x128xf32, #tpu.memory_space<vmem_shared>>)
        tpu.yield
      }) : () -> ()
    } else {
    }
    %not3A = arith.constant true
    %not3A_23 = arith.xori %eq3A_1, %not3A : i1
    %convert_element_type3A_24 = arith.extui %not3A_23 : i1 to i32
    %cond3A_25 = arith.constant 0 : i32
    %cond3A_26 = arith.cmpi ne, %convert_element_type3A_24, %cond3A_25 : i32
    scf.if %cond3A_26 {
      %add3A_384 = arith.constant 512 : i32
      %add3A_385 = arith.addi %mul3A_2, %add3A_384 : i32
      %run_scoped3A_386 = arith.constant 0 : i32
      "tpu.region"() ({
        %run_scoped3A_387 = tpu.sem_alloc : memref<!tpu.dma_semaphore, #tpu.memory_space<semaphore_mem>>
        %dma_start3A_388 = arith.constant 0 : i32
        %dma_start3A_389 = arith.constant 0 : i32
        %dma_start3A_390 = tpu.memref_slice %arg11[%run_scoped3A_386, %dma_start3A_388, %dma_start3A_389] : memref<3x128x128xf32, #tpu.memory_space<vmem>> -> memref<1x112x128xf32, #tpu.memory_space<vmem>>
        %dma_start3A_391 = tpu.memref_squeeze %dma_start3A_390 : memref<1x112x128xf32, #tpu.memory_space<vmem>> -> memref<112x128xf32, #tpu.memory_space<vmem>>
        %dma_start3A_392 = arith.constant 0 : i32
        %dma_start3A_393 = tpu.memref_slice %arg9[%add3A_385, %dma_start3A_392] : memref<10000x128xf32, #tpu.memory_space<vmem_shared>> -> memref<112x128xf32, #tpu.memory_space<vmem_shared>>
        %dma_start3A_394 = arith.constant 0 : i32
        %dma_start3A_395 = tpu.memref_slice %arg9[%add3A_385, %dma_start3A_394] : memref<10000x128xf32, #tpu.memory_space<vmem_shared>> -> memref<112x128xf32, #tpu.memory_space<vmem_shared>>
        %dma_start3A_396 = arith.constant 0 : i32
        %dma_start3A_397 = arith.constant 0 : i32
        %dma_start3A_398 = tpu.memref_slice %arg11[%run_scoped3A_386, %dma_start3A_396, %dma_start3A_397] : memref<3x128x128xf32, #tpu.memory_space<vmem>> -> memref<1x112x128xf32, #tpu.memory_space<vmem>>
        %dma_start3A_399 = tpu.memref_squeeze %dma_start3A_398 : memref<1x112x128xf32, #tpu.memory_space<vmem>> -> memref<112x128xf32, #tpu.memory_space<vmem>>
        tpu.enqueue_dma source(%dma_start3A_399 : memref<112x128xf32, #tpu.memory_space<vmem>>) target(%dma_start3A_395 : memref<112x128xf32, #tpu.memory_space<vmem_shared>>) target_semaphore(%run_scoped3A_387 : memref<!tpu.dma_semaphore, #tpu.memory_space<semaphore_mem>>)
        %dma_wait3A_400 = arith.constant 0 : i32
        %dma_wait3A_401 = arith.constant 0 : i32
        %dma_wait3A_402 = tpu.memref_slice %arg11[%run_scoped3A_386, %dma_wait3A_400, %dma_wait3A_401] : memref<3x128x128xf32, #tpu.memory_space<vmem>> -> memref<1x112x128xf32, #tpu.memory_space<vmem>>
        %dma_wait3A_403 = tpu.memref_squeeze %dma_wait3A_402 : memref<1x112x128xf32, #tpu.memory_space<vmem>> -> memref<112x128xf32, #tpu.memory_space<vmem>>
        %dma_wait3A_404 = arith.constant 0 : i32
        %dma_wait3A_405 = tpu.memref_slice %arg9[%add3A_385, %dma_wait3A_404] : memref<10000x128xf32, #tpu.memory_space<vmem_shared>> -> memref<112x128xf32, #tpu.memory_space<vmem_shared>>
        %dma_wait3A_406 = arith.constant 0 : i32
        %dma_wait3A_407 = tpu.memref_slice %arg9[%add3A_385, %dma_wait3A_406] : memref<10000x128xf32, #tpu.memory_space<vmem_shared>> -> memref<112x128xf32, #tpu.memory_space<vmem_shared>>
        %dma_wait3A_408 = arith.constant 0 : i32
        %dma_wait3A_409 = arith.constant 0 : i32
        %dma_wait3A_410 = tpu.memref_slice %arg11[%run_scoped3A_386, %dma_wait3A_408, %dma_wait3A_409] : memref<3x128x128xf32, #tpu.memory_space<vmem>> -> memref<1x112x128xf32, #tpu.memory_space<vmem>>
        %dma_wait3A_411 = tpu.memref_squeeze %dma_wait3A_410 : memref<1x112x128xf32, #tpu.memory_space<vmem>> -> memref<112x128xf32, #tpu.memory_space<vmem>>
        tpu.wait_dma2 semaphore(%run_scoped3A_387 : memref<!tpu.dma_semaphore, #tpu.memory_space<semaphore_mem>>) src(%dma_wait3A_411 : memref<112x128xf32, #tpu.memory_space<vmem>>) dst(%dma_wait3A_407 : memref<112x128xf32, #tpu.memory_space<vmem_shared>>)
        tpu.yield
      }) : () -> ()
    } else {
    }
    %barrier3A = arith.constant 0 : index
    tpu.barrier barrier_id(%barrier3A)
    %mul3A_27 = arith.constant 1250 : i32
    %mul3A_28 = arith.muli %arg0, %mul3A_27 : i32
    %add3A_29 = arith.addi %mul3A_28, %arg1 : i32
    %add3A_30 = arith.constant 0 : i32
    %add3A_31 = arith.addi %add3A_29, %add3A_30 : i32
    %run_scoped3A_32 = arith.constant 0 : i32
    "tpu.region"() ({
      %run_scoped3A_384 = tpu.sem_alloc : memref<!tpu.dma_semaphore, #tpu.memory_space<semaphore_mem>>
      %dma_start3A_385 = arith.constant 0 : i32
      %dma_start3A_386 = arith.constant 0 : i32
      %dma_start3A_387 = tpu.memref_slice %arg10[%run_scoped3A_32, %dma_start3A_385, %dma_start3A_386] : memref<4x2x128xi32, #tpu.memory_space<vmem>> -> memref<1x2x128xi32, #tpu.memory_space<vmem>>
      %dma_start3A_388 = tpu.memref_squeeze %dma_start3A_387 : memref<1x2x128xi32, #tpu.memory_space<vmem>> -> memref<2x128xi32, #tpu.memory_space<vmem>>
      %dma_start3A_389 = arith.constant 0 : i32
      %dma_start3A_390 = arith.constant 0 : i32
      %dma_start3A_391 = tpu.memref_slice %arg5[%add3A_31, %dma_start3A_389, %dma_start3A_390] : memref<2500x2x128xi32, #tpu.memory_space<hbm>> -> memref<1x2x128xi32, #tpu.memory_space<hbm>>
      %dma_start3A_392 = tpu.memref_squeeze %dma_start3A_391 : memref<1x2x128xi32, #tpu.memory_space<hbm>> -> memref<2x128xi32, #tpu.memory_space<hbm>>
      %dma_start3A_393 = arith.constant 0 : i32
      %dma_start3A_394 = arith.constant 0 : i32
      %dma_start3A_395 = tpu.memref_slice %arg10[%run_scoped3A_32, %dma_start3A_393, %dma_start3A_394] : memref<4x2x128xi32, #tpu.memory_space<vmem>> -> memref<1x2x128xi32, #tpu.memory_space<vmem>>
      %dma_start3A_396 = tpu.memref_squeeze %dma_start3A_395 : memref<1x2x128xi32, #tpu.memory_space<vmem>> -> memref<2x128xi32, #tpu.memory_space<vmem>>
      %dma_start3A_397 = arith.constant 0 : i32
      %dma_start3A_398 = arith.constant 0 : i32
      %dma_start3A_399 = tpu.memref_slice %arg5[%add3A_31, %dma_start3A_397, %dma_start3A_398] : memref<2500x2x128xi32, #tpu.memory_space<hbm>> -> memref<1x2x128xi32, #tpu.memory_space<hbm>>
      %dma_start3A_400 = tpu.memref_squeeze %dma_start3A_399 : memref<1x2x128xi32, #tpu.memory_space<hbm>> -> memref<2x128xi32, #tpu.memory_space<hbm>>
      tpu.enqueue_dma source(%dma_start3A_400 : memref<2x128xi32, #tpu.memory_space<hbm>>) target(%dma_start3A_396 : memref<2x128xi32, #tpu.memory_space<vmem>>) target_semaphore(%run_scoped3A_384 : memref<!tpu.dma_semaphore, #tpu.memory_space<semaphore_mem>>)
      %dma_wait3A_401 = arith.constant 0 : i32
      %dma_wait3A_402 = arith.constant 0 : i32
      %dma_wait3A_403 = tpu.memref_slice %arg10[%run_scoped3A_32, %dma_wait3A_401, %dma_wait3A_402] : memref<4x2x128xi32, #tpu.memory_space<vmem>> -> memref<1x2x128xi32, #tpu.memory_space<vmem>>
      %dma_wait3A_404 = tpu.memref_squeeze %dma_wait3A_403 : memref<1x2x128xi32, #tpu.memory_space<vmem>> -> memref<2x128xi32, #tpu.memory_space<vmem>>
      %dma_wait3A_405 = arith.constant 0 : i32
      %dma_wait3A_406 = arith.constant 0 : i32
      %dma_wait3A_407 = tpu.memref_slice %arg5[%add3A_31, %dma_wait3A_405, %dma_wait3A_406] : memref<2500x2x128xi32, #tpu.memory_space<hbm>> -> memref<1x2x128xi32, #tpu.memory_space<hbm>>
      %dma_wait3A_408 = tpu.memref_squeeze %dma_wait3A_407 : memref<1x2x128xi32, #tpu.memory_space<hbm>> -> memref<2x128xi32, #tpu.memory_space<hbm>>
      %dma_wait3A_409 = arith.constant 0 : i32
      %dma_wait3A_410 = arith.constant 0 : i32
      %dma_wait3A_411 = tpu.memref_slice %arg10[%run_scoped3A_32, %dma_wait3A_409, %dma_wait3A_410] : memref<4x2x128xi32, #tpu.memory_space<vmem>> -> memref<1x2x128xi32, #tpu.memory_space<vmem>>
      %dma_wait3A_412 = tpu.memref_squeeze %dma_wait3A_411 : memref<1x2x128xi32, #tpu.memory_space<vmem>> -> memref<2x128xi32, #tpu.memory_space<vmem>>
      %dma_wait3A_413 = arith.constant 0 : i32
      %dma_wait3A_414 = arith.constant 0 : i32
      %dma_wait3A_415 = tpu.memref_slice %arg5[%add3A_31, %dma_wait3A_413, %dma_wait3A_414] : memref<2500x2x128xi32, #tpu.memory_space<hbm>> -> memref<1x2x128xi32, #tpu.memory_space<hbm>>
      %dma_wait3A_416 = tpu.memref_squeeze %dma_wait3A_415 : memref<1x2x128xi32, #tpu.memory_space<hbm>> -> memref<2x128xi32, #tpu.memory_space<hbm>>
      tpu.wait_dma2 semaphore(%run_scoped3A_384 : memref<!tpu.dma_semaphore, #tpu.memory_space<semaphore_mem>>) src(%dma_wait3A_416 : memref<2x128xi32, #tpu.memory_space<hbm>>) dst(%dma_wait3A_412 : memref<2x128xi32, #tpu.memory_space<vmem>>)
      tpu.yield
    }) : () -> ()
    %add3A_33 = arith.constant 16 : i32
    %add3A_34 = arith.addi %add3A_29, %add3A_33 : i32
    %run_scoped3A_35 = arith.constant 1 : i32
    "tpu.region"() ({
      %run_scoped3A_384 = tpu.sem_alloc : memref<!tpu.dma_semaphore, #tpu.memory_space<semaphore_mem>>
      %dma_start3A_385 = arith.constant 0 : i32
      %dma_start3A_386 = arith.constant 0 : i32
      %dma_start3A_387 = tpu.memref_slice %arg10[%run_scoped3A_35, %dma_start3A_385, %dma_start3A_386] : memref<4x2x128xi32, #tpu.memory_space<vmem>> -> memref<1x2x128xi32, #tpu.memory_space<vmem>>
      %dma_start3A_388 = tpu.memref_squeeze %dma_start3A_387 : memref<1x2x128xi32, #tpu.memory_space<vmem>> -> memref<2x128xi32, #tpu.memory_space<vmem>>
      %dma_start3A_389 = arith.constant 0 : i32
      %dma_start3A_390 = arith.constant 0 : i32
      %dma_start3A_391 = tpu.memref_slice %arg5[%add3A_34, %dma_start3A_389, %dma_start3A_390] : memref<2500x2x128xi32, #tpu.memory_space<hbm>> -> memref<1x2x128xi32, #tpu.memory_space<hbm>>
      %dma_start3A_392 = tpu.memref_squeeze %dma_start3A_391 : memref<1x2x128xi32, #tpu.memory_space<hbm>> -> memref<2x128xi32, #tpu.memory_space<hbm>>
      %dma_start3A_393 = arith.constant 0 : i32
      %dma_start3A_394 = arith.constant 0 : i32
      %dma_start3A_395 = tpu.memref_slice %arg10[%run_scoped3A_35, %dma_start3A_393, %dma_start3A_394] : memref<4x2x128xi32, #tpu.memory_space<vmem>> -> memref<1x2x128xi32, #tpu.memory_space<vmem>>
      %dma_start3A_396 = tpu.memref_squeeze %dma_start3A_395 : memref<1x2x128xi32, #tpu.memory_space<vmem>> -> memref<2x128xi32, #tpu.memory_space<vmem>>
      %dma_start3A_397 = arith.constant 0 : i32
      %dma_start3A_398 = arith.constant 0 : i32
      %dma_start3A_399 = tpu.memref_slice %arg5[%add3A_34, %dma_start3A_397, %dma_start3A_398] : memref<2500x2x128xi32, #tpu.memory_space<hbm>> -> memref<1x2x128xi32, #tpu.memory_space<hbm>>
      %dma_start3A_400 = tpu.memref_squeeze %dma_start3A_399 : memref<1x2x128xi32, #tpu.memory_space<hbm>> -> memref<2x128xi32, #tpu.memory_space<hbm>>
      tpu.enqueue_dma source(%dma_start3A_400 : memref<2x128xi32, #tpu.memory_space<hbm>>) target(%dma_start3A_396 : memref<2x128xi32, #tpu.memory_space<vmem>>) target_semaphore(%run_scoped3A_384 : memref<!tpu.dma_semaphore, #tpu.memory_space<semaphore_mem>>)
      %dma_wait3A_401 = arith.constant 0 : i32
      %dma_wait3A_402 = arith.constant 0 : i32
      %dma_wait3A_403 = tpu.memref_slice %arg10[%run_scoped3A_35, %dma_wait3A_401, %dma_wait3A_402] : memref<4x2x128xi32, #tpu.memory_space<vmem>> -> memref<1x2x128xi32, #tpu.memory_space<vmem>>
      %dma_wait3A_404 = tpu.memref_squeeze %dma_wait3A_403 : memref<1x2x128xi32, #tpu.memory_space<vmem>> -> memref<2x128xi32, #tpu.memory_space<vmem>>
      %dma_wait3A_405 = arith.constant 0 : i32
      %dma_wait3A_406 = arith.constant 0 : i32
      %dma_wait3A_407 = tpu.memref_slice %arg5[%add3A_34, %dma_wait3A_405, %dma_wait3A_406] : memref<2500x2x128xi32, #tpu.memory_space<hbm>> -> memref<1x2x128xi32, #tpu.memory_space<hbm>>
      %dma_wait3A_408 = tpu.memref_squeeze %dma_wait3A_407 : memref<1x2x128xi32, #tpu.memory_space<hbm>> -> memref<2x128xi32, #tpu.memory_space<hbm>>
      %dma_wait3A_409 = arith.constant 0 : i32
      %dma_wait3A_410 = arith.constant 0 : i32
      %dma_wait3A_411 = tpu.memref_slice %arg10[%run_scoped3A_35, %dma_wait3A_409, %dma_wait3A_410] : memref<4x2x128xi32, #tpu.memory_space<vmem>> -> memref<1x2x128xi32, #tpu.memory_space<vmem>>
      %dma_wait3A_412 = tpu.memref_squeeze %dma_wait3A_411 : memref<1x2x128xi32, #tpu.memory_space<vmem>> -> memref<2x128xi32, #tpu.memory_space<vmem>>
      %dma_wait3A_413 = arith.constant 0 : i32
      %dma_wait3A_414 = arith.constant 0 : i32
      %dma_wait3A_415 = tpu.memref_slice %arg5[%add3A_34, %dma_wait3A_413, %dma_wait3A_414] : memref<2500x2x128xi32, #tpu.memory_space<hbm>> -> memref<1x2x128xi32, #tpu.memory_space<hbm>>
      %dma_wait3A_416 = tpu.memref_squeeze %dma_wait3A_415 : memref<1x2x128xi32, #tpu.memory_space<hbm>> -> memref<2x128xi32, #tpu.memory_space<hbm>>
      tpu.wait_dma2 semaphore(%run_scoped3A_384 : memref<!tpu.dma_semaphore, #tpu.memory_space<semaphore_mem>>) src(%dma_wait3A_416 : memref<2x128xi32, #tpu.memory_space<hbm>>) dst(%dma_wait3A_412 : memref<2x128xi32, #tpu.memory_space<vmem>>)
      tpu.yield
    }) : () -> ()
    %add3A_36 = arith.constant 32 : i32
    %add3A_37 = arith.addi %add3A_29, %add3A_36 : i32
    %run_scoped3A_38 = arith.constant 2 : i32
    "tpu.region"() ({
      %run_scoped3A_384 = tpu.sem_alloc : memref<!tpu.dma_semaphore, #tpu.memory_space<semaphore_mem>>
      %dma_start3A_385 = arith.constant 0 : i32
      %dma_start3A_386 = arith.constant 0 : i32
      %dma_start3A_387 = tpu.memref_slice %arg10[%run_scoped3A_38, %dma_start3A_385, %dma_start3A_386] : memref<4x2x128xi32, #tpu.memory_space<vmem>> -> memref<1x2x128xi32, #tpu.memory_space<vmem>>
      %dma_start3A_388 = tpu.memref_squeeze %dma_start3A_387 : memref<1x2x128xi32, #tpu.memory_space<vmem>> -> memref<2x128xi32, #tpu.memory_space<vmem>>
      %dma_start3A_389 = arith.constant 0 : i32
      %dma_start3A_390 = arith.constant 0 : i32
      %dma_start3A_391 = tpu.memref_slice %arg5[%add3A_37, %dma_start3A_389, %dma_start3A_390] : memref<2500x2x128xi32, #tpu.memory_space<hbm>> -> memref<1x2x128xi32, #tpu.memory_space<hbm>>
      %dma_start3A_392 = tpu.memref_squeeze %dma_start3A_391 : memref<1x2x128xi32, #tpu.memory_space<hbm>> -> memref<2x128xi32, #tpu.memory_space<hbm>>
      %dma_start3A_393 = arith.constant 0 : i32
      %dma_start3A_394 = arith.constant 0 : i32
      %dma_start3A_395 = tpu.memref_slice %arg10[%run_scoped3A_38, %dma_start3A_393, %dma_start3A_394] : memref<4x2x128xi32, #tpu.memory_space<vmem>> -> memref<1x2x128xi32, #tpu.memory_space<vmem>>
      %dma_start3A_396 = tpu.memref_squeeze %dma_start3A_395 : memref<1x2x128xi32, #tpu.memory_space<vmem>> -> memref<2x128xi32, #tpu.memory_space<vmem>>
      %dma_start3A_397 = arith.constant 0 : i32
      %dma_start3A_398 = arith.constant 0 : i32
      %dma_start3A_399 = tpu.memref_slice %arg5[%add3A_37, %dma_start3A_397, %dma_start3A_398] : memref<2500x2x128xi32, #tpu.memory_space<hbm>> -> memref<1x2x128xi32, #tpu.memory_space<hbm>>
      %dma_start3A_400 = tpu.memref_squeeze %dma_start3A_399 : memref<1x2x128xi32, #tpu.memory_space<hbm>> -> memref<2x128xi32, #tpu.memory_space<hbm>>
      tpu.enqueue_dma source(%dma_start3A_400 : memref<2x128xi32, #tpu.memory_space<hbm>>) target(%dma_start3A_396 : memref<2x128xi32, #tpu.memory_space<vmem>>) target_semaphore(%run_scoped3A_384 : memref<!tpu.dma_semaphore, #tpu.memory_space<semaphore_mem>>)
      %dma_wait3A_401 = arith.constant 0 : i32
      %dma_wait3A_402 = arith.constant 0 : i32
      %dma_wait3A_403 = tpu.memref_slice %arg10[%run_scoped3A_38, %dma_wait3A_401, %dma_wait3A_402] : memref<4x2x128xi32, #tpu.memory_space<vmem>> -> memref<1x2x128xi32, #tpu.memory_space<vmem>>
      %dma_wait3A_404 = tpu.memref_squeeze %dma_wait3A_403 : memref<1x2x128xi32, #tpu.memory_space<vmem>> -> memref<2x128xi32, #tpu.memory_space<vmem>>
      %dma_wait3A_405 = arith.constant 0 : i32
      %dma_wait3A_406 = arith.constant 0 : i32
      %dma_wait3A_407 = tpu.memref_slice %arg5[%add3A_37, %dma_wait3A_405, %dma_wait3A_406] : memref<2500x2x128xi32, #tpu.memory_space<hbm>> -> memref<1x2x128xi32, #tpu.memory_space<hbm>>
      %dma_wait3A_408 = tpu.memref_squeeze %dma_wait3A_407 : memref<1x2x128xi32, #tpu.memory_space<hbm>> -> memref<2x128xi32, #tpu.memory_space<hbm>>
      %dma_wait3A_409 = arith.constant 0 : i32
      %dma_wait3A_410 = arith.constant 0 : i32
      %dma_wait3A_411 = tpu.memref_slice %arg10[%run_scoped3A_38, %dma_wait3A_409, %dma_wait3A_410] : memref<4x2x128xi32, #tpu.memory_space<vmem>> -> memref<1x2x128xi32, #tpu.memory_space<vmem>>
      %dma_wait3A_412 = tpu.memref_squeeze %dma_wait3A_411 : memref<1x2x128xi32, #tpu.memory_space<vmem>> -> memref<2x128xi32, #tpu.memory_space<vmem>>
      %dma_wait3A_413 = arith.constant 0 : i32
      %dma_wait3A_414 = arith.constant 0 : i32
      %dma_wait3A_415 = tpu.memref_slice %arg5[%add3A_37, %dma_wait3A_413, %dma_wait3A_414] : memref<2500x2x128xi32, #tpu.memory_space<hbm>> -> memref<1x2x128xi32, #tpu.memory_space<hbm>>
      %dma_wait3A_416 = tpu.memref_squeeze %dma_wait3A_415 : memref<1x2x128xi32, #tpu.memory_space<hbm>> -> memref<2x128xi32, #tpu.memory_space<hbm>>
      tpu.wait_dma2 semaphore(%run_scoped3A_384 : memref<!tpu.dma_semaphore, #tpu.memory_space<semaphore_mem>>) src(%dma_wait3A_416 : memref<2x128xi32, #tpu.memory_space<hbm>>) dst(%dma_wait3A_412 : memref<2x128xi32, #tpu.memory_space<vmem>>)
      tpu.yield
    }) : () -> ()
    %dma_start3A = arith.constant 0 : i32
    %dma_start3A_39 = arith.constant 0 : i32
    %dma_start3A_40 = arith.constant 0 : i32
    %dma_start3A_41 = arith.constant 0 : i32
    %dma_start3A_42 = arith.constant 0 : i32
    %dma_start3A_43 = tpu.memref_slice %arg11[%dma_start3A_40, %dma_start3A_41, %dma_start3A_42] : memref<3x128x128xf32, #tpu.memory_space<vmem>> -> memref<1x128x128xf32, #tpu.memory_space<vmem>>
    %dma_start3A_44 = tpu.memref_squeeze %dma_start3A_43 : memref<1x128x128xf32, #tpu.memory_space<vmem>> -> memref<128x128xf32, #tpu.memory_space<vmem>>
    %dma_start3A_45 = arith.constant 0 : i32
    %dma_start3A_46 = tpu.memref_slice %arg10[%dma_start3A, %dma_start3A_39, %dma_start3A_45] : memref<4x2x128xi32, #tpu.memory_space<vmem>> -> memref<1x1x128xi32, #tpu.memory_space<vmem>>
    %dma_start3A_47 = tpu.memref_squeeze %dma_start3A_46 : memref<1x1x128xi32, #tpu.memory_space<vmem>> -> memref<128xi32, #tpu.memory_space<vmem>>
    %dma_start3A_48 = arith.constant 0 : i32
    %dma_start3A_49 = arith.constant 0 : i32
    %dma_start3A_50 = tpu.memref_slice %arg2[%dma_start3A_48, %dma_start3A_49] : memref<10240x128xf32, #tpu.memory_space<hbm>> -> memref<10240x128xf32, #tpu.memory_space<hbm>>
    tpu.enqueue_indirect_dma source(%dma_start3A_50 : memref<10240x128xf32, #tpu.memory_space<hbm>>) target(%dma_start3A_44 : memref<128x128xf32, #tpu.memory_space<vmem>>) offsets(%dma_start3A_47 : memref<128xi32, #tpu.memory_space<vmem>>) semaphore(%arg12 : memref<!tpu.dma_semaphore, #tpu.memory_space<semaphore_mem>>)
    %dma_start3A_51 = arith.constant 1 : i32
    %dma_start3A_52 = arith.constant 0 : i32
    %dma_start3A_53 = arith.constant 1 : i32
    %dma_start3A_54 = arith.constant 0 : i32
    %dma_start3A_55 = arith.constant 0 : i32
    %dma_start3A_56 = tpu.memref_slice %arg11[%dma_start3A_53, %dma_start3A_54, %dma_start3A_55] : memref<3x128x128xf32, #tpu.memory_space<vmem>> -> memref<1x128x128xf32, #tpu.memory_space<vmem>>
    %dma_start3A_57 = tpu.memref_squeeze %dma_start3A_56 : memref<1x128x128xf32, #tpu.memory_space<vmem>> -> memref<128x128xf32, #tpu.memory_space<vmem>>
    %dma_start3A_58 = arith.constant 0 : i32
    %dma_start3A_59 = tpu.memref_slice %arg10[%dma_start3A_51, %dma_start3A_52, %dma_start3A_58] : memref<4x2x128xi32, #tpu.memory_space<vmem>> -> memref<1x1x128xi32, #tpu.memory_space<vmem>>
    %dma_start3A_60 = tpu.memref_squeeze %dma_start3A_59 : memref<1x1x128xi32, #tpu.memory_space<vmem>> -> memref<128xi32, #tpu.memory_space<vmem>>
    %dma_start3A_61 = arith.constant 0 : i32
    %dma_start3A_62 = arith.constant 0 : i32
    %dma_start3A_63 = tpu.memref_slice %arg2[%dma_start3A_61, %dma_start3A_62] : memref<10240x128xf32, #tpu.memory_space<hbm>> -> memref<10240x128xf32, #tpu.memory_space<hbm>>
    tpu.enqueue_indirect_dma source(%dma_start3A_63 : memref<10240x128xf32, #tpu.memory_space<hbm>>) target(%dma_start3A_57 : memref<128x128xf32, #tpu.memory_space<vmem>>) offsets(%dma_start3A_60 : memref<128xi32, #tpu.memory_space<vmem>>) semaphore(%arg12 : memref<!tpu.dma_semaphore, #tpu.memory_space<semaphore_mem>>)
    %while3A = arith.constant 0 : i32
    %while3A_64 = arith.constant 0 : i32
    %while3A_65 = arith.subi %add3A_5, %while3A_64 : i32
    %while3A_66 = arith.addi %while3A_64, %while3A_65 : i32
    %while3A_67 = arith.constant 1 : i32
    %while3A_68 = arith.divsi %while3A_65, %while3A_67 : i32
    %while3A_69 = arith.muli %while3A_68, %while3A_67 : i32
    %while3A_70 = arith.addi %while3A_64, %while3A_69 : i32
    %while3A_71 = arith.constant 1 : i32
    scf.for %while3A_384 = %while3A_64 to %while3A_70 step %while3A_71  : i32 {
      %rem3A = arith.constant 3 : i32
      %rem3A_385 = arith.remsi %while3A_384, %rem3A : i32
      %rem3A_386 = arith.constant 4 : i32
      %rem3A_387 = arith.remsi %while3A_384, %rem3A_386 : i32
      %ge3A = arith.constant 1 : i32
      %ge3A_388 = arith.cmpi sge, %while3A_384, %ge3A : i32
      %add3A_389 = arith.constant 2 : i32
      %add3A_390 = arith.addi %while3A_384, %add3A_389 : i32
      %lt3A_391 = arith.cmpi slt, %add3A_390, %add3A_5 : i32
      %and3A = arith.andi %ge3A_388, %lt3A_391 : i1
      %convert_element_type3A_392 = arith.extui %and3A : i1 to i32
      %cond3A_393 = arith.constant 0 : i32
      %cond3A_394 = arith.cmpi ne, %convert_element_type3A_392, %cond3A_393 : i32
      scf.if %cond3A_394 {
        %dma_wait3A_432 = arith.constant 0 : i32
        %dma_wait3A_433 = arith.constant 0 : i32
        %dma_wait3A_434 = arith.constant 0 : i32
        %dma_wait3A_435 = tpu.memref_slice %arg10[%dma_wait3A_432, %dma_wait3A_433, %dma_wait3A_434] : memref<4x2x128xi32, #tpu.memory_space<vmem>> -> memref<1x2x128xi32, #tpu.memory_space<vmem>>
        %dma_wait3A_436 = tpu.memref_squeeze %dma_wait3A_435 : memref<1x2x128xi32, #tpu.memory_space<vmem>> -> memref<2x128xi32, #tpu.memory_space<vmem>>
        %dma_wait3A_437 = arith.constant 0 : i32
        %dma_wait3A_438 = arith.constant 0 : i32
        %dma_wait3A_439 = tpu.memref_slice %arg5[%add3A_29, %dma_wait3A_437, %dma_wait3A_438] : memref<2500x2x128xi32, #tpu.memory_space<hbm>> -> memref<1x2x128xi32, #tpu.memory_space<hbm>>
        %dma_wait3A_440 = tpu.memref_squeeze %dma_wait3A_439 : memref<1x2x128xi32, #tpu.memory_space<hbm>> -> memref<2x128xi32, #tpu.memory_space<hbm>>
        %dma_wait3A_441 = arith.constant 0 : i32
        %dma_wait3A_442 = arith.constant 0 : i32
        %dma_wait3A_443 = tpu.memref_slice %arg10[%dma_wait3A_432, %dma_wait3A_441, %dma_wait3A_442] : memref<4x2x128xi32, #tpu.memory_space<vmem>> -> memref<1x2x128xi32, #tpu.memory_space<vmem>>
        %dma_wait3A_444 = tpu.memref_squeeze %dma_wait3A_443 : memref<1x2x128xi32, #tpu.memory_space<vmem>> -> memref<2x128xi32, #tpu.memory_space<vmem>>
        %dma_wait3A_445 = arith.constant 0 : i32
        %dma_wait3A_446 = arith.constant 0 : i32
        %dma_wait3A_447 = tpu.memref_slice %arg5[%add3A_29, %dma_wait3A_445, %dma_wait3A_446] : memref<2500x2x128xi32, #tpu.memory_space<hbm>> -> memref<1x2x128xi32, #tpu.memory_space<hbm>>
        %dma_wait3A_448 = tpu.memref_squeeze %dma_wait3A_447 : memref<1x2x128xi32, #tpu.memory_space<hbm>> -> memref<2x128xi32, #tpu.memory_space<hbm>>
        tpu.wait_dma2 semaphore(%arg13 : memref<!tpu.dma_semaphore, #tpu.memory_space<semaphore_mem>>) src(%dma_wait3A_448 : memref<2x128xi32, #tpu.memory_space<hbm>>) dst(%dma_wait3A_444 : memref<2x128xi32, #tpu.memory_space<vmem>>)
        %dma_wait3A_449 = arith.constant 0 : i32
        %dma_wait3A_450 = arith.constant 0 : i32
        %dma_wait3A_451 = arith.constant 0 : i32
        %dma_wait3A_452 = tpu.memref_slice %arg11[%dma_wait3A_449, %dma_wait3A_450, %dma_wait3A_451] : memref<3x128x128xf32, #tpu.memory_space<vmem>> -> memref<1x128x128xf32, #tpu.memory_space<vmem>>
        %dma_wait3A_453 = tpu.memref_squeeze %dma_wait3A_452 : memref<1x128x128xf32, #tpu.memory_space<vmem>> -> memref<128x128xf32, #tpu.memory_space<vmem>>
        %dma_wait3A_454 = arith.constant 0 : i32
        %dma_wait3A_455 = arith.constant 0 : i32
        %dma_wait3A_456 = tpu.memref_slice %arg2[%dma_wait3A_454, %dma_wait3A_455] : memref<10240x128xf32, #tpu.memory_space<hbm>> -> memref<128x128xf32, #tpu.memory_space<hbm>>
        %dma_wait3A_457 = arith.constant 0 : i32
        %dma_wait3A_458 = arith.constant 0 : i32
        %dma_wait3A_459 = tpu.memref_slice %arg11[%dma_wait3A_449, %dma_wait3A_457, %dma_wait3A_458] : memref<3x128x128xf32, #tpu.memory_space<vmem>> -> memref<1x128x128xf32, #tpu.memory_space<vmem>>
        %dma_wait3A_460 = tpu.memref_squeeze %dma_wait3A_459 : memref<1x128x128xf32, #tpu.memory_space<vmem>> -> memref<128x128xf32, #tpu.memory_space<vmem>>
        %dma_wait3A_461 = arith.constant 0 : i32
        %dma_wait3A_462 = arith.constant 0 : i32
        %dma_wait3A_463 = tpu.memref_slice %arg2[%dma_wait3A_461, %dma_wait3A_462] : memref<10240x128xf32, #tpu.memory_space<hbm>> -> memref<128x128xf32, #tpu.memory_space<hbm>>
        tpu.wait_dma2 semaphore(%arg14 : memref<!tpu.dma_semaphore, #tpu.memory_space<semaphore_mem>>) src(%dma_wait3A_463 : memref<128x128xf32, #tpu.memory_space<hbm>>) dst(%dma_wait3A_460 : memref<128x128xf32, #tpu.memory_space<vmem>>)
      } else {
      }
      %add3A_395 = arith.constant 2 : i32
      %add3A_396 = arith.addi %while3A_384, %add3A_395 : i32
      %lt3A_397 = arith.cmpi slt, %add3A_396, %add3A_5 : i32
      %convert_element_type3A_398 = arith.extui %lt3A_397 : i1 to i32
      %cond3A_399 = arith.constant 0 : i32
      %cond3A_400 = arith.cmpi ne, %convert_element_type3A_398, %cond3A_399 : i32
      scf.if %cond3A_400 {
        %add3A_432 = arith.constant 2 : i32
        %add3A_433 = arith.addi %while3A_384, %add3A_432 : i32
        %rem3A_434 = arith.constant 4 : i32
        %rem3A_435 = arith.remsi %add3A_433, %rem3A_434 : i32
        %add3A_436 = arith.constant 2 : i32
        %add3A_437 = arith.addi %while3A_384, %add3A_436 : i32
        %rem3A_438 = arith.constant 3 : i32
        %rem3A_439 = arith.remsi %add3A_437, %rem3A_438 : i32
        %dma_start3A_440 = arith.constant 0 : i32
        %dma_start3A_441 = arith.constant 0 : i32
        %dma_start3A_442 = arith.constant 0 : i32
        %dma_start3A_443 = tpu.memref_slice %arg11[%rem3A_439, %dma_start3A_441, %dma_start3A_442] : memref<3x128x128xf32, #tpu.memory_space<vmem>> -> memref<1x128x128xf32, #tpu.memory_space<vmem>>
        %dma_start3A_444 = tpu.memref_squeeze %dma_start3A_443 : memref<1x128x128xf32, #tpu.memory_space<vmem>> -> memref<128x128xf32, #tpu.memory_space<vmem>>
        %dma_start3A_445 = arith.constant 0 : i32
        %dma_start3A_446 = tpu.memref_slice %arg10[%rem3A_435, %dma_start3A_440, %dma_start3A_445] : memref<4x2x128xi32, #tpu.memory_space<vmem>> -> memref<1x1x128xi32, #tpu.memory_space<vmem>>
        %dma_start3A_447 = tpu.memref_squeeze %dma_start3A_446 : memref<1x1x128xi32, #tpu.memory_space<vmem>> -> memref<128xi32, #tpu.memory_space<vmem>>
        %dma_start3A_448 = arith.constant 0 : i32
        %dma_start3A_449 = arith.constant 0 : i32
        %dma_start3A_450 = tpu.memref_slice %arg2[%dma_start3A_448, %dma_start3A_449] : memref<10240x128xf32, #tpu.memory_space<hbm>> -> memref<10240x128xf32, #tpu.memory_space<hbm>>
        tpu.enqueue_indirect_dma source(%dma_start3A_450 : memref<10240x128xf32, #tpu.memory_space<hbm>>) target(%dma_start3A_444 : memref<128x128xf32, #tpu.memory_space<vmem>>) offsets(%dma_start3A_447 : memref<128xi32, #tpu.memory_space<vmem>>) semaphore(%arg12 : memref<!tpu.dma_semaphore, #tpu.memory_space<semaphore_mem>>)
      } else {
      }
      %add3A_401 = arith.constant 3 : i32
      %add3A_402 = arith.addi %while3A_384, %add3A_401 : i32
      %lt3A_403 = arith.cmpi slt, %add3A_402, %add3A_5 : i32
      %convert_element_type3A_404 = arith.extui %lt3A_403 : i1 to i32
      %cond3A_405 = arith.constant 0 : i32
      %cond3A_406 = arith.cmpi ne, %convert_element_type3A_404, %cond3A_405 : i32
      scf.if %cond3A_406 {
        %add3A_432 = arith.constant 3 : i32
        %add3A_433 = arith.addi %while3A_384, %add3A_432 : i32
        %mul3A_434 = arith.constant 16 : i32
        %mul3A_435 = arith.muli %add3A_433, %mul3A_434 : i32
        %add3A_436 = arith.addi %add3A_29, %mul3A_435 : i32
        %add3A_437 = arith.constant 3 : i32
        %add3A_438 = arith.addi %while3A_384, %add3A_437 : i32
        %rem3A_439 = arith.constant 4 : i32
        %rem3A_440 = arith.remsi %add3A_438, %rem3A_439 : i32
        %dma_start3A_441 = arith.constant 0 : i32
        %dma_start3A_442 = arith.constant 0 : i32
        %dma_start3A_443 = tpu.memref_slice %arg10[%rem3A_440, %dma_start3A_441, %dma_start3A_442] : memref<4x2x128xi32, #tpu.memory_space<vmem>> -> memref<1x2x128xi32, #tpu.memory_space<vmem>>
        %dma_start3A_444 = tpu.memref_squeeze %dma_start3A_443 : memref<1x2x128xi32, #tpu.memory_space<vmem>> -> memref<2x128xi32, #tpu.memory_space<vmem>>
        %dma_start3A_445 = arith.constant 0 : i32
        %dma_start3A_446 = arith.constant 0 : i32
        %dma_start3A_447 = tpu.memref_slice %arg5[%add3A_436, %dma_start3A_445, %dma_start3A_446] : memref<2500x2x128xi32, #tpu.memory_space<hbm>> -> memref<1x2x128xi32, #tpu.memory_space<hbm>>
        %dma_start3A_448 = tpu.memref_squeeze %dma_start3A_447 : memref<1x2x128xi32, #tpu.memory_space<hbm>> -> memref<2x128xi32, #tpu.memory_space<hbm>>
        %dma_start3A_449 = arith.constant 0 : i32
        %dma_start3A_450 = arith.constant 0 : i32
        %dma_start3A_451 = tpu.memref_slice %arg10[%rem3A_440, %dma_start3A_449, %dma_start3A_450] : memref<4x2x128xi32, #tpu.memory_space<vmem>> -> memref<1x2x128xi32, #tpu.memory_space<vmem>>
        %dma_start3A_452 = tpu.memref_squeeze %dma_start3A_451 : memref<1x2x128xi32, #tpu.memory_space<vmem>> -> memref<2x128xi32, #tpu.memory_space<vmem>>
        %dma_start3A_453 = arith.constant 0 : i32
        %dma_start3A_454 = arith.constant 0 : i32
        %dma_start3A_455 = tpu.memref_slice %arg5[%add3A_436, %dma_start3A_453, %dma_start3A_454] : memref<2500x2x128xi32, #tpu.memory_space<hbm>> -> memref<1x2x128xi32, #tpu.memory_space<hbm>>
        %dma_start3A_456 = tpu.memref_squeeze %dma_start3A_455 : memref<1x2x128xi32, #tpu.memory_space<hbm>> -> memref<2x128xi32, #tpu.memory_space<hbm>>
        tpu.enqueue_dma source(%dma_start3A_456 : memref<2x128xi32, #tpu.memory_space<hbm>>) target(%dma_start3A_452 : memref<2x128xi32, #tpu.memory_space<vmem>>) target_semaphore(%arg13 : memref<!tpu.dma_semaphore, #tpu.memory_space<semaphore_mem>>)
      } else {
      }
      %dma_wait3A_407 = arith.constant 0 : i32
      %dma_wait3A_408 = arith.constant 0 : i32
      %dma_wait3A_409 = tpu.memref_slice %arg11[%rem3A_385, %dma_wait3A_407, %dma_wait3A_408] : memref<3x128x128xf32, #tpu.memory_space<vmem>> -> memref<1x128x128xf32, #tpu.memory_space<vmem>>
      %dma_wait3A_410 = tpu.memref_squeeze %dma_wait3A_409 : memref<1x128x128xf32, #tpu.memory_space<vmem>> -> memref<128x128xf32, #tpu.memory_space<vmem>>
      %dma_wait3A_411 = arith.constant 0 : i32
      %dma_wait3A_412 = arith.constant 0 : i32
      %dma_wait3A_413 = tpu.memref_slice %arg2[%dma_wait3A_411, %dma_wait3A_412] : memref<10240x128xf32, #tpu.memory_space<hbm>> -> memref<128x128xf32, #tpu.memory_space<hbm>>
      %dma_wait3A_414 = arith.constant 0 : i32
      %dma_wait3A_415 = arith.constant 0 : i32
      %dma_wait3A_416 = tpu.memref_slice %arg11[%rem3A_385, %dma_wait3A_414, %dma_wait3A_415] : memref<3x128x128xf32, #tpu.memory_space<vmem>> -> memref<1x128x128xf32, #tpu.memory_space<vmem>>
      %dma_wait3A_417 = tpu.memref_squeeze %dma_wait3A_416 : memref<1x128x128xf32, #tpu.memory_space<vmem>> -> memref<128x128xf32, #tpu.memory_space<vmem>>
      %dma_wait3A_418 = arith.constant 0 : i32
      %dma_wait3A_419 = arith.constant 0 : i32
      %dma_wait3A_420 = tpu.memref_slice %arg2[%dma_wait3A_418, %dma_wait3A_419] : memref<10240x128xf32, #tpu.memory_space<hbm>> -> memref<128x128xf32, #tpu.memory_space<hbm>>
      tpu.wait_dma2 semaphore(%arg12 : memref<!tpu.dma_semaphore, #tpu.memory_space<semaphore_mem>>) src(%dma_wait3A_420 : memref<128x128xf32, #tpu.memory_space<hbm>>) dst(%dma_wait3A_417 : memref<128x128xf32, #tpu.memory_space<vmem>>)
      %dma_start3A_421 = arith.constant 1 : i32
      %dma_start3A_422 = arith.constant 0 : i32
      %dma_start3A_423 = arith.constant 0 : i32
      %dma_start3A_424 = tpu.memref_slice %arg11[%rem3A_385, %dma_start3A_422, %dma_start3A_423] : memref<3x128x128xf32, #tpu.memory_space<vmem>> -> memref<1x128x128xf32, #tpu.memory_space<vmem>>
      %dma_start3A_425 = tpu.memref_squeeze %dma_start3A_424 : memref<1x128x128xf32, #tpu.memory_space<vmem>> -> memref<128x128xf32, #tpu.memory_space<vmem>>
      %dma_start3A_426 = arith.constant 0 : i32
      %dma_start3A_427 = tpu.memref_slice %arg10[%rem3A_387, %dma_start3A_421, %dma_start3A_426] : memref<4x2x128xi32, #tpu.memory_space<vmem>> -> memref<1x1x128xi32, #tpu.memory_space<vmem>>
      %dma_start3A_428 = tpu.memref_squeeze %dma_start3A_427 : memref<1x1x128xi32, #tpu.memory_space<vmem>> -> memref<128xi32, #tpu.memory_space<vmem>>
      %dma_start3A_429 = arith.constant 0 : i32
      %dma_start3A_430 = arith.constant 0 : i32
      %dma_start3A_431 = tpu.memref_slice %arg9[%dma_start3A_429, %dma_start3A_430] : memref<10000x128xf32, #tpu.memory_space<vmem_shared>> -> memref<10000x128xf32, #tpu.memory_space<vmem_shared>>
      tpu.enqueue_indirect_dma source(%dma_start3A_425 : memref<128x128xf32, #tpu.memory_space<vmem>>) target(%dma_start3A_431 : memref<10000x128xf32, #tpu.memory_space<vmem_shared>>) offsets(%dma_start3A_428 : memref<128xi32, #tpu.memory_space<vmem>>) semaphore(%arg14 : memref<!tpu.dma_semaphore, #tpu.memory_space<semaphore_mem>>) {add = true}
    }
    %while3A_72 = arith.constant 1 : i32
    scf.for %while3A_384 = %while3A_70 to %while3A_66 step %while3A_72  : i32 {
      %rem3A = arith.constant 3 : i32
      %rem3A_385 = arith.remsi %while3A_384, %rem3A : i32
      %rem3A_386 = arith.constant 4 : i32
      %rem3A_387 = arith.remsi %while3A_384, %rem3A_386 : i32
      %ge3A = arith.constant 1 : i32
      %ge3A_388 = arith.cmpi sge, %while3A_384, %ge3A : i32
      %add3A_389 = arith.constant 2 : i32
      %add3A_390 = arith.addi %while3A_384, %add3A_389 : i32
      %lt3A_391 = arith.cmpi slt, %add3A_390, %add3A_5 : i32
      %and3A = arith.andi %ge3A_388, %lt3A_391 : i1
      %convert_element_type3A_392 = arith.extui %and3A : i1 to i32
      %cond3A_393 = arith.constant 0 : i32
      %cond3A_394 = arith.cmpi ne, %convert_element_type3A_392, %cond3A_393 : i32
      scf.if %cond3A_394 {
        %dma_wait3A_432 = arith.constant 0 : i32
        %dma_wait3A_433 = arith.constant 0 : i32
        %dma_wait3A_434 = arith.constant 0 : i32
        %dma_wait3A_435 = tpu.memref_slice %arg10[%dma_wait3A_432, %dma_wait3A_433, %dma_wait3A_434] : memref<4x2x128xi32, #tpu.memory_space<vmem>> -> memref<1x2x128xi32, #tpu.memory_space<vmem>>
        %dma_wait3A_436 = tpu.memref_squeeze %dma_wait3A_435 : memref<1x2x128xi32, #tpu.memory_space<vmem>> -> memref<2x128xi32, #tpu.memory_space<vmem>>
        %dma_wait3A_437 = arith.constant 0 : i32
        %dma_wait3A_438 = arith.constant 0 : i32
        %dma_wait3A_439 = tpu.memref_slice %arg5[%add3A_29, %dma_wait3A_437, %dma_wait3A_438] : memref<2500x2x128xi32, #tpu.memory_space<hbm>> -> memref<1x2x128xi32, #tpu.memory_space<hbm>>
        %dma_wait3A_440 = tpu.memref_squeeze %dma_wait3A_439 : memref<1x2x128xi32, #tpu.memory_space<hbm>> -> memref<2x128xi32, #tpu.memory_space<hbm>>
        %dma_wait3A_441 = arith.constant 0 : i32
        %dma_wait3A_442 = arith.constant 0 : i32
        %dma_wait3A_443 = tpu.memref_slice %arg10[%dma_wait3A_432, %dma_wait3A_441, %dma_wait3A_442] : memref<4x2x128xi32, #tpu.memory_space<vmem>> -> memref<1x2x128xi32, #tpu.memory_space<vmem>>
        %dma_wait3A_444 = tpu.memref_squeeze %dma_wait3A_443 : memref<1x2x128xi32, #tpu.memory_space<vmem>> -> memref<2x128xi32, #tpu.memory_space<vmem>>
        %dma_wait3A_445 = arith.constant 0 : i32
        %dma_wait3A_446 = arith.constant 0 : i32
        %dma_wait3A_447 = tpu.memref_slice %arg5[%add3A_29, %dma_wait3A_445, %dma_wait3A_446] : memref<2500x2x128xi32, #tpu.memory_space<hbm>> -> memref<1x2x128xi32, #tpu.memory_space<hbm>>
        %dma_wait3A_448 = tpu.memref_squeeze %dma_wait3A_447 : memref<1x2x128xi32, #tpu.memory_space<hbm>> -> memref<2x128xi32, #tpu.memory_space<hbm>>
        tpu.wait_dma2 semaphore(%arg13 : memref<!tpu.dma_semaphore, #tpu.memory_space<semaphore_mem>>) src(%dma_wait3A_448 : memref<2x128xi32, #tpu.memory_space<hbm>>) dst(%dma_wait3A_444 : memref<2x128xi32, #tpu.memory_space<vmem>>)
        %dma_wait3A_449 = arith.constant 0 : i32
        %dma_wait3A_450 = arith.constant 0 : i32
        %dma_wait3A_451 = arith.constant 0 : i32
        %dma_wait3A_452 = tpu.memref_slice %arg11[%dma_wait3A_449, %dma_wait3A_450, %dma_wait3A_451] : memref<3x128x128xf32, #tpu.memory_space<vmem>> -> memref<1x128x128xf32, #tpu.memory_space<vmem>>
        %dma_wait3A_453 = tpu.memref_squeeze %dma_wait3A_452 : memref<1x128x128xf32, #tpu.memory_space<vmem>> -> memref<128x128xf32, #tpu.memory_space<vmem>>
        %dma_wait3A_454 = arith.constant 0 : i32
        %dma_wait3A_455 = arith.constant 0 : i32
        %dma_wait3A_456 = tpu.memref_slice %arg2[%dma_wait3A_454, %dma_wait3A_455] : memref<10240x128xf32, #tpu.memory_space<hbm>> -> memref<128x128xf32, #tpu.memory_space<hbm>>
        %dma_wait3A_457 = arith.constant 0 : i32
        %dma_wait3A_458 = arith.constant 0 : i32
        %dma_wait3A_459 = tpu.memref_slice %arg11[%dma_wait3A_449, %dma_wait3A_457, %dma_wait3A_458] : memref<3x128x128xf32, #tpu.memory_space<vmem>> -> memref<1x128x128xf32, #tpu.memory_space<vmem>>
        %dma_wait3A_460 = tpu.memref_squeeze %dma_wait3A_459 : memref<1x128x128xf32, #tpu.memory_space<vmem>> -> memref<128x128xf32, #tpu.memory_space<vmem>>
        %dma_wait3A_461 = arith.constant 0 : i32
        %dma_wait3A_462 = arith.constant 0 : i32
        %dma_wait3A_463 = tpu.memref_slice %arg2[%dma_wait3A_461, %dma_wait3A_462] : memref<10240x128xf32, #tpu.memory_space<hbm>> -> memref<128x128xf32, #tpu.memory_space<hbm>>
        tpu.wait_dma2 semaphore(%arg14 : memref<!tpu.dma_semaphore, #tpu.memory_space<semaphore_mem>>) src(%dma_wait3A_463 : memref<128x128xf32, #tpu.memory_space<hbm>>) dst(%dma_wait3A_460 : memref<128x128xf32, #tpu.memory_space<vmem>>)
      } else {
      }
      %add3A_395 = arith.constant 2 : i32
      %add3A_396 = arith.addi %while3A_384, %add3A_395 : i32
      %lt3A_397 = arith.cmpi slt, %add3A_396, %add3A_5 : i32
      %convert_element_type3A_398 = arith.extui %lt3A_397 : i1 to i32
      %cond3A_399 = arith.constant 0 : i32
      %cond3A_400 = arith.cmpi ne, %convert_element_type3A_398, %cond3A_399 : i32
      scf.if %cond3A_400 {
        %add3A_432 = arith.constant 2 : i32
        %add3A_433 = arith.addi %while3A_384, %add3A_432 : i32
        %rem3A_434 = arith.constant 4 : i32
        %rem3A_435 = arith.remsi %add3A_433, %rem3A_434 : i32
        %add3A_436 = arith.constant 2 : i32
        %add3A_437 = arith.addi %while3A_384, %add3A_436 : i32
        %rem3A_438 = arith.constant 3 : i32
        %rem3A_439 = arith.remsi %add3A_437, %rem3A_438 : i32
        %dma_start3A_440 = arith.constant 0 : i32
        %dma_start3A_441 = arith.constant 0 : i32
        %dma_start3A_442 = arith.constant 0 : i32
        %dma_start3A_443 = tpu.memref_slice %arg11[%rem3A_439, %dma_start3A_441, %dma_start3A_442] : memref<3x128x128xf32, #tpu.memory_space<vmem>> -> memref<1x128x128xf32, #tpu.memory_space<vmem>>
        %dma_start3A_444 = tpu.memref_squeeze %dma_start3A_443 : memref<1x128x128xf32, #tpu.memory_space<vmem>> -> memref<128x128xf32, #tpu.memory_space<vmem>>
        %dma_start3A_445 = arith.constant 0 : i32
        %dma_start3A_446 = tpu.memref_slice %arg10[%rem3A_435, %dma_start3A_440, %dma_start3A_445] : memref<4x2x128xi32, #tpu.memory_space<vmem>> -> memref<1x1x128xi32, #tpu.memory_space<vmem>>
        %dma_start3A_447 = tpu.memref_squeeze %dma_start3A_446 : memref<1x1x128xi32, #tpu.memory_space<vmem>> -> memref<128xi32, #tpu.memory_space<vmem>>
        %dma_start3A_448 = arith.constant 0 : i32
        %dma_start3A_449 = arith.constant 0 : i32
        %dma_start3A_450 = tpu.memref_slice %arg2[%dma_start3A_448, %dma_start3A_449] : memref<10240x128xf32, #tpu.memory_space<hbm>> -> memref<10240x128xf32, #tpu.memory_space<hbm>>
        tpu.enqueue_indirect_dma source(%dma_start3A_450 : memref<10240x128xf32, #tpu.memory_space<hbm>>) target(%dma_start3A_444 : memref<128x128xf32, #tpu.memory_space<vmem>>) offsets(%dma_start3A_447 : memref<128xi32, #tpu.memory_space<vmem>>) semaphore(%arg12 : memref<!tpu.dma_semaphore, #tpu.memory_space<semaphore_mem>>)
      } else {
      }
      %add3A_401 = arith.constant 3 : i32
      %add3A_402 = arith.addi %while3A_384, %add3A_401 : i32
      %lt3A_403 = arith.cmpi slt, %add3A_402, %add3A_5 : i32
      %convert_element_type3A_404 = arith.extui %lt3A_403 : i1 to i32
      %cond3A_405 = arith.constant 0 : i32
      %cond3A_406 = arith.cmpi ne, %convert_element_type3A_404, %cond3A_405 : i32
      scf.if %cond3A_406 {
        %add3A_432 = arith.constant 3 : i32
        %add3A_433 = arith.addi %while3A_384, %add3A_432 : i32
        %mul3A_434 = arith.constant 16 : i32
        %mul3A_435 = arith.muli %add3A_433, %mul3A_434 : i32
        %add3A_436 = arith.addi %add3A_29, %mul3A_435 : i32
        %add3A_437 = arith.constant 3 : i32
        %add3A_438 = arith.addi %while3A_384, %add3A_437 : i32
        %rem3A_439 = arith.constant 4 : i32
        %rem3A_440 = arith.remsi %add3A_438, %rem3A_439 : i32
        %dma_start3A_441 = arith.constant 0 : i32
        %dma_start3A_442 = arith.constant 0 : i32
        %dma_start3A_443 = tpu.memref_slice %arg10[%rem3A_440, %dma_start3A_441, %dma_start3A_442] : memref<4x2x128xi32, #tpu.memory_space<vmem>> -> memref<1x2x128xi32, #tpu.memory_space<vmem>>
        %dma_start3A_444 = tpu.memref_squeeze %dma_start3A_443 : memref<1x2x128xi32, #tpu.memory_space<vmem>> -> memref<2x128xi32, #tpu.memory_space<vmem>>
        %dma_start3A_445 = arith.constant 0 : i32
        %dma_start3A_446 = arith.constant 0 : i32
        %dma_start3A_447 = tpu.memref_slice %arg5[%add3A_436, %dma_start3A_445, %dma_start3A_446] : memref<2500x2x128xi32, #tpu.memory_space<hbm>> -> memref<1x2x128xi32, #tpu.memory_space<hbm>>
        %dma_start3A_448 = tpu.memref_squeeze %dma_start3A_447 : memref<1x2x128xi32, #tpu.memory_space<hbm>> -> memref<2x128xi32, #tpu.memory_space<hbm>>
        %dma_start3A_449 = arith.constant 0 : i32
        %dma_start3A_450 = arith.constant 0 : i32
        %dma_start3A_451 = tpu.memref_slice %arg10[%rem3A_440, %dma_start3A_449, %dma_start3A_450] : memref<4x2x128xi32, #tpu.memory_space<vmem>> -> memref<1x2x128xi32, #tpu.memory_space<vmem>>
        %dma_start3A_452 = tpu.memref_squeeze %dma_start3A_451 : memref<1x2x128xi32, #tpu.memory_space<vmem>> -> memref<2x128xi32, #tpu.memory_space<vmem>>
        %dma_start3A_453 = arith.constant 0 : i32
        %dma_start3A_454 = arith.constant 0 : i32
        %dma_start3A_455 = tpu.memref_slice %arg5[%add3A_436, %dma_start3A_453, %dma_start3A_454] : memref<2500x2x128xi32, #tpu.memory_space<hbm>> -> memref<1x2x128xi32, #tpu.memory_space<hbm>>
        %dma_start3A_456 = tpu.memref_squeeze %dma_start3A_455 : memref<1x2x128xi32, #tpu.memory_space<hbm>> -> memref<2x128xi32, #tpu.memory_space<hbm>>
        tpu.enqueue_dma source(%dma_start3A_456 : memref<2x128xi32, #tpu.memory_space<hbm>>) target(%dma_start3A_452 : memref<2x128xi32, #tpu.memory_space<vmem>>) target_semaphore(%arg13 : memref<!tpu.dma_semaphore, #tpu.memory_space<semaphore_mem>>)
      } else {
      }
      %dma_wait3A_407 = arith.constant 0 : i32
      %dma_wait3A_408 = arith.constant 0 : i32
      %dma_wait3A_409 = tpu.memref_slice %arg11[%rem3A_385, %dma_wait3A_407, %dma_wait3A_408] : memref<3x128x128xf32, #tpu.memory_space<vmem>> -> memref<1x128x128xf32, #tpu.memory_space<vmem>>
      %dma_wait3A_410 = tpu.memref_squeeze %dma_wait3A_409 : memref<1x128x128xf32, #tpu.memory_space<vmem>> -> memref<128x128xf32, #tpu.memory_space<vmem>>
      %dma_wait3A_411 = arith.constant 0 : i32
      %dma_wait3A_412 = arith.constant 0 : i32
      %dma_wait3A_413 = tpu.memref_slice %arg2[%dma_wait3A_411, %dma_wait3A_412] : memref<10240x128xf32, #tpu.memory_space<hbm>> -> memref<128x128xf32, #tpu.memory_space<hbm>>
      %dma_wait3A_414 = arith.constant 0 : i32
      %dma_wait3A_415 = arith.constant 0 : i32
      %dma_wait3A_416 = tpu.memref_slice %arg11[%rem3A_385, %dma_wait3A_414, %dma_wait3A_415] : memref<3x128x128xf32, #tpu.memory_space<vmem>> -> memref<1x128x128xf32, #tpu.memory_space<vmem>>
      %dma_wait3A_417 = tpu.memref_squeeze %dma_wait3A_416 : memref<1x128x128xf32, #tpu.memory_space<vmem>> -> memref<128x128xf32, #tpu.memory_space<vmem>>
      %dma_wait3A_418 = arith.constant 0 : i32
      %dma_wait3A_419 = arith.constant 0 : i32
      %dma_wait3A_420 = tpu.memref_slice %arg2[%dma_wait3A_418, %dma_wait3A_419] : memref<10240x128xf32, #tpu.memory_space<hbm>> -> memref<128x128xf32, #tpu.memory_space<hbm>>
      tpu.wait_dma2 semaphore(%arg12 : memref<!tpu.dma_semaphore, #tpu.memory_space<semaphore_mem>>) src(%dma_wait3A_420 : memref<128x128xf32, #tpu.memory_space<hbm>>) dst(%dma_wait3A_417 : memref<128x128xf32, #tpu.memory_space<vmem>>)
      %dma_start3A_421 = arith.constant 1 : i32
      %dma_start3A_422 = arith.constant 0 : i32
      %dma_start3A_423 = arith.constant 0 : i32
      %dma_start3A_424 = tpu.memref_slice %arg11[%rem3A_385, %dma_start3A_422, %dma_start3A_423] : memref<3x128x128xf32, #tpu.memory_space<vmem>> -> memref<1x128x128xf32, #tpu.memory_space<vmem>>
      %dma_start3A_425 = tpu.memref_squeeze %dma_start3A_424 : memref<1x128x128xf32, #tpu.memory_space<vmem>> -> memref<128x128xf32, #tpu.memory_space<vmem>>
      %dma_start3A_426 = arith.constant 0 : i32
      %dma_start3A_427 = tpu.memref_slice %arg10[%rem3A_387, %dma_start3A_421, %dma_start3A_426] : memref<4x2x128xi32, #tpu.memory_space<vmem>> -> memref<1x1x128xi32, #tpu.memory_space<vmem>>
      %dma_start3A_428 = tpu.memref_squeeze %dma_start3A_427 : memref<1x1x128xi32, #tpu.memory_space<vmem>> -> memref<128xi32, #tpu.memory_space<vmem>>
      %dma_start3A_429 = arith.constant 0 : i32
      %dma_start3A_430 = arith.constant 0 : i32
      %dma_start3A_431 = tpu.memref_slice %arg9[%dma_start3A_429, %dma_start3A_430] : memref<10000x128xf32, #tpu.memory_space<vmem_shared>> -> memref<10000x128xf32, #tpu.memory_space<vmem_shared>>
      tpu.enqueue_indirect_dma source(%dma_start3A_425 : memref<128x128xf32, #tpu.memory_space<vmem>>) target(%dma_start3A_431 : memref<10000x128xf32, #tpu.memory_space<vmem_shared>>) offsets(%dma_start3A_428 : memref<128xi32, #tpu.memory_space<vmem>>) semaphore(%arg14 : memref<!tpu.dma_semaphore, #tpu.memory_space<semaphore_mem>>) {add = true}
    }
    %dma_wait3A = arith.constant 0 : i32
    %dma_wait3A_73 = arith.constant 0 : i32
    %dma_wait3A_74 = arith.constant 0 : i32
    %dma_wait3A_75 = tpu.memref_slice %arg11[%dma_wait3A, %dma_wait3A_73, %dma_wait3A_74] : memref<3x128x128xf32, #tpu.memory_space<vmem>> -> memref<1x128x128xf32, #tpu.memory_space<vmem>>
    %dma_wait3A_76 = tpu.memref_squeeze %dma_wait3A_75 : memref<1x128x128xf32, #tpu.memory_space<vmem>> -> memref<128x128xf32, #tpu.memory_space<vmem>>
    %dma_wait3A_77 = arith.constant 0 : i32
    %dma_wait3A_78 = arith.constant 0 : i32
    %dma_wait3A_79 = tpu.memref_slice %arg2[%dma_wait3A_77, %dma_wait3A_78] : memref<10240x128xf32, #tpu.memory_space<hbm>> -> memref<128x128xf32, #tpu.memory_space<hbm>>
    %dma_wait3A_80 = arith.constant 0 : i32
    %dma_wait3A_81 = arith.constant 0 : i32
    %dma_wait3A_82 = tpu.memref_slice %arg11[%dma_wait3A, %dma_wait3A_80, %dma_wait3A_81] : memref<3x128x128xf32, #tpu.memory_space<vmem>> -> memref<1x128x128xf32, #tpu.memory_space<vmem>>
    %dma_wait3A_83 = tpu.memref_squeeze %dma_wait3A_82 : memref<1x128x128xf32, #tpu.memory_space<vmem>> -> memref<128x128xf32, #tpu.memory_space<vmem>>
    %dma_wait3A_84 = arith.constant 0 : i32
    %dma_wait3A_85 = arith.constant 0 : i32
    %dma_wait3A_86 = tpu.memref_slice %arg2[%dma_wait3A_84, %dma_wait3A_85] : memref<10240x128xf32, #tpu.memory_space<hbm>> -> memref<128x128xf32, #tpu.memory_space<hbm>>
    tpu.wait_dma2 semaphore(%arg14 : memref<!tpu.dma_semaphore, #tpu.memory_space<semaphore_mem>>) src(%dma_wait3A_86 : memref<128x128xf32, #tpu.memory_space<hbm>>) dst(%dma_wait3A_83 : memref<128x128xf32, #tpu.memory_space<vmem>>)
    %dma_wait3A_87 = arith.constant 0 : i32
    %dma_wait3A_88 = arith.constant 0 : i32
    %dma_wait3A_89 = arith.constant 0 : i32
    %dma_wait3A_90 = tpu.memref_slice %arg11[%dma_wait3A_87, %dma_wait3A_88, %dma_wait3A_89] : memref<3x128x128xf32, #tpu.memory_space<vmem>> -> memref<1x128x128xf32, #tpu.memory_space<vmem>>
    %dma_wait3A_91 = tpu.memref_squeeze %dma_wait3A_90 : memref<1x128x128xf32, #tpu.memory_space<vmem>> -> memref<128x128xf32, #tpu.memory_space<vmem>>
    %dma_wait3A_92 = arith.constant 0 : i32
    %dma_wait3A_93 = arith.constant 0 : i32
    %dma_wait3A_94 = tpu.memref_slice %arg2[%dma_wait3A_92, %dma_wait3A_93] : memref<10240x128xf32, #tpu.memory_space<hbm>> -> memref<128x128xf32, #tpu.memory_space<hbm>>
    %dma_wait3A_95 = arith.constant 0 : i32
    %dma_wait3A_96 = arith.constant 0 : i32
    %dma_wait3A_97 = tpu.memref_slice %arg11[%dma_wait3A_87, %dma_wait3A_95, %dma_wait3A_96] : memref<3x128x128xf32, #tpu.memory_space<vmem>> -> memref<1x128x128xf32, #tpu.memory_space<vmem>>
    %dma_wait3A_98 = tpu.memref_squeeze %dma_wait3A_97 : memref<1x128x128xf32, #tpu.memory_space<vmem>> -> memref<128x128xf32, #tpu.memory_space<vmem>>
    %dma_wait3A_99 = arith.constant 0 : i32
    %dma_wait3A_100 = arith.constant 0 : i32
    %dma_wait3A_101 = tpu.memref_slice %arg2[%dma_wait3A_99, %dma_wait3A_100] : memref<10240x128xf32, #tpu.memory_space<hbm>> -> memref<128x128xf32, #tpu.memory_space<hbm>>
    tpu.wait_dma2 semaphore(%arg14 : memref<!tpu.dma_semaphore, #tpu.memory_space<semaphore_mem>>) src(%dma_wait3A_101 : memref<128x128xf32, #tpu.memory_space<hbm>>) dst(%dma_wait3A_98 : memref<128x128xf32, #tpu.memory_space<vmem>>)
    %dma_wait3A_102 = arith.constant 0 : i32
    %dma_wait3A_103 = arith.constant 0 : i32
    %dma_wait3A_104 = arith.constant 0 : i32
    %dma_wait3A_105 = tpu.memref_slice %arg11[%dma_wait3A_102, %dma_wait3A_103, %dma_wait3A_104] : memref<3x128x128xf32, #tpu.memory_space<vmem>> -> memref<1x128x128xf32, #tpu.memory_space<vmem>>
    %dma_wait3A_106 = tpu.memref_squeeze %dma_wait3A_105 : memref<1x128x128xf32, #tpu.memory_space<vmem>> -> memref<128x128xf32, #tpu.memory_space<vmem>>
    %dma_wait3A_107 = arith.constant 0 : i32
    %dma_wait3A_108 = arith.constant 0 : i32
    %dma_wait3A_109 = tpu.memref_slice %arg2[%dma_wait3A_107, %dma_wait3A_108] : memref<10240x128xf32, #tpu.memory_space<hbm>> -> memref<128x128xf32, #tpu.memory_space<hbm>>
    %dma_wait3A_110 = arith.constant 0 : i32
    %dma_wait3A_111 = arith.constant 0 : i32
    %dma_wait3A_112 = tpu.memref_slice %arg11[%dma_wait3A_102, %dma_wait3A_110, %dma_wait3A_111] : memref<3x128x128xf32, #tpu.memory_space<vmem>> -> memref<1x128x128xf32, #tpu.memory_space<vmem>>
    %dma_wait3A_113 = tpu.memref_squeeze %dma_wait3A_112 : memref<1x128x128xf32, #tpu.memory_space<vmem>> -> memref<128x128xf32, #tpu.memory_space<vmem>>
    %dma_wait3A_114 = arith.constant 0 : i32
    %dma_wait3A_115 = arith.constant 0 : i32
    %dma_wait3A_116 = tpu.memref_slice %arg2[%dma_wait3A_114, %dma_wait3A_115] : memref<10240x128xf32, #tpu.memory_space<hbm>> -> memref<128x128xf32, #tpu.memory_space<hbm>>
    tpu.wait_dma2 semaphore(%arg14 : memref<!tpu.dma_semaphore, #tpu.memory_space<semaphore_mem>>) src(%dma_wait3A_116 : memref<128x128xf32, #tpu.memory_space<hbm>>) dst(%dma_wait3A_113 : memref<128x128xf32, #tpu.memory_space<vmem>>)
    %barrier3A_117 = arith.constant 0 : index
    tpu.barrier barrier_id(%barrier3A_117)
    %convert_element_type3A_118 = arith.extui %eq3A_1 : i1 to i32
    %cond3A_119 = arith.constant 0 : i32
    %cond3A_120 = arith.cmpi ne, %convert_element_type3A_118, %cond3A_119 : i32
    scf.if %cond3A_120 {
      %run_scoped3A_384 = arith.constant 0 : i32
      "tpu.region"() ({
        %run_scoped3A_385 = tpu.sem_alloc : memref<!tpu.dma_semaphore, #tpu.memory_space<semaphore_mem>>
        %dma_start3A_386 = arith.constant 0 : i32
        %dma_start3A_387 = tpu.memref_slice %arg8[%run_scoped3A_384, %arg0, %mul3A_2, %dma_start3A_386] : memref<3x2x10000x128xf32, #tpu.memory_space<hbm>> -> memref<1x1x640x128xf32, #tpu.memory_space<hbm>>
        %dma_start3A_388 = tpu.memref_squeeze %dma_start3A_387 : memref<1x1x640x128xf32, #tpu.memory_space<hbm>> -> memref<640x128xf32, #tpu.memory_space<hbm>>
        %dma_start3A_389 = arith.constant 0 : i32
        %dma_start3A_390 = tpu.memref_slice %arg9[%mul3A_2, %dma_start3A_389] : memref<10000x128xf32, #tpu.memory_space<vmem_shared>> -> memref<640x128xf32, #tpu.memory_space<vmem_shared>>
        tpu.enqueue_dma source(%dma_start3A_390 : memref<640x128xf32, #tpu.memory_space<vmem_shared>>) target(%dma_start3A_388 : memref<640x128xf32, #tpu.memory_space<hbm>>) target_semaphore(%run_scoped3A_385 : memref<!tpu.dma_semaphore, #tpu.memory_space<semaphore_mem>>)
        %dma_wait3A_391 = arith.constant 0 : i32
        %dma_wait3A_392 = tpu.memref_slice %arg8[%run_scoped3A_384, %arg0, %mul3A_2, %dma_wait3A_391] : memref<3x2x10000x128xf32, #tpu.memory_space<hbm>> -> memref<1x1x640x128xf32, #tpu.memory_space<hbm>>
        %dma_wait3A_393 = tpu.memref_squeeze %dma_wait3A_392 : memref<1x1x640x128xf32, #tpu.memory_space<hbm>> -> memref<640x128xf32, #tpu.memory_space<hbm>>
        %dma_wait3A_394 = arith.constant 0 : i32
        %dma_wait3A_395 = tpu.memref_slice %arg9[%mul3A_2, %dma_wait3A_394] : memref<10000x128xf32, #tpu.memory_space<vmem_shared>> -> memref<640x128xf32, #tpu.memory_space<vmem_shared>>
        tpu.wait_dma2 semaphore(%run_scoped3A_385 : memref<!tpu.dma_semaphore, #tpu.memory_space<semaphore_mem>>) src(%dma_wait3A_395 : memref<640x128xf32, #tpu.memory_space<vmem_shared>>) dst(%dma_wait3A_393 : memref<640x128xf32, #tpu.memory_space<hbm>>)
        tpu.yield
      }) : () -> ()
    } else {
    }
    %not3A_121 = arith.constant true
    %not3A_122 = arith.xori %eq3A_1, %not3A_121 : i1
    %convert_element_type3A_123 = arith.extui %not3A_122 : i1 to i32
    %cond3A_124 = arith.constant 0 : i32
    %cond3A_125 = arith.cmpi ne, %convert_element_type3A_123, %cond3A_124 : i32
    scf.if %cond3A_125 {
      %run_scoped3A_384 = arith.constant 0 : i32
      "tpu.region"() ({
        %run_scoped3A_385 = tpu.sem_alloc : memref<!tpu.dma_semaphore, #tpu.memory_space<semaphore_mem>>
        %dma_start3A_386 = arith.constant 0 : i32
        %dma_start3A_387 = tpu.memref_slice %arg8[%run_scoped3A_384, %arg0, %mul3A_2, %dma_start3A_386] : memref<3x2x10000x128xf32, #tpu.memory_space<hbm>> -> memref<1x1x624x128xf32, #tpu.memory_space<hbm>>
        %dma_start3A_388 = tpu.memref_squeeze %dma_start3A_387 : memref<1x1x624x128xf32, #tpu.memory_space<hbm>> -> memref<624x128xf32, #tpu.memory_space<hbm>>
        %dma_start3A_389 = arith.constant 0 : i32
        %dma_start3A_390 = tpu.memref_slice %arg9[%mul3A_2, %dma_start3A_389] : memref<10000x128xf32, #tpu.memory_space<vmem_shared>> -> memref<624x128xf32, #tpu.memory_space<vmem_shared>>
        tpu.enqueue_dma source(%dma_start3A_390 : memref<624x128xf32, #tpu.memory_space<vmem_shared>>) target(%dma_start3A_388 : memref<624x128xf32, #tpu.memory_space<hbm>>) target_semaphore(%run_scoped3A_385 : memref<!tpu.dma_semaphore, #tpu.memory_space<semaphore_mem>>)
        %dma_wait3A_391 = arith.constant 0 : i32
        %dma_wait3A_392 = tpu.memref_slice %arg8[%run_scoped3A_384, %arg0, %mul3A_2, %dma_wait3A_391] : memref<3x2x10000x128xf32, #tpu.memory_space<hbm>> -> memref<1x1x624x128xf32, #tpu.memory_space<hbm>>
        %dma_wait3A_393 = tpu.memref_squeeze %dma_wait3A_392 : memref<1x1x624x128xf32, #tpu.memory_space<hbm>> -> memref<624x128xf32, #tpu.memory_space<hbm>>
        %dma_wait3A_394 = arith.constant 0 : i32
        %dma_wait3A_395 = tpu.memref_slice %arg9[%mul3A_2, %dma_wait3A_394] : memref<10000x128xf32, #tpu.memory_space<vmem_shared>> -> memref<624x128xf32, #tpu.memory_space<vmem_shared>>
        tpu.wait_dma2 semaphore(%run_scoped3A_385 : memref<!tpu.dma_semaphore, #tpu.memory_space<semaphore_mem>>) src(%dma_wait3A_395 : memref<624x128xf32, #tpu.memory_space<vmem_shared>>) dst(%dma_wait3A_393 : memref<624x128xf32, #tpu.memory_space<hbm>>)
        tpu.yield
      }) : () -> ()
    } else {
    }
    %scan3A_126 = arith.constant 0 : i32
    %scan3A_127 = arith.constant 0 : i32
    %scan3A_128 = arith.constant 128 : i32
    %scan3A_129 = arith.addi %scan3A_127, %scan3A_128 : i32
    %scan3A_130 = arith.constant 1 : i32
    scf.for %scan3A_384 = %scan3A_127 to %scan3A_129 step %scan3A_130  : i32 {
      %swap3A = arith.constant 0 : i32
      %swap3A_385 = arith.index_cast %swap3A : i32 to index
      %swap3A_386 = arith.index_cast %scan3A_384 : i32 to index
      %swap3A_387 = arith.constant 0 : index
      %swap3A_388 = tpu.vector_load %arg11[%swap3A_385, %swap3A_386, %swap3A_387] {strides = array<i32>} : memref<3x128x128xf32, #tpu.memory_space<vmem>>, vector<16xf32>,
      tpu.vector_store %arg11[%swap3A_385, %swap3A_386, %swap3A_387], %broadcast_in_dim3A_0 {strides = array<i32>} : memref<3x128x128xf32, #tpu.memory_space<vmem>>, vector<16xf32>,
      %swap3A_389 = arith.constant 0 : i32
      %swap3A_390 = arith.index_cast %swap3A_389 : i32 to index
      %swap3A_391 = arith.index_cast %scan3A_384 : i32 to index
      %swap3A_392 = arith.constant 16 : index
      %swap3A_393 = tpu.vector_load %arg11[%swap3A_390, %swap3A_391, %swap3A_392] {strides = array<i32>} : memref<3x128x128xf32, #tpu.memory_space<vmem>>, vector<16xf32>,
      tpu.vector_store %arg11[%swap3A_390, %swap3A_391, %swap3A_392], %broadcast_in_dim3A_0 {strides = array<i32>} : memref<3x128x128xf32, #tpu.memory_space<vmem>>, vector<16xf32>,
      %swap3A_394 = arith.constant 0 : i32
      %swap3A_395 = arith.index_cast %swap3A_394 : i32 to index
      %swap3A_396 = arith.index_cast %scan3A_384 : i32 to index
      %swap3A_397 = arith.constant 32 : index
      %swap3A_398 = tpu.vector_load %arg11[%swap3A_395, %swap3A_396, %swap3A_397] {strides = array<i32>} : memref<3x128x128xf32, #tpu.memory_space<vmem>>, vector<16xf32>,
      tpu.vector_store %arg11[%swap3A_395, %swap3A_396, %swap3A_397], %broadcast_in_dim3A_0 {strides = array<i32>} : memref<3x128x128xf32, #tpu.memory_space<vmem>>, vector<16xf32>,
      %swap3A_399 = arith.constant 0 : i32
      %swap3A_400 = arith.index_cast %swap3A_399 : i32 to index
      %swap3A_401 = arith.index_cast %scan3A_384 : i32 to index
      %swap3A_402 = arith.constant 48 : index
      %swap3A_403 = tpu.vector_load %arg11[%swap3A_400, %swap3A_401, %swap3A_402] {strides = array<i32>} : memref<3x128x128xf32, #tpu.memory_space<vmem>>, vector<16xf32>,
      tpu.vector_store %arg11[%swap3A_400, %swap3A_401, %swap3A_402], %broadcast_in_dim3A_0 {strides = array<i32>} : memref<3x128x128xf32, #tpu.memory_space<vmem>>, vector<16xf32>,
      %swap3A_404 = arith.constant 0 : i32
      %swap3A_405 = arith.index_cast %swap3A_404 : i32 to index
      %swap3A_406 = arith.index_cast %scan3A_384 : i32 to index
      %swap3A_407 = arith.constant 64 : index
      %swap3A_408 = tpu.vector_load %arg11[%swap3A_405, %swap3A_406, %swap3A_407] {strides = array<i32>} : memref<3x128x128xf32, #tpu.memory_space<vmem>>, vector<16xf32>,
      tpu.vector_store %arg11[%swap3A_405, %swap3A_406, %swap3A_407], %broadcast_in_dim3A_0 {strides = array<i32>} : memref<3x128x128xf32, #tpu.memory_space<vmem>>, vector<16xf32>,
      %swap3A_409 = arith.constant 0 : i32
      %swap3A_410 = arith.index_cast %swap3A_409 : i32 to index
      %swap3A_411 = arith.index_cast %scan3A_384 : i32 to index
      %swap3A_412 = arith.constant 80 : index
      %swap3A_413 = tpu.vector_load %arg11[%swap3A_410, %swap3A_411, %swap3A_412] {strides = array<i32>} : memref<3x128x128xf32, #tpu.memory_space<vmem>>, vector<16xf32>,
      tpu.vector_store %arg11[%swap3A_410, %swap3A_411, %swap3A_412], %broadcast_in_dim3A_0 {strides = array<i32>} : memref<3x128x128xf32, #tpu.memory_space<vmem>>, vector<16xf32>,
      %swap3A_414 = arith.constant 0 : i32
      %swap3A_415 = arith.index_cast %swap3A_414 : i32 to index
      %swap3A_416 = arith.index_cast %scan3A_384 : i32 to index
      %swap3A_417 = arith.constant 96 : index
      %swap3A_418 = tpu.vector_load %arg11[%swap3A_415, %swap3A_416, %swap3A_417] {strides = array<i32>} : memref<3x128x128xf32, #tpu.memory_space<vmem>>, vector<16xf32>,
      tpu.vector_store %arg11[%swap3A_415, %swap3A_416, %swap3A_417], %broadcast_in_dim3A_0 {strides = array<i32>} : memref<3x128x128xf32, #tpu.memory_space<vmem>>, vector<16xf32>,
      %swap3A_419 = arith.constant 0 : i32
      %swap3A_420 = arith.index_cast %swap3A_419 : i32 to index
      %swap3A_421 = arith.index_cast %scan3A_384 : i32 to index
      %swap3A_422 = arith.constant 112 : index
      %swap3A_423 = tpu.vector_load %arg11[%swap3A_420, %swap3A_421, %swap3A_422] {strides = array<i32>} : memref<3x128x128xf32, #tpu.memory_space<vmem>>, vector<16xf32>,
      tpu.vector_store %arg11[%swap3A_420, %swap3A_421, %swap3A_422], %broadcast_in_dim3A_0 {strides = array<i32>} : memref<3x128x128xf32, #tpu.memory_space<vmem>>, vector<16xf32>,
    }
    %scan3A_131 = arith.constant 128 : i32
    %add3A_132 = arith.constant 0 : i32
    %add3A_133 = arith.addi %mul3A_2, %add3A_132 : i32
    %run_scoped3A_134 = arith.constant 0 : i32
    "tpu.region"() ({
      %run_scoped3A_384 = tpu.sem_alloc : memref<!tpu.dma_semaphore, #tpu.memory_space<semaphore_mem>>
      %dma_start3A_385 = arith.constant 0 : i32
      %dma_start3A_386 = arith.constant 0 : i32
      %dma_start3A_387 = tpu.memref_slice %arg11[%run_scoped3A_134, %dma_start3A_385, %dma_start3A_386] : memref<3x128x128xf32, #tpu.memory_space<vmem>> -> memref<1x128x128xf32, #tpu.memory_space<vmem>>
      %dma_start3A_388 = tpu.memref_squeeze %dma_start3A_387 : memref<1x128x128xf32, #tpu.memory_space<vmem>> -> memref<128x128xf32, #tpu.memory_space<vmem>>
      %dma_start3A_389 = arith.constant 0 : i32
      %dma_start3A_390 = tpu.memref_slice %arg9[%add3A_133, %dma_start3A_389] : memref<10000x128xf32, #tpu.memory_space<vmem_shared>> -> memref<128x128xf32, #tpu.memory_space<vmem_shared>>
      %dma_start3A_391 = arith.constant 0 : i32
      %dma_start3A_392 = tpu.memref_slice %arg9[%add3A_133, %dma_start3A_391] : memref<10000x128xf32, #tpu.memory_space<vmem_shared>> -> memref<128x128xf32, #tpu.memory_space<vmem_shared>>
      %dma_start3A_393 = arith.constant 0 : i32
      %dma_start3A_394 = arith.constant 0 : i32
      %dma_start3A_395 = tpu.memref_slice %arg11[%run_scoped3A_134, %dma_start3A_393, %dma_start3A_394] : memref<3x128x128xf32, #tpu.memory_space<vmem>> -> memref<1x128x128xf32, #tpu.memory_space<vmem>>
      %dma_start3A_396 = tpu.memref_squeeze %dma_start3A_395 : memref<1x128x128xf32, #tpu.memory_space<vmem>> -> memref<128x128xf32, #tpu.memory_space<vmem>>
      tpu.enqueue_dma source(%dma_start3A_396 : memref<128x128xf32, #tpu.memory_space<vmem>>) target(%dma_start3A_392 : memref<128x128xf32, #tpu.memory_space<vmem_shared>>) target_semaphore(%run_scoped3A_384 : memref<!tpu.dma_semaphore, #tpu.memory_space<semaphore_mem>>)
      %dma_wait3A_397 = arith.constant 0 : i32
      %dma_wait3A_398 = arith.constant 0 : i32
      %dma_wait3A_399 = tpu.memref_slice %arg11[%run_scoped3A_134, %dma_wait3A_397, %dma_wait3A_398] : memref<3x128x128xf32, #tpu.memory_space<vmem>> -> memref<1x128x128xf32, #tpu.memory_space<vmem>>
      %dma_wait3A_400 = tpu.memref_squeeze %dma_wait3A_399 : memref<1x128x128xf32, #tpu.memory_space<vmem>> -> memref<128x128xf32, #tpu.memory_space<vmem>>
      %dma_wait3A_401 = arith.constant 0 : i32
      %dma_wait3A_402 = tpu.memref_slice %arg9[%add3A_133, %dma_wait3A_401] : memref<10000x128xf32, #tpu.memory_space<vmem_shared>> -> memref<128x128xf32, #tpu.memory_space<vmem_shared>>
      %dma_wait3A_403 = arith.constant 0 : i32
      %dma_wait3A_404 = tpu.memref_slice %arg9[%add3A_133, %dma_wait3A_403] : memref<10000x128xf32, #tpu.memory_space<vmem_shared>> -> memref<128x128xf32, #tpu.memory_space<vmem_shared>>
      %dma_wait3A_405 = arith.constant 0 : i32
      %dma_wait3A_406 = arith.constant 0 : i32
      %dma_wait3A_407 = tpu.memref_slice %arg11[%run_scoped3A_134, %dma_wait3A_405, %dma_wait3A_406] : memref<3x128x128xf32, #tpu.memory_space<vmem>> -> memref<1x128x128xf32, #tpu.memory_space<vmem>>
      %dma_wait3A_408 = tpu.memref_squeeze %dma_wait3A_407 : memref<1x128x128xf32, #tpu.memory_space<vmem>> -> memref<128x128xf32, #tpu.memory_space<vmem>>
      tpu.wait_dma2 semaphore(%run_scoped3A_384 : memref<!tpu.dma_semaphore, #tpu.memory_space<semaphore_mem>>) src(%dma_wait3A_408 : memref<128x128xf32, #tpu.memory_space<vmem>>) dst(%dma_wait3A_404 : memref<128x128xf32, #tpu.memory_space<vmem_shared>>)
      tpu.yield
    }) : () -> ()
    %add3A_135 = arith.constant 128 : i32
    %add3A_136 = arith.addi %mul3A_2, %add3A_135 : i32
    %run_scoped3A_137 = arith.constant 0 : i32
    "tpu.region"() ({
      %run_scoped3A_384 = tpu.sem_alloc : memref<!tpu.dma_semaphore, #tpu.memory_space<semaphore_mem>>
      %dma_start3A_385 = arith.constant 0 : i32
      %dma_start3A_386 = arith.constant 0 : i32
      %dma_start3A_387 = tpu.memref_slice %arg11[%run_scoped3A_137, %dma_start3A_385, %dma_start3A_386] : memref<3x128x128xf32, #tpu.memory_space<vmem>> -> memref<1x128x128xf32, #tpu.memory_space<vmem>>
      %dma_start3A_388 = tpu.memref_squeeze %dma_start3A_387 : memref<1x128x128xf32, #tpu.memory_space<vmem>> -> memref<128x128xf32, #tpu.memory_space<vmem>>
      %dma_start3A_389 = arith.constant 0 : i32
      %dma_start3A_390 = tpu.memref_slice %arg9[%add3A_136, %dma_start3A_389] : memref<10000x128xf32, #tpu.memory_space<vmem_shared>> -> memref<128x128xf32, #tpu.memory_space<vmem_shared>>
      %dma_start3A_391 = arith.constant 0 : i32
      %dma_start3A_392 = tpu.memref_slice %arg9[%add3A_136, %dma_start3A_391] : memref<10000x128xf32, #tpu.memory_space<vmem_shared>> -> memref<128x128xf32, #tpu.memory_space<vmem_shared>>
      %dma_start3A_393 = arith.constant 0 : i32
      %dma_start3A_394 = arith.constant 0 : i32
      %dma_start3A_395 = tpu.memref_slice %arg11[%run_scoped3A_137, %dma_start3A_393, %dma_start3A_394] : memref<3x128x128xf32, #tpu.memory_space<vmem>> -> memref<1x128x128xf32, #tpu.memory_space<vmem>>
      %dma_start3A_396 = tpu.memref_squeeze %dma_start3A_395 : memref<1x128x128xf32, #tpu.memory_space<vmem>> -> memref<128x128xf32, #tpu.memory_space<vmem>>
      tpu.enqueue_dma source(%dma_start3A_396 : memref<128x128xf32, #tpu.memory_space<vmem>>) target(%dma_start3A_392 : memref<128x128xf32, #tpu.memory_space<vmem_shared>>) target_semaphore(%run_scoped3A_384 : memref<!tpu.dma_semaphore, #tpu.memory_space<semaphore_mem>>)
      %dma_wait3A_397 = arith.constant 0 : i32
      %dma_wait3A_398 = arith.constant 0 : i32
      %dma_wait3A_399 = tpu.memref_slice %arg11[%run_scoped3A_137, %dma_wait3A_397, %dma_wait3A_398] : memref<3x128x128xf32, #tpu.memory_space<vmem>> -> memref<1x128x128xf32, #tpu.memory_space<vmem>>
      %dma_wait3A_400 = tpu.memref_squeeze %dma_wait3A_399 : memref<1x128x128xf32, #tpu.memory_space<vmem>> -> memref<128x128xf32, #tpu.memory_space<vmem>>
      %dma_wait3A_401 = arith.constant 0 : i32
      %dma_wait3A_402 = tpu.memref_slice %arg9[%add3A_136, %dma_wait3A_401] : memref<10000x128xf32, #tpu.memory_space<vmem_shared>> -> memref<128x128xf32, #tpu.memory_space<vmem_shared>>
      %dma_wait3A_403 = arith.constant 0 : i32
      %dma_wait3A_404 = tpu.memref_slice %arg9[%add3A_136, %dma_wait3A_403] : memref<10000x128xf32, #tpu.memory_space<vmem_shared>> -> memref<128x128xf32, #tpu.memory_space<vmem_shared>>
      %dma_wait3A_405 = arith.constant 0 : i32
      %dma_wait3A_406 = arith.constant 0 : i32
      %dma_wait3A_407 = tpu.memref_slice %arg11[%run_scoped3A_137, %dma_wait3A_405, %dma_wait3A_406] : memref<3x128x128xf32, #tpu.memory_space<vmem>> -> memref<1x128x128xf32, #tpu.memory_space<vmem>>
      %dma_wait3A_408 = tpu.memref_squeeze %dma_wait3A_407 : memref<1x128x128xf32, #tpu.memory_space<vmem>> -> memref<128x128xf32, #tpu.memory_space<vmem>>
      tpu.wait_dma2 semaphore(%run_scoped3A_384 : memref<!tpu.dma_semaphore, #tpu.memory_space<semaphore_mem>>) src(%dma_wait3A_408 : memref<128x128xf32, #tpu.memory_space<vmem>>) dst(%dma_wait3A_404 : memref<128x128xf32, #tpu.memory_space<vmem_shared>>)
      tpu.yield
    }) : () -> ()
    %add3A_138 = arith.constant 256 : i32
    %add3A_139 = arith.addi %mul3A_2, %add3A_138 : i32
    %run_scoped3A_140 = arith.constant 0 : i32
    "tpu.region"() ({
      %run_scoped3A_384 = tpu.sem_alloc : memref<!tpu.dma_semaphore, #tpu.memory_space<semaphore_mem>>
      %dma_start3A_385 = arith.constant 0 : i32
      %dma_start3A_386 = arith.constant 0 : i32
      %dma_start3A_387 = tpu.memref_slice %arg11[%run_scoped3A_140, %dma_start3A_385, %dma_start3A_386] : memref<3x128x128xf32, #tpu.memory_space<vmem>> -> memref<1x128x128xf32, #tpu.memory_space<vmem>>
      %dma_start3A_388 = tpu.memref_squeeze %dma_start3A_387 : memref<1x128x128xf32, #tpu.memory_space<vmem>> -> memref<128x128xf32, #tpu.memory_space<vmem>>
      %dma_start3A_389 = arith.constant 0 : i32
      %dma_start3A_390 = tpu.memref_slice %arg9[%add3A_139, %dma_start3A_389] : memref<10000x128xf32, #tpu.memory_space<vmem_shared>> -> memref<128x128xf32, #tpu.memory_space<vmem_shared>>
      %dma_start3A_391 = arith.constant 0 : i32
      %dma_start3A_392 = tpu.memref_slice %arg9[%add3A_139, %dma_start3A_391] : memref<10000x128xf32, #tpu.memory_space<vmem_shared>> -> memref<128x128xf32, #tpu.memory_space<vmem_shared>>
      %dma_start3A_393 = arith.constant 0 : i32
      %dma_start3A_394 = arith.constant 0 : i32
      %dma_start3A_395 = tpu.memref_slice %arg11[%run_scoped3A_140, %dma_start3A_393, %dma_start3A_394] : memref<3x128x128xf32, #tpu.memory_space<vmem>> -> memref<1x128x128xf32, #tpu.memory_space<vmem>>
      %dma_start3A_396 = tpu.memref_squeeze %dma_start3A_395 : memref<1x128x128xf32, #tpu.memory_space<vmem>> -> memref<128x128xf32, #tpu.memory_space<vmem>>
      tpu.enqueue_dma source(%dma_start3A_396 : memref<128x128xf32, #tpu.memory_space<vmem>>) target(%dma_start3A_392 : memref<128x128xf32, #tpu.memory_space<vmem_shared>>) target_semaphore(%run_scoped3A_384 : memref<!tpu.dma_semaphore, #tpu.memory_space<semaphore_mem>>)
      %dma_wait3A_397 = arith.constant 0 : i32
      %dma_wait3A_398 = arith.constant 0 : i32
      %dma_wait3A_399 = tpu.memref_slice %arg11[%run_scoped3A_140, %dma_wait3A_397, %dma_wait3A_398] : memref<3x128x128xf32, #tpu.memory_space<vmem>> -> memref<1x128x128xf32, #tpu.memory_space<vmem>>
      %dma_wait3A_400 = tpu.memref_squeeze %dma_wait3A_399 : memref<1x128x128xf32, #tpu.memory_space<vmem>> -> memref<128x128xf32, #tpu.memory_space<vmem>>
      %dma_wait3A_401 = arith.constant 0 : i32
      %dma_wait3A_402 = tpu.memref_slice %arg9[%add3A_139, %dma_wait3A_401] : memref<10000x128xf32, #tpu.memory_space<vmem_shared>> -> memref<128x128xf32, #tpu.memory_space<vmem_shared>>
      %dma_wait3A_403 = arith.constant 0 : i32
      %dma_wait3A_404 = tpu.memref_slice %arg9[%add3A_139, %dma_wait3A_403] : memref<10000x128xf32, #tpu.memory_space<vmem_shared>> -> memref<128x128xf32, #tpu.memory_space<vmem_shared>>
      %dma_wait3A_405 = arith.constant 0 : i32
      %dma_wait3A_406 = arith.constant 0 : i32
      %dma_wait3A_407 = tpu.memref_slice %arg11[%run_scoped3A_140, %dma_wait3A_405, %dma_wait3A_406] : memref<3x128x128xf32, #tpu.memory_space<vmem>> -> memref<1x128x128xf32, #tpu.memory_space<vmem>>
      %dma_wait3A_408 = tpu.memref_squeeze %dma_wait3A_407 : memref<1x128x128xf32, #tpu.memory_space<vmem>> -> memref<128x128xf32, #tpu.memory_space<vmem>>
      tpu.wait_dma2 semaphore(%run_scoped3A_384 : memref<!tpu.dma_semaphore, #tpu.memory_space<semaphore_mem>>) src(%dma_wait3A_408 : memref<128x128xf32, #tpu.memory_space<vmem>>) dst(%dma_wait3A_404 : memref<128x128xf32, #tpu.memory_space<vmem_shared>>)
      tpu.yield
    }) : () -> ()
    %add3A_141 = arith.constant 384 : i32
    %add3A_142 = arith.addi %mul3A_2, %add3A_141 : i32
    %run_scoped3A_143 = arith.constant 0 : i32
    "tpu.region"() ({
      %run_scoped3A_384 = tpu.sem_alloc : memref<!tpu.dma_semaphore, #tpu.memory_space<semaphore_mem>>
      %dma_start3A_385 = arith.constant 0 : i32
      %dma_start3A_386 = arith.constant 0 : i32
      %dma_start3A_387 = tpu.memref_slice %arg11[%run_scoped3A_143, %dma_start3A_385, %dma_start3A_386] : memref<3x128x128xf32, #tpu.memory_space<vmem>> -> memref<1x128x128xf32, #tpu.memory_space<vmem>>
      %dma_start3A_388 = tpu.memref_squeeze %dma_start3A_387 : memref<1x128x128xf32, #tpu.memory_space<vmem>> -> memref<128x128xf32, #tpu.memory_space<vmem>>
      %dma_start3A_389 = arith.constant 0 : i32
      %dma_start3A_390 = tpu.memref_slice %arg9[%add3A_142, %dma_start3A_389] : memref<10000x128xf32, #tpu.memory_space<vmem_shared>> -> memref<128x128xf32, #tpu.memory_space<vmem_shared>>
      %dma_start3A_391 = arith.constant 0 : i32
      %dma_start3A_392 = tpu.memref_slice %arg9[%add3A_142, %dma_start3A_391] : memref<10000x128xf32, #tpu.memory_space<vmem_shared>> -> memref<128x128xf32, #tpu.memory_space<vmem_shared>>
      %dma_start3A_393 = arith.constant 0 : i32
      %dma_start3A_394 = arith.constant 0 : i32
      %dma_start3A_395 = tpu.memref_slice %arg11[%run_scoped3A_143, %dma_start3A_393, %dma_start3A_394] : memref<3x128x128xf32, #tpu.memory_space<vmem>> -> memref<1x128x128xf32, #tpu.memory_space<vmem>>
      %dma_start3A_396 = tpu.memref_squeeze %dma_start3A_395 : memref<1x128x128xf32, #tpu.memory_space<vmem>> -> memref<128x128xf32, #tpu.memory_space<vmem>>
      tpu.enqueue_dma source(%dma_start3A_396 : memref<128x128xf32, #tpu.memory_space<vmem>>) target(%dma_start3A_392 : memref<128x128xf32, #tpu.memory_space<vmem_shared>>) target_semaphore(%run_scoped3A_384 : memref<!tpu.dma_semaphore, #tpu.memory_space<semaphore_mem>>)
      %dma_wait3A_397 = arith.constant 0 : i32
      %dma_wait3A_398 = arith.constant 0 : i32
      %dma_wait3A_399 = tpu.memref_slice %arg11[%run_scoped3A_143, %dma_wait3A_397, %dma_wait3A_398] : memref<3x128x128xf32, #tpu.memory_space<vmem>> -> memref<1x128x128xf32, #tpu.memory_space<vmem>>
      %dma_wait3A_400 = tpu.memref_squeeze %dma_wait3A_399 : memref<1x128x128xf32, #tpu.memory_space<vmem>> -> memref<128x128xf32, #tpu.memory_space<vmem>>
      %dma_wait3A_401 = arith.constant 0 : i32
      %dma_wait3A_402 = tpu.memref_slice %arg9[%add3A_142, %dma_wait3A_401] : memref<10000x128xf32, #tpu.memory_space<vmem_shared>> -> memref<128x128xf32, #tpu.memory_space<vmem_shared>>
      %dma_wait3A_403 = arith.constant 0 : i32
      %dma_wait3A_404 = tpu.memref_slice %arg9[%add3A_142, %dma_wait3A_403] : memref<10000x128xf32, #tpu.memory_space<vmem_shared>> -> memref<128x128xf32, #tpu.memory_space<vmem_shared>>
      %dma_wait3A_405 = arith.constant 0 : i32
      %dma_wait3A_406 = arith.constant 0 : i32
      %dma_wait3A_407 = tpu.memref_slice %arg11[%run_scoped3A_143, %dma_wait3A_405, %dma_wait3A_406] : memref<3x128x128xf32, #tpu.memory_space<vmem>> -> memref<1x128x128xf32, #tpu.memory_space<vmem>>
      %dma_wait3A_408 = tpu.memref_squeeze %dma_wait3A_407 : memref<1x128x128xf32, #tpu.memory_space<vmem>> -> memref<128x128xf32, #tpu.memory_space<vmem>>
      tpu.wait_dma2 semaphore(%run_scoped3A_384 : memref<!tpu.dma_semaphore, #tpu.memory_space<semaphore_mem>>) src(%dma_wait3A_408 : memref<128x128xf32, #tpu.memory_space<vmem>>) dst(%dma_wait3A_404 : memref<128x128xf32, #tpu.memory_space<vmem_shared>>)
      tpu.yield
    }) : () -> ()
    %convert_element_type3A_144 = arith.extui %eq3A_1 : i1 to i32
    %cond3A_145 = arith.constant 0 : i32
    %cond3A_146 = arith.cmpi ne, %convert_element_type3A_144, %cond3A_145 : i32
    scf.if %cond3A_146 {
      %add3A_384 = arith.constant 512 : i32
      %add3A_385 = arith.addi %mul3A_2, %add3A_384 : i32
      %run_scoped3A_386 = arith.constant 0 : i32
      "tpu.region"() ({
        %run_scoped3A_387 = tpu.sem_alloc : memref<!tpu.dma_semaphore, #tpu.memory_space<semaphore_mem>>
        %dma_start3A_388 = arith.constant 0 : i32
        %dma_start3A_389 = arith.constant 0 : i32
        %dma_start3A_390 = tpu.memref_slice %arg11[%run_scoped3A_386, %dma_start3A_388, %dma_start3A_389] : memref<3x128x128xf32, #tpu.memory_space<vmem>> -> memref<1x128x128xf32, #tpu.memory_space<vmem>>
        %dma_start3A_391 = tpu.memref_squeeze %dma_start3A_390 : memref<1x128x128xf32, #tpu.memory_space<vmem>> -> memref<128x128xf32, #tpu.memory_space<vmem>>
        %dma_start3A_392 = arith.constant 0 : i32
        %dma_start3A_393 = tpu.memref_slice %arg9[%add3A_385, %dma_start3A_392] : memref<10000x128xf32, #tpu.memory_space<vmem_shared>> -> memref<128x128xf32, #tpu.memory_space<vmem_shared>>
        %dma_start3A_394 = arith.constant 0 : i32
        %dma_start3A_395 = tpu.memref_slice %arg9[%add3A_385, %dma_start3A_394] : memref<10000x128xf32, #tpu.memory_space<vmem_shared>> -> memref<128x128xf32, #tpu.memory_space<vmem_shared>>
        %dma_start3A_396 = arith.constant 0 : i32
        %dma_start3A_397 = arith.constant 0 : i32
        %dma_start3A_398 = tpu.memref_slice %arg11[%run_scoped3A_386, %dma_start3A_396, %dma_start3A_397] : memref<3x128x128xf32, #tpu.memory_space<vmem>> -> memref<1x128x128xf32, #tpu.memory_space<vmem>>
        %dma_start3A_399 = tpu.memref_squeeze %dma_start3A_398 : memref<1x128x128xf32, #tpu.memory_space<vmem>> -> memref<128x128xf32, #tpu.memory_space<vmem>>
        tpu.enqueue_dma source(%dma_start3A_399 : memref<128x128xf32, #tpu.memory_space<vmem>>) target(%dma_start3A_395 : memref<128x128xf32, #tpu.memory_space<vmem_shared>>) target_semaphore(%run_scoped3A_387 : memref<!tpu.dma_semaphore, #tpu.memory_space<semaphore_mem>>)
        %dma_wait3A_400 = arith.constant 0 : i32
        %dma_wait3A_401 = arith.constant 0 : i32
        %dma_wait3A_402 = tpu.memref_slice %arg11[%run_scoped3A_386, %dma_wait3A_400, %dma_wait3A_401] : memref<3x128x128xf32, #tpu.memory_space<vmem>> -> memref<1x128x128xf32, #tpu.memory_space<vmem>>
        %dma_wait3A_403 = tpu.memref_squeeze %dma_wait3A_402 : memref<1x128x128xf32, #tpu.memory_space<vmem>> -> memref<128x128xf32, #tpu.memory_space<vmem>>
        %dma_wait3A_404 = arith.constant 0 : i32
        %dma_wait3A_405 = tpu.memref_slice %arg9[%add3A_385, %dma_wait3A_404] : memref<10000x128xf32, #tpu.memory_space<vmem_shared>> -> memref<128x128xf32, #tpu.memory_space<vmem_shared>>
        %dma_wait3A_406 = arith.constant 0 : i32
        %dma_wait3A_407 = tpu.memref_slice %arg9[%add3A_385, %dma_wait3A_406] : memref<10000x128xf32, #tpu.memory_space<vmem_shared>> -> memref<128x128xf32, #tpu.memory_space<vmem_shared>>
        %dma_wait3A_408 = arith.constant 0 : i32
        %dma_wait3A_409 = arith.constant 0 : i32
        %dma_wait3A_410 = tpu.memref_slice %arg11[%run_scoped3A_386, %dma_wait3A_408, %dma_wait3A_409] : memref<3x128x128xf32, #tpu.memory_space<vmem>> -> memref<1x128x128xf32, #tpu.memory_space<vmem>>
        %dma_wait3A_411 = tpu.memref_squeeze %dma_wait3A_410 : memref<1x128x128xf32, #tpu.memory_space<vmem>> -> memref<128x128xf32, #tpu.memory_space<vmem>>
        tpu.wait_dma2 semaphore(%run_scoped3A_387 : memref<!tpu.dma_semaphore, #tpu.memory_space<semaphore_mem>>) src(%dma_wait3A_411 : memref<128x128xf32, #tpu.memory_space<vmem>>) dst(%dma_wait3A_407 : memref<128x128xf32, #tpu.memory_space<vmem_shared>>)
        tpu.yield
      }) : () -> ()
    } else {
    }
    %not3A_147 = arith.constant true
    %not3A_148 = arith.xori %eq3A_1, %not3A_147 : i1
    %convert_element_type3A_149 = arith.extui %not3A_148 : i1 to i32
    %cond3A_150 = arith.constant 0 : i32
    %cond3A_151 = arith.cmpi ne, %convert_element_type3A_149, %cond3A_150 : i32
    scf.if %cond3A_151 {
      %add3A_384 = arith.constant 512 : i32
      %add3A_385 = arith.addi %mul3A_2, %add3A_384 : i32
      %run_scoped3A_386 = arith.constant 0 : i32
      "tpu.region"() ({
        %run_scoped3A_387 = tpu.sem_alloc : memref<!tpu.dma_semaphore, #tpu.memory_space<semaphore_mem>>
        %dma_start3A_388 = arith.constant 0 : i32
        %dma_start3A_389 = arith.constant 0 : i32
        %dma_start3A_390 = tpu.memref_slice %arg11[%run_scoped3A_386, %dma_start3A_388, %dma_start3A_389] : memref<3x128x128xf32, #tpu.memory_space<vmem>> -> memref<1x112x128xf32, #tpu.memory_space<vmem>>
        %dma_start3A_391 = tpu.memref_squeeze %dma_start3A_390 : memref<1x112x128xf32, #tpu.memory_space<vmem>> -> memref<112x128xf32, #tpu.memory_space<vmem>>
        %dma_start3A_392 = arith.constant 0 : i32
        %dma_start3A_393 = tpu.memref_slice %arg9[%add3A_385, %dma_start3A_392] : memref<10000x128xf32, #tpu.memory_space<vmem_shared>> -> memref<112x128xf32, #tpu.memory_space<vmem_shared>>
        %dma_start3A_394 = arith.constant 0 : i32
        %dma_start3A_395 = tpu.memref_slice %arg9[%add3A_385, %dma_start3A_394] : memref<10000x128xf32, #tpu.memory_space<vmem_shared>> -> memref<112x128xf32, #tpu.memory_space<vmem_shared>>
        %dma_start3A_396 = arith.constant 0 : i32
        %dma_start3A_397 = arith.constant 0 : i32
        %dma_start3A_398 = tpu.memref_slice %arg11[%run_scoped3A_386, %dma_start3A_396, %dma_start3A_397] : memref<3x128x128xf32, #tpu.memory_space<vmem>> -> memref<1x112x128xf32, #tpu.memory_space<vmem>>
        %dma_start3A_399 = tpu.memref_squeeze %dma_start3A_398 : memref<1x112x128xf32, #tpu.memory_space<vmem>> -> memref<112x128xf32, #tpu.memory_space<vmem>>
        tpu.enqueue_dma source(%dma_start3A_399 : memref<112x128xf32, #tpu.memory_space<vmem>>) target(%dma_start3A_395 : memref<112x128xf32, #tpu.memory_space<vmem_shared>>) target_semaphore(%run_scoped3A_387 : memref<!tpu.dma_semaphore, #tpu.memory_space<semaphore_mem>>)
        %dma_wait3A_400 = arith.constant 0 : i32
        %dma_wait3A_401 = arith.constant 0 : i32
        %dma_wait3A_402 = tpu.memref_slice %arg11[%run_scoped3A_386, %dma_wait3A_400, %dma_wait3A_401] : memref<3x128x128xf32, #tpu.memory_space<vmem>> -> memref<1x112x128xf32, #tpu.memory_space<vmem>>
        %dma_wait3A_403 = tpu.memref_squeeze %dma_wait3A_402 : memref<1x112x128xf32, #tpu.memory_space<vmem>> -> memref<112x128xf32, #tpu.memory_space<vmem>>
        %dma_wait3A_404 = arith.constant 0 : i32
        %dma_wait3A_405 = tpu.memref_slice %arg9[%add3A_385, %dma_wait3A_404] : memref<10000x128xf32, #tpu.memory_space<vmem_shared>> -> memref<112x128xf32, #tpu.memory_space<vmem_shared>>
        %dma_wait3A_406 = arith.constant 0 : i32
        %dma_wait3A_407 = tpu.memref_slice %arg9[%add3A_385, %dma_wait3A_406] : memref<10000x128xf32, #tpu.memory_space<vmem_shared>> -> memref<112x128xf32, #tpu.memory_space<vmem_shared>>
        %dma_wait3A_408 = arith.constant 0 : i32
        %dma_wait3A_409 = arith.constant 0 : i32
        %dma_wait3A_410 = tpu.memref_slice %arg11[%run_scoped3A_386, %dma_wait3A_408, %dma_wait3A_409] : memref<3x128x128xf32, #tpu.memory_space<vmem>> -> memref<1x112x128xf32, #tpu.memory_space<vmem>>
        %dma_wait3A_411 = tpu.memref_squeeze %dma_wait3A_410 : memref<1x112x128xf32, #tpu.memory_space<vmem>> -> memref<112x128xf32, #tpu.memory_space<vmem>>
        tpu.wait_dma2 semaphore(%run_scoped3A_387 : memref<!tpu.dma_semaphore, #tpu.memory_space<semaphore_mem>>) src(%dma_wait3A_411 : memref<112x128xf32, #tpu.memory_space<vmem>>) dst(%dma_wait3A_407 : memref<112x128xf32, #tpu.memory_space<vmem_shared>>)
        tpu.yield
      }) : () -> ()
    } else {
    }
    %barrier3A_152 = arith.constant 0 : index
    tpu.barrier barrier_id(%barrier3A_152)
    %mul3A_153 = arith.constant 1250 : i32
    %mul3A_154 = arith.muli %arg0, %mul3A_153 : i32
    %add3A_155 = arith.addi %mul3A_154, %arg1 : i32
    %add3A_156 = arith.constant 0 : i32
    %add3A_157 = arith.addi %add3A_155, %add3A_156 : i32
    %run_scoped3A_158 = arith.constant 0 : i32
    "tpu.region"() ({
      %run_scoped3A_384 = tpu.sem_alloc : memref<!tpu.dma_semaphore, #tpu.memory_space<semaphore_mem>>
      %dma_start3A_385 = arith.constant 0 : i32
      %dma_start3A_386 = arith.constant 0 : i32
      %dma_start3A_387 = tpu.memref_slice %arg10[%run_scoped3A_158, %dma_start3A_385, %dma_start3A_386] : memref<4x2x128xi32, #tpu.memory_space<vmem>> -> memref<1x2x128xi32, #tpu.memory_space<vmem>>
      %dma_start3A_388 = tpu.memref_squeeze %dma_start3A_387 : memref<1x2x128xi32, #tpu.memory_space<vmem>> -> memref<2x128xi32, #tpu.memory_space<vmem>>
      %dma_start3A_389 = arith.constant 0 : i32
      %dma_start3A_390 = arith.constant 0 : i32
      %dma_start3A_391 = tpu.memref_slice %arg6[%add3A_157, %dma_start3A_389, %dma_start3A_390] : memref<2500x2x128xi32, #tpu.memory_space<hbm>> -> memref<1x2x128xi32, #tpu.memory_space<hbm>>
      %dma_start3A_392 = tpu.memref_squeeze %dma_start3A_391 : memref<1x2x128xi32, #tpu.memory_space<hbm>> -> memref<2x128xi32, #tpu.memory_space<hbm>>
      %dma_start3A_393 = arith.constant 0 : i32
      %dma_start3A_394 = arith.constant 0 : i32
      %dma_start3A_395 = tpu.memref_slice %arg10[%run_scoped3A_158, %dma_start3A_393, %dma_start3A_394] : memref<4x2x128xi32, #tpu.memory_space<vmem>> -> memref<1x2x128xi32, #tpu.memory_space<vmem>>
      %dma_start3A_396 = tpu.memref_squeeze %dma_start3A_395 : memref<1x2x128xi32, #tpu.memory_space<vmem>> -> memref<2x128xi32, #tpu.memory_space<vmem>>
      %dma_start3A_397 = arith.constant 0 : i32
      %dma_start3A_398 = arith.constant 0 : i32
      %dma_start3A_399 = tpu.memref_slice %arg6[%add3A_157, %dma_start3A_397, %dma_start3A_398] : memref<2500x2x128xi32, #tpu.memory_space<hbm>> -> memref<1x2x128xi32, #tpu.memory_space<hbm>>
      %dma_start3A_400 = tpu.memref_squeeze %dma_start3A_399 : memref<1x2x128xi32, #tpu.memory_space<hbm>> -> memref<2x128xi32, #tpu.memory_space<hbm>>
      tpu.enqueue_dma source(%dma_start3A_400 : memref<2x128xi32, #tpu.memory_space<hbm>>) target(%dma_start3A_396 : memref<2x128xi32, #tpu.memory_space<vmem>>) target_semaphore(%run_scoped3A_384 : memref<!tpu.dma_semaphore, #tpu.memory_space<semaphore_mem>>)
      %dma_wait3A_401 = arith.constant 0 : i32
      %dma_wait3A_402 = arith.constant 0 : i32
      %dma_wait3A_403 = tpu.memref_slice %arg10[%run_scoped3A_158, %dma_wait3A_401, %dma_wait3A_402] : memref<4x2x128xi32, #tpu.memory_space<vmem>> -> memref<1x2x128xi32, #tpu.memory_space<vmem>>
      %dma_wait3A_404 = tpu.memref_squeeze %dma_wait3A_403 : memref<1x2x128xi32, #tpu.memory_space<vmem>> -> memref<2x128xi32, #tpu.memory_space<vmem>>
      %dma_wait3A_405 = arith.constant 0 : i32
      %dma_wait3A_406 = arith.constant 0 : i32
      %dma_wait3A_407 = tpu.memref_slice %arg6[%add3A_157, %dma_wait3A_405, %dma_wait3A_406] : memref<2500x2x128xi32, #tpu.memory_space<hbm>> -> memref<1x2x128xi32, #tpu.memory_space<hbm>>
      %dma_wait3A_408 = tpu.memref_squeeze %dma_wait3A_407 : memref<1x2x128xi32, #tpu.memory_space<hbm>> -> memref<2x128xi32, #tpu.memory_space<hbm>>
      %dma_wait3A_409 = arith.constant 0 : i32
      %dma_wait3A_410 = arith.constant 0 : i32
      %dma_wait3A_411 = tpu.memref_slice %arg10[%run_scoped3A_158, %dma_wait3A_409, %dma_wait3A_410] : memref<4x2x128xi32, #tpu.memory_space<vmem>> -> memref<1x2x128xi32, #tpu.memory_space<vmem>>
      %dma_wait3A_412 = tpu.memref_squeeze %dma_wait3A_411 : memref<1x2x128xi32, #tpu.memory_space<vmem>> -> memref<2x128xi32, #tpu.memory_space<vmem>>
      %dma_wait3A_413 = arith.constant 0 : i32
      %dma_wait3A_414 = arith.constant 0 : i32
      %dma_wait3A_415 = tpu.memref_slice %arg6[%add3A_157, %dma_wait3A_413, %dma_wait3A_414] : memref<2500x2x128xi32, #tpu.memory_space<hbm>> -> memref<1x2x128xi32, #tpu.memory_space<hbm>>
      %dma_wait3A_416 = tpu.memref_squeeze %dma_wait3A_415 : memref<1x2x128xi32, #tpu.memory_space<hbm>> -> memref<2x128xi32, #tpu.memory_space<hbm>>
      tpu.wait_dma2 semaphore(%run_scoped3A_384 : memref<!tpu.dma_semaphore, #tpu.memory_space<semaphore_mem>>) src(%dma_wait3A_416 : memref<2x128xi32, #tpu.memory_space<hbm>>) dst(%dma_wait3A_412 : memref<2x128xi32, #tpu.memory_space<vmem>>)
      tpu.yield
    }) : () -> ()
    %add3A_159 = arith.constant 16 : i32
    %add3A_160 = arith.addi %add3A_155, %add3A_159 : i32
    %run_scoped3A_161 = arith.constant 1 : i32
    "tpu.region"() ({
      %run_scoped3A_384 = tpu.sem_alloc : memref<!tpu.dma_semaphore, #tpu.memory_space<semaphore_mem>>
      %dma_start3A_385 = arith.constant 0 : i32
      %dma_start3A_386 = arith.constant 0 : i32
      %dma_start3A_387 = tpu.memref_slice %arg10[%run_scoped3A_161, %dma_start3A_385, %dma_start3A_386] : memref<4x2x128xi32, #tpu.memory_space<vmem>> -> memref<1x2x128xi32, #tpu.memory_space<vmem>>
      %dma_start3A_388 = tpu.memref_squeeze %dma_start3A_387 : memref<1x2x128xi32, #tpu.memory_space<vmem>> -> memref<2x128xi32, #tpu.memory_space<vmem>>
      %dma_start3A_389 = arith.constant 0 : i32
      %dma_start3A_390 = arith.constant 0 : i32
      %dma_start3A_391 = tpu.memref_slice %arg6[%add3A_160, %dma_start3A_389, %dma_start3A_390] : memref<2500x2x128xi32, #tpu.memory_space<hbm>> -> memref<1x2x128xi32, #tpu.memory_space<hbm>>
      %dma_start3A_392 = tpu.memref_squeeze %dma_start3A_391 : memref<1x2x128xi32, #tpu.memory_space<hbm>> -> memref<2x128xi32, #tpu.memory_space<hbm>>
      %dma_start3A_393 = arith.constant 0 : i32
      %dma_start3A_394 = arith.constant 0 : i32
      %dma_start3A_395 = tpu.memref_slice %arg10[%run_scoped3A_161, %dma_start3A_393, %dma_start3A_394] : memref<4x2x128xi32, #tpu.memory_space<vmem>> -> memref<1x2x128xi32, #tpu.memory_space<vmem>>
      %dma_start3A_396 = tpu.memref_squeeze %dma_start3A_395 : memref<1x2x128xi32, #tpu.memory_space<vmem>> -> memref<2x128xi32, #tpu.memory_space<vmem>>
      %dma_start3A_397 = arith.constant 0 : i32
      %dma_start3A_398 = arith.constant 0 : i32
      %dma_start3A_399 = tpu.memref_slice %arg6[%add3A_160, %dma_start3A_397, %dma_start3A_398] : memref<2500x2x128xi32, #tpu.memory_space<hbm>> -> memref<1x2x128xi32, #tpu.memory_space<hbm>>
      %dma_start3A_400 = tpu.memref_squeeze %dma_start3A_399 : memref<1x2x128xi32, #tpu.memory_space<hbm>> -> memref<2x128xi32, #tpu.memory_space<hbm>>
      tpu.enqueue_dma source(%dma_start3A_400 : memref<2x128xi32, #tpu.memory_space<hbm>>) target(%dma_start3A_396 : memref<2x128xi32, #tpu.memory_space<vmem>>) target_semaphore(%run_scoped3A_384 : memref<!tpu.dma_semaphore, #tpu.memory_space<semaphore_mem>>)
      %dma_wait3A_401 = arith.constant 0 : i32
      %dma_wait3A_402 = arith.constant 0 : i32
      %dma_wait3A_403 = tpu.memref_slice %arg10[%run_scoped3A_161, %dma_wait3A_401, %dma_wait3A_402] : memref<4x2x128xi32, #tpu.memory_space<vmem>> -> memref<1x2x128xi32, #tpu.memory_space<vmem>>
      %dma_wait3A_404 = tpu.memref_squeeze %dma_wait3A_403 : memref<1x2x128xi32, #tpu.memory_space<vmem>> -> memref<2x128xi32, #tpu.memory_space<vmem>>
      %dma_wait3A_405 = arith.constant 0 : i32
      %dma_wait3A_406 = arith.constant 0 : i32
      %dma_wait3A_407 = tpu.memref_slice %arg6[%add3A_160, %dma_wait3A_405, %dma_wait3A_406] : memref<2500x2x128xi32, #tpu.memory_space<hbm>> -> memref<1x2x128xi32, #tpu.memory_space<hbm>>
      %dma_wait3A_408 = tpu.memref_squeeze %dma_wait3A_407 : memref<1x2x128xi32, #tpu.memory_space<hbm>> -> memref<2x128xi32, #tpu.memory_space<hbm>>
      %dma_wait3A_409 = arith.constant 0 : i32
      %dma_wait3A_410 = arith.constant 0 : i32
      %dma_wait3A_411 = tpu.memref_slice %arg10[%run_scoped3A_161, %dma_wait3A_409, %dma_wait3A_410] : memref<4x2x128xi32, #tpu.memory_space<vmem>> -> memref<1x2x128xi32, #tpu.memory_space<vmem>>
      %dma_wait3A_412 = tpu.memref_squeeze %dma_wait3A_411 : memref<1x2x128xi32, #tpu.memory_space<vmem>> -> memref<2x128xi32, #tpu.memory_space<vmem>>
      %dma_wait3A_413 = arith.constant 0 : i32
      %dma_wait3A_414 = arith.constant 0 : i32
      %dma_wait3A_415 = tpu.memref_slice %arg6[%add3A_160, %dma_wait3A_413, %dma_wait3A_414] : memref<2500x2x128xi32, #tpu.memory_space<hbm>> -> memref<1x2x128xi32, #tpu.memory_space<hbm>>
      %dma_wait3A_416 = tpu.memref_squeeze %dma_wait3A_415 : memref<1x2x128xi32, #tpu.memory_space<hbm>> -> memref<2x128xi32, #tpu.memory_space<hbm>>
      tpu.wait_dma2 semaphore(%run_scoped3A_384 : memref<!tpu.dma_semaphore, #tpu.memory_space<semaphore_mem>>) src(%dma_wait3A_416 : memref<2x128xi32, #tpu.memory_space<hbm>>) dst(%dma_wait3A_412 : memref<2x128xi32, #tpu.memory_space<vmem>>)
      tpu.yield
    }) : () -> ()
    %add3A_162 = arith.constant 32 : i32
    %add3A_163 = arith.addi %add3A_155, %add3A_162 : i32
    %run_scoped3A_164 = arith.constant 2 : i32
    "tpu.region"() ({
      %run_scoped3A_384 = tpu.sem_alloc : memref<!tpu.dma_semaphore, #tpu.memory_space<semaphore_mem>>
      %dma_start3A_385 = arith.constant 0 : i32
      %dma_start3A_386 = arith.constant 0 : i32
      %dma_start3A_387 = tpu.memref_slice %arg10[%run_scoped3A_164, %dma_start3A_385, %dma_start3A_386] : memref<4x2x128xi32, #tpu.memory_space<vmem>> -> memref<1x2x128xi32, #tpu.memory_space<vmem>>
      %dma_start3A_388 = tpu.memref_squeeze %dma_start3A_387 : memref<1x2x128xi32, #tpu.memory_space<vmem>> -> memref<2x128xi32, #tpu.memory_space<vmem>>
      %dma_start3A_389 = arith.constant 0 : i32
      %dma_start3A_390 = arith.constant 0 : i32
      %dma_start3A_391 = tpu.memref_slice %arg6[%add3A_163, %dma_start3A_389, %dma_start3A_390] : memref<2500x2x128xi32, #tpu.memory_space<hbm>> -> memref<1x2x128xi32, #tpu.memory_space<hbm>>
      %dma_start3A_392 = tpu.memref_squeeze %dma_start3A_391 : memref<1x2x128xi32, #tpu.memory_space<hbm>> -> memref<2x128xi32, #tpu.memory_space<hbm>>
      %dma_start3A_393 = arith.constant 0 : i32
      %dma_start3A_394 = arith.constant 0 : i32
      %dma_start3A_395 = tpu.memref_slice %arg10[%run_scoped3A_164, %dma_start3A_393, %dma_start3A_394] : memref<4x2x128xi32, #tpu.memory_space<vmem>> -> memref<1x2x128xi32, #tpu.memory_space<vmem>>
      %dma_start3A_396 = tpu.memref_squeeze %dma_start3A_395 : memref<1x2x128xi32, #tpu.memory_space<vmem>> -> memref<2x128xi32, #tpu.memory_space<vmem>>
      %dma_start3A_397 = arith.constant 0 : i32
      %dma_start3A_398 = arith.constant 0 : i32
      %dma_start3A_399 = tpu.memref_slice %arg6[%add3A_163, %dma_start3A_397, %dma_start3A_398] : memref<2500x2x128xi32, #tpu.memory_space<hbm>> -> memref<1x2x128xi32, #tpu.memory_space<hbm>>
      %dma_start3A_400 = tpu.memref_squeeze %dma_start3A_399 : memref<1x2x128xi32, #tpu.memory_space<hbm>> -> memref<2x128xi32, #tpu.memory_space<hbm>>
      tpu.enqueue_dma source(%dma_start3A_400 : memref<2x128xi32, #tpu.memory_space<hbm>>) target(%dma_start3A_396 : memref<2x128xi32, #tpu.memory_space<vmem>>) target_semaphore(%run_scoped3A_384 : memref<!tpu.dma_semaphore, #tpu.memory_space<semaphore_mem>>)
      %dma_wait3A_401 = arith.constant 0 : i32
      %dma_wait3A_402 = arith.constant 0 : i32
      %dma_wait3A_403 = tpu.memref_slice %arg10[%run_scoped3A_164, %dma_wait3A_401, %dma_wait3A_402] : memref<4x2x128xi32, #tpu.memory_space<vmem>> -> memref<1x2x128xi32, #tpu.memory_space<vmem>>
      %dma_wait3A_404 = tpu.memref_squeeze %dma_wait3A_403 : memref<1x2x128xi32, #tpu.memory_space<vmem>> -> memref<2x128xi32, #tpu.memory_space<vmem>>
      %dma_wait3A_405 = arith.constant 0 : i32
      %dma_wait3A_406 = arith.constant 0 : i32
      %dma_wait3A_407 = tpu.memref_slice %arg6[%add3A_163, %dma_wait3A_405, %dma_wait3A_406] : memref<2500x2x128xi32, #tpu.memory_space<hbm>> -> memref<1x2x128xi32, #tpu.memory_space<hbm>>
      %dma_wait3A_408 = tpu.memref_squeeze %dma_wait3A_407 : memref<1x2x128xi32, #tpu.memory_space<hbm>> -> memref<2x128xi32, #tpu.memory_space<hbm>>
      %dma_wait3A_409 = arith.constant 0 : i32
      %dma_wait3A_410 = arith.constant 0 : i32
      %dma_wait3A_411 = tpu.memref_slice %arg10[%run_scoped3A_164, %dma_wait3A_409, %dma_wait3A_410] : memref<4x2x128xi32, #tpu.memory_space<vmem>> -> memref<1x2x128xi32, #tpu.memory_space<vmem>>
      %dma_wait3A_412 = tpu.memref_squeeze %dma_wait3A_411 : memref<1x2x128xi32, #tpu.memory_space<vmem>> -> memref<2x128xi32, #tpu.memory_space<vmem>>
      %dma_wait3A_413 = arith.constant 0 : i32
      %dma_wait3A_414 = arith.constant 0 : i32
      %dma_wait3A_415 = tpu.memref_slice %arg6[%add3A_163, %dma_wait3A_413, %dma_wait3A_414] : memref<2500x2x128xi32, #tpu.memory_space<hbm>> -> memref<1x2x128xi32, #tpu.memory_space<hbm>>
      %dma_wait3A_416 = tpu.memref_squeeze %dma_wait3A_415 : memref<1x2x128xi32, #tpu.memory_space<hbm>> -> memref<2x128xi32, #tpu.memory_space<hbm>>
      tpu.wait_dma2 semaphore(%run_scoped3A_384 : memref<!tpu.dma_semaphore, #tpu.memory_space<semaphore_mem>>) src(%dma_wait3A_416 : memref<2x128xi32, #tpu.memory_space<hbm>>) dst(%dma_wait3A_412 : memref<2x128xi32, #tpu.memory_space<vmem>>)
      tpu.yield
    }) : () -> ()
    %dma_start3A_165 = arith.constant 0 : i32
    %dma_start3A_166 = arith.constant 0 : i32
    %dma_start3A_167 = arith.constant 0 : i32
    %dma_start3A_168 = arith.constant 0 : i32
    %dma_start3A_169 = arith.constant 0 : i32
    %dma_start3A_170 = tpu.memref_slice %arg11[%dma_start3A_167, %dma_start3A_168, %dma_start3A_169] : memref<3x128x128xf32, #tpu.memory_space<vmem>> -> memref<1x128x128xf32, #tpu.memory_space<vmem>>
    %dma_start3A_171 = tpu.memref_squeeze %dma_start3A_170 : memref<1x128x128xf32, #tpu.memory_space<vmem>> -> memref<128x128xf32, #tpu.memory_space<vmem>>
    %dma_start3A_172 = arith.constant 0 : i32
    %dma_start3A_173 = tpu.memref_slice %arg10[%dma_start3A_165, %dma_start3A_166, %dma_start3A_172] : memref<4x2x128xi32, #tpu.memory_space<vmem>> -> memref<1x1x128xi32, #tpu.memory_space<vmem>>
    %dma_start3A_174 = tpu.memref_squeeze %dma_start3A_173 : memref<1x1x128xi32, #tpu.memory_space<vmem>> -> memref<128xi32, #tpu.memory_space<vmem>>
    %dma_start3A_175 = arith.constant 0 : i32
    %dma_start3A_176 = arith.constant 0 : i32
    %dma_start3A_177 = tpu.memref_slice %arg3[%dma_start3A_175, %dma_start3A_176] : memref<10240x128xf32, #tpu.memory_space<hbm>> -> memref<10240x128xf32, #tpu.memory_space<hbm>>
    tpu.enqueue_indirect_dma source(%dma_start3A_177 : memref<10240x128xf32, #tpu.memory_space<hbm>>) target(%dma_start3A_171 : memref<128x128xf32, #tpu.memory_space<vmem>>) offsets(%dma_start3A_174 : memref<128xi32, #tpu.memory_space<vmem>>) semaphore(%arg12 : memref<!tpu.dma_semaphore, #tpu.memory_space<semaphore_mem>>)
    %dma_start3A_178 = arith.constant 1 : i32
    %dma_start3A_179 = arith.constant 0 : i32
    %dma_start3A_180 = arith.constant 1 : i32
    %dma_start3A_181 = arith.constant 0 : i32
    %dma_start3A_182 = arith.constant 0 : i32
    %dma_start3A_183 = tpu.memref_slice %arg11[%dma_start3A_180, %dma_start3A_181, %dma_start3A_182] : memref<3x128x128xf32, #tpu.memory_space<vmem>> -> memref<1x128x128xf32, #tpu.memory_space<vmem>>
    %dma_start3A_184 = tpu.memref_squeeze %dma_start3A_183 : memref<1x128x128xf32, #tpu.memory_space<vmem>> -> memref<128x128xf32, #tpu.memory_space<vmem>>
    %dma_start3A_185 = arith.constant 0 : i32
    %dma_start3A_186 = tpu.memref_slice %arg10[%dma_start3A_178, %dma_start3A_179, %dma_start3A_185] : memref<4x2x128xi32, #tpu.memory_space<vmem>> -> memref<1x1x128xi32, #tpu.memory_space<vmem>>
    %dma_start3A_187 = tpu.memref_squeeze %dma_start3A_186 : memref<1x1x128xi32, #tpu.memory_space<vmem>> -> memref<128xi32, #tpu.memory_space<vmem>>
    %dma_start3A_188 = arith.constant 0 : i32
    %dma_start3A_189 = arith.constant 0 : i32
    %dma_start3A_190 = tpu.memref_slice %arg3[%dma_start3A_188, %dma_start3A_189] : memref<10240x128xf32, #tpu.memory_space<hbm>> -> memref<10240x128xf32, #tpu.memory_space<hbm>>
    tpu.enqueue_indirect_dma source(%dma_start3A_190 : memref<10240x128xf32, #tpu.memory_space<hbm>>) target(%dma_start3A_184 : memref<128x128xf32, #tpu.memory_space<vmem>>) offsets(%dma_start3A_187 : memref<128xi32, #tpu.memory_space<vmem>>) semaphore(%arg12 : memref<!tpu.dma_semaphore, #tpu.memory_space<semaphore_mem>>)
    %while3A_191 = arith.constant 0 : i32
    %while3A_192 = arith.constant 0 : i32
    %while3A_193 = arith.subi %add3A_5, %while3A_192 : i32
    %while3A_194 = arith.addi %while3A_192, %while3A_193 : i32
    %while3A_195 = arith.constant 1 : i32
    %while3A_196 = arith.divsi %while3A_193, %while3A_195 : i32
    %while3A_197 = arith.muli %while3A_196, %while3A_195 : i32
    %while3A_198 = arith.addi %while3A_192, %while3A_197 : i32
    %while3A_199 = arith.constant 1 : i32
    scf.for %while3A_384 = %while3A_192 to %while3A_198 step %while3A_199  : i32 {
      %rem3A = arith.constant 3 : i32
      %rem3A_385 = arith.remsi %while3A_384, %rem3A : i32
      %rem3A_386 = arith.constant 4 : i32
      %rem3A_387 = arith.remsi %while3A_384, %rem3A_386 : i32
      %ge3A = arith.constant 1 : i32
      %ge3A_388 = arith.cmpi sge, %while3A_384, %ge3A : i32
      %add3A_389 = arith.constant 2 : i32
      %add3A_390 = arith.addi %while3A_384, %add3A_389 : i32
      %lt3A_391 = arith.cmpi slt, %add3A_390, %add3A_5 : i32
      %and3A = arith.andi %ge3A_388, %lt3A_391 : i1
      %convert_element_type3A_392 = arith.extui %and3A : i1 to i32
      %cond3A_393 = arith.constant 0 : i32
      %cond3A_394 = arith.cmpi ne, %convert_element_type3A_392, %cond3A_393 : i32
      scf.if %cond3A_394 {
        %dma_wait3A_432 = arith.constant 0 : i32
        %dma_wait3A_433 = arith.constant 0 : i32
        %dma_wait3A_434 = arith.constant 0 : i32
        %dma_wait3A_435 = tpu.memref_slice %arg10[%dma_wait3A_432, %dma_wait3A_433, %dma_wait3A_434] : memref<4x2x128xi32, #tpu.memory_space<vmem>> -> memref<1x2x128xi32, #tpu.memory_space<vmem>>
        %dma_wait3A_436 = tpu.memref_squeeze %dma_wait3A_435 : memref<1x2x128xi32, #tpu.memory_space<vmem>> -> memref<2x128xi32, #tpu.memory_space<vmem>>
        %dma_wait3A_437 = arith.constant 0 : i32
        %dma_wait3A_438 = arith.constant 0 : i32
        %dma_wait3A_439 = tpu.memref_slice %arg6[%add3A_155, %dma_wait3A_437, %dma_wait3A_438] : memref<2500x2x128xi32, #tpu.memory_space<hbm>> -> memref<1x2x128xi32, #tpu.memory_space<hbm>>
        %dma_wait3A_440 = tpu.memref_squeeze %dma_wait3A_439 : memref<1x2x128xi32, #tpu.memory_space<hbm>> -> memref<2x128xi32, #tpu.memory_space<hbm>>
        %dma_wait3A_441 = arith.constant 0 : i32
        %dma_wait3A_442 = arith.constant 0 : i32
        %dma_wait3A_443 = tpu.memref_slice %arg10[%dma_wait3A_432, %dma_wait3A_441, %dma_wait3A_442] : memref<4x2x128xi32, #tpu.memory_space<vmem>> -> memref<1x2x128xi32, #tpu.memory_space<vmem>>
        %dma_wait3A_444 = tpu.memref_squeeze %dma_wait3A_443 : memref<1x2x128xi32, #tpu.memory_space<vmem>> -> memref<2x128xi32, #tpu.memory_space<vmem>>
        %dma_wait3A_445 = arith.constant 0 : i32
        %dma_wait3A_446 = arith.constant 0 : i32
        %dma_wait3A_447 = tpu.memref_slice %arg6[%add3A_155, %dma_wait3A_445, %dma_wait3A_446] : memref<2500x2x128xi32, #tpu.memory_space<hbm>> -> memref<1x2x128xi32, #tpu.memory_space<hbm>>
        %dma_wait3A_448 = tpu.memref_squeeze %dma_wait3A_447 : memref<1x2x128xi32, #tpu.memory_space<hbm>> -> memref<2x128xi32, #tpu.memory_space<hbm>>
        tpu.wait_dma2 semaphore(%arg13 : memref<!tpu.dma_semaphore, #tpu.memory_space<semaphore_mem>>) src(%dma_wait3A_448 : memref<2x128xi32, #tpu.memory_space<hbm>>) dst(%dma_wait3A_444 : memref<2x128xi32, #tpu.memory_space<vmem>>)
        %dma_wait3A_449 = arith.constant 0 : i32
        %dma_wait3A_450 = arith.constant 0 : i32
        %dma_wait3A_451 = arith.constant 0 : i32
        %dma_wait3A_452 = tpu.memref_slice %arg11[%dma_wait3A_449, %dma_wait3A_450, %dma_wait3A_451] : memref<3x128x128xf32, #tpu.memory_space<vmem>> -> memref<1x128x128xf32, #tpu.memory_space<vmem>>
        %dma_wait3A_453 = tpu.memref_squeeze %dma_wait3A_452 : memref<1x128x128xf32, #tpu.memory_space<vmem>> -> memref<128x128xf32, #tpu.memory_space<vmem>>
        %dma_wait3A_454 = arith.constant 0 : i32
        %dma_wait3A_455 = arith.constant 0 : i32
        %dma_wait3A_456 = tpu.memref_slice %arg3[%dma_wait3A_454, %dma_wait3A_455] : memref<10240x128xf32, #tpu.memory_space<hbm>> -> memref<128x128xf32, #tpu.memory_space<hbm>>
        %dma_wait3A_457 = arith.constant 0 : i32
        %dma_wait3A_458 = arith.constant 0 : i32
        %dma_wait3A_459 = tpu.memref_slice %arg11[%dma_wait3A_449, %dma_wait3A_457, %dma_wait3A_458] : memref<3x128x128xf32, #tpu.memory_space<vmem>> -> memref<1x128x128xf32, #tpu.memory_space<vmem>>
        %dma_wait3A_460 = tpu.memref_squeeze %dma_wait3A_459 : memref<1x128x128xf32, #tpu.memory_space<vmem>> -> memref<128x128xf32, #tpu.memory_space<vmem>>
        %dma_wait3A_461 = arith.constant 0 : i32
        %dma_wait3A_462 = arith.constant 0 : i32
        %dma_wait3A_463 = tpu.memref_slice %arg3[%dma_wait3A_461, %dma_wait3A_462] : memref<10240x128xf32, #tpu.memory_space<hbm>> -> memref<128x128xf32, #tpu.memory_space<hbm>>
        tpu.wait_dma2 semaphore(%arg14 : memref<!tpu.dma_semaphore, #tpu.memory_space<semaphore_mem>>) src(%dma_wait3A_463 : memref<128x128xf32, #tpu.memory_space<hbm>>) dst(%dma_wait3A_460 : memref<128x128xf32, #tpu.memory_space<vmem>>)
      } else {
      }
      %add3A_395 = arith.constant 2 : i32
      %add3A_396 = arith.addi %while3A_384, %add3A_395 : i32
      %lt3A_397 = arith.cmpi slt, %add3A_396, %add3A_5 : i32
      %convert_element_type3A_398 = arith.extui %lt3A_397 : i1 to i32
      %cond3A_399 = arith.constant 0 : i32
      %cond3A_400 = arith.cmpi ne, %convert_element_type3A_398, %cond3A_399 : i32
      scf.if %cond3A_400 {
        %add3A_432 = arith.constant 2 : i32
        %add3A_433 = arith.addi %while3A_384, %add3A_432 : i32
        %rem3A_434 = arith.constant 4 : i32
        %rem3A_435 = arith.remsi %add3A_433, %rem3A_434 : i32
        %add3A_436 = arith.constant 2 : i32
        %add3A_437 = arith.addi %while3A_384, %add3A_436 : i32
        %rem3A_438 = arith.constant 3 : i32
        %rem3A_439 = arith.remsi %add3A_437, %rem3A_438 : i32
        %dma_start3A_440 = arith.constant 0 : i32
        %dma_start3A_441 = arith.constant 0 : i32
        %dma_start3A_442 = arith.constant 0 : i32
        %dma_start3A_443 = tpu.memref_slice %arg11[%rem3A_439, %dma_start3A_441, %dma_start3A_442] : memref<3x128x128xf32, #tpu.memory_space<vmem>> -> memref<1x128x128xf32, #tpu.memory_space<vmem>>
        %dma_start3A_444 = tpu.memref_squeeze %dma_start3A_443 : memref<1x128x128xf32, #tpu.memory_space<vmem>> -> memref<128x128xf32, #tpu.memory_space<vmem>>
        %dma_start3A_445 = arith.constant 0 : i32
        %dma_start3A_446 = tpu.memref_slice %arg10[%rem3A_435, %dma_start3A_440, %dma_start3A_445] : memref<4x2x128xi32, #tpu.memory_space<vmem>> -> memref<1x1x128xi32, #tpu.memory_space<vmem>>
        %dma_start3A_447 = tpu.memref_squeeze %dma_start3A_446 : memref<1x1x128xi32, #tpu.memory_space<vmem>> -> memref<128xi32, #tpu.memory_space<vmem>>
        %dma_start3A_448 = arith.constant 0 : i32
        %dma_start3A_449 = arith.constant 0 : i32
        %dma_start3A_450 = tpu.memref_slice %arg3[%dma_start3A_448, %dma_start3A_449] : memref<10240x128xf32, #tpu.memory_space<hbm>> -> memref<10240x128xf32, #tpu.memory_space<hbm>>
        tpu.enqueue_indirect_dma source(%dma_start3A_450 : memref<10240x128xf32, #tpu.memory_space<hbm>>) target(%dma_start3A_444 : memref<128x128xf32, #tpu.memory_space<vmem>>) offsets(%dma_start3A_447 : memref<128xi32, #tpu.memory_space<vmem>>) semaphore(%arg12 : memref<!tpu.dma_semaphore, #tpu.memory_space<semaphore_mem>>)
      } else {
      }
      %add3A_401 = arith.constant 3 : i32
      %add3A_402 = arith.addi %while3A_384, %add3A_401 : i32
      %lt3A_403 = arith.cmpi slt, %add3A_402, %add3A_5 : i32
      %convert_element_type3A_404 = arith.extui %lt3A_403 : i1 to i32
      %cond3A_405 = arith.constant 0 : i32
      %cond3A_406 = arith.cmpi ne, %convert_element_type3A_404, %cond3A_405 : i32
      scf.if %cond3A_406 {
        %add3A_432 = arith.constant 3 : i32
        %add3A_433 = arith.addi %while3A_384, %add3A_432 : i32
        %mul3A_434 = arith.constant 16 : i32
        %mul3A_435 = arith.muli %add3A_433, %mul3A_434 : i32
        %add3A_436 = arith.addi %add3A_155, %mul3A_435 : i32
        %add3A_437 = arith.constant 3 : i32
        %add3A_438 = arith.addi %while3A_384, %add3A_437 : i32
        %rem3A_439 = arith.constant 4 : i32
        %rem3A_440 = arith.remsi %add3A_438, %rem3A_439 : i32
        %dma_start3A_441 = arith.constant 0 : i32
        %dma_start3A_442 = arith.constant 0 : i32
        %dma_start3A_443 = tpu.memref_slice %arg10[%rem3A_440, %dma_start3A_441, %dma_start3A_442] : memref<4x2x128xi32, #tpu.memory_space<vmem>> -> memref<1x2x128xi32, #tpu.memory_space<vmem>>
        %dma_start3A_444 = tpu.memref_squeeze %dma_start3A_443 : memref<1x2x128xi32, #tpu.memory_space<vmem>> -> memref<2x128xi32, #tpu.memory_space<vmem>>
        %dma_start3A_445 = arith.constant 0 : i32
        %dma_start3A_446 = arith.constant 0 : i32
        %dma_start3A_447 = tpu.memref_slice %arg6[%add3A_436, %dma_start3A_445, %dma_start3A_446] : memref<2500x2x128xi32, #tpu.memory_space<hbm>> -> memref<1x2x128xi32, #tpu.memory_space<hbm>>
        %dma_start3A_448 = tpu.memref_squeeze %dma_start3A_447 : memref<1x2x128xi32, #tpu.memory_space<hbm>> -> memref<2x128xi32, #tpu.memory_space<hbm>>
        %dma_start3A_449 = arith.constant 0 : i32
        %dma_start3A_450 = arith.constant 0 : i32
        %dma_start3A_451 = tpu.memref_slice %arg10[%rem3A_440, %dma_start3A_449, %dma_start3A_450] : memref<4x2x128xi32, #tpu.memory_space<vmem>> -> memref<1x2x128xi32, #tpu.memory_space<vmem>>
        %dma_start3A_452 = tpu.memref_squeeze %dma_start3A_451 : memref<1x2x128xi32, #tpu.memory_space<vmem>> -> memref<2x128xi32, #tpu.memory_space<vmem>>
        %dma_start3A_453 = arith.constant 0 : i32
        %dma_start3A_454 = arith.constant 0 : i32
        %dma_start3A_455 = tpu.memref_slice %arg6[%add3A_436, %dma_start3A_453, %dma_start3A_454] : memref<2500x2x128xi32, #tpu.memory_space<hbm>> -> memref<1x2x128xi32, #tpu.memory_space<hbm>>
        %dma_start3A_456 = tpu.memref_squeeze %dma_start3A_455 : memref<1x2x128xi32, #tpu.memory_space<hbm>> -> memref<2x128xi32, #tpu.memory_space<hbm>>
        tpu.enqueue_dma source(%dma_start3A_456 : memref<2x128xi32, #tpu.memory_space<hbm>>) target(%dma_start3A_452 : memref<2x128xi32, #tpu.memory_space<vmem>>) target_semaphore(%arg13 : memref<!tpu.dma_semaphore, #tpu.memory_space<semaphore_mem>>)
      } else {
      }
      %dma_wait3A_407 = arith.constant 0 : i32
      %dma_wait3A_408 = arith.constant 0 : i32
      %dma_wait3A_409 = tpu.memref_slice %arg11[%rem3A_385, %dma_wait3A_407, %dma_wait3A_408] : memref<3x128x128xf32, #tpu.memory_space<vmem>> -> memref<1x128x128xf32, #tpu.memory_space<vmem>>
      %dma_wait3A_410 = tpu.memref_squeeze %dma_wait3A_409 : memref<1x128x128xf32, #tpu.memory_space<vmem>> -> memref<128x128xf32, #tpu.memory_space<vmem>>
      %dma_wait3A_411 = arith.constant 0 : i32
      %dma_wait3A_412 = arith.constant 0 : i32
      %dma_wait3A_413 = tpu.memref_slice %arg3[%dma_wait3A_411, %dma_wait3A_412] : memref<10240x128xf32, #tpu.memory_space<hbm>> -> memref<128x128xf32, #tpu.memory_space<hbm>>
      %dma_wait3A_414 = arith.constant 0 : i32
      %dma_wait3A_415 = arith.constant 0 : i32
      %dma_wait3A_416 = tpu.memref_slice %arg11[%rem3A_385, %dma_wait3A_414, %dma_wait3A_415] : memref<3x128x128xf32, #tpu.memory_space<vmem>> -> memref<1x128x128xf32, #tpu.memory_space<vmem>>
      %dma_wait3A_417 = tpu.memref_squeeze %dma_wait3A_416 : memref<1x128x128xf32, #tpu.memory_space<vmem>> -> memref<128x128xf32, #tpu.memory_space<vmem>>
      %dma_wait3A_418 = arith.constant 0 : i32
      %dma_wait3A_419 = arith.constant 0 : i32
      %dma_wait3A_420 = tpu.memref_slice %arg3[%dma_wait3A_418, %dma_wait3A_419] : memref<10240x128xf32, #tpu.memory_space<hbm>> -> memref<128x128xf32, #tpu.memory_space<hbm>>
      tpu.wait_dma2 semaphore(%arg12 : memref<!tpu.dma_semaphore, #tpu.memory_space<semaphore_mem>>) src(%dma_wait3A_420 : memref<128x128xf32, #tpu.memory_space<hbm>>) dst(%dma_wait3A_417 : memref<128x128xf32, #tpu.memory_space<vmem>>)
      %dma_start3A_421 = arith.constant 1 : i32
      %dma_start3A_422 = arith.constant 0 : i32
      %dma_start3A_423 = arith.constant 0 : i32
      %dma_start3A_424 = tpu.memref_slice %arg11[%rem3A_385, %dma_start3A_422, %dma_start3A_423] : memref<3x128x128xf32, #tpu.memory_space<vmem>> -> memref<1x128x128xf32, #tpu.memory_space<vmem>>
      %dma_start3A_425 = tpu.memref_squeeze %dma_start3A_424 : memref<1x128x128xf32, #tpu.memory_space<vmem>> -> memref<128x128xf32, #tpu.memory_space<vmem>>
      %dma_start3A_426 = arith.constant 0 : i32
      %dma_start3A_427 = tpu.memref_slice %arg10[%rem3A_387, %dma_start3A_421, %dma_start3A_426] : memref<4x2x128xi32, #tpu.memory_space<vmem>> -> memref<1x1x128xi32, #tpu.memory_space<vmem>>
      %dma_start3A_428 = tpu.memref_squeeze %dma_start3A_427 : memref<1x1x128xi32, #tpu.memory_space<vmem>> -> memref<128xi32, #tpu.memory_space<vmem>>
      %dma_start3A_429 = arith.constant 0 : i32
      %dma_start3A_430 = arith.constant 0 : i32
      %dma_start3A_431 = tpu.memref_slice %arg9[%dma_start3A_429, %dma_start3A_430] : memref<10000x128xf32, #tpu.memory_space<vmem_shared>> -> memref<10000x128xf32, #tpu.memory_space<vmem_shared>>
      tpu.enqueue_indirect_dma source(%dma_start3A_425 : memref<128x128xf32, #tpu.memory_space<vmem>>) target(%dma_start3A_431 : memref<10000x128xf32, #tpu.memory_space<vmem_shared>>) offsets(%dma_start3A_428 : memref<128xi32, #tpu.memory_space<vmem>>) semaphore(%arg14 : memref<!tpu.dma_semaphore, #tpu.memory_space<semaphore_mem>>) {add = true}
    }
    %while3A_200 = arith.constant 1 : i32
    scf.for %while3A_384 = %while3A_198 to %while3A_194 step %while3A_200  : i32 {
      %rem3A = arith.constant 3 : i32
      %rem3A_385 = arith.remsi %while3A_384, %rem3A : i32
      %rem3A_386 = arith.constant 4 : i32
      %rem3A_387 = arith.remsi %while3A_384, %rem3A_386 : i32
      %ge3A = arith.constant 1 : i32
      %ge3A_388 = arith.cmpi sge, %while3A_384, %ge3A : i32
      %add3A_389 = arith.constant 2 : i32
      %add3A_390 = arith.addi %while3A_384, %add3A_389 : i32
      %lt3A_391 = arith.cmpi slt, %add3A_390, %add3A_5 : i32
      %and3A = arith.andi %ge3A_388, %lt3A_391 : i1
      %convert_element_type3A_392 = arith.extui %and3A : i1 to i32
      %cond3A_393 = arith.constant 0 : i32
      %cond3A_394 = arith.cmpi ne, %convert_element_type3A_392, %cond3A_393 : i32
      scf.if %cond3A_394 {
        %dma_wait3A_432 = arith.constant 0 : i32
        %dma_wait3A_433 = arith.constant 0 : i32
        %dma_wait3A_434 = arith.constant 0 : i32
        %dma_wait3A_435 = tpu.memref_slice %arg10[%dma_wait3A_432, %dma_wait3A_433, %dma_wait3A_434] : memref<4x2x128xi32, #tpu.memory_space<vmem>> -> memref<1x2x128xi32, #tpu.memory_space<vmem>>
        %dma_wait3A_436 = tpu.memref_squeeze %dma_wait3A_435 : memref<1x2x128xi32, #tpu.memory_space<vmem>> -> memref<2x128xi32, #tpu.memory_space<vmem>>
        %dma_wait3A_437 = arith.constant 0 : i32
        %dma_wait3A_438 = arith.constant 0 : i32
        %dma_wait3A_439 = tpu.memref_slice %arg6[%add3A_155, %dma_wait3A_437, %dma_wait3A_438] : memref<2500x2x128xi32, #tpu.memory_space<hbm>> -> memref<1x2x128xi32, #tpu.memory_space<hbm>>
        %dma_wait3A_440 = tpu.memref_squeeze %dma_wait3A_439 : memref<1x2x128xi32, #tpu.memory_space<hbm>> -> memref<2x128xi32, #tpu.memory_space<hbm>>
        %dma_wait3A_441 = arith.constant 0 : i32
        %dma_wait3A_442 = arith.constant 0 : i32
        %dma_wait3A_443 = tpu.memref_slice %arg10[%dma_wait3A_432, %dma_wait3A_441, %dma_wait3A_442] : memref<4x2x128xi32, #tpu.memory_space<vmem>> -> memref<1x2x128xi32, #tpu.memory_space<vmem>>
        %dma_wait3A_444 = tpu.memref_squeeze %dma_wait3A_443 : memref<1x2x128xi32, #tpu.memory_space<vmem>> -> memref<2x128xi32, #tpu.memory_space<vmem>>
        %dma_wait3A_445 = arith.constant 0 : i32
        %dma_wait3A_446 = arith.constant 0 : i32
        %dma_wait3A_447 = tpu.memref_slice %arg6[%add3A_155, %dma_wait3A_445, %dma_wait3A_446] : memref<2500x2x128xi32, #tpu.memory_space<hbm>> -> memref<1x2x128xi32, #tpu.memory_space<hbm>>
        %dma_wait3A_448 = tpu.memref_squeeze %dma_wait3A_447 : memref<1x2x128xi32, #tpu.memory_space<hbm>> -> memref<2x128xi32, #tpu.memory_space<hbm>>
        tpu.wait_dma2 semaphore(%arg13 : memref<!tpu.dma_semaphore, #tpu.memory_space<semaphore_mem>>) src(%dma_wait3A_448 : memref<2x128xi32, #tpu.memory_space<hbm>>) dst(%dma_wait3A_444 : memref<2x128xi32, #tpu.memory_space<vmem>>)
        %dma_wait3A_449 = arith.constant 0 : i32
        %dma_wait3A_450 = arith.constant 0 : i32
        %dma_wait3A_451 = arith.constant 0 : i32
        %dma_wait3A_452 = tpu.memref_slice %arg11[%dma_wait3A_449, %dma_wait3A_450, %dma_wait3A_451] : memref<3x128x128xf32, #tpu.memory_space<vmem>> -> memref<1x128x128xf32, #tpu.memory_space<vmem>>
        %dma_wait3A_453 = tpu.memref_squeeze %dma_wait3A_452 : memref<1x128x128xf32, #tpu.memory_space<vmem>> -> memref<128x128xf32, #tpu.memory_space<vmem>>
        %dma_wait3A_454 = arith.constant 0 : i32
        %dma_wait3A_455 = arith.constant 0 : i32
        %dma_wait3A_456 = tpu.memref_slice %arg3[%dma_wait3A_454, %dma_wait3A_455] : memref<10240x128xf32, #tpu.memory_space<hbm>> -> memref<128x128xf32, #tpu.memory_space<hbm>>
        %dma_wait3A_457 = arith.constant 0 : i32
        %dma_wait3A_458 = arith.constant 0 : i32
        %dma_wait3A_459 = tpu.memref_slice %arg11[%dma_wait3A_449, %dma_wait3A_457, %dma_wait3A_458] : memref<3x128x128xf32, #tpu.memory_space<vmem>> -> memref<1x128x128xf32, #tpu.memory_space<vmem>>
        %dma_wait3A_460 = tpu.memref_squeeze %dma_wait3A_459 : memref<1x128x128xf32, #tpu.memory_space<vmem>> -> memref<128x128xf32, #tpu.memory_space<vmem>>
        %dma_wait3A_461 = arith.constant 0 : i32
        %dma_wait3A_462 = arith.constant 0 : i32
        %dma_wait3A_463 = tpu.memref_slice %arg3[%dma_wait3A_461, %dma_wait3A_462] : memref<10240x128xf32, #tpu.memory_space<hbm>> -> memref<128x128xf32, #tpu.memory_space<hbm>>
        tpu.wait_dma2 semaphore(%arg14 : memref<!tpu.dma_semaphore, #tpu.memory_space<semaphore_mem>>) src(%dma_wait3A_463 : memref<128x128xf32, #tpu.memory_space<hbm>>) dst(%dma_wait3A_460 : memref<128x128xf32, #tpu.memory_space<vmem>>)
      } else {
      }
      %add3A_395 = arith.constant 2 : i32
      %add3A_396 = arith.addi %while3A_384, %add3A_395 : i32
      %lt3A_397 = arith.cmpi slt, %add3A_396, %add3A_5 : i32
      %convert_element_type3A_398 = arith.extui %lt3A_397 : i1 to i32
      %cond3A_399 = arith.constant 0 : i32
      %cond3A_400 = arith.cmpi ne, %convert_element_type3A_398, %cond3A_399 : i32
      scf.if %cond3A_400 {
        %add3A_432 = arith.constant 2 : i32
        %add3A_433 = arith.addi %while3A_384, %add3A_432 : i32
        %rem3A_434 = arith.constant 4 : i32
        %rem3A_435 = arith.remsi %add3A_433, %rem3A_434 : i32
        %add3A_436 = arith.constant 2 : i32
        %add3A_437 = arith.addi %while3A_384, %add3A_436 : i32
        %rem3A_438 = arith.constant 3 : i32
        %rem3A_439 = arith.remsi %add3A_437, %rem3A_438 : i32
        %dma_start3A_440 = arith.constant 0 : i32
        %dma_start3A_441 = arith.constant 0 : i32
        %dma_start3A_442 = arith.constant 0 : i32
        %dma_start3A_443 = tpu.memref_slice %arg11[%rem3A_439, %dma_start3A_441, %dma_start3A_442] : memref<3x128x128xf32, #tpu.memory_space<vmem>> -> memref<1x128x128xf32, #tpu.memory_space<vmem>>
        %dma_start3A_444 = tpu.memref_squeeze %dma_start3A_443 : memref<1x128x128xf32, #tpu.memory_space<vmem>> -> memref<128x128xf32, #tpu.memory_space<vmem>>
        %dma_start3A_445 = arith.constant 0 : i32
        %dma_start3A_446 = tpu.memref_slice %arg10[%rem3A_435, %dma_start3A_440, %dma_start3A_445] : memref<4x2x128xi32, #tpu.memory_space<vmem>> -> memref<1x1x128xi32, #tpu.memory_space<vmem>>
        %dma_start3A_447 = tpu.memref_squeeze %dma_start3A_446 : memref<1x1x128xi32, #tpu.memory_space<vmem>> -> memref<128xi32, #tpu.memory_space<vmem>>
        %dma_start3A_448 = arith.constant 0 : i32
        %dma_start3A_449 = arith.constant 0 : i32
        %dma_start3A_450 = tpu.memref_slice %arg3[%dma_start3A_448, %dma_start3A_449] : memref<10240x128xf32, #tpu.memory_space<hbm>> -> memref<10240x128xf32, #tpu.memory_space<hbm>>
        tpu.enqueue_indirect_dma source(%dma_start3A_450 : memref<10240x128xf32, #tpu.memory_space<hbm>>) target(%dma_start3A_444 : memref<128x128xf32, #tpu.memory_space<vmem>>) offsets(%dma_start3A_447 : memref<128xi32, #tpu.memory_space<vmem>>) semaphore(%arg12 : memref<!tpu.dma_semaphore, #tpu.memory_space<semaphore_mem>>)
      } else {
      }
      %add3A_401 = arith.constant 3 : i32
      %add3A_402 = arith.addi %while3A_384, %add3A_401 : i32
      %lt3A_403 = arith.cmpi slt, %add3A_402, %add3A_5 : i32
      %convert_element_type3A_404 = arith.extui %lt3A_403 : i1 to i32
      %cond3A_405 = arith.constant 0 : i32
      %cond3A_406 = arith.cmpi ne, %convert_element_type3A_404, %cond3A_405 : i32
      scf.if %cond3A_406 {
        %add3A_432 = arith.constant 3 : i32
        %add3A_433 = arith.addi %while3A_384, %add3A_432 : i32
        %mul3A_434 = arith.constant 16 : i32
        %mul3A_435 = arith.muli %add3A_433, %mul3A_434 : i32
        %add3A_436 = arith.addi %add3A_155, %mul3A_435 : i32
        %add3A_437 = arith.constant 3 : i32
        %add3A_438 = arith.addi %while3A_384, %add3A_437 : i32
        %rem3A_439 = arith.constant 4 : i32
        %rem3A_440 = arith.remsi %add3A_438, %rem3A_439 : i32
        %dma_start3A_441 = arith.constant 0 : i32
        %dma_start3A_442 = arith.constant 0 : i32
        %dma_start3A_443 = tpu.memref_slice %arg10[%rem3A_440, %dma_start3A_441, %dma_start3A_442] : memref<4x2x128xi32, #tpu.memory_space<vmem>> -> memref<1x2x128xi32, #tpu.memory_space<vmem>>
        %dma_start3A_444 = tpu.memref_squeeze %dma_start3A_443 : memref<1x2x128xi32, #tpu.memory_space<vmem>> -> memref<2x128xi32, #tpu.memory_space<vmem>>
        %dma_start3A_445 = arith.constant 0 : i32
        %dma_start3A_446 = arith.constant 0 : i32
        %dma_start3A_447 = tpu.memref_slice %arg6[%add3A_436, %dma_start3A_445, %dma_start3A_446] : memref<2500x2x128xi32, #tpu.memory_space<hbm>> -> memref<1x2x128xi32, #tpu.memory_space<hbm>>
        %dma_start3A_448 = tpu.memref_squeeze %dma_start3A_447 : memref<1x2x128xi32, #tpu.memory_space<hbm>> -> memref<2x128xi32, #tpu.memory_space<hbm>>
        %dma_start3A_449 = arith.constant 0 : i32
        %dma_start3A_450 = arith.constant 0 : i32
        %dma_start3A_451 = tpu.memref_slice %arg10[%rem3A_440, %dma_start3A_449, %dma_start3A_450] : memref<4x2x128xi32, #tpu.memory_space<vmem>> -> memref<1x2x128xi32, #tpu.memory_space<vmem>>
        %dma_start3A_452 = tpu.memref_squeeze %dma_start3A_451 : memref<1x2x128xi32, #tpu.memory_space<vmem>> -> memref<2x128xi32, #tpu.memory_space<vmem>>
        %dma_start3A_453 = arith.constant 0 : i32
        %dma_start3A_454 = arith.constant 0 : i32
        %dma_start3A_455 = tpu.memref_slice %arg6[%add3A_436, %dma_start3A_453, %dma_start3A_454] : memref<2500x2x128xi32, #tpu.memory_space<hbm>> -> memref<1x2x128xi32, #tpu.memory_space<hbm>>
        %dma_start3A_456 = tpu.memref_squeeze %dma_start3A_455 : memref<1x2x128xi32, #tpu.memory_space<hbm>> -> memref<2x128xi32, #tpu.memory_space<hbm>>
        tpu.enqueue_dma source(%dma_start3A_456 : memref<2x128xi32, #tpu.memory_space<hbm>>) target(%dma_start3A_452 : memref<2x128xi32, #tpu.memory_space<vmem>>) target_semaphore(%arg13 : memref<!tpu.dma_semaphore, #tpu.memory_space<semaphore_mem>>)
      } else {
      }
      %dma_wait3A_407 = arith.constant 0 : i32
      %dma_wait3A_408 = arith.constant 0 : i32
      %dma_wait3A_409 = tpu.memref_slice %arg11[%rem3A_385, %dma_wait3A_407, %dma_wait3A_408] : memref<3x128x128xf32, #tpu.memory_space<vmem>> -> memref<1x128x128xf32, #tpu.memory_space<vmem>>
      %dma_wait3A_410 = tpu.memref_squeeze %dma_wait3A_409 : memref<1x128x128xf32, #tpu.memory_space<vmem>> -> memref<128x128xf32, #tpu.memory_space<vmem>>
      %dma_wait3A_411 = arith.constant 0 : i32
      %dma_wait3A_412 = arith.constant 0 : i32
      %dma_wait3A_413 = tpu.memref_slice %arg3[%dma_wait3A_411, %dma_wait3A_412] : memref<10240x128xf32, #tpu.memory_space<hbm>> -> memref<128x128xf32, #tpu.memory_space<hbm>>
      %dma_wait3A_414 = arith.constant 0 : i32
      %dma_wait3A_415 = arith.constant 0 : i32
      %dma_wait3A_416 = tpu.memref_slice %arg11[%rem3A_385, %dma_wait3A_414, %dma_wait3A_415] : memref<3x128x128xf32, #tpu.memory_space<vmem>> -> memref<1x128x128xf32, #tpu.memory_space<vmem>>
      %dma_wait3A_417 = tpu.memref_squeeze %dma_wait3A_416 : memref<1x128x128xf32, #tpu.memory_space<vmem>> -> memref<128x128xf32, #tpu.memory_space<vmem>>
      %dma_wait3A_418 = arith.constant 0 : i32
      %dma_wait3A_419 = arith.constant 0 : i32
      %dma_wait3A_420 = tpu.memref_slice %arg3[%dma_wait3A_418, %dma_wait3A_419] : memref<10240x128xf32, #tpu.memory_space<hbm>> -> memref<128x128xf32, #tpu.memory_space<hbm>>
      tpu.wait_dma2 semaphore(%arg12 : memref<!tpu.dma_semaphore, #tpu.memory_space<semaphore_mem>>) src(%dma_wait3A_420 : memref<128x128xf32, #tpu.memory_space<hbm>>) dst(%dma_wait3A_417 : memref<128x128xf32, #tpu.memory_space<vmem>>)
      %dma_start3A_421 = arith.constant 1 : i32
      %dma_start3A_422 = arith.constant 0 : i32
      %dma_start3A_423 = arith.constant 0 : i32
      %dma_start3A_424 = tpu.memref_slice %arg11[%rem3A_385, %dma_start3A_422, %dma_start3A_423] : memref<3x128x128xf32, #tpu.memory_space<vmem>> -> memref<1x128x128xf32, #tpu.memory_space<vmem>>
      %dma_start3A_425 = tpu.memref_squeeze %dma_start3A_424 : memref<1x128x128xf32, #tpu.memory_space<vmem>> -> memref<128x128xf32, #tpu.memory_space<vmem>>
      %dma_start3A_426 = arith.constant 0 : i32
      %dma_start3A_427 = tpu.memref_slice %arg10[%rem3A_387, %dma_start3A_421, %dma_start3A_426] : memref<4x2x128xi32, #tpu.memory_space<vmem>> -> memref<1x1x128xi32, #tpu.memory_space<vmem>>
      %dma_start3A_428 = tpu.memref_squeeze %dma_start3A_427 : memref<1x1x128xi32, #tpu.memory_space<vmem>> -> memref<128xi32, #tpu.memory_space<vmem>>
      %dma_start3A_429 = arith.constant 0 : i32
      %dma_start3A_430 = arith.constant 0 : i32
      %dma_start3A_431 = tpu.memref_slice %arg9[%dma_start3A_429, %dma_start3A_430] : memref<10000x128xf32, #tpu.memory_space<vmem_shared>> -> memref<10000x128xf32, #tpu.memory_space<vmem_shared>>
      tpu.enqueue_indirect_dma source(%dma_start3A_425 : memref<128x128xf32, #tpu.memory_space<vmem>>) target(%dma_start3A_431 : memref<10000x128xf32, #tpu.memory_space<vmem_shared>>) offsets(%dma_start3A_428 : memref<128xi32, #tpu.memory_space<vmem>>) semaphore(%arg14 : memref<!tpu.dma_semaphore, #tpu.memory_space<semaphore_mem>>) {add = true}
    }
    %dma_wait3A_201 = arith.constant 0 : i32
    %dma_wait3A_202 = arith.constant 0 : i32
    %dma_wait3A_203 = arith.constant 0 : i32
    %dma_wait3A_204 = tpu.memref_slice %arg11[%dma_wait3A_201, %dma_wait3A_202, %dma_wait3A_203] : memref<3x128x128xf32, #tpu.memory_space<vmem>> -> memref<1x128x128xf32, #tpu.memory_space<vmem>>
    %dma_wait3A_205 = tpu.memref_squeeze %dma_wait3A_204 : memref<1x128x128xf32, #tpu.memory_space<vmem>> -> memref<128x128xf32, #tpu.memory_space<vmem>>
    %dma_wait3A_206 = arith.constant 0 : i32
    %dma_wait3A_207 = arith.constant 0 : i32
    %dma_wait3A_208 = tpu.memref_slice %arg3[%dma_wait3A_206, %dma_wait3A_207] : memref<10240x128xf32, #tpu.memory_space<hbm>> -> memref<128x128xf32, #tpu.memory_space<hbm>>
    %dma_wait3A_209 = arith.constant 0 : i32
    %dma_wait3A_210 = arith.constant 0 : i32
    %dma_wait3A_211 = tpu.memref_slice %arg11[%dma_wait3A_201, %dma_wait3A_209, %dma_wait3A_210] : memref<3x128x128xf32, #tpu.memory_space<vmem>> -> memref<1x128x128xf32, #tpu.memory_space<vmem>>
    %dma_wait3A_212 = tpu.memref_squeeze %dma_wait3A_211 : memref<1x128x128xf32, #tpu.memory_space<vmem>> -> memref<128x128xf32, #tpu.memory_space<vmem>>
    %dma_wait3A_213 = arith.constant 0 : i32
    %dma_wait3A_214 = arith.constant 0 : i32
    %dma_wait3A_215 = tpu.memref_slice %arg3[%dma_wait3A_213, %dma_wait3A_214] : memref<10240x128xf32, #tpu.memory_space<hbm>> -> memref<128x128xf32, #tpu.memory_space<hbm>>
    tpu.wait_dma2 semaphore(%arg14 : memref<!tpu.dma_semaphore, #tpu.memory_space<semaphore_mem>>) src(%dma_wait3A_215 : memref<128x128xf32, #tpu.memory_space<hbm>>) dst(%dma_wait3A_212 : memref<128x128xf32, #tpu.memory_space<vmem>>)
    %dma_wait3A_216 = arith.constant 0 : i32
    %dma_wait3A_217 = arith.constant 0 : i32
    %dma_wait3A_218 = arith.constant 0 : i32
    %dma_wait3A_219 = tpu.memref_slice %arg11[%dma_wait3A_216, %dma_wait3A_217, %dma_wait3A_218] : memref<3x128x128xf32, #tpu.memory_space<vmem>> -> memref<1x128x128xf32, #tpu.memory_space<vmem>>
    %dma_wait3A_220 = tpu.memref_squeeze %dma_wait3A_219 : memref<1x128x128xf32, #tpu.memory_space<vmem>> -> memref<128x128xf32, #tpu.memory_space<vmem>>
    %dma_wait3A_221 = arith.constant 0 : i32
    %dma_wait3A_222 = arith.constant 0 : i32
    %dma_wait3A_223 = tpu.memref_slice %arg3[%dma_wait3A_221, %dma_wait3A_222] : memref<10240x128xf32, #tpu.memory_space<hbm>> -> memref<128x128xf32, #tpu.memory_space<hbm>>
    %dma_wait3A_224 = arith.constant 0 : i32
    %dma_wait3A_225 = arith.constant 0 : i32
    %dma_wait3A_226 = tpu.memref_slice %arg11[%dma_wait3A_216, %dma_wait3A_224, %dma_wait3A_225] : memref<3x128x128xf32, #tpu.memory_space<vmem>> -> memref<1x128x128xf32, #tpu.memory_space<vmem>>
    %dma_wait3A_227 = tpu.memref_squeeze %dma_wait3A_226 : memref<1x128x128xf32, #tpu.memory_space<vmem>> -> memref<128x128xf32, #tpu.memory_space<vmem>>
    %dma_wait3A_228 = arith.constant 0 : i32
    %dma_wait3A_229 = arith.constant 0 : i32
    %dma_wait3A_230 = tpu.memref_slice %arg3[%dma_wait3A_228, %dma_wait3A_229] : memref<10240x128xf32, #tpu.memory_space<hbm>> -> memref<128x128xf32, #tpu.memory_space<hbm>>
    tpu.wait_dma2 semaphore(%arg14 : memref<!tpu.dma_semaphore, #tpu.memory_space<semaphore_mem>>) src(%dma_wait3A_230 : memref<128x128xf32, #tpu.memory_space<hbm>>) dst(%dma_wait3A_227 : memref<128x128xf32, #tpu.memory_space<vmem>>)
    %dma_wait3A_231 = arith.constant 0 : i32
    %dma_wait3A_232 = arith.constant 0 : i32
    %dma_wait3A_233 = arith.constant 0 : i32
    %dma_wait3A_234 = tpu.memref_slice %arg11[%dma_wait3A_231, %dma_wait3A_232, %dma_wait3A_233] : memref<3x128x128xf32, #tpu.memory_space<vmem>> -> memref<1x128x128xf32, #tpu.memory_space<vmem>>
    %dma_wait3A_235 = tpu.memref_squeeze %dma_wait3A_234 : memref<1x128x128xf32, #tpu.memory_space<vmem>> -> memref<128x128xf32, #tpu.memory_space<vmem>>
    %dma_wait3A_236 = arith.constant 0 : i32
    %dma_wait3A_237 = arith.constant 0 : i32
    %dma_wait3A_238 = tpu.memref_slice %arg3[%dma_wait3A_236, %dma_wait3A_237] : memref<10240x128xf32, #tpu.memory_space<hbm>> -> memref<128x128xf32, #tpu.memory_space<hbm>>
    %dma_wait3A_239 = arith.constant 0 : i32
    %dma_wait3A_240 = arith.constant 0 : i32
    %dma_wait3A_241 = tpu.memref_slice %arg11[%dma_wait3A_231, %dma_wait3A_239, %dma_wait3A_240] : memref<3x128x128xf32, #tpu.memory_space<vmem>> -> memref<1x128x128xf32, #tpu.memory_space<vmem>>
    %dma_wait3A_242 = tpu.memref_squeeze %dma_wait3A_241 : memref<1x128x128xf32, #tpu.memory_space<vmem>> -> memref<128x128xf32, #tpu.memory_space<vmem>>
    %dma_wait3A_243 = arith.constant 0 : i32
    %dma_wait3A_244 = arith.constant 0 : i32
    %dma_wait3A_245 = tpu.memref_slice %arg3[%dma_wait3A_243, %dma_wait3A_244] : memref<10240x128xf32, #tpu.memory_space<hbm>> -> memref<128x128xf32, #tpu.memory_space<hbm>>
    tpu.wait_dma2 semaphore(%arg14 : memref<!tpu.dma_semaphore, #tpu.memory_space<semaphore_mem>>) src(%dma_wait3A_245 : memref<128x128xf32, #tpu.memory_space<hbm>>) dst(%dma_wait3A_242 : memref<128x128xf32, #tpu.memory_space<vmem>>)
    %barrier3A_246 = arith.constant 0 : index
    tpu.barrier barrier_id(%barrier3A_246)
    %convert_element_type3A_247 = arith.extui %eq3A_1 : i1 to i32
    %cond3A_248 = arith.constant 0 : i32
    %cond3A_249 = arith.cmpi ne, %convert_element_type3A_247, %cond3A_248 : i32
    scf.if %cond3A_249 {
      %run_scoped3A_384 = arith.constant 1 : i32
      "tpu.region"() ({
        %run_scoped3A_385 = tpu.sem_alloc : memref<!tpu.dma_semaphore, #tpu.memory_space<semaphore_mem>>
        %dma_start3A_386 = arith.constant 0 : i32
        %dma_start3A_387 = tpu.memref_slice %arg8[%run_scoped3A_384, %arg0, %mul3A_2, %dma_start3A_386] : memref<3x2x10000x128xf32, #tpu.memory_space<hbm>> -> memref<1x1x640x128xf32, #tpu.memory_space<hbm>>
        %dma_start3A_388 = tpu.memref_squeeze %dma_start3A_387 : memref<1x1x640x128xf32, #tpu.memory_space<hbm>> -> memref<640x128xf32, #tpu.memory_space<hbm>>
        %dma_start3A_389 = arith.constant 0 : i32
        %dma_start3A_390 = tpu.memref_slice %arg9[%mul3A_2, %dma_start3A_389] : memref<10000x128xf32, #tpu.memory_space<vmem_shared>> -> memref<640x128xf32, #tpu.memory_space<vmem_shared>>
        tpu.enqueue_dma source(%dma_start3A_390 : memref<640x128xf32, #tpu.memory_space<vmem_shared>>) target(%dma_start3A_388 : memref<640x128xf32, #tpu.memory_space<hbm>>) target_semaphore(%run_scoped3A_385 : memref<!tpu.dma_semaphore, #tpu.memory_space<semaphore_mem>>)
        %dma_wait3A_391 = arith.constant 0 : i32
        %dma_wait3A_392 = tpu.memref_slice %arg8[%run_scoped3A_384, %arg0, %mul3A_2, %dma_wait3A_391] : memref<3x2x10000x128xf32, #tpu.memory_space<hbm>> -> memref<1x1x640x128xf32, #tpu.memory_space<hbm>>
        %dma_wait3A_393 = tpu.memref_squeeze %dma_wait3A_392 : memref<1x1x640x128xf32, #tpu.memory_space<hbm>> -> memref<640x128xf32, #tpu.memory_space<hbm>>
        %dma_wait3A_394 = arith.constant 0 : i32
        %dma_wait3A_395 = tpu.memref_slice %arg9[%mul3A_2, %dma_wait3A_394] : memref<10000x128xf32, #tpu.memory_space<vmem_shared>> -> memref<640x128xf32, #tpu.memory_space<vmem_shared>>
        tpu.wait_dma2 semaphore(%run_scoped3A_385 : memref<!tpu.dma_semaphore, #tpu.memory_space<semaphore_mem>>) src(%dma_wait3A_395 : memref<640x128xf32, #tpu.memory_space<vmem_shared>>) dst(%dma_wait3A_393 : memref<640x128xf32, #tpu.memory_space<hbm>>)
        tpu.yield
      }) : () -> ()
    } else {
    }
    %not3A_250 = arith.constant true
    %not3A_251 = arith.xori %eq3A_1, %not3A_250 : i1
    %convert_element_type3A_252 = arith.extui %not3A_251 : i1 to i32
    %cond3A_253 = arith.constant 0 : i32
    %cond3A_254 = arith.cmpi ne, %convert_element_type3A_252, %cond3A_253 : i32
    scf.if %cond3A_254 {
      %run_scoped3A_384 = arith.constant 1 : i32
      "tpu.region"() ({
        %run_scoped3A_385 = tpu.sem_alloc : memref<!tpu.dma_semaphore, #tpu.memory_space<semaphore_mem>>
        %dma_start3A_386 = arith.constant 0 : i32
        %dma_start3A_387 = tpu.memref_slice %arg8[%run_scoped3A_384, %arg0, %mul3A_2, %dma_start3A_386] : memref<3x2x10000x128xf32, #tpu.memory_space<hbm>> -> memref<1x1x624x128xf32, #tpu.memory_space<hbm>>
        %dma_start3A_388 = tpu.memref_squeeze %dma_start3A_387 : memref<1x1x624x128xf32, #tpu.memory_space<hbm>> -> memref<624x128xf32, #tpu.memory_space<hbm>>
        %dma_start3A_389 = arith.constant 0 : i32
        %dma_start3A_390 = tpu.memref_slice %arg9[%mul3A_2, %dma_start3A_389] : memref<10000x128xf32, #tpu.memory_space<vmem_shared>> -> memref<624x128xf32, #tpu.memory_space<vmem_shared>>
        tpu.enqueue_dma source(%dma_start3A_390 : memref<624x128xf32, #tpu.memory_space<vmem_shared>>) target(%dma_start3A_388 : memref<624x128xf32, #tpu.memory_space<hbm>>) target_semaphore(%run_scoped3A_385 : memref<!tpu.dma_semaphore, #tpu.memory_space<semaphore_mem>>)
        %dma_wait3A_391 = arith.constant 0 : i32
        %dma_wait3A_392 = tpu.memref_slice %arg8[%run_scoped3A_384, %arg0, %mul3A_2, %dma_wait3A_391] : memref<3x2x10000x128xf32, #tpu.memory_space<hbm>> -> memref<1x1x624x128xf32, #tpu.memory_space<hbm>>
        %dma_wait3A_393 = tpu.memref_squeeze %dma_wait3A_392 : memref<1x1x624x128xf32, #tpu.memory_space<hbm>> -> memref<624x128xf32, #tpu.memory_space<hbm>>
        %dma_wait3A_394 = arith.constant 0 : i32
        %dma_wait3A_395 = tpu.memref_slice %arg9[%mul3A_2, %dma_wait3A_394] : memref<10000x128xf32, #tpu.memory_space<vmem_shared>> -> memref<624x128xf32, #tpu.memory_space<vmem_shared>>
        tpu.wait_dma2 semaphore(%run_scoped3A_385 : memref<!tpu.dma_semaphore, #tpu.memory_space<semaphore_mem>>) src(%dma_wait3A_395 : memref<624x128xf32, #tpu.memory_space<vmem_shared>>) dst(%dma_wait3A_393 : memref<624x128xf32, #tpu.memory_space<hbm>>)
        tpu.yield
      }) : () -> ()
    } else {
    }
    %scan3A_255 = arith.constant 0 : i32
    %scan3A_256 = arith.constant 0 : i32
    %scan3A_257 = arith.constant 128 : i32
    %scan3A_258 = arith.addi %scan3A_256, %scan3A_257 : i32
    %scan3A_259 = arith.constant 1 : i32
    scf.for %scan3A_384 = %scan3A_256 to %scan3A_258 step %scan3A_259  : i32 {
      %swap3A = arith.constant 0 : i32
      %swap3A_385 = arith.index_cast %swap3A : i32 to index
      %swap3A_386 = arith.index_cast %scan3A_384 : i32 to index
      %swap3A_387 = arith.constant 0 : index
      %swap3A_388 = tpu.vector_load %arg11[%swap3A_385, %swap3A_386, %swap3A_387] {strides = array<i32>} : memref<3x128x128xf32, #tpu.memory_space<vmem>>, vector<16xf32>,
      tpu.vector_store %arg11[%swap3A_385, %swap3A_386, %swap3A_387], %broadcast_in_dim3A_0 {strides = array<i32>} : memref<3x128x128xf32, #tpu.memory_space<vmem>>, vector<16xf32>,
      %swap3A_389 = arith.constant 0 : i32
      %swap3A_390 = arith.index_cast %swap3A_389 : i32 to index
      %swap3A_391 = arith.index_cast %scan3A_384 : i32 to index
      %swap3A_392 = arith.constant 16 : index
      %swap3A_393 = tpu.vector_load %arg11[%swap3A_390, %swap3A_391, %swap3A_392] {strides = array<i32>} : memref<3x128x128xf32, #tpu.memory_space<vmem>>, vector<16xf32>,
      tpu.vector_store %arg11[%swap3A_390, %swap3A_391, %swap3A_392], %broadcast_in_dim3A_0 {strides = array<i32>} : memref<3x128x128xf32, #tpu.memory_space<vmem>>, vector<16xf32>,
      %swap3A_394 = arith.constant 0 : i32
      %swap3A_395 = arith.index_cast %swap3A_394 : i32 to index
      %swap3A_396 = arith.index_cast %scan3A_384 : i32 to index
      %swap3A_397 = arith.constant 32 : index
      %swap3A_398 = tpu.vector_load %arg11[%swap3A_395, %swap3A_396, %swap3A_397] {strides = array<i32>} : memref<3x128x128xf32, #tpu.memory_space<vmem>>, vector<16xf32>,
      tpu.vector_store %arg11[%swap3A_395, %swap3A_396, %swap3A_397], %broadcast_in_dim3A_0 {strides = array<i32>} : memref<3x128x128xf32, #tpu.memory_space<vmem>>, vector<16xf32>,
      %swap3A_399 = arith.constant 0 : i32
      %swap3A_400 = arith.index_cast %swap3A_399 : i32 to index
      %swap3A_401 = arith.index_cast %scan3A_384 : i32 to index
      %swap3A_402 = arith.constant 48 : index
      %swap3A_403 = tpu.vector_load %arg11[%swap3A_400, %swap3A_401, %swap3A_402] {strides = array<i32>} : memref<3x128x128xf32, #tpu.memory_space<vmem>>, vector<16xf32>,
      tpu.vector_store %arg11[%swap3A_400, %swap3A_401, %swap3A_402], %broadcast_in_dim3A_0 {strides = array<i32>} : memref<3x128x128xf32, #tpu.memory_space<vmem>>, vector<16xf32>,
      %swap3A_404 = arith.constant 0 : i32
      %swap3A_405 = arith.index_cast %swap3A_404 : i32 to index
      %swap3A_406 = arith.index_cast %scan3A_384 : i32 to index
      %swap3A_407 = arith.constant 64 : index
      %swap3A_408 = tpu.vector_load %arg11[%swap3A_405, %swap3A_406, %swap3A_407] {strides = array<i32>} : memref<3x128x128xf32, #tpu.memory_space<vmem>>, vector<16xf32>,
      tpu.vector_store %arg11[%swap3A_405, %swap3A_406, %swap3A_407], %broadcast_in_dim3A_0 {strides = array<i32>} : memref<3x128x128xf32, #tpu.memory_space<vmem>>, vector<16xf32>,
      %swap3A_409 = arith.constant 0 : i32
      %swap3A_410 = arith.index_cast %swap3A_409 : i32 to index
      %swap3A_411 = arith.index_cast %scan3A_384 : i32 to index
      %swap3A_412 = arith.constant 80 : index
      %swap3A_413 = tpu.vector_load %arg11[%swap3A_410, %swap3A_411, %swap3A_412] {strides = array<i32>} : memref<3x128x128xf32, #tpu.memory_space<vmem>>, vector<16xf32>,
      tpu.vector_store %arg11[%swap3A_410, %swap3A_411, %swap3A_412], %broadcast_in_dim3A_0 {strides = array<i32>} : memref<3x128x128xf32, #tpu.memory_space<vmem>>, vector<16xf32>,
      %swap3A_414 = arith.constant 0 : i32
      %swap3A_415 = arith.index_cast %swap3A_414 : i32 to index
      %swap3A_416 = arith.index_cast %scan3A_384 : i32 to index
      %swap3A_417 = arith.constant 96 : index
      %swap3A_418 = tpu.vector_load %arg11[%swap3A_415, %swap3A_416, %swap3A_417] {strides = array<i32>} : memref<3x128x128xf32, #tpu.memory_space<vmem>>, vector<16xf32>,
      tpu.vector_store %arg11[%swap3A_415, %swap3A_416, %swap3A_417], %broadcast_in_dim3A_0 {strides = array<i32>} : memref<3x128x128xf32, #tpu.memory_space<vmem>>, vector<16xf32>,
      %swap3A_419 = arith.constant 0 : i32
      %swap3A_420 = arith.index_cast %swap3A_419 : i32 to index
      %swap3A_421 = arith.index_cast %scan3A_384 : i32 to index
      %swap3A_422 = arith.constant 112 : index
      %swap3A_423 = tpu.vector_load %arg11[%swap3A_420, %swap3A_421, %swap3A_422] {strides = array<i32>} : memref<3x128x128xf32, #tpu.memory_space<vmem>>, vector<16xf32>,
      tpu.vector_store %arg11[%swap3A_420, %swap3A_421, %swap3A_422], %broadcast_in_dim3A_0 {strides = array<i32>} : memref<3x128x128xf32, #tpu.memory_space<vmem>>, vector<16xf32>,
    }
    %scan3A_260 = arith.constant 128 : i32
    %add3A_261 = arith.constant 0 : i32
    %add3A_262 = arith.addi %mul3A_2, %add3A_261 : i32
    %run_scoped3A_263 = arith.constant 0 : i32
    "tpu.region"() ({
      %run_scoped3A_384 = tpu.sem_alloc : memref<!tpu.dma_semaphore, #tpu.memory_space<semaphore_mem>>
      %dma_start3A_385 = arith.constant 0 : i32
      %dma_start3A_386 = arith.constant 0 : i32
      %dma_start3A_387 = tpu.memref_slice %arg11[%run_scoped3A_263, %dma_start3A_385, %dma_start3A_386] : memref<3x128x128xf32, #tpu.memory_space<vmem>> -> memref<1x128x128xf32, #tpu.memory_space<vmem>>
      %dma_start3A_388 = tpu.memref_squeeze %dma_start3A_387 : memref<1x128x128xf32, #tpu.memory_space<vmem>> -> memref<128x128xf32, #tpu.memory_space<vmem>>
      %dma_start3A_389 = arith.constant 0 : i32
      %dma_start3A_390 = tpu.memref_slice %arg9[%add3A_262, %dma_start3A_389] : memref<10000x128xf32, #tpu.memory_space<vmem_shared>> -> memref<128x128xf32, #tpu.memory_space<vmem_shared>>
      %dma_start3A_391 = arith.constant 0 : i32
      %dma_start3A_392 = tpu.memref_slice %arg9[%add3A_262, %dma_start3A_391] : memref<10000x128xf32, #tpu.memory_space<vmem_shared>> -> memref<128x128xf32, #tpu.memory_space<vmem_shared>>
      %dma_start3A_393 = arith.constant 0 : i32
      %dma_start3A_394 = arith.constant 0 : i32
      %dma_start3A_395 = tpu.memref_slice %arg11[%run_scoped3A_263, %dma_start3A_393, %dma_start3A_394] : memref<3x128x128xf32, #tpu.memory_space<vmem>> -> memref<1x128x128xf32, #tpu.memory_space<vmem>>
      %dma_start3A_396 = tpu.memref_squeeze %dma_start3A_395 : memref<1x128x128xf32, #tpu.memory_space<vmem>> -> memref<128x128xf32, #tpu.memory_space<vmem>>
      tpu.enqueue_dma source(%dma_start3A_396 : memref<128x128xf32, #tpu.memory_space<vmem>>) target(%dma_start3A_392 : memref<128x128xf32, #tpu.memory_space<vmem_shared>>) target_semaphore(%run_scoped3A_384 : memref<!tpu.dma_semaphore, #tpu.memory_space<semaphore_mem>>)
      %dma_wait3A_397 = arith.constant 0 : i32
      %dma_wait3A_398 = arith.constant 0 : i32
      %dma_wait3A_399 = tpu.memref_slice %arg11[%run_scoped3A_263, %dma_wait3A_397, %dma_wait3A_398] : memref<3x128x128xf32, #tpu.memory_space<vmem>> -> memref<1x128x128xf32, #tpu.memory_space<vmem>>
      %dma_wait3A_400 = tpu.memref_squeeze %dma_wait3A_399 : memref<1x128x128xf32, #tpu.memory_space<vmem>> -> memref<128x128xf32, #tpu.memory_space<vmem>>
      %dma_wait3A_401 = arith.constant 0 : i32
      %dma_wait3A_402 = tpu.memref_slice %arg9[%add3A_262, %dma_wait3A_401] : memref<10000x128xf32, #tpu.memory_space<vmem_shared>> -> memref<128x128xf32, #tpu.memory_space<vmem_shared>>
      %dma_wait3A_403 = arith.constant 0 : i32
      %dma_wait3A_404 = tpu.memref_slice %arg9[%add3A_262, %dma_wait3A_403] : memref<10000x128xf32, #tpu.memory_space<vmem_shared>> -> memref<128x128xf32, #tpu.memory_space<vmem_shared>>
      %dma_wait3A_405 = arith.constant 0 : i32
      %dma_wait3A_406 = arith.constant 0 : i32
      %dma_wait3A_407 = tpu.memref_slice %arg11[%run_scoped3A_263, %dma_wait3A_405, %dma_wait3A_406] : memref<3x128x128xf32, #tpu.memory_space<vmem>> -> memref<1x128x128xf32, #tpu.memory_space<vmem>>
      %dma_wait3A_408 = tpu.memref_squeeze %dma_wait3A_407 : memref<1x128x128xf32, #tpu.memory_space<vmem>> -> memref<128x128xf32, #tpu.memory_space<vmem>>
      tpu.wait_dma2 semaphore(%run_scoped3A_384 : memref<!tpu.dma_semaphore, #tpu.memory_space<semaphore_mem>>) src(%dma_wait3A_408 : memref<128x128xf32, #tpu.memory_space<vmem>>) dst(%dma_wait3A_404 : memref<128x128xf32, #tpu.memory_space<vmem_shared>>)
      tpu.yield
    }) : () -> ()
    %add3A_264 = arith.constant 128 : i32
    %add3A_265 = arith.addi %mul3A_2, %add3A_264 : i32
    %run_scoped3A_266 = arith.constant 0 : i32
    "tpu.region"() ({
      %run_scoped3A_384 = tpu.sem_alloc : memref<!tpu.dma_semaphore, #tpu.memory_space<semaphore_mem>>
      %dma_start3A_385 = arith.constant 0 : i32
      %dma_start3A_386 = arith.constant 0 : i32
      %dma_start3A_387 = tpu.memref_slice %arg11[%run_scoped3A_266, %dma_start3A_385, %dma_start3A_386] : memref<3x128x128xf32, #tpu.memory_space<vmem>> -> memref<1x128x128xf32, #tpu.memory_space<vmem>>
      %dma_start3A_388 = tpu.memref_squeeze %dma_start3A_387 : memref<1x128x128xf32, #tpu.memory_space<vmem>> -> memref<128x128xf32, #tpu.memory_space<vmem>>
      %dma_start3A_389 = arith.constant 0 : i32
      %dma_start3A_390 = tpu.memref_slice %arg9[%add3A_265, %dma_start3A_389] : memref<10000x128xf32, #tpu.memory_space<vmem_shared>> -> memref<128x128xf32, #tpu.memory_space<vmem_shared>>
      %dma_start3A_391 = arith.constant 0 : i32
      %dma_start3A_392 = tpu.memref_slice %arg9[%add3A_265, %dma_start3A_391] : memref<10000x128xf32, #tpu.memory_space<vmem_shared>> -> memref<128x128xf32, #tpu.memory_space<vmem_shared>>
      %dma_start3A_393 = arith.constant 0 : i32
      %dma_start3A_394 = arith.constant 0 : i32
      %dma_start3A_395 = tpu.memref_slice %arg11[%run_scoped3A_266, %dma_start3A_393, %dma_start3A_394] : memref<3x128x128xf32, #tpu.memory_space<vmem>> -> memref<1x128x128xf32, #tpu.memory_space<vmem>>
      %dma_start3A_396 = tpu.memref_squeeze %dma_start3A_395 : memref<1x128x128xf32, #tpu.memory_space<vmem>> -> memref<128x128xf32, #tpu.memory_space<vmem>>
      tpu.enqueue_dma source(%dma_start3A_396 : memref<128x128xf32, #tpu.memory_space<vmem>>) target(%dma_start3A_392 : memref<128x128xf32, #tpu.memory_space<vmem_shared>>) target_semaphore(%run_scoped3A_384 : memref<!tpu.dma_semaphore, #tpu.memory_space<semaphore_mem>>)
      %dma_wait3A_397 = arith.constant 0 : i32
      %dma_wait3A_398 = arith.constant 0 : i32
      %dma_wait3A_399 = tpu.memref_slice %arg11[%run_scoped3A_266, %dma_wait3A_397, %dma_wait3A_398] : memref<3x128x128xf32, #tpu.memory_space<vmem>> -> memref<1x128x128xf32, #tpu.memory_space<vmem>>
      %dma_wait3A_400 = tpu.memref_squeeze %dma_wait3A_399 : memref<1x128x128xf32, #tpu.memory_space<vmem>> -> memref<128x128xf32, #tpu.memory_space<vmem>>
      %dma_wait3A_401 = arith.constant 0 : i32
      %dma_wait3A_402 = tpu.memref_slice %arg9[%add3A_265, %dma_wait3A_401] : memref<10000x128xf32, #tpu.memory_space<vmem_shared>> -> memref<128x128xf32, #tpu.memory_space<vmem_shared>>
      %dma_wait3A_403 = arith.constant 0 : i32
      %dma_wait3A_404 = tpu.memref_slice %arg9[%add3A_265, %dma_wait3A_403] : memref<10000x128xf32, #tpu.memory_space<vmem_shared>> -> memref<128x128xf32, #tpu.memory_space<vmem_shared>>
      %dma_wait3A_405 = arith.constant 0 : i32
      %dma_wait3A_406 = arith.constant 0 : i32
      %dma_wait3A_407 = tpu.memref_slice %arg11[%run_scoped3A_266, %dma_wait3A_405, %dma_wait3A_406] : memref<3x128x128xf32, #tpu.memory_space<vmem>> -> memref<1x128x128xf32, #tpu.memory_space<vmem>>
      %dma_wait3A_408 = tpu.memref_squeeze %dma_wait3A_407 : memref<1x128x128xf32, #tpu.memory_space<vmem>> -> memref<128x128xf32, #tpu.memory_space<vmem>>
      tpu.wait_dma2 semaphore(%run_scoped3A_384 : memref<!tpu.dma_semaphore, #tpu.memory_space<semaphore_mem>>) src(%dma_wait3A_408 : memref<128x128xf32, #tpu.memory_space<vmem>>) dst(%dma_wait3A_404 : memref<128x128xf32, #tpu.memory_space<vmem_shared>>)
      tpu.yield
    }) : () -> ()
    %add3A_267 = arith.constant 256 : i32
    %add3A_268 = arith.addi %mul3A_2, %add3A_267 : i32
    %run_scoped3A_269 = arith.constant 0 : i32
    "tpu.region"() ({
      %run_scoped3A_384 = tpu.sem_alloc : memref<!tpu.dma_semaphore, #tpu.memory_space<semaphore_mem>>
      %dma_start3A_385 = arith.constant 0 : i32
      %dma_start3A_386 = arith.constant 0 : i32
      %dma_start3A_387 = tpu.memref_slice %arg11[%run_scoped3A_269, %dma_start3A_385, %dma_start3A_386] : memref<3x128x128xf32, #tpu.memory_space<vmem>> -> memref<1x128x128xf32, #tpu.memory_space<vmem>>
      %dma_start3A_388 = tpu.memref_squeeze %dma_start3A_387 : memref<1x128x128xf32, #tpu.memory_space<vmem>> -> memref<128x128xf32, #tpu.memory_space<vmem>>
      %dma_start3A_389 = arith.constant 0 : i32
      %dma_start3A_390 = tpu.memref_slice %arg9[%add3A_268, %dma_start3A_389] : memref<10000x128xf32, #tpu.memory_space<vmem_shared>> -> memref<128x128xf32, #tpu.memory_space<vmem_shared>>
      %dma_start3A_391 = arith.constant 0 : i32
      %dma_start3A_392 = tpu.memref_slice %arg9[%add3A_268, %dma_start3A_391] : memref<10000x128xf32, #tpu.memory_space<vmem_shared>> -> memref<128x128xf32, #tpu.memory_space<vmem_shared>>
      %dma_start3A_393 = arith.constant 0 : i32
      %dma_start3A_394 = arith.constant 0 : i32
      %dma_start3A_395 = tpu.memref_slice %arg11[%run_scoped3A_269, %dma_start3A_393, %dma_start3A_394] : memref<3x128x128xf32, #tpu.memory_space<vmem>> -> memref<1x128x128xf32, #tpu.memory_space<vmem>>
      %dma_start3A_396 = tpu.memref_squeeze %dma_start3A_395 : memref<1x128x128xf32, #tpu.memory_space<vmem>> -> memref<128x128xf32, #tpu.memory_space<vmem>>
      tpu.enqueue_dma source(%dma_start3A_396 : memref<128x128xf32, #tpu.memory_space<vmem>>) target(%dma_start3A_392 : memref<128x128xf32, #tpu.memory_space<vmem_shared>>) target_semaphore(%run_scoped3A_384 : memref<!tpu.dma_semaphore, #tpu.memory_space<semaphore_mem>>)
      %dma_wait3A_397 = arith.constant 0 : i32
      %dma_wait3A_398 = arith.constant 0 : i32
      %dma_wait3A_399 = tpu.memref_slice %arg11[%run_scoped3A_269, %dma_wait3A_397, %dma_wait3A_398] : memref<3x128x128xf32, #tpu.memory_space<vmem>> -> memref<1x128x128xf32, #tpu.memory_space<vmem>>
      %dma_wait3A_400 = tpu.memref_squeeze %dma_wait3A_399 : memref<1x128x128xf32, #tpu.memory_space<vmem>> -> memref<128x128xf32, #tpu.memory_space<vmem>>
      %dma_wait3A_401 = arith.constant 0 : i32
      %dma_wait3A_402 = tpu.memref_slice %arg9[%add3A_268, %dma_wait3A_401] : memref<10000x128xf32, #tpu.memory_space<vmem_shared>> -> memref<128x128xf32, #tpu.memory_space<vmem_shared>>
      %dma_wait3A_403 = arith.constant 0 : i32
      %dma_wait3A_404 = tpu.memref_slice %arg9[%add3A_268, %dma_wait3A_403] : memref<10000x128xf32, #tpu.memory_space<vmem_shared>> -> memref<128x128xf32, #tpu.memory_space<vmem_shared>>
      %dma_wait3A_405 = arith.constant 0 : i32
      %dma_wait3A_406 = arith.constant 0 : i32
      %dma_wait3A_407 = tpu.memref_slice %arg11[%run_scoped3A_269, %dma_wait3A_405, %dma_wait3A_406] : memref<3x128x128xf32, #tpu.memory_space<vmem>> -> memref<1x128x128xf32, #tpu.memory_space<vmem>>
      %dma_wait3A_408 = tpu.memref_squeeze %dma_wait3A_407 : memref<1x128x128xf32, #tpu.memory_space<vmem>> -> memref<128x128xf32, #tpu.memory_space<vmem>>
      tpu.wait_dma2 semaphore(%run_scoped3A_384 : memref<!tpu.dma_semaphore, #tpu.memory_space<semaphore_mem>>) src(%dma_wait3A_408 : memref<128x128xf32, #tpu.memory_space<vmem>>) dst(%dma_wait3A_404 : memref<128x128xf32, #tpu.memory_space<vmem_shared>>)
      tpu.yield
    }) : () -> ()
    %add3A_270 = arith.constant 384 : i32
    %add3A_271 = arith.addi %mul3A_2, %add3A_270 : i32
    %run_scoped3A_272 = arith.constant 0 : i32
    "tpu.region"() ({
      %run_scoped3A_384 = tpu.sem_alloc : memref<!tpu.dma_semaphore, #tpu.memory_space<semaphore_mem>>
      %dma_start3A_385 = arith.constant 0 : i32
      %dma_start3A_386 = arith.constant 0 : i32
      %dma_start3A_387 = tpu.memref_slice %arg11[%run_scoped3A_272, %dma_start3A_385, %dma_start3A_386] : memref<3x128x128xf32, #tpu.memory_space<vmem>> -> memref<1x128x128xf32, #tpu.memory_space<vmem>>
      %dma_start3A_388 = tpu.memref_squeeze %dma_start3A_387 : memref<1x128x128xf32, #tpu.memory_space<vmem>> -> memref<128x128xf32, #tpu.memory_space<vmem>>
      %dma_start3A_389 = arith.constant 0 : i32
      %dma_start3A_390 = tpu.memref_slice %arg9[%add3A_271, %dma_start3A_389] : memref<10000x128xf32, #tpu.memory_space<vmem_shared>> -> memref<128x128xf32, #tpu.memory_space<vmem_shared>>
      %dma_start3A_391 = arith.constant 0 : i32
      %dma_start3A_392 = tpu.memref_slice %arg9[%add3A_271, %dma_start3A_391] : memref<10000x128xf32, #tpu.memory_space<vmem_shared>> -> memref<128x128xf32, #tpu.memory_space<vmem_shared>>
      %dma_start3A_393 = arith.constant 0 : i32
      %dma_start3A_394 = arith.constant 0 : i32
      %dma_start3A_395 = tpu.memref_slice %arg11[%run_scoped3A_272, %dma_start3A_393, %dma_start3A_394] : memref<3x128x128xf32, #tpu.memory_space<vmem>> -> memref<1x128x128xf32, #tpu.memory_space<vmem>>
      %dma_start3A_396 = tpu.memref_squeeze %dma_start3A_395 : memref<1x128x128xf32, #tpu.memory_space<vmem>> -> memref<128x128xf32, #tpu.memory_space<vmem>>
      tpu.enqueue_dma source(%dma_start3A_396 : memref<128x128xf32, #tpu.memory_space<vmem>>) target(%dma_start3A_392 : memref<128x128xf32, #tpu.memory_space<vmem_shared>>) target_semaphore(%run_scoped3A_384 : memref<!tpu.dma_semaphore, #tpu.memory_space<semaphore_mem>>)
      %dma_wait3A_397 = arith.constant 0 : i32
      %dma_wait3A_398 = arith.constant 0 : i32
      %dma_wait3A_399 = tpu.memref_slice %arg11[%run_scoped3A_272, %dma_wait3A_397, %dma_wait3A_398] : memref<3x128x128xf32, #tpu.memory_space<vmem>> -> memref<1x128x128xf32, #tpu.memory_space<vmem>>
      %dma_wait3A_400 = tpu.memref_squeeze %dma_wait3A_399 : memref<1x128x128xf32, #tpu.memory_space<vmem>> -> memref<128x128xf32, #tpu.memory_space<vmem>>
      %dma_wait3A_401 = arith.constant 0 : i32
      %dma_wait3A_402 = tpu.memref_slice %arg9[%add3A_271, %dma_wait3A_401] : memref<10000x128xf32, #tpu.memory_space<vmem_shared>> -> memref<128x128xf32, #tpu.memory_space<vmem_shared>>
      %dma_wait3A_403 = arith.constant 0 : i32
      %dma_wait3A_404 = tpu.memref_slice %arg9[%add3A_271, %dma_wait3A_403] : memref<10000x128xf32, #tpu.memory_space<vmem_shared>> -> memref<128x128xf32, #tpu.memory_space<vmem_shared>>
      %dma_wait3A_405 = arith.constant 0 : i32
      %dma_wait3A_406 = arith.constant 0 : i32
      %dma_wait3A_407 = tpu.memref_slice %arg11[%run_scoped3A_272, %dma_wait3A_405, %dma_wait3A_406] : memref<3x128x128xf32, #tpu.memory_space<vmem>> -> memref<1x128x128xf32, #tpu.memory_space<vmem>>
      %dma_wait3A_408 = tpu.memref_squeeze %dma_wait3A_407 : memref<1x128x128xf32, #tpu.memory_space<vmem>> -> memref<128x128xf32, #tpu.memory_space<vmem>>
      tpu.wait_dma2 semaphore(%run_scoped3A_384 : memref<!tpu.dma_semaphore, #tpu.memory_space<semaphore_mem>>) src(%dma_wait3A_408 : memref<128x128xf32, #tpu.memory_space<vmem>>) dst(%dma_wait3A_404 : memref<128x128xf32, #tpu.memory_space<vmem_shared>>)
      tpu.yield
    }) : () -> ()
    %convert_element_type3A_273 = arith.extui %eq3A_1 : i1 to i32
    %cond3A_274 = arith.constant 0 : i32
    %cond3A_275 = arith.cmpi ne, %convert_element_type3A_273, %cond3A_274 : i32
    scf.if %cond3A_275 {
      %add3A_384 = arith.constant 512 : i32
      %add3A_385 = arith.addi %mul3A_2, %add3A_384 : i32
      %run_scoped3A_386 = arith.constant 0 : i32
      "tpu.region"() ({
        %run_scoped3A_387 = tpu.sem_alloc : memref<!tpu.dma_semaphore, #tpu.memory_space<semaphore_mem>>
        %dma_start3A_388 = arith.constant 0 : i32
        %dma_start3A_389 = arith.constant 0 : i32
        %dma_start3A_390 = tpu.memref_slice %arg11[%run_scoped3A_386, %dma_start3A_388, %dma_start3A_389] : memref<3x128x128xf32, #tpu.memory_space<vmem>> -> memref<1x128x128xf32, #tpu.memory_space<vmem>>
        %dma_start3A_391 = tpu.memref_squeeze %dma_start3A_390 : memref<1x128x128xf32, #tpu.memory_space<vmem>> -> memref<128x128xf32, #tpu.memory_space<vmem>>
        %dma_start3A_392 = arith.constant 0 : i32
        %dma_start3A_393 = tpu.memref_slice %arg9[%add3A_385, %dma_start3A_392] : memref<10000x128xf32, #tpu.memory_space<vmem_shared>> -> memref<128x128xf32, #tpu.memory_space<vmem_shared>>
        %dma_start3A_394 = arith.constant 0 : i32
        %dma_start3A_395 = tpu.memref_slice %arg9[%add3A_385, %dma_start3A_394] : memref<10000x128xf32, #tpu.memory_space<vmem_shared>> -> memref<128x128xf32, #tpu.memory_space<vmem_shared>>
        %dma_start3A_396 = arith.constant 0 : i32
        %dma_start3A_397 = arith.constant 0 : i32
        %dma_start3A_398 = tpu.memref_slice %arg11[%run_scoped3A_386, %dma_start3A_396, %dma_start3A_397] : memref<3x128x128xf32, #tpu.memory_space<vmem>> -> memref<1x128x128xf32, #tpu.memory_space<vmem>>
        %dma_start3A_399 = tpu.memref_squeeze %dma_start3A_398 : memref<1x128x128xf32, #tpu.memory_space<vmem>> -> memref<128x128xf32, #tpu.memory_space<vmem>>
        tpu.enqueue_dma source(%dma_start3A_399 : memref<128x128xf32, #tpu.memory_space<vmem>>) target(%dma_start3A_395 : memref<128x128xf32, #tpu.memory_space<vmem_shared>>) target_semaphore(%run_scoped3A_387 : memref<!tpu.dma_semaphore, #tpu.memory_space<semaphore_mem>>)
        %dma_wait3A_400 = arith.constant 0 : i32
        %dma_wait3A_401 = arith.constant 0 : i32
        %dma_wait3A_402 = tpu.memref_slice %arg11[%run_scoped3A_386, %dma_wait3A_400, %dma_wait3A_401] : memref<3x128x128xf32, #tpu.memory_space<vmem>> -> memref<1x128x128xf32, #tpu.memory_space<vmem>>
        %dma_wait3A_403 = tpu.memref_squeeze %dma_wait3A_402 : memref<1x128x128xf32, #tpu.memory_space<vmem>> -> memref<128x128xf32, #tpu.memory_space<vmem>>
        %dma_wait3A_404 = arith.constant 0 : i32
        %dma_wait3A_405 = tpu.memref_slice %arg9[%add3A_385, %dma_wait3A_404] : memref<10000x128xf32, #tpu.memory_space<vmem_shared>> -> memref<128x128xf32, #tpu.memory_space<vmem_shared>>
        %dma_wait3A_406 = arith.constant 0 : i32
        %dma_wait3A_407 = tpu.memref_slice %arg9[%add3A_385, %dma_wait3A_406] : memref<10000x128xf32, #tpu.memory_space<vmem_shared>> -> memref<128x128xf32, #tpu.memory_space<vmem_shared>>
        %dma_wait3A_408 = arith.constant 0 : i32
        %dma_wait3A_409 = arith.constant 0 : i32
        %dma_wait3A_410 = tpu.memref_slice %arg11[%run_scoped3A_386, %dma_wait3A_408, %dma_wait3A_409] : memref<3x128x128xf32, #tpu.memory_space<vmem>> -> memref<1x128x128xf32, #tpu.memory_space<vmem>>
        %dma_wait3A_411 = tpu.memref_squeeze %dma_wait3A_410 : memref<1x128x128xf32, #tpu.memory_space<vmem>> -> memref<128x128xf32, #tpu.memory_space<vmem>>
        tpu.wait_dma2 semaphore(%run_scoped3A_387 : memref<!tpu.dma_semaphore, #tpu.memory_space<semaphore_mem>>) src(%dma_wait3A_411 : memref<128x128xf32, #tpu.memory_space<vmem>>) dst(%dma_wait3A_407 : memref<128x128xf32, #tpu.memory_space<vmem_shared>>)
        tpu.yield
      }) : () -> ()
    } else {
    }
    %not3A_276 = arith.constant true
    %not3A_277 = arith.xori %eq3A_1, %not3A_276 : i1
    %convert_element_type3A_278 = arith.extui %not3A_277 : i1 to i32
    %cond3A_279 = arith.constant 0 : i32
    %cond3A_280 = arith.cmpi ne, %convert_element_type3A_278, %cond3A_279 : i32
    scf.if %cond3A_280 {
      %add3A_384 = arith.constant 512 : i32
      %add3A_385 = arith.addi %mul3A_2, %add3A_384 : i32
      %run_scoped3A_386 = arith.constant 0 : i32
      "tpu.region"() ({
        %run_scoped3A_387 = tpu.sem_alloc : memref<!tpu.dma_semaphore, #tpu.memory_space<semaphore_mem>>
        %dma_start3A_388 = arith.constant 0 : i32
        %dma_start3A_389 = arith.constant 0 : i32
        %dma_start3A_390 = tpu.memref_slice %arg11[%run_scoped3A_386, %dma_start3A_388, %dma_start3A_389] : memref<3x128x128xf32, #tpu.memory_space<vmem>> -> memref<1x112x128xf32, #tpu.memory_space<vmem>>
        %dma_start3A_391 = tpu.memref_squeeze %dma_start3A_390 : memref<1x112x128xf32, #tpu.memory_space<vmem>> -> memref<112x128xf32, #tpu.memory_space<vmem>>
        %dma_start3A_392 = arith.constant 0 : i32
        %dma_start3A_393 = tpu.memref_slice %arg9[%add3A_385, %dma_start3A_392] : memref<10000x128xf32, #tpu.memory_space<vmem_shared>> -> memref<112x128xf32, #tpu.memory_space<vmem_shared>>
        %dma_start3A_394 = arith.constant 0 : i32
        %dma_start3A_395 = tpu.memref_slice %arg9[%add3A_385, %dma_start3A_394] : memref<10000x128xf32, #tpu.memory_space<vmem_shared>> -> memref<112x128xf32, #tpu.memory_space<vmem_shared>>
        %dma_start3A_396 = arith.constant 0 : i32
        %dma_start3A_397 = arith.constant 0 : i32
        %dma_start3A_398 = tpu.memref_slice %arg11[%run_scoped3A_386, %dma_start3A_396, %dma_start3A_397] : memref<3x128x128xf32, #tpu.memory_space<vmem>> -> memref<1x112x128xf32, #tpu.memory_space<vmem>>
        %dma_start3A_399 = tpu.memref_squeeze %dma_start3A_398 : memref<1x112x128xf32, #tpu.memory_space<vmem>> -> memref<112x128xf32, #tpu.memory_space<vmem>>
        tpu.enqueue_dma source(%dma_start3A_399 : memref<112x128xf32, #tpu.memory_space<vmem>>) target(%dma_start3A_395 : memref<112x128xf32, #tpu.memory_space<vmem_shared>>) target_semaphore(%run_scoped3A_387 : memref<!tpu.dma_semaphore, #tpu.memory_space<semaphore_mem>>)
        %dma_wait3A_400 = arith.constant 0 : i32
        %dma_wait3A_401 = arith.constant 0 : i32
        %dma_wait3A_402 = tpu.memref_slice %arg11[%run_scoped3A_386, %dma_wait3A_400, %dma_wait3A_401] : memref<3x128x128xf32, #tpu.memory_space<vmem>> -> memref<1x112x128xf32, #tpu.memory_space<vmem>>
        %dma_wait3A_403 = tpu.memref_squeeze %dma_wait3A_402 : memref<1x112x128xf32, #tpu.memory_space<vmem>> -> memref<112x128xf32, #tpu.memory_space<vmem>>
        %dma_wait3A_404 = arith.constant 0 : i32
        %dma_wait3A_405 = tpu.memref_slice %arg9[%add3A_385, %dma_wait3A_404] : memref<10000x128xf32, #tpu.memory_space<vmem_shared>> -> memref<112x128xf32, #tpu.memory_space<vmem_shared>>
        %dma_wait3A_406 = arith.constant 0 : i32
        %dma_wait3A_407 = tpu.memref_slice %arg9[%add3A_385, %dma_wait3A_406] : memref<10000x128xf32, #tpu.memory_space<vmem_shared>> -> memref<112x128xf32, #tpu.memory_space<vmem_shared>>
        %dma_wait3A_408 = arith.constant 0 : i32
        %dma_wait3A_409 = arith.constant 0 : i32
        %dma_wait3A_410 = tpu.memref_slice %arg11[%run_scoped3A_386, %dma_wait3A_408, %dma_wait3A_409] : memref<3x128x128xf32, #tpu.memory_space<vmem>> -> memref<1x112x128xf32, #tpu.memory_space<vmem>>
        %dma_wait3A_411 = tpu.memref_squeeze %dma_wait3A_410 : memref<1x112x128xf32, #tpu.memory_space<vmem>> -> memref<112x128xf32, #tpu.memory_space<vmem>>
        tpu.wait_dma2 semaphore(%run_scoped3A_387 : memref<!tpu.dma_semaphore, #tpu.memory_space<semaphore_mem>>) src(%dma_wait3A_411 : memref<112x128xf32, #tpu.memory_space<vmem>>) dst(%dma_wait3A_407 : memref<112x128xf32, #tpu.memory_space<vmem_shared>>)
        tpu.yield
      }) : () -> ()
    } else {
    }
    %barrier3A_281 = arith.constant 0 : index
    tpu.barrier barrier_id(%barrier3A_281)
    %mul3A_282 = arith.constant 1250 : i32
    %mul3A_283 = arith.muli %arg0, %mul3A_282 : i32
    %add3A_284 = arith.addi %mul3A_283, %arg1 : i32
    %add3A_285 = arith.constant 0 : i32
    %add3A_286 = arith.addi %add3A_284, %add3A_285 : i32
    %run_scoped3A_287 = arith.constant 0 : i32
    "tpu.region"() ({
      %run_scoped3A_384 = tpu.sem_alloc : memref<!tpu.dma_semaphore, #tpu.memory_space<semaphore_mem>>
      %dma_start3A_385 = arith.constant 0 : i32
      %dma_start3A_386 = arith.constant 0 : i32
      %dma_start3A_387 = tpu.memref_slice %arg10[%run_scoped3A_287, %dma_start3A_385, %dma_start3A_386] : memref<4x2x128xi32, #tpu.memory_space<vmem>> -> memref<1x2x128xi32, #tpu.memory_space<vmem>>
      %dma_start3A_388 = tpu.memref_squeeze %dma_start3A_387 : memref<1x2x128xi32, #tpu.memory_space<vmem>> -> memref<2x128xi32, #tpu.memory_space<vmem>>
      %dma_start3A_389 = arith.constant 0 : i32
      %dma_start3A_390 = arith.constant 0 : i32
      %dma_start3A_391 = tpu.memref_slice %arg7[%add3A_286, %dma_start3A_389, %dma_start3A_390] : memref<2500x2x128xi32, #tpu.memory_space<hbm>> -> memref<1x2x128xi32, #tpu.memory_space<hbm>>
      %dma_start3A_392 = tpu.memref_squeeze %dma_start3A_391 : memref<1x2x128xi32, #tpu.memory_space<hbm>> -> memref<2x128xi32, #tpu.memory_space<hbm>>
      %dma_start3A_393 = arith.constant 0 : i32
      %dma_start3A_394 = arith.constant 0 : i32
      %dma_start3A_395 = tpu.memref_slice %arg10[%run_scoped3A_287, %dma_start3A_393, %dma_start3A_394] : memref<4x2x128xi32, #tpu.memory_space<vmem>> -> memref<1x2x128xi32, #tpu.memory_space<vmem>>
      %dma_start3A_396 = tpu.memref_squeeze %dma_start3A_395 : memref<1x2x128xi32, #tpu.memory_space<vmem>> -> memref<2x128xi32, #tpu.memory_space<vmem>>
      %dma_start3A_397 = arith.constant 0 : i32
      %dma_start3A_398 = arith.constant 0 : i32
      %dma_start3A_399 = tpu.memref_slice %arg7[%add3A_286, %dma_start3A_397, %dma_start3A_398] : memref<2500x2x128xi32, #tpu.memory_space<hbm>> -> memref<1x2x128xi32, #tpu.memory_space<hbm>>
      %dma_start3A_400 = tpu.memref_squeeze %dma_start3A_399 : memref<1x2x128xi32, #tpu.memory_space<hbm>> -> memref<2x128xi32, #tpu.memory_space<hbm>>
      tpu.enqueue_dma source(%dma_start3A_400 : memref<2x128xi32, #tpu.memory_space<hbm>>) target(%dma_start3A_396 : memref<2x128xi32, #tpu.memory_space<vmem>>) target_semaphore(%run_scoped3A_384 : memref<!tpu.dma_semaphore, #tpu.memory_space<semaphore_mem>>)
      %dma_wait3A_401 = arith.constant 0 : i32
      %dma_wait3A_402 = arith.constant 0 : i32
      %dma_wait3A_403 = tpu.memref_slice %arg10[%run_scoped3A_287, %dma_wait3A_401, %dma_wait3A_402] : memref<4x2x128xi32, #tpu.memory_space<vmem>> -> memref<1x2x128xi32, #tpu.memory_space<vmem>>
      %dma_wait3A_404 = tpu.memref_squeeze %dma_wait3A_403 : memref<1x2x128xi32, #tpu.memory_space<vmem>> -> memref<2x128xi32, #tpu.memory_space<vmem>>
      %dma_wait3A_405 = arith.constant 0 : i32
      %dma_wait3A_406 = arith.constant 0 : i32
      %dma_wait3A_407 = tpu.memref_slice %arg7[%add3A_286, %dma_wait3A_405, %dma_wait3A_406] : memref<2500x2x128xi32, #tpu.memory_space<hbm>> -> memref<1x2x128xi32, #tpu.memory_space<hbm>>
      %dma_wait3A_408 = tpu.memref_squeeze %dma_wait3A_407 : memref<1x2x128xi32, #tpu.memory_space<hbm>> -> memref<2x128xi32, #tpu.memory_space<hbm>>
      %dma_wait3A_409 = arith.constant 0 : i32
      %dma_wait3A_410 = arith.constant 0 : i32
      %dma_wait3A_411 = tpu.memref_slice %arg10[%run_scoped3A_287, %dma_wait3A_409, %dma_wait3A_410] : memref<4x2x128xi32, #tpu.memory_space<vmem>> -> memref<1x2x128xi32, #tpu.memory_space<vmem>>
      %dma_wait3A_412 = tpu.memref_squeeze %dma_wait3A_411 : memref<1x2x128xi32, #tpu.memory_space<vmem>> -> memref<2x128xi32, #tpu.memory_space<vmem>>
      %dma_wait3A_413 = arith.constant 0 : i32
      %dma_wait3A_414 = arith.constant 0 : i32
      %dma_wait3A_415 = tpu.memref_slice %arg7[%add3A_286, %dma_wait3A_413, %dma_wait3A_414] : memref<2500x2x128xi32, #tpu.memory_space<hbm>> -> memref<1x2x128xi32, #tpu.memory_space<hbm>>
      %dma_wait3A_416 = tpu.memref_squeeze %dma_wait3A_415 : memref<1x2x128xi32, #tpu.memory_space<hbm>> -> memref<2x128xi32, #tpu.memory_space<hbm>>
      tpu.wait_dma2 semaphore(%run_scoped3A_384 : memref<!tpu.dma_semaphore, #tpu.memory_space<semaphore_mem>>) src(%dma_wait3A_416 : memref<2x128xi32, #tpu.memory_space<hbm>>) dst(%dma_wait3A_412 : memref<2x128xi32, #tpu.memory_space<vmem>>)
      tpu.yield
    }) : () -> ()
    %add3A_288 = arith.constant 16 : i32
    %add3A_289 = arith.addi %add3A_284, %add3A_288 : i32
    %run_scoped3A_290 = arith.constant 1 : i32
    "tpu.region"() ({
      %run_scoped3A_384 = tpu.sem_alloc : memref<!tpu.dma_semaphore, #tpu.memory_space<semaphore_mem>>
      %dma_start3A_385 = arith.constant 0 : i32
      %dma_start3A_386 = arith.constant 0 : i32
      %dma_start3A_387 = tpu.memref_slice %arg10[%run_scoped3A_290, %dma_start3A_385, %dma_start3A_386] : memref<4x2x128xi32, #tpu.memory_space<vmem>> -> memref<1x2x128xi32, #tpu.memory_space<vmem>>
      %dma_start3A_388 = tpu.memref_squeeze %dma_start3A_387 : memref<1x2x128xi32, #tpu.memory_space<vmem>> -> memref<2x128xi32, #tpu.memory_space<vmem>>
      %dma_start3A_389 = arith.constant 0 : i32
      %dma_start3A_390 = arith.constant 0 : i32
      %dma_start3A_391 = tpu.memref_slice %arg7[%add3A_289, %dma_start3A_389, %dma_start3A_390] : memref<2500x2x128xi32, #tpu.memory_space<hbm>> -> memref<1x2x128xi32, #tpu.memory_space<hbm>>
      %dma_start3A_392 = tpu.memref_squeeze %dma_start3A_391 : memref<1x2x128xi32, #tpu.memory_space<hbm>> -> memref<2x128xi32, #tpu.memory_space<hbm>>
      %dma_start3A_393 = arith.constant 0 : i32
      %dma_start3A_394 = arith.constant 0 : i32
      %dma_start3A_395 = tpu.memref_slice %arg10[%run_scoped3A_290, %dma_start3A_393, %dma_start3A_394] : memref<4x2x128xi32, #tpu.memory_space<vmem>> -> memref<1x2x128xi32, #tpu.memory_space<vmem>>
      %dma_start3A_396 = tpu.memref_squeeze %dma_start3A_395 : memref<1x2x128xi32, #tpu.memory_space<vmem>> -> memref<2x128xi32, #tpu.memory_space<vmem>>
      %dma_start3A_397 = arith.constant 0 : i32
      %dma_start3A_398 = arith.constant 0 : i32
      %dma_start3A_399 = tpu.memref_slice %arg7[%add3A_289, %dma_start3A_397, %dma_start3A_398] : memref<2500x2x128xi32, #tpu.memory_space<hbm>> -> memref<1x2x128xi32, #tpu.memory_space<hbm>>
      %dma_start3A_400 = tpu.memref_squeeze %dma_start3A_399 : memref<1x2x128xi32, #tpu.memory_space<hbm>> -> memref<2x128xi32, #tpu.memory_space<hbm>>
      tpu.enqueue_dma source(%dma_start3A_400 : memref<2x128xi32, #tpu.memory_space<hbm>>) target(%dma_start3A_396 : memref<2x128xi32, #tpu.memory_space<vmem>>) target_semaphore(%run_scoped3A_384 : memref<!tpu.dma_semaphore, #tpu.memory_space<semaphore_mem>>)
      %dma_wait3A_401 = arith.constant 0 : i32
      %dma_wait3A_402 = arith.constant 0 : i32
      %dma_wait3A_403 = tpu.memref_slice %arg10[%run_scoped3A_290, %dma_wait3A_401, %dma_wait3A_402] : memref<4x2x128xi32, #tpu.memory_space<vmem>> -> memref<1x2x128xi32, #tpu.memory_space<vmem>>
      %dma_wait3A_404 = tpu.memref_squeeze %dma_wait3A_403 : memref<1x2x128xi32, #tpu.memory_space<vmem>> -> memref<2x128xi32, #tpu.memory_space<vmem>>
      %dma_wait3A_405 = arith.constant 0 : i32
      %dma_wait3A_406 = arith.constant 0 : i32
      %dma_wait3A_407 = tpu.memref_slice %arg7[%add3A_289, %dma_wait3A_405, %dma_wait3A_406] : memref<2500x2x128xi32, #tpu.memory_space<hbm>> -> memref<1x2x128xi32, #tpu.memory_space<hbm>>
      %dma_wait3A_408 = tpu.memref_squeeze %dma_wait3A_407 : memref<1x2x128xi32, #tpu.memory_space<hbm>> -> memref<2x128xi32, #tpu.memory_space<hbm>>
      %dma_wait3A_409 = arith.constant 0 : i32
      %dma_wait3A_410 = arith.constant 0 : i32
      %dma_wait3A_411 = tpu.memref_slice %arg10[%run_scoped3A_290, %dma_wait3A_409, %dma_wait3A_410] : memref<4x2x128xi32, #tpu.memory_space<vmem>> -> memref<1x2x128xi32, #tpu.memory_space<vmem>>
      %dma_wait3A_412 = tpu.memref_squeeze %dma_wait3A_411 : memref<1x2x128xi32, #tpu.memory_space<vmem>> -> memref<2x128xi32, #tpu.memory_space<vmem>>
      %dma_wait3A_413 = arith.constant 0 : i32
      %dma_wait3A_414 = arith.constant 0 : i32
      %dma_wait3A_415 = tpu.memref_slice %arg7[%add3A_289, %dma_wait3A_413, %dma_wait3A_414] : memref<2500x2x128xi32, #tpu.memory_space<hbm>> -> memref<1x2x128xi32, #tpu.memory_space<hbm>>
      %dma_wait3A_416 = tpu.memref_squeeze %dma_wait3A_415 : memref<1x2x128xi32, #tpu.memory_space<hbm>> -> memref<2x128xi32, #tpu.memory_space<hbm>>
      tpu.wait_dma2 semaphore(%run_scoped3A_384 : memref<!tpu.dma_semaphore, #tpu.memory_space<semaphore_mem>>) src(%dma_wait3A_416 : memref<2x128xi32, #tpu.memory_space<hbm>>) dst(%dma_wait3A_412 : memref<2x128xi32, #tpu.memory_space<vmem>>)
      tpu.yield
    }) : () -> ()
    %add3A_291 = arith.constant 32 : i32
    %add3A_292 = arith.addi %add3A_284, %add3A_291 : i32
    %run_scoped3A_293 = arith.constant 2 : i32
    "tpu.region"() ({
      %run_scoped3A_384 = tpu.sem_alloc : memref<!tpu.dma_semaphore, #tpu.memory_space<semaphore_mem>>
      %dma_start3A_385 = arith.constant 0 : i32
      %dma_start3A_386 = arith.constant 0 : i32
      %dma_start3A_387 = tpu.memref_slice %arg10[%run_scoped3A_293, %dma_start3A_385, %dma_start3A_386] : memref<4x2x128xi32, #tpu.memory_space<vmem>> -> memref<1x2x128xi32, #tpu.memory_space<vmem>>
      %dma_start3A_388 = tpu.memref_squeeze %dma_start3A_387 : memref<1x2x128xi32, #tpu.memory_space<vmem>> -> memref<2x128xi32, #tpu.memory_space<vmem>>
      %dma_start3A_389 = arith.constant 0 : i32
      %dma_start3A_390 = arith.constant 0 : i32
      %dma_start3A_391 = tpu.memref_slice %arg7[%add3A_292, %dma_start3A_389, %dma_start3A_390] : memref<2500x2x128xi32, #tpu.memory_space<hbm>> -> memref<1x2x128xi32, #tpu.memory_space<hbm>>
      %dma_start3A_392 = tpu.memref_squeeze %dma_start3A_391 : memref<1x2x128xi32, #tpu.memory_space<hbm>> -> memref<2x128xi32, #tpu.memory_space<hbm>>
      %dma_start3A_393 = arith.constant 0 : i32
      %dma_start3A_394 = arith.constant 0 : i32
      %dma_start3A_395 = tpu.memref_slice %arg10[%run_scoped3A_293, %dma_start3A_393, %dma_start3A_394] : memref<4x2x128xi32, #tpu.memory_space<vmem>> -> memref<1x2x128xi32, #tpu.memory_space<vmem>>
      %dma_start3A_396 = tpu.memref_squeeze %dma_start3A_395 : memref<1x2x128xi32, #tpu.memory_space<vmem>> -> memref<2x128xi32, #tpu.memory_space<vmem>>
      %dma_start3A_397 = arith.constant 0 : i32
      %dma_start3A_398 = arith.constant 0 : i32
      %dma_start3A_399 = tpu.memref_slice %arg7[%add3A_292, %dma_start3A_397, %dma_start3A_398] : memref<2500x2x128xi32, #tpu.memory_space<hbm>> -> memref<1x2x128xi32, #tpu.memory_space<hbm>>
      %dma_start3A_400 = tpu.memref_squeeze %dma_start3A_399 : memref<1x2x128xi32, #tpu.memory_space<hbm>> -> memref<2x128xi32, #tpu.memory_space<hbm>>
      tpu.enqueue_dma source(%dma_start3A_400 : memref<2x128xi32, #tpu.memory_space<hbm>>) target(%dma_start3A_396 : memref<2x128xi32, #tpu.memory_space<vmem>>) target_semaphore(%run_scoped3A_384 : memref<!tpu.dma_semaphore, #tpu.memory_space<semaphore_mem>>)
      %dma_wait3A_401 = arith.constant 0 : i32
      %dma_wait3A_402 = arith.constant 0 : i32
      %dma_wait3A_403 = tpu.memref_slice %arg10[%run_scoped3A_293, %dma_wait3A_401, %dma_wait3A_402] : memref<4x2x128xi32, #tpu.memory_space<vmem>> -> memref<1x2x128xi32, #tpu.memory_space<vmem>>
      %dma_wait3A_404 = tpu.memref_squeeze %dma_wait3A_403 : memref<1x2x128xi32, #tpu.memory_space<vmem>> -> memref<2x128xi32, #tpu.memory_space<vmem>>
      %dma_wait3A_405 = arith.constant 0 : i32
      %dma_wait3A_406 = arith.constant 0 : i32
      %dma_wait3A_407 = tpu.memref_slice %arg7[%add3A_292, %dma_wait3A_405, %dma_wait3A_406] : memref<2500x2x128xi32, #tpu.memory_space<hbm>> -> memref<1x2x128xi32, #tpu.memory_space<hbm>>
      %dma_wait3A_408 = tpu.memref_squeeze %dma_wait3A_407 : memref<1x2x128xi32, #tpu.memory_space<hbm>> -> memref<2x128xi32, #tpu.memory_space<hbm>>
      %dma_wait3A_409 = arith.constant 0 : i32
      %dma_wait3A_410 = arith.constant 0 : i32
      %dma_wait3A_411 = tpu.memref_slice %arg10[%run_scoped3A_293, %dma_wait3A_409, %dma_wait3A_410] : memref<4x2x128xi32, #tpu.memory_space<vmem>> -> memref<1x2x128xi32, #tpu.memory_space<vmem>>
      %dma_wait3A_412 = tpu.memref_squeeze %dma_wait3A_411 : memref<1x2x128xi32, #tpu.memory_space<vmem>> -> memref<2x128xi32, #tpu.memory_space<vmem>>
      %dma_wait3A_413 = arith.constant 0 : i32
      %dma_wait3A_414 = arith.constant 0 : i32
      %dma_wait3A_415 = tpu.memref_slice %arg7[%add3A_292, %dma_wait3A_413, %dma_wait3A_414] : memref<2500x2x128xi32, #tpu.memory_space<hbm>> -> memref<1x2x128xi32, #tpu.memory_space<hbm>>
      %dma_wait3A_416 = tpu.memref_squeeze %dma_wait3A_415 : memref<1x2x128xi32, #tpu.memory_space<hbm>> -> memref<2x128xi32, #tpu.memory_space<hbm>>
      tpu.wait_dma2 semaphore(%run_scoped3A_384 : memref<!tpu.dma_semaphore, #tpu.memory_space<semaphore_mem>>) src(%dma_wait3A_416 : memref<2x128xi32, #tpu.memory_space<hbm>>) dst(%dma_wait3A_412 : memref<2x128xi32, #tpu.memory_space<vmem>>)
      tpu.yield
    }) : () -> ()
    %dma_start3A_294 = arith.constant 0 : i32
    %dma_start3A_295 = arith.constant 0 : i32
    %dma_start3A_296 = arith.constant 0 : i32
    %dma_start3A_297 = arith.constant 0 : i32
    %dma_start3A_298 = arith.constant 0 : i32
    %dma_start3A_299 = tpu.memref_slice %arg11[%dma_start3A_296, %dma_start3A_297, %dma_start3A_298] : memref<3x128x128xf32, #tpu.memory_space<vmem>> -> memref<1x128x128xf32, #tpu.memory_space<vmem>>
    %dma_start3A_300 = tpu.memref_squeeze %dma_start3A_299 : memref<1x128x128xf32, #tpu.memory_space<vmem>> -> memref<128x128xf32, #tpu.memory_space<vmem>>
    %dma_start3A_301 = arith.constant 0 : i32
    %dma_start3A_302 = tpu.memref_slice %arg10[%dma_start3A_294, %dma_start3A_295, %dma_start3A_301] : memref<4x2x128xi32, #tpu.memory_space<vmem>> -> memref<1x1x128xi32, #tpu.memory_space<vmem>>
    %dma_start3A_303 = tpu.memref_squeeze %dma_start3A_302 : memref<1x1x128xi32, #tpu.memory_space<vmem>> -> memref<128xi32, #tpu.memory_space<vmem>>
    %dma_start3A_304 = arith.constant 0 : i32
    %dma_start3A_305 = arith.constant 0 : i32
    %dma_start3A_306 = tpu.memref_slice %arg4[%dma_start3A_304, %dma_start3A_305] : memref<10240x128xf32, #tpu.memory_space<hbm>> -> memref<10240x128xf32, #tpu.memory_space<hbm>>
    tpu.enqueue_indirect_dma source(%dma_start3A_306 : memref<10240x128xf32, #tpu.memory_space<hbm>>) target(%dma_start3A_300 : memref<128x128xf32, #tpu.memory_space<vmem>>) offsets(%dma_start3A_303 : memref<128xi32, #tpu.memory_space<vmem>>) semaphore(%arg12 : memref<!tpu.dma_semaphore, #tpu.memory_space<semaphore_mem>>)
    %dma_start3A_307 = arith.constant 1 : i32
    %dma_start3A_308 = arith.constant 0 : i32
    %dma_start3A_309 = arith.constant 1 : i32
    %dma_start3A_310 = arith.constant 0 : i32
    %dma_start3A_311 = arith.constant 0 : i32
    %dma_start3A_312 = tpu.memref_slice %arg11[%dma_start3A_309, %dma_start3A_310, %dma_start3A_311] : memref<3x128x128xf32, #tpu.memory_space<vmem>> -> memref<1x128x128xf32, #tpu.memory_space<vmem>>
    %dma_start3A_313 = tpu.memref_squeeze %dma_start3A_312 : memref<1x128x128xf32, #tpu.memory_space<vmem>> -> memref<128x128xf32, #tpu.memory_space<vmem>>
    %dma_start3A_314 = arith.constant 0 : i32
    %dma_start3A_315 = tpu.memref_slice %arg10[%dma_start3A_307, %dma_start3A_308, %dma_start3A_314] : memref<4x2x128xi32, #tpu.memory_space<vmem>> -> memref<1x1x128xi32, #tpu.memory_space<vmem>>
    %dma_start3A_316 = tpu.memref_squeeze %dma_start3A_315 : memref<1x1x128xi32, #tpu.memory_space<vmem>> -> memref<128xi32, #tpu.memory_space<vmem>>
    %dma_start3A_317 = arith.constant 0 : i32
    %dma_start3A_318 = arith.constant 0 : i32
    %dma_start3A_319 = tpu.memref_slice %arg4[%dma_start3A_317, %dma_start3A_318] : memref<10240x128xf32, #tpu.memory_space<hbm>> -> memref<10240x128xf32, #tpu.memory_space<hbm>>
    tpu.enqueue_indirect_dma source(%dma_start3A_319 : memref<10240x128xf32, #tpu.memory_space<hbm>>) target(%dma_start3A_313 : memref<128x128xf32, #tpu.memory_space<vmem>>) offsets(%dma_start3A_316 : memref<128xi32, #tpu.memory_space<vmem>>) semaphore(%arg12 : memref<!tpu.dma_semaphore, #tpu.memory_space<semaphore_mem>>)
    %while3A_320 = arith.constant 0 : i32
    %while3A_321 = arith.constant 0 : i32
    %while3A_322 = arith.subi %add3A_5, %while3A_321 : i32
    %while3A_323 = arith.addi %while3A_321, %while3A_322 : i32
    %while3A_324 = arith.constant 1 : i32
    %while3A_325 = arith.divsi %while3A_322, %while3A_324 : i32
    %while3A_326 = arith.muli %while3A_325, %while3A_324 : i32
    %while3A_327 = arith.addi %while3A_321, %while3A_326 : i32
    %while3A_328 = arith.constant 1 : i32
    scf.for %while3A_384 = %while3A_321 to %while3A_327 step %while3A_328  : i32 {
      %rem3A = arith.constant 3 : i32
      %rem3A_385 = arith.remsi %while3A_384, %rem3A : i32
      %rem3A_386 = arith.constant 4 : i32
      %rem3A_387 = arith.remsi %while3A_384, %rem3A_386 : i32
      %ge3A = arith.constant 1 : i32
      %ge3A_388 = arith.cmpi sge, %while3A_384, %ge3A : i32
      %add3A_389 = arith.constant 2 : i32
      %add3A_390 = arith.addi %while3A_384, %add3A_389 : i32
      %lt3A_391 = arith.cmpi slt, %add3A_390, %add3A_5 : i32
      %and3A = arith.andi %ge3A_388, %lt3A_391 : i1
      %convert_element_type3A_392 = arith.extui %and3A : i1 to i32
      %cond3A_393 = arith.constant 0 : i32
      %cond3A_394 = arith.cmpi ne, %convert_element_type3A_392, %cond3A_393 : i32
      scf.if %cond3A_394 {
        %dma_wait3A_432 = arith.constant 0 : i32
        %dma_wait3A_433 = arith.constant 0 : i32
        %dma_wait3A_434 = arith.constant 0 : i32
        %dma_wait3A_435 = tpu.memref_slice %arg10[%dma_wait3A_432, %dma_wait3A_433, %dma_wait3A_434] : memref<4x2x128xi32, #tpu.memory_space<vmem>> -> memref<1x2x128xi32, #tpu.memory_space<vmem>>
        %dma_wait3A_436 = tpu.memref_squeeze %dma_wait3A_435 : memref<1x2x128xi32, #tpu.memory_space<vmem>> -> memref<2x128xi32, #tpu.memory_space<vmem>>
        %dma_wait3A_437 = arith.constant 0 : i32
        %dma_wait3A_438 = arith.constant 0 : i32
        %dma_wait3A_439 = tpu.memref_slice %arg7[%add3A_284, %dma_wait3A_437, %dma_wait3A_438] : memref<2500x2x128xi32, #tpu.memory_space<hbm>> -> memref<1x2x128xi32, #tpu.memory_space<hbm>>
        %dma_wait3A_440 = tpu.memref_squeeze %dma_wait3A_439 : memref<1x2x128xi32, #tpu.memory_space<hbm>> -> memref<2x128xi32, #tpu.memory_space<hbm>>
        %dma_wait3A_441 = arith.constant 0 : i32
        %dma_wait3A_442 = arith.constant 0 : i32
        %dma_wait3A_443 = tpu.memref_slice %arg10[%dma_wait3A_432, %dma_wait3A_441, %dma_wait3A_442] : memref<4x2x128xi32, #tpu.memory_space<vmem>> -> memref<1x2x128xi32, #tpu.memory_space<vmem>>
        %dma_wait3A_444 = tpu.memref_squeeze %dma_wait3A_443 : memref<1x2x128xi32, #tpu.memory_space<vmem>> -> memref<2x128xi32, #tpu.memory_space<vmem>>
        %dma_wait3A_445 = arith.constant 0 : i32
        %dma_wait3A_446 = arith.constant 0 : i32
        %dma_wait3A_447 = tpu.memref_slice %arg7[%add3A_284, %dma_wait3A_445, %dma_wait3A_446] : memref<2500x2x128xi32, #tpu.memory_space<hbm>> -> memref<1x2x128xi32, #tpu.memory_space<hbm>>
        %dma_wait3A_448 = tpu.memref_squeeze %dma_wait3A_447 : memref<1x2x128xi32, #tpu.memory_space<hbm>> -> memref<2x128xi32, #tpu.memory_space<hbm>>
        tpu.wait_dma2 semaphore(%arg13 : memref<!tpu.dma_semaphore, #tpu.memory_space<semaphore_mem>>) src(%dma_wait3A_448 : memref<2x128xi32, #tpu.memory_space<hbm>>) dst(%dma_wait3A_444 : memref<2x128xi32, #tpu.memory_space<vmem>>)
        %dma_wait3A_449 = arith.constant 0 : i32
        %dma_wait3A_450 = arith.constant 0 : i32
        %dma_wait3A_451 = arith.constant 0 : i32
        %dma_wait3A_452 = tpu.memref_slice %arg11[%dma_wait3A_449, %dma_wait3A_450, %dma_wait3A_451] : memref<3x128x128xf32, #tpu.memory_space<vmem>> -> memref<1x128x128xf32, #tpu.memory_space<vmem>>
        %dma_wait3A_453 = tpu.memref_squeeze %dma_wait3A_452 : memref<1x128x128xf32, #tpu.memory_space<vmem>> -> memref<128x128xf32, #tpu.memory_space<vmem>>
        %dma_wait3A_454 = arith.constant 0 : i32
        %dma_wait3A_455 = arith.constant 0 : i32
        %dma_wait3A_456 = tpu.memref_slice %arg4[%dma_wait3A_454, %dma_wait3A_455] : memref<10240x128xf32, #tpu.memory_space<hbm>> -> memref<128x128xf32, #tpu.memory_space<hbm>>
        %dma_wait3A_457 = arith.constant 0 : i32
        %dma_wait3A_458 = arith.constant 0 : i32
        %dma_wait3A_459 = tpu.memref_slice %arg11[%dma_wait3A_449, %dma_wait3A_457, %dma_wait3A_458] : memref<3x128x128xf32, #tpu.memory_space<vmem>> -> memref<1x128x128xf32, #tpu.memory_space<vmem>>
        %dma_wait3A_460 = tpu.memref_squeeze %dma_wait3A_459 : memref<1x128x128xf32, #tpu.memory_space<vmem>> -> memref<128x128xf32, #tpu.memory_space<vmem>>
        %dma_wait3A_461 = arith.constant 0 : i32
        %dma_wait3A_462 = arith.constant 0 : i32
        %dma_wait3A_463 = tpu.memref_slice %arg4[%dma_wait3A_461, %dma_wait3A_462] : memref<10240x128xf32, #tpu.memory_space<hbm>> -> memref<128x128xf32, #tpu.memory_space<hbm>>
        tpu.wait_dma2 semaphore(%arg14 : memref<!tpu.dma_semaphore, #tpu.memory_space<semaphore_mem>>) src(%dma_wait3A_463 : memref<128x128xf32, #tpu.memory_space<hbm>>) dst(%dma_wait3A_460 : memref<128x128xf32, #tpu.memory_space<vmem>>)
      } else {
      }
      %add3A_395 = arith.constant 2 : i32
      %add3A_396 = arith.addi %while3A_384, %add3A_395 : i32
      %lt3A_397 = arith.cmpi slt, %add3A_396, %add3A_5 : i32
      %convert_element_type3A_398 = arith.extui %lt3A_397 : i1 to i32
      %cond3A_399 = arith.constant 0 : i32
      %cond3A_400 = arith.cmpi ne, %convert_element_type3A_398, %cond3A_399 : i32
      scf.if %cond3A_400 {
        %add3A_432 = arith.constant 2 : i32
        %add3A_433 = arith.addi %while3A_384, %add3A_432 : i32
        %rem3A_434 = arith.constant 4 : i32
        %rem3A_435 = arith.remsi %add3A_433, %rem3A_434 : i32
        %add3A_436 = arith.constant 2 : i32
        %add3A_437 = arith.addi %while3A_384, %add3A_436 : i32
        %rem3A_438 = arith.constant 3 : i32
        %rem3A_439 = arith.remsi %add3A_437, %rem3A_438 : i32
        %dma_start3A_440 = arith.constant 0 : i32
        %dma_start3A_441 = arith.constant 0 : i32
        %dma_start3A_442 = arith.constant 0 : i32
        %dma_start3A_443 = tpu.memref_slice %arg11[%rem3A_439, %dma_start3A_441, %dma_start3A_442] : memref<3x128x128xf32, #tpu.memory_space<vmem>> -> memref<1x128x128xf32, #tpu.memory_space<vmem>>
        %dma_start3A_444 = tpu.memref_squeeze %dma_start3A_443 : memref<1x128x128xf32, #tpu.memory_space<vmem>> -> memref<128x128xf32, #tpu.memory_space<vmem>>
        %dma_start3A_445 = arith.constant 0 : i32
        %dma_start3A_446 = tpu.memref_slice %arg10[%rem3A_435, %dma_start3A_440, %dma_start3A_445] : memref<4x2x128xi32, #tpu.memory_space<vmem>> -> memref<1x1x128xi32, #tpu.memory_space<vmem>>
        %dma_start3A_447 = tpu.memref_squeeze %dma_start3A_446 : memref<1x1x128xi32, #tpu.memory_space<vmem>> -> memref<128xi32, #tpu.memory_space<vmem>>
        %dma_start3A_448 = arith.constant 0 : i32
        %dma_start3A_449 = arith.constant 0 : i32
        %dma_start3A_450 = tpu.memref_slice %arg4[%dma_start3A_448, %dma_start3A_449] : memref<10240x128xf32, #tpu.memory_space<hbm>> -> memref<10240x128xf32, #tpu.memory_space<hbm>>
        tpu.enqueue_indirect_dma source(%dma_start3A_450 : memref<10240x128xf32, #tpu.memory_space<hbm>>) target(%dma_start3A_444 : memref<128x128xf32, #tpu.memory_space<vmem>>) offsets(%dma_start3A_447 : memref<128xi32, #tpu.memory_space<vmem>>) semaphore(%arg12 : memref<!tpu.dma_semaphore, #tpu.memory_space<semaphore_mem>>)
      } else {
      }
      %add3A_401 = arith.constant 3 : i32
      %add3A_402 = arith.addi %while3A_384, %add3A_401 : i32
      %lt3A_403 = arith.cmpi slt, %add3A_402, %add3A_5 : i32
      %convert_element_type3A_404 = arith.extui %lt3A_403 : i1 to i32
      %cond3A_405 = arith.constant 0 : i32
      %cond3A_406 = arith.cmpi ne, %convert_element_type3A_404, %cond3A_405 : i32
      scf.if %cond3A_406 {
        %add3A_432 = arith.constant 3 : i32
        %add3A_433 = arith.addi %while3A_384, %add3A_432 : i32
        %mul3A_434 = arith.constant 16 : i32
        %mul3A_435 = arith.muli %add3A_433, %mul3A_434 : i32
        %add3A_436 = arith.addi %add3A_284, %mul3A_435 : i32
        %add3A_437 = arith.constant 3 : i32
        %add3A_438 = arith.addi %while3A_384, %add3A_437 : i32
        %rem3A_439 = arith.constant 4 : i32
        %rem3A_440 = arith.remsi %add3A_438, %rem3A_439 : i32
        %dma_start3A_441 = arith.constant 0 : i32
        %dma_start3A_442 = arith.constant 0 : i32
        %dma_start3A_443 = tpu.memref_slice %arg10[%rem3A_440, %dma_start3A_441, %dma_start3A_442] : memref<4x2x128xi32, #tpu.memory_space<vmem>> -> memref<1x2x128xi32, #tpu.memory_space<vmem>>
        %dma_start3A_444 = tpu.memref_squeeze %dma_start3A_443 : memref<1x2x128xi32, #tpu.memory_space<vmem>> -> memref<2x128xi32, #tpu.memory_space<vmem>>
        %dma_start3A_445 = arith.constant 0 : i32
        %dma_start3A_446 = arith.constant 0 : i32
        %dma_start3A_447 = tpu.memref_slice %arg7[%add3A_436, %dma_start3A_445, %dma_start3A_446] : memref<2500x2x128xi32, #tpu.memory_space<hbm>> -> memref<1x2x128xi32, #tpu.memory_space<hbm>>
        %dma_start3A_448 = tpu.memref_squeeze %dma_start3A_447 : memref<1x2x128xi32, #tpu.memory_space<hbm>> -> memref<2x128xi32, #tpu.memory_space<hbm>>
        %dma_start3A_449 = arith.constant 0 : i32
        %dma_start3A_450 = arith.constant 0 : i32
        %dma_start3A_451 = tpu.memref_slice %arg10[%rem3A_440, %dma_start3A_449, %dma_start3A_450] : memref<4x2x128xi32, #tpu.memory_space<vmem>> -> memref<1x2x128xi32, #tpu.memory_space<vmem>>
        %dma_start3A_452 = tpu.memref_squeeze %dma_start3A_451 : memref<1x2x128xi32, #tpu.memory_space<vmem>> -> memref<2x128xi32, #tpu.memory_space<vmem>>
        %dma_start3A_453 = arith.constant 0 : i32
        %dma_start3A_454 = arith.constant 0 : i32
        %dma_start3A_455 = tpu.memref_slice %arg7[%add3A_436, %dma_start3A_453, %dma_start3A_454] : memref<2500x2x128xi32, #tpu.memory_space<hbm>> -> memref<1x2x128xi32, #tpu.memory_space<hbm>>
        %dma_start3A_456 = tpu.memref_squeeze %dma_start3A_455 : memref<1x2x128xi32, #tpu.memory_space<hbm>> -> memref<2x128xi32, #tpu.memory_space<hbm>>
        tpu.enqueue_dma source(%dma_start3A_456 : memref<2x128xi32, #tpu.memory_space<hbm>>) target(%dma_start3A_452 : memref<2x128xi32, #tpu.memory_space<vmem>>) target_semaphore(%arg13 : memref<!tpu.dma_semaphore, #tpu.memory_space<semaphore_mem>>)
      } else {
      }
      %dma_wait3A_407 = arith.constant 0 : i32
      %dma_wait3A_408 = arith.constant 0 : i32
      %dma_wait3A_409 = tpu.memref_slice %arg11[%rem3A_385, %dma_wait3A_407, %dma_wait3A_408] : memref<3x128x128xf32, #tpu.memory_space<vmem>> -> memref<1x128x128xf32, #tpu.memory_space<vmem>>
      %dma_wait3A_410 = tpu.memref_squeeze %dma_wait3A_409 : memref<1x128x128xf32, #tpu.memory_space<vmem>> -> memref<128x128xf32, #tpu.memory_space<vmem>>
      %dma_wait3A_411 = arith.constant 0 : i32
      %dma_wait3A_412 = arith.constant 0 : i32
      %dma_wait3A_413 = tpu.memref_slice %arg4[%dma_wait3A_411, %dma_wait3A_412] : memref<10240x128xf32, #tpu.memory_space<hbm>> -> memref<128x128xf32, #tpu.memory_space<hbm>>
      %dma_wait3A_414 = arith.constant 0 : i32
      %dma_wait3A_415 = arith.constant 0 : i32
      %dma_wait3A_416 = tpu.memref_slice %arg11[%rem3A_385, %dma_wait3A_414, %dma_wait3A_415] : memref<3x128x128xf32, #tpu.memory_space<vmem>> -> memref<1x128x128xf32, #tpu.memory_space<vmem>>
      %dma_wait3A_417 = tpu.memref_squeeze %dma_wait3A_416 : memref<1x128x128xf32, #tpu.memory_space<vmem>> -> memref<128x128xf32, #tpu.memory_space<vmem>>
      %dma_wait3A_418 = arith.constant 0 : i32
      %dma_wait3A_419 = arith.constant 0 : i32
      %dma_wait3A_420 = tpu.memref_slice %arg4[%dma_wait3A_418, %dma_wait3A_419] : memref<10240x128xf32, #tpu.memory_space<hbm>> -> memref<128x128xf32, #tpu.memory_space<hbm>>
      tpu.wait_dma2 semaphore(%arg12 : memref<!tpu.dma_semaphore, #tpu.memory_space<semaphore_mem>>) src(%dma_wait3A_420 : memref<128x128xf32, #tpu.memory_space<hbm>>) dst(%dma_wait3A_417 : memref<128x128xf32, #tpu.memory_space<vmem>>)
      %dma_start3A_421 = arith.constant 1 : i32
      %dma_start3A_422 = arith.constant 0 : i32
      %dma_start3A_423 = arith.constant 0 : i32
      %dma_start3A_424 = tpu.memref_slice %arg11[%rem3A_385, %dma_start3A_422, %dma_start3A_423] : memref<3x128x128xf32, #tpu.memory_space<vmem>> -> memref<1x128x128xf32, #tpu.memory_space<vmem>>
      %dma_start3A_425 = tpu.memref_squeeze %dma_start3A_424 : memref<1x128x128xf32, #tpu.memory_space<vmem>> -> memref<128x128xf32, #tpu.memory_space<vmem>>
      %dma_start3A_426 = arith.constant 0 : i32
      %dma_start3A_427 = tpu.memref_slice %arg10[%rem3A_387, %dma_start3A_421, %dma_start3A_426] : memref<4x2x128xi32, #tpu.memory_space<vmem>> -> memref<1x1x128xi32, #tpu.memory_space<vmem>>
      %dma_start3A_428 = tpu.memref_squeeze %dma_start3A_427 : memref<1x1x128xi32, #tpu.memory_space<vmem>> -> memref<128xi32, #tpu.memory_space<vmem>>
      %dma_start3A_429 = arith.constant 0 : i32
      %dma_start3A_430 = arith.constant 0 : i32
      %dma_start3A_431 = tpu.memref_slice %arg9[%dma_start3A_429, %dma_start3A_430] : memref<10000x128xf32, #tpu.memory_space<vmem_shared>> -> memref<10000x128xf32, #tpu.memory_space<vmem_shared>>
      tpu.enqueue_indirect_dma source(%dma_start3A_425 : memref<128x128xf32, #tpu.memory_space<vmem>>) target(%dma_start3A_431 : memref<10000x128xf32, #tpu.memory_space<vmem_shared>>) offsets(%dma_start3A_428 : memref<128xi32, #tpu.memory_space<vmem>>) semaphore(%arg14 : memref<!tpu.dma_semaphore, #tpu.memory_space<semaphore_mem>>) {add = true}
    }
    %while3A_329 = arith.constant 1 : i32
    scf.for %while3A_384 = %while3A_327 to %while3A_323 step %while3A_329  : i32 {
      %rem3A = arith.constant 3 : i32
      %rem3A_385 = arith.remsi %while3A_384, %rem3A : i32
      %rem3A_386 = arith.constant 4 : i32
      %rem3A_387 = arith.remsi %while3A_384, %rem3A_386 : i32
      %ge3A = arith.constant 1 : i32
      %ge3A_388 = arith.cmpi sge, %while3A_384, %ge3A : i32
      %add3A_389 = arith.constant 2 : i32
      %add3A_390 = arith.addi %while3A_384, %add3A_389 : i32
      %lt3A_391 = arith.cmpi slt, %add3A_390, %add3A_5 : i32
      %and3A = arith.andi %ge3A_388, %lt3A_391 : i1
      %convert_element_type3A_392 = arith.extui %and3A : i1 to i32
      %cond3A_393 = arith.constant 0 : i32
      %cond3A_394 = arith.cmpi ne, %convert_element_type3A_392, %cond3A_393 : i32
      scf.if %cond3A_394 {
        %dma_wait3A_432 = arith.constant 0 : i32
        %dma_wait3A_433 = arith.constant 0 : i32
        %dma_wait3A_434 = arith.constant 0 : i32
        %dma_wait3A_435 = tpu.memref_slice %arg10[%dma_wait3A_432, %dma_wait3A_433, %dma_wait3A_434] : memref<4x2x128xi32, #tpu.memory_space<vmem>> -> memref<1x2x128xi32, #tpu.memory_space<vmem>>
        %dma_wait3A_436 = tpu.memref_squeeze %dma_wait3A_435 : memref<1x2x128xi32, #tpu.memory_space<vmem>> -> memref<2x128xi32, #tpu.memory_space<vmem>>
        %dma_wait3A_437 = arith.constant 0 : i32
        %dma_wait3A_438 = arith.constant 0 : i32
        %dma_wait3A_439 = tpu.memref_slice %arg7[%add3A_284, %dma_wait3A_437, %dma_wait3A_438] : memref<2500x2x128xi32, #tpu.memory_space<hbm>> -> memref<1x2x128xi32, #tpu.memory_space<hbm>>
        %dma_wait3A_440 = tpu.memref_squeeze %dma_wait3A_439 : memref<1x2x128xi32, #tpu.memory_space<hbm>> -> memref<2x128xi32, #tpu.memory_space<hbm>>
        %dma_wait3A_441 = arith.constant 0 : i32
        %dma_wait3A_442 = arith.constant 0 : i32
        %dma_wait3A_443 = tpu.memref_slice %arg10[%dma_wait3A_432, %dma_wait3A_441, %dma_wait3A_442] : memref<4x2x128xi32, #tpu.memory_space<vmem>> -> memref<1x2x128xi32, #tpu.memory_space<vmem>>
        %dma_wait3A_444 = tpu.memref_squeeze %dma_wait3A_443 : memref<1x2x128xi32, #tpu.memory_space<vmem>> -> memref<2x128xi32, #tpu.memory_space<vmem>>
        %dma_wait3A_445 = arith.constant 0 : i32
        %dma_wait3A_446 = arith.constant 0 : i32
        %dma_wait3A_447 = tpu.memref_slice %arg7[%add3A_284, %dma_wait3A_445, %dma_wait3A_446] : memref<2500x2x128xi32, #tpu.memory_space<hbm>> -> memref<1x2x128xi32, #tpu.memory_space<hbm>>
        %dma_wait3A_448 = tpu.memref_squeeze %dma_wait3A_447 : memref<1x2x128xi32, #tpu.memory_space<hbm>> -> memref<2x128xi32, #tpu.memory_space<hbm>>
        tpu.wait_dma2 semaphore(%arg13 : memref<!tpu.dma_semaphore, #tpu.memory_space<semaphore_mem>>) src(%dma_wait3A_448 : memref<2x128xi32, #tpu.memory_space<hbm>>) dst(%dma_wait3A_444 : memref<2x128xi32, #tpu.memory_space<vmem>>)
        %dma_wait3A_449 = arith.constant 0 : i32
        %dma_wait3A_450 = arith.constant 0 : i32
        %dma_wait3A_451 = arith.constant 0 : i32
        %dma_wait3A_452 = tpu.memref_slice %arg11[%dma_wait3A_449, %dma_wait3A_450, %dma_wait3A_451] : memref<3x128x128xf32, #tpu.memory_space<vmem>> -> memref<1x128x128xf32, #tpu.memory_space<vmem>>
        %dma_wait3A_453 = tpu.memref_squeeze %dma_wait3A_452 : memref<1x128x128xf32, #tpu.memory_space<vmem>> -> memref<128x128xf32, #tpu.memory_space<vmem>>
        %dma_wait3A_454 = arith.constant 0 : i32
        %dma_wait3A_455 = arith.constant 0 : i32
        %dma_wait3A_456 = tpu.memref_slice %arg4[%dma_wait3A_454, %dma_wait3A_455] : memref<10240x128xf32, #tpu.memory_space<hbm>> -> memref<128x128xf32, #tpu.memory_space<hbm>>
        %dma_wait3A_457 = arith.constant 0 : i32
        %dma_wait3A_458 = arith.constant 0 : i32
        %dma_wait3A_459 = tpu.memref_slice %arg11[%dma_wait3A_449, %dma_wait3A_457, %dma_wait3A_458] : memref<3x128x128xf32, #tpu.memory_space<vmem>> -> memref<1x128x128xf32, #tpu.memory_space<vmem>>
        %dma_wait3A_460 = tpu.memref_squeeze %dma_wait3A_459 : memref<1x128x128xf32, #tpu.memory_space<vmem>> -> memref<128x128xf32, #tpu.memory_space<vmem>>
        %dma_wait3A_461 = arith.constant 0 : i32
        %dma_wait3A_462 = arith.constant 0 : i32
        %dma_wait3A_463 = tpu.memref_slice %arg4[%dma_wait3A_461, %dma_wait3A_462] : memref<10240x128xf32, #tpu.memory_space<hbm>> -> memref<128x128xf32, #tpu.memory_space<hbm>>
        tpu.wait_dma2 semaphore(%arg14 : memref<!tpu.dma_semaphore, #tpu.memory_space<semaphore_mem>>) src(%dma_wait3A_463 : memref<128x128xf32, #tpu.memory_space<hbm>>) dst(%dma_wait3A_460 : memref<128x128xf32, #tpu.memory_space<vmem>>)
      } else {
      }
      %add3A_395 = arith.constant 2 : i32
      %add3A_396 = arith.addi %while3A_384, %add3A_395 : i32
      %lt3A_397 = arith.cmpi slt, %add3A_396, %add3A_5 : i32
      %convert_element_type3A_398 = arith.extui %lt3A_397 : i1 to i32
      %cond3A_399 = arith.constant 0 : i32
      %cond3A_400 = arith.cmpi ne, %convert_element_type3A_398, %cond3A_399 : i32
      scf.if %cond3A_400 {
        %add3A_432 = arith.constant 2 : i32
        %add3A_433 = arith.addi %while3A_384, %add3A_432 : i32
        %rem3A_434 = arith.constant 4 : i32
        %rem3A_435 = arith.remsi %add3A_433, %rem3A_434 : i32
        %add3A_436 = arith.constant 2 : i32
        %add3A_437 = arith.addi %while3A_384, %add3A_436 : i32
        %rem3A_438 = arith.constant 3 : i32
        %rem3A_439 = arith.remsi %add3A_437, %rem3A_438 : i32
        %dma_start3A_440 = arith.constant 0 : i32
        %dma_start3A_441 = arith.constant 0 : i32
        %dma_start3A_442 = arith.constant 0 : i32
        %dma_start3A_443 = tpu.memref_slice %arg11[%rem3A_439, %dma_start3A_441, %dma_start3A_442] : memref<3x128x128xf32, #tpu.memory_space<vmem>> -> memref<1x128x128xf32, #tpu.memory_space<vmem>>
        %dma_start3A_444 = tpu.memref_squeeze %dma_start3A_443 : memref<1x128x128xf32, #tpu.memory_space<vmem>> -> memref<128x128xf32, #tpu.memory_space<vmem>>
        %dma_start3A_445 = arith.constant 0 : i32
        %dma_start3A_446 = tpu.memref_slice %arg10[%rem3A_435, %dma_start3A_440, %dma_start3A_445] : memref<4x2x128xi32, #tpu.memory_space<vmem>> -> memref<1x1x128xi32, #tpu.memory_space<vmem>>
        %dma_start3A_447 = tpu.memref_squeeze %dma_start3A_446 : memref<1x1x128xi32, #tpu.memory_space<vmem>> -> memref<128xi32, #tpu.memory_space<vmem>>
        %dma_start3A_448 = arith.constant 0 : i32
        %dma_start3A_449 = arith.constant 0 : i32
        %dma_start3A_450 = tpu.memref_slice %arg4[%dma_start3A_448, %dma_start3A_449] : memref<10240x128xf32, #tpu.memory_space<hbm>> -> memref<10240x128xf32, #tpu.memory_space<hbm>>
        tpu.enqueue_indirect_dma source(%dma_start3A_450 : memref<10240x128xf32, #tpu.memory_space<hbm>>) target(%dma_start3A_444 : memref<128x128xf32, #tpu.memory_space<vmem>>) offsets(%dma_start3A_447 : memref<128xi32, #tpu.memory_space<vmem>>) semaphore(%arg12 : memref<!tpu.dma_semaphore, #tpu.memory_space<semaphore_mem>>)
      } else {
      }
      %add3A_401 = arith.constant 3 : i32
      %add3A_402 = arith.addi %while3A_384, %add3A_401 : i32
      %lt3A_403 = arith.cmpi slt, %add3A_402, %add3A_5 : i32
      %convert_element_type3A_404 = arith.extui %lt3A_403 : i1 to i32
      %cond3A_405 = arith.constant 0 : i32
      %cond3A_406 = arith.cmpi ne, %convert_element_type3A_404, %cond3A_405 : i32
      scf.if %cond3A_406 {
        %add3A_432 = arith.constant 3 : i32
        %add3A_433 = arith.addi %while3A_384, %add3A_432 : i32
        %mul3A_434 = arith.constant 16 : i32
        %mul3A_435 = arith.muli %add3A_433, %mul3A_434 : i32
        %add3A_436 = arith.addi %add3A_284, %mul3A_435 : i32
        %add3A_437 = arith.constant 3 : i32
        %add3A_438 = arith.addi %while3A_384, %add3A_437 : i32
        %rem3A_439 = arith.constant 4 : i32
        %rem3A_440 = arith.remsi %add3A_438, %rem3A_439 : i32
        %dma_start3A_441 = arith.constant 0 : i32
        %dma_start3A_442 = arith.constant 0 : i32
        %dma_start3A_443 = tpu.memref_slice %arg10[%rem3A_440, %dma_start3A_441, %dma_start3A_442] : memref<4x2x128xi32, #tpu.memory_space<vmem>> -> memref<1x2x128xi32, #tpu.memory_space<vmem>>
        %dma_start3A_444 = tpu.memref_squeeze %dma_start3A_443 : memref<1x2x128xi32, #tpu.memory_space<vmem>> -> memref<2x128xi32, #tpu.memory_space<vmem>>
        %dma_start3A_445 = arith.constant 0 : i32
        %dma_start3A_446 = arith.constant 0 : i32
        %dma_start3A_447 = tpu.memref_slice %arg7[%add3A_436, %dma_start3A_445, %dma_start3A_446] : memref<2500x2x128xi32, #tpu.memory_space<hbm>> -> memref<1x2x128xi32, #tpu.memory_space<hbm>>
        %dma_start3A_448 = tpu.memref_squeeze %dma_start3A_447 : memref<1x2x128xi32, #tpu.memory_space<hbm>> -> memref<2x128xi32, #tpu.memory_space<hbm>>
        %dma_start3A_449 = arith.constant 0 : i32
        %dma_start3A_450 = arith.constant 0 : i32
        %dma_start3A_451 = tpu.memref_slice %arg10[%rem3A_440, %dma_start3A_449, %dma_start3A_450] : memref<4x2x128xi32, #tpu.memory_space<vmem>> -> memref<1x2x128xi32, #tpu.memory_space<vmem>>
        %dma_start3A_452 = tpu.memref_squeeze %dma_start3A_451 : memref<1x2x128xi32, #tpu.memory_space<vmem>> -> memref<2x128xi32, #tpu.memory_space<vmem>>
        %dma_start3A_453 = arith.constant 0 : i32
        %dma_start3A_454 = arith.constant 0 : i32
        %dma_start3A_455 = tpu.memref_slice %arg7[%add3A_436, %dma_start3A_453, %dma_start3A_454] : memref<2500x2x128xi32, #tpu.memory_space<hbm>> -> memref<1x2x128xi32, #tpu.memory_space<hbm>>
        %dma_start3A_456 = tpu.memref_squeeze %dma_start3A_455 : memref<1x2x128xi32, #tpu.memory_space<hbm>> -> memref<2x128xi32, #tpu.memory_space<hbm>>
        tpu.enqueue_dma source(%dma_start3A_456 : memref<2x128xi32, #tpu.memory_space<hbm>>) target(%dma_start3A_452 : memref<2x128xi32, #tpu.memory_space<vmem>>) target_semaphore(%arg13 : memref<!tpu.dma_semaphore, #tpu.memory_space<semaphore_mem>>)
      } else {
      }
      %dma_wait3A_407 = arith.constant 0 : i32
      %dma_wait3A_408 = arith.constant 0 : i32
      %dma_wait3A_409 = tpu.memref_slice %arg11[%rem3A_385, %dma_wait3A_407, %dma_wait3A_408] : memref<3x128x128xf32, #tpu.memory_space<vmem>> -> memref<1x128x128xf32, #tpu.memory_space<vmem>>
      %dma_wait3A_410 = tpu.memref_squeeze %dma_wait3A_409 : memref<1x128x128xf32, #tpu.memory_space<vmem>> -> memref<128x128xf32, #tpu.memory_space<vmem>>
      %dma_wait3A_411 = arith.constant 0 : i32
      %dma_wait3A_412 = arith.constant 0 : i32
      %dma_wait3A_413 = tpu.memref_slice %arg4[%dma_wait3A_411, %dma_wait3A_412] : memref<10240x128xf32, #tpu.memory_space<hbm>> -> memref<128x128xf32, #tpu.memory_space<hbm>>
      %dma_wait3A_414 = arith.constant 0 : i32
      %dma_wait3A_415 = arith.constant 0 : i32
      %dma_wait3A_416 = tpu.memref_slice %arg11[%rem3A_385, %dma_wait3A_414, %dma_wait3A_415] : memref<3x128x128xf32, #tpu.memory_space<vmem>> -> memref<1x128x128xf32, #tpu.memory_space<vmem>>
      %dma_wait3A_417 = tpu.memref_squeeze %dma_wait3A_416 : memref<1x128x128xf32, #tpu.memory_space<vmem>> -> memref<128x128xf32, #tpu.memory_space<vmem>>
      %dma_wait3A_418 = arith.constant 0 : i32
      %dma_wait3A_419 = arith.constant 0 : i32
      %dma_wait3A_420 = tpu.memref_slice %arg4[%dma_wait3A_418, %dma_wait3A_419] : memref<10240x128xf32, #tpu.memory_space<hbm>> -> memref<128x128xf32, #tpu.memory_space<hbm>>
      tpu.wait_dma2 semaphore(%arg12 : memref<!tpu.dma_semaphore, #tpu.memory_space<semaphore_mem>>) src(%dma_wait3A_420 : memref<128x128xf32, #tpu.memory_space<hbm>>) dst(%dma_wait3A_417 : memref<128x128xf32, #tpu.memory_space<vmem>>)
      %dma_start3A_421 = arith.constant 1 : i32
      %dma_start3A_422 = arith.constant 0 : i32
      %dma_start3A_423 = arith.constant 0 : i32
      %dma_start3A_424 = tpu.memref_slice %arg11[%rem3A_385, %dma_start3A_422, %dma_start3A_423] : memref<3x128x128xf32, #tpu.memory_space<vmem>> -> memref<1x128x128xf32, #tpu.memory_space<vmem>>
      %dma_start3A_425 = tpu.memref_squeeze %dma_start3A_424 : memref<1x128x128xf32, #tpu.memory_space<vmem>> -> memref<128x128xf32, #tpu.memory_space<vmem>>
      %dma_start3A_426 = arith.constant 0 : i32
      %dma_start3A_427 = tpu.memref_slice %arg10[%rem3A_387, %dma_start3A_421, %dma_start3A_426] : memref<4x2x128xi32, #tpu.memory_space<vmem>> -> memref<1x1x128xi32, #tpu.memory_space<vmem>>
      %dma_start3A_428 = tpu.memref_squeeze %dma_start3A_427 : memref<1x1x128xi32, #tpu.memory_space<vmem>> -> memref<128xi32, #tpu.memory_space<vmem>>
      %dma_start3A_429 = arith.constant 0 : i32
      %dma_start3A_430 = arith.constant 0 : i32
      %dma_start3A_431 = tpu.memref_slice %arg9[%dma_start3A_429, %dma_start3A_430] : memref<10000x128xf32, #tpu.memory_space<vmem_shared>> -> memref<10000x128xf32, #tpu.memory_space<vmem_shared>>
      tpu.enqueue_indirect_dma source(%dma_start3A_425 : memref<128x128xf32, #tpu.memory_space<vmem>>) target(%dma_start3A_431 : memref<10000x128xf32, #tpu.memory_space<vmem_shared>>) offsets(%dma_start3A_428 : memref<128xi32, #tpu.memory_space<vmem>>) semaphore(%arg14 : memref<!tpu.dma_semaphore, #tpu.memory_space<semaphore_mem>>) {add = true}
    }
    %dma_wait3A_330 = arith.constant 0 : i32
    %dma_wait3A_331 = arith.constant 0 : i32
    %dma_wait3A_332 = arith.constant 0 : i32
    %dma_wait3A_333 = tpu.memref_slice %arg11[%dma_wait3A_330, %dma_wait3A_331, %dma_wait3A_332] : memref<3x128x128xf32, #tpu.memory_space<vmem>> -> memref<1x128x128xf32, #tpu.memory_space<vmem>>
    %dma_wait3A_334 = tpu.memref_squeeze %dma_wait3A_333 : memref<1x128x128xf32, #tpu.memory_space<vmem>> -> memref<128x128xf32, #tpu.memory_space<vmem>>
    %dma_wait3A_335 = arith.constant 0 : i32
    %dma_wait3A_336 = arith.constant 0 : i32
    %dma_wait3A_337 = tpu.memref_slice %arg4[%dma_wait3A_335, %dma_wait3A_336] : memref<10240x128xf32, #tpu.memory_space<hbm>> -> memref<128x128xf32, #tpu.memory_space<hbm>>
    %dma_wait3A_338 = arith.constant 0 : i32
    %dma_wait3A_339 = arith.constant 0 : i32
    %dma_wait3A_340 = tpu.memref_slice %arg11[%dma_wait3A_330, %dma_wait3A_338, %dma_wait3A_339] : memref<3x128x128xf32, #tpu.memory_space<vmem>> -> memref<1x128x128xf32, #tpu.memory_space<vmem>>
    %dma_wait3A_341 = tpu.memref_squeeze %dma_wait3A_340 : memref<1x128x128xf32, #tpu.memory_space<vmem>> -> memref<128x128xf32, #tpu.memory_space<vmem>>
    %dma_wait3A_342 = arith.constant 0 : i32
    %dma_wait3A_343 = arith.constant 0 : i32
    %dma_wait3A_344 = tpu.memref_slice %arg4[%dma_wait3A_342, %dma_wait3A_343] : memref<10240x128xf32, #tpu.memory_space<hbm>> -> memref<128x128xf32, #tpu.memory_space<hbm>>
    tpu.wait_dma2 semaphore(%arg14 : memref<!tpu.dma_semaphore, #tpu.memory_space<semaphore_mem>>) src(%dma_wait3A_344 : memref<128x128xf32, #tpu.memory_space<hbm>>) dst(%dma_wait3A_341 : memref<128x128xf32, #tpu.memory_space<vmem>>)
    %dma_wait3A_345 = arith.constant 0 : i32
    %dma_wait3A_346 = arith.constant 0 : i32
    %dma_wait3A_347 = arith.constant 0 : i32
    %dma_wait3A_348 = tpu.memref_slice %arg11[%dma_wait3A_345, %dma_wait3A_346, %dma_wait3A_347] : memref<3x128x128xf32, #tpu.memory_space<vmem>> -> memref<1x128x128xf32, #tpu.memory_space<vmem>>
    %dma_wait3A_349 = tpu.memref_squeeze %dma_wait3A_348 : memref<1x128x128xf32, #tpu.memory_space<vmem>> -> memref<128x128xf32, #tpu.memory_space<vmem>>
    %dma_wait3A_350 = arith.constant 0 : i32
    %dma_wait3A_351 = arith.constant 0 : i32
    %dma_wait3A_352 = tpu.memref_slice %arg4[%dma_wait3A_350, %dma_wait3A_351] : memref<10240x128xf32, #tpu.memory_space<hbm>> -> memref<128x128xf32, #tpu.memory_space<hbm>>
    %dma_wait3A_353 = arith.constant 0 : i32
    %dma_wait3A_354 = arith.constant 0 : i32
    %dma_wait3A_355 = tpu.memref_slice %arg11[%dma_wait3A_345, %dma_wait3A_353, %dma_wait3A_354] : memref<3x128x128xf32, #tpu.memory_space<vmem>> -> memref<1x128x128xf32, #tpu.memory_space<vmem>>
    %dma_wait3A_356 = tpu.memref_squeeze %dma_wait3A_355 : memref<1x128x128xf32, #tpu.memory_space<vmem>> -> memref<128x128xf32, #tpu.memory_space<vmem>>
    %dma_wait3A_357 = arith.constant 0 : i32
    %dma_wait3A_358 = arith.constant 0 : i32
    %dma_wait3A_359 = tpu.memref_slice %arg4[%dma_wait3A_357, %dma_wait3A_358] : memref<10240x128xf32, #tpu.memory_space<hbm>> -> memref<128x128xf32, #tpu.memory_space<hbm>>
    tpu.wait_dma2 semaphore(%arg14 : memref<!tpu.dma_semaphore, #tpu.memory_space<semaphore_mem>>) src(%dma_wait3A_359 : memref<128x128xf32, #tpu.memory_space<hbm>>) dst(%dma_wait3A_356 : memref<128x128xf32, #tpu.memory_space<vmem>>)
    %dma_wait3A_360 = arith.constant 0 : i32
    %dma_wait3A_361 = arith.constant 0 : i32
    %dma_wait3A_362 = arith.constant 0 : i32
    %dma_wait3A_363 = tpu.memref_slice %arg11[%dma_wait3A_360, %dma_wait3A_361, %dma_wait3A_362] : memref<3x128x128xf32, #tpu.memory_space<vmem>> -> memref<1x128x128xf32, #tpu.memory_space<vmem>>
    %dma_wait3A_364 = tpu.memref_squeeze %dma_wait3A_363 : memref<1x128x128xf32, #tpu.memory_space<vmem>> -> memref<128x128xf32, #tpu.memory_space<vmem>>
    %dma_wait3A_365 = arith.constant 0 : i32
    %dma_wait3A_366 = arith.constant 0 : i32
    %dma_wait3A_367 = tpu.memref_slice %arg4[%dma_wait3A_365, %dma_wait3A_366] : memref<10240x128xf32, #tpu.memory_space<hbm>> -> memref<128x128xf32, #tpu.memory_space<hbm>>
    %dma_wait3A_368 = arith.constant 0 : i32
    %dma_wait3A_369 = arith.constant 0 : i32
    %dma_wait3A_370 = tpu.memref_slice %arg11[%dma_wait3A_360, %dma_wait3A_368, %dma_wait3A_369] : memref<3x128x128xf32, #tpu.memory_space<vmem>> -> memref<1x128x128xf32, #tpu.memory_space<vmem>>
    %dma_wait3A_371 = tpu.memref_squeeze %dma_wait3A_370 : memref<1x128x128xf32, #tpu.memory_space<vmem>> -> memref<128x128xf32, #tpu.memory_space<vmem>>
    %dma_wait3A_372 = arith.constant 0 : i32
    %dma_wait3A_373 = arith.constant 0 : i32
    %dma_wait3A_374 = tpu.memref_slice %arg4[%dma_wait3A_372, %dma_wait3A_373] : memref<10240x128xf32, #tpu.memory_space<hbm>> -> memref<128x128xf32, #tpu.memory_space<hbm>>
    tpu.wait_dma2 semaphore(%arg14 : memref<!tpu.dma_semaphore, #tpu.memory_space<semaphore_mem>>) src(%dma_wait3A_374 : memref<128x128xf32, #tpu.memory_space<hbm>>) dst(%dma_wait3A_371 : memref<128x128xf32, #tpu.memory_space<vmem>>)
    %barrier3A_375 = arith.constant 0 : index
    tpu.barrier barrier_id(%barrier3A_375)
    %convert_element_type3A_376 = arith.extui %eq3A_1 : i1 to i32
    %cond3A_377 = arith.constant 0 : i32
    %cond3A_378 = arith.cmpi ne, %convert_element_type3A_376, %cond3A_377 : i32
    scf.if %cond3A_378 {
      %run_scoped3A_384 = arith.constant 2 : i32
      "tpu.region"() ({
        %run_scoped3A_385 = tpu.sem_alloc : memref<!tpu.dma_semaphore, #tpu.memory_space<semaphore_mem>>
        %dma_start3A_386 = arith.constant 0 : i32
        %dma_start3A_387 = tpu.memref_slice %arg8[%run_scoped3A_384, %arg0, %mul3A_2, %dma_start3A_386] : memref<3x2x10000x128xf32, #tpu.memory_space<hbm>> -> memref<1x1x640x128xf32, #tpu.memory_space<hbm>>
        %dma_start3A_388 = tpu.memref_squeeze %dma_start3A_387 : memref<1x1x640x128xf32, #tpu.memory_space<hbm>> -> memref<640x128xf32, #tpu.memory_space<hbm>>
        %dma_start3A_389 = arith.constant 0 : i32
        %dma_start3A_390 = tpu.memref_slice %arg9[%mul3A_2, %dma_start3A_389] : memref<10000x128xf32, #tpu.memory_space<vmem_shared>> -> memref<640x128xf32, #tpu.memory_space<vmem_shared>>
        tpu.enqueue_dma source(%dma_start3A_390 : memref<640x128xf32, #tpu.memory_space<vmem_shared>>) target(%dma_start3A_388 : memref<640x128xf32, #tpu.memory_space<hbm>>) target_semaphore(%run_scoped3A_385 : memref<!tpu.dma_semaphore, #tpu.memory_space<semaphore_mem>>)
        %dma_wait3A_391 = arith.constant 0 : i32
        %dma_wait3A_392 = tpu.memref_slice %arg8[%run_scoped3A_384, %arg0, %mul3A_2, %dma_wait3A_391] : memref<3x2x10000x128xf32, #tpu.memory_space<hbm>> -> memref<1x1x640x128xf32, #tpu.memory_space<hbm>>
        %dma_wait3A_393 = tpu.memref_squeeze %dma_wait3A_392 : memref<1x1x640x128xf32, #tpu.memory_space<hbm>> -> memref<640x128xf32, #tpu.memory_space<hbm>>
        %dma_wait3A_394 = arith.constant 0 : i32
        %dma_wait3A_395 = tpu.memref_slice %arg9[%mul3A_2, %dma_wait3A_394] : memref<10000x128xf32, #tpu.memory_space<vmem_shared>> -> memref<640x128xf32, #tpu.memory_space<vmem_shared>>
        tpu.wait_dma2 semaphore(%run_scoped3A_385 : memref<!tpu.dma_semaphore, #tpu.memory_space<semaphore_mem>>) src(%dma_wait3A_395 : memref<640x128xf32, #tpu.memory_space<vmem_shared>>) dst(%dma_wait3A_393 : memref<640x128xf32, #tpu.memory_space<hbm>>)
        tpu.yield
      }) : () -> ()
    } else {
    }
    %not3A_379 = arith.constant true
    %not3A_380 = arith.xori %eq3A_1, %not3A_379 : i1
    %convert_element_type3A_381 = arith.extui %not3A_380 : i1 to i32
    %cond3A_382 = arith.constant 0 : i32
    %cond3A_383 = arith.cmpi ne, %convert_element_type3A_381, %cond3A_382 : i32
    scf.if %cond3A_383 {
      %run_scoped3A_384 = arith.constant 2 : i32
      "tpu.region"() ({
        %run_scoped3A_385 = tpu.sem_alloc : memref<!tpu.dma_semaphore, #tpu.memory_space<semaphore_mem>>
        %dma_start3A_386 = arith.constant 0 : i32
        %dma_start3A_387 = tpu.memref_slice %arg8[%run_scoped3A_384, %arg0, %mul3A_2, %dma_start3A_386] : memref<3x2x10000x128xf32, #tpu.memory_space<hbm>> -> memref<1x1x624x128xf32, #tpu.memory_space<hbm>>
        %dma_start3A_388 = tpu.memref_squeeze %dma_start3A_387 : memref<1x1x624x128xf32, #tpu.memory_space<hbm>> -> memref<624x128xf32, #tpu.memory_space<hbm>>
        %dma_start3A_389 = arith.constant 0 : i32
        %dma_start3A_390 = tpu.memref_slice %arg9[%mul3A_2, %dma_start3A_389] : memref<10000x128xf32, #tpu.memory_space<vmem_shared>> -> memref<624x128xf32, #tpu.memory_space<vmem_shared>>
        tpu.enqueue_dma source(%dma_start3A_390 : memref<624x128xf32, #tpu.memory_space<vmem_shared>>) target(%dma_start3A_388 : memref<624x128xf32, #tpu.memory_space<hbm>>) target_semaphore(%run_scoped3A_385 : memref<!tpu.dma_semaphore, #tpu.memory_space<semaphore_mem>>)
        %dma_wait3A_391 = arith.constant 0 : i32
        %dma_wait3A_392 = tpu.memref_slice %arg8[%run_scoped3A_384, %arg0, %mul3A_2, %dma_wait3A_391] : memref<3x2x10000x128xf32, #tpu.memory_space<hbm>> -> memref<1x1x624x128xf32, #tpu.memory_space<hbm>>
        %dma_wait3A_393 = tpu.memref_squeeze %dma_wait3A_392 : memref<1x1x624x128xf32, #tpu.memory_space<hbm>> -> memref<624x128xf32, #tpu.memory_space<hbm>>
        %dma_wait3A_394 = arith.constant 0 : i32
        %dma_wait3A_395 = tpu.memref_slice %arg9[%mul3A_2, %dma_wait3A_394] : memref<10000x128xf32, #tpu.memory_space<vmem_shared>> -> memref<624x128xf32, #tpu.memory_space<vmem_shared>>
        tpu.wait_dma2 semaphore(%run_scoped3A_385 : memref<!tpu.dma_semaphore, #tpu.memory_space<semaphore_mem>>) src(%dma_wait3A_395 : memref<624x128xf32, #tpu.memory_space<vmem_shared>>) dst(%dma_wait3A_393 : memref<624x128xf32, #tpu.memory_space<hbm>>)
        tpu.yield
      }) : () -> ()
    } else {
    }
    return
  }
}

module attributes {stable_mosaic.version = 14 : i64} {
  func.func @_norm_h_body(%arg0: i32, %arg1: memref<6x32x2048xf32, #tpu.memory_space<vmem>>, %arg2: memref<2048x128xf32, #tpu.memory_space<vmem>>, %arg3: memref<2048x128xf32, #tpu.memory_space<vmem>>, %arg4: memref<2048x128xf32, #tpu.memory_space<vmem>>, %arg5: memref<2048x128xf32, #tpu.memory_space<vmem>>, %arg6: memref<3x2048xf32, #tpu.memory_space<vmem>>) attributes {dimension_semantics = [#tpu.dimension_semantics<arbitrary>], iteration_bounds = array<i64: 5>, scalar_prefetch = 0 : i64, scratch_operands = 0 : i64, tpu.core_type = #tpu.core_type<tc>, window_params = [{transform_indices = @transform_0, window_bounds = array<i64: 6, 32, 2048>}, {transform_indices = @transform_1, window_bounds = array<i64: 2048, 128>}, {transform_indices = @transform_2, window_bounds = array<i64: 2048, 128>}, {transform_indices = @transform_3, window_bounds = array<i64: 2048, 128>}, {transform_indices = @transform_4, window_bounds = array<i64: 2048, 128>}, {transform_indices = @transform_5, window_bounds = array<i64: 3, 2048>}]} {
    %get3A = arith.constant 0 : index
    %get3A_0 = arith.constant 0 : index
    %get3A_1 = arith.constant 0 : index
    %get3A_2 = vector.load %arg1[%get3A, %get3A_0, %get3A_1] : memref<6x32x2048xf32, #tpu.memory_space<vmem>>, vector<6x32x2048xf32>
    %reduce_sum3A = arith.constant dense<0.000000e+00> : vector<6x2048xf32>
    %reduce_sum3A_3 = vector.multi_reduction <add>, %get3A_2, %reduce_sum3A [1] : vector<6x32x2048xf32> to vector<6x2048xf32>
    %gt3A = arith.constant 0.000000e+00 : f32
    %gt3A_4 = vector.broadcast %gt3A : f32 to vector<6x2048xf32>
    %gt3A_5 = arith.cmpf ogt, %reduce_sum3A_3, %gt3A_4 : vector<6x2048xf32>
    %max3A = arith.constant 9.99999996E-13 : f32
    %max3A_6 = vector.broadcast %max3A : f32 to vector<6x2048xf32>
    %max3A_7 = arith.maximumf %reduce_sum3A_3, %max3A_6 : vector<6x2048xf32>
    %rsqrt3A = math.rsqrt %max3A_7 : vector<6x2048xf32>
    %jit3A = arith.constant 0.000000e+00 : f32
    %broadcast_in_dim3A = vector.broadcast %jit3A : f32 to vector<6x2048xf32>
    %select_n3A = arith.select %gt3A_5, %rsqrt3A, %broadcast_in_dim3A : vector<6x2048xi1>, vector<6x2048xf32>
    %mul3A = arith.constant 2048 : i32
    %mul3A_8 = arith.muli %arg0, %mul3A : i32
    %iota3A = tpu.iota {dimensions = array<i32: 0>} : vector<2048x1xi32>
    %add3A = vector.broadcast %mul3A_8 : i32 to vector<2048x1xi32>
    %add3A_9 = arith.addi %add3A, %iota3A : vector<2048x1xi32>
    %lt3A = arith.constant 10000 : i32
    %lt3A_10 = vector.broadcast %lt3A : i32 to vector<2048x1xi32>
    %lt3A_11 = arith.cmpi slt, %add3A_9, %lt3A_10 : vector<2048x1xi32>
    %get3A_12 = arith.constant 0 : index
    %get3A_13 = arith.constant 0 : index
    %get3A_14 = vector.load %arg2[%get3A_12, %get3A_13] : memref<2048x128xf32, #tpu.memory_space<vmem>>, vector<2048x128xf32>
    %slice3A = vector.extract_strided_slice %select_n3A {offsets = [0, 0], sizes = [1, 2048], strides = [1, 1]} : vector<6x2048xf32> to vector<1x2048xf32>
    %squeeze3A = vector.shape_cast %slice3A : vector<1x2048xf32> to vector<2048xf32>
    %broadcast_in_dim3A_15 = vector.shape_cast %squeeze3A : vector<2048xf32> to vector<2048x1xf32>
    %mul3A_16 = vector.broadcast %broadcast_in_dim3A_15 : vector<2048x1xf32> to vector<2048x128xf32>
    %mul3A_17 = arith.mulf %get3A_14, %mul3A_16 : vector<2048x128xf32>
    %jit3A_18 = arith.constant 0.000000e+00 : f32
    %broadcast_in_dim3A_19 = vector.shape_cast %lt3A_11 : vector<2048x1xi1> to vector<2048x1xi1>
    %broadcast_in_dim3A_20 = vector.broadcast %broadcast_in_dim3A_19 : vector<2048x1xi1> to vector<2048x128xi1>
    %broadcast_in_dim3A_21 = vector.broadcast %jit3A_18 : f32 to vector<2048x128xf32>
    %select_n3A_22 = arith.select %broadcast_in_dim3A_20, %mul3A_17, %broadcast_in_dim3A_21 : vector<2048x128xi1>, vector<2048x128xf32>
    %swap3A = arith.constant 0 : index
    %swap3A_23 = arith.constant 0 : index
    %swap3A_24 = vector.load %arg3[%swap3A, %swap3A_23] : memref<2048x128xf32, #tpu.memory_space<vmem>>, vector<2048x128xf32>
    tpu.vector_store %arg3[%swap3A, %swap3A_23], %select_n3A_22 {strides = array<i32>} : memref<2048x128xf32, #tpu.memory_space<vmem>>, vector<2048x128xf32>,
    %slice3A_25 = vector.extract_strided_slice %select_n3A {offsets = [1, 0], sizes = [1, 2048], strides = [1, 1]} : vector<6x2048xf32> to vector<1x2048xf32>
    %squeeze3A_26 = vector.shape_cast %slice3A_25 : vector<1x2048xf32> to vector<2048xf32>
    %broadcast_in_dim3A_27 = vector.shape_cast %squeeze3A_26 : vector<2048xf32> to vector<2048x1xf32>
    %mul3A_28 = vector.broadcast %broadcast_in_dim3A_27 : vector<2048x1xf32> to vector<2048x128xf32>
    %mul3A_29 = arith.mulf %get3A_14, %mul3A_28 : vector<2048x128xf32>
    %jit3A_30 = arith.constant 0.000000e+00 : f32
    %broadcast_in_dim3A_31 = vector.shape_cast %lt3A_11 : vector<2048x1xi1> to vector<2048x1xi1>
    %broadcast_in_dim3A_32 = vector.broadcast %broadcast_in_dim3A_31 : vector<2048x1xi1> to vector<2048x128xi1>
    %broadcast_in_dim3A_33 = vector.broadcast %jit3A_30 : f32 to vector<2048x128xf32>
    %select_n3A_34 = arith.select %broadcast_in_dim3A_32, %mul3A_29, %broadcast_in_dim3A_33 : vector<2048x128xi1>, vector<2048x128xf32>
    %swap3A_35 = arith.constant 0 : index
    %swap3A_36 = arith.constant 0 : index
    %swap3A_37 = vector.load %arg4[%swap3A_35, %swap3A_36] : memref<2048x128xf32, #tpu.memory_space<vmem>>, vector<2048x128xf32>
    tpu.vector_store %arg4[%swap3A_35, %swap3A_36], %select_n3A_34 {strides = array<i32>} : memref<2048x128xf32, #tpu.memory_space<vmem>>, vector<2048x128xf32>,
    %slice3A_38 = vector.extract_strided_slice %select_n3A {offsets = [2, 0], sizes = [1, 2048], strides = [1, 1]} : vector<6x2048xf32> to vector<1x2048xf32>
    %squeeze3A_39 = vector.shape_cast %slice3A_38 : vector<1x2048xf32> to vector<2048xf32>
    %broadcast_in_dim3A_40 = vector.shape_cast %squeeze3A_39 : vector<2048xf32> to vector<2048x1xf32>
    %mul3A_41 = vector.broadcast %broadcast_in_dim3A_40 : vector<2048x1xf32> to vector<2048x128xf32>
    %mul3A_42 = arith.mulf %get3A_14, %mul3A_41 : vector<2048x128xf32>
    %jit3A_43 = arith.constant 0.000000e+00 : f32
    %broadcast_in_dim3A_44 = vector.shape_cast %lt3A_11 : vector<2048x1xi1> to vector<2048x1xi1>
    %broadcast_in_dim3A_45 = vector.broadcast %broadcast_in_dim3A_44 : vector<2048x1xi1> to vector<2048x128xi1>
    %broadcast_in_dim3A_46 = vector.broadcast %jit3A_43 : f32 to vector<2048x128xf32>
    %select_n3A_47 = arith.select %broadcast_in_dim3A_45, %mul3A_42, %broadcast_in_dim3A_46 : vector<2048x128xi1>, vector<2048x128xf32>
    %swap3A_48 = arith.constant 0 : index
    %swap3A_49 = arith.constant 0 : index
    %swap3A_50 = vector.load %arg5[%swap3A_48, %swap3A_49] : memref<2048x128xf32, #tpu.memory_space<vmem>>, vector<2048x128xf32>
    tpu.vector_store %arg5[%swap3A_48, %swap3A_49], %select_n3A_47 {strides = array<i32>} : memref<2048x128xf32, #tpu.memory_space<vmem>>, vector<2048x128xf32>,
    %slice3A_51 = vector.extract_strided_slice %select_n3A {offsets = [3, 0], sizes = [3, 2048], strides = [1, 1]} : vector<6x2048xf32> to vector<3x2048xf32>
    %swap3A_52 = arith.constant 0 : index
    %swap3A_53 = arith.constant 0 : index
    %swap3A_54 = vector.load %arg6[%swap3A_52, %swap3A_53] : memref<3x2048xf32, #tpu.memory_space<vmem>>, vector<3x2048xf32>
    tpu.vector_store %arg6[%swap3A_52, %swap3A_53], %slice3A_51 {strides = array<i32>} : memref<3x2048xf32, #tpu.memory_space<vmem>>, vector<3x2048xf32>,
    return
  }
  func.func @transform_0(%arg0: i32) -> (i32, i32, i32) {
    %c0_i32 = arith.constant 0 : i32
    %c0_i32_0 = arith.constant 0 : i32
    %c0_i32_1 = arith.constant 0 : i32
    return %c0_i32, %c0_i32_0, %arg0 : i32, i32, i32
  }
  func.func @transform_1(%arg0: i32) -> (i32, i32) {
    %c0_i32 = arith.constant 0 : i32
    %c0_i32_0 = arith.constant 0 : i32
    return %arg0, %c0_i32 : i32, i32
  }
  func.func @transform_2(%arg0: i32) -> (i32, i32) {
    %c0_i32 = arith.constant 0 : i32
    %c0_i32_0 = arith.constant 0 : i32
    return %arg0, %c0_i32 : i32, i32
  }
  func.func @transform_3(%arg0: i32) -> (i32, i32) {
    %c0_i32 = arith.constant 0 : i32
    %c0_i32_0 = arith.constant 0 : i32
    return %arg0, %c0_i32 : i32, i32
  }
  func.func @transform_4(%arg0: i32) -> (i32, i32) {
    %c0_i32 = arith.constant 0 : i32
    %c0_i32_0 = arith.constant 0 : i32
    return %arg0, %c0_i32 : i32, i32
  }
  func.func @transform_5(%arg0: i32) -> (i32, i32) {
    %c0_i32 = arith.constant 0 : i32
    %c0_i32_0 = arith.constant 0 : i32
    return %c0_i32, %arg0 : i32, i32
  }
}

module attributes {stable_mosaic.version = 14 : i64} {
  func.func @_final_body(%arg0: i32, %arg1: memref<3x2x2048x128xf32, #tpu.memory_space<vmem>>, %arg2: memref<3x2048xf32, #tpu.memory_space<vmem>>, %arg3: memref<3x128x128xf32, #tpu.memory_space<vmem>>, %arg4: memref<1x128xf32, #tpu.memory_space<vmem>>, %arg5: memref<2048x128xf32, #tpu.memory_space<vmem>>) attributes {dimension_semantics = [#tpu.dimension_semantics<arbitrary>], iteration_bounds = array<i64: 5>, scalar_prefetch = 0 : i64, scratch_operands = 0 : i64, tpu.core_type = #tpu.core_type<tc>, window_params = [{transform_indices = @transform_0, window_bounds = array<i64: 3, 2, 2048, 128>}, {transform_indices = @transform_1, window_bounds = array<i64: 3, 2048>}, {pipeline_mode = #tpu.pipeline_mode<synchronous>, transform_indices = @transform_2, window_bounds = array<i64: 3, 128, 128>}, {pipeline_mode = #tpu.pipeline_mode<synchronous>, transform_indices = @transform_3, window_bounds = array<i64: 1, 128>}, {transform_indices = @transform_4, window_bounds = array<i64: 2048, 128>}]} {
    %get3A = arith.constant 0 : index
    %get3A_0 = arith.constant 0 : index
    %get3A_1 = vector.load %arg2[%get3A, %get3A_0] : memref<3x2048xf32, #tpu.memory_space<vmem>>, vector<3x2048xf32>
    %get3A_2 = arith.constant 0 : index
    %get3A_3 = arith.constant 0 : index
    %get3A_4 = vector.load %arg4[%get3A_2, %get3A_3] : memref<1x128xf32, #tpu.memory_space<vmem>>, vector<1x128xf32>
    %broadcast_in_dim3A = arith.constant 1.000000e+00 : f32
    %broadcast_in_dim3A_5 = vector.broadcast %broadcast_in_dim3A : f32 to vector<2048x1xf32>
    %mul3A = vector.broadcast %get3A_4 : vector<1x128xf32> to vector<2048x128xf32>
    %mul3A_6 = vector.broadcast %broadcast_in_dim3A_5 : vector<2048x1xf32> to vector<2048x128xf32>
    %mul3A_7 = arith.mulf %mul3A, %mul3A_6 : vector<2048x128xf32>
    %get3A_8 = arith.constant 0 : index
    %get3A_9 = arith.constant 0 : index
    %get3A_10 = arith.constant 0 : index
    %get3A_11 = arith.constant 0 : index
    %get3A_12 = vector.load %arg1[%get3A_8, %get3A_9, %get3A_10, %get3A_11] : memref<3x2x2048x128xf32, #tpu.memory_space<vmem>>, vector<1x1x2048x128xf32>
    %get3A_13 = vector.shape_cast %get3A_12 : vector<1x1x2048x128xf32> to vector<2048x128xf32>
    %get3A_14 = arith.constant 0 : index
    %get3A_15 = arith.constant 1 : index
    %get3A_16 = arith.constant 0 : index
    %get3A_17 = arith.constant 0 : index
    %get3A_18 = vector.load %arg1[%get3A_14, %get3A_15, %get3A_16, %get3A_17] : memref<3x2x2048x128xf32, #tpu.memory_space<vmem>>, vector<1x1x2048x128xf32>
    %get3A_19 = vector.shape_cast %get3A_18 : vector<1x1x2048x128xf32> to vector<2048x128xf32>
    %add3A = arith.addf %get3A_13, %get3A_19 : vector<2048x128xf32>
    %slice3A = vector.extract_strided_slice %get3A_1 {offsets = [0, 0], sizes = [1, 2048], strides = [1, 1]} : vector<3x2048xf32> to vector<1x2048xf32>
    %squeeze3A = vector.shape_cast %slice3A : vector<1x2048xf32> to vector<2048xf32>
    %broadcast_in_dim3A_20 = vector.shape_cast %squeeze3A : vector<2048xf32> to vector<2048x1xf32>
    %mul3A_21 = vector.broadcast %broadcast_in_dim3A_20 : vector<2048x1xf32> to vector<2048x128xf32>
    %mul3A_22 = arith.mulf %add3A, %mul3A_21 : vector<2048x128xf32>
    %get3A_23 = arith.constant 0 : index
    %get3A_24 = arith.constant 0 : index
    %get3A_25 = arith.constant 0 : index
    %get3A_26 = vector.load %arg3[%get3A_23, %get3A_24, %get3A_25] : memref<3x128x128xf32, #tpu.memory_space<vmem>>, vector<1x128x128xf32>
    %get3A_27 = vector.shape_cast %get3A_26 : vector<1x128x128xf32> to vector<128x128xf32>
    %dot_general3A = arith.constant dense<0.000000e+00> : vector<2048x128xf32>
    %dot_general3A_28 = tpu.matmul %mul3A_22, %get3A_27, %dot_general3A {dimension_numbers = #tpu.dot_dimension_numbers<[1], [0], [0], [1], [0, 0, 1, 1], [], []>, transpose_lhs_hint = false} : vector<2048x128xf32>, vector<128x128xf32>, vector<2048x128xf32> -> vector<2048x128xf32>
    %mul3A_29 = arith.constant 0.333333343 : f32
    %mul3A_30 = vector.broadcast %mul3A_29 : f32 to vector<2048x128xf32>
    %mul3A_31 = arith.mulf %mul3A_30, %dot_general3A_28 : vector<2048x128xf32>
    %add3A_32 = arith.addf %mul3A_7, %mul3A_31 : vector<2048x128xf32>
    %get3A_33 = arith.constant 1 : index
    %get3A_34 = arith.constant 0 : index
    %get3A_35 = arith.constant 0 : index
    %get3A_36 = arith.constant 0 : index
    %get3A_37 = vector.load %arg1[%get3A_33, %get3A_34, %get3A_35, %get3A_36] : memref<3x2x2048x128xf32, #tpu.memory_space<vmem>>, vector<1x1x2048x128xf32>
    %get3A_38 = vector.shape_cast %get3A_37 : vector<1x1x2048x128xf32> to vector<2048x128xf32>
    %get3A_39 = arith.constant 1 : index
    %get3A_40 = arith.constant 1 : index
    %get3A_41 = arith.constant 0 : index
    %get3A_42 = arith.constant 0 : index
    %get3A_43 = vector.load %arg1[%get3A_39, %get3A_40, %get3A_41, %get3A_42] : memref<3x2x2048x128xf32, #tpu.memory_space<vmem>>, vector<1x1x2048x128xf32>
    %get3A_44 = vector.shape_cast %get3A_43 : vector<1x1x2048x128xf32> to vector<2048x128xf32>
    %add3A_45 = arith.addf %get3A_38, %get3A_44 : vector<2048x128xf32>
    %slice3A_46 = vector.extract_strided_slice %get3A_1 {offsets = [1, 0], sizes = [1, 2048], strides = [1, 1]} : vector<3x2048xf32> to vector<1x2048xf32>
    %squeeze3A_47 = vector.shape_cast %slice3A_46 : vector<1x2048xf32> to vector<2048xf32>
    %broadcast_in_dim3A_48 = vector.shape_cast %squeeze3A_47 : vector<2048xf32> to vector<2048x1xf32>
    %mul3A_49 = vector.broadcast %broadcast_in_dim3A_48 : vector<2048x1xf32> to vector<2048x128xf32>
    %mul3A_50 = arith.mulf %add3A_45, %mul3A_49 : vector<2048x128xf32>
    %get3A_51 = arith.constant 1 : index
    %get3A_52 = arith.constant 0 : index
    %get3A_53 = arith.constant 0 : index
    %get3A_54 = vector.load %arg3[%get3A_51, %get3A_52, %get3A_53] : memref<3x128x128xf32, #tpu.memory_space<vmem>>, vector<1x128x128xf32>
    %get3A_55 = vector.shape_cast %get3A_54 : vector<1x128x128xf32> to vector<128x128xf32>
    %dot_general3A_56 = arith.constant dense<0.000000e+00> : vector<2048x128xf32>
    %dot_general3A_57 = tpu.matmul %mul3A_50, %get3A_55, %dot_general3A_56 {dimension_numbers = #tpu.dot_dimension_numbers<[1], [0], [0], [1], [0, 0, 1, 1], [], []>, transpose_lhs_hint = false} : vector<2048x128xf32>, vector<128x128xf32>, vector<2048x128xf32> -> vector<2048x128xf32>
    %mul3A_58 = arith.constant 0.333333343 : f32
    %mul3A_59 = vector.broadcast %mul3A_58 : f32 to vector<2048x128xf32>
    %mul3A_60 = arith.mulf %mul3A_59, %dot_general3A_57 : vector<2048x128xf32>
    %add3A_61 = arith.addf %add3A_32, %mul3A_60 : vector<2048x128xf32>
    %get3A_62 = arith.constant 2 : index
    %get3A_63 = arith.constant 0 : index
    %get3A_64 = arith.constant 0 : index
    %get3A_65 = arith.constant 0 : index
    %get3A_66 = vector.load %arg1[%get3A_62, %get3A_63, %get3A_64, %get3A_65] : memref<3x2x2048x128xf32, #tpu.memory_space<vmem>>, vector<1x1x2048x128xf32>
    %get3A_67 = vector.shape_cast %get3A_66 : vector<1x1x2048x128xf32> to vector<2048x128xf32>
    %get3A_68 = arith.constant 2 : index
    %get3A_69 = arith.constant 1 : index
    %get3A_70 = arith.constant 0 : index
    %get3A_71 = arith.constant 0 : index
    %get3A_72 = vector.load %arg1[%get3A_68, %get3A_69, %get3A_70, %get3A_71] : memref<3x2x2048x128xf32, #tpu.memory_space<vmem>>, vector<1x1x2048x128xf32>
    %get3A_73 = vector.shape_cast %get3A_72 : vector<1x1x2048x128xf32> to vector<2048x128xf32>
    %add3A_74 = arith.addf %get3A_67, %get3A_73 : vector<2048x128xf32>
    %slice3A_75 = vector.extract_strided_slice %get3A_1 {offsets = [2, 0], sizes = [1, 2048], strides = [1, 1]} : vector<3x2048xf32> to vector<1x2048xf32>
    %squeeze3A_76 = vector.shape_cast %slice3A_75 : vector<1x2048xf32> to vector<2048xf32>
    %broadcast_in_dim3A_77 = vector.shape_cast %squeeze3A_76 : vector<2048xf32> to vector<2048x1xf32>
    %mul3A_78 = vector.broadcast %broadcast_in_dim3A_77 : vector<2048x1xf32> to vector<2048x128xf32>
    %mul3A_79 = arith.mulf %add3A_74, %mul3A_78 : vector<2048x128xf32>
    %get3A_80 = arith.constant 2 : index
    %get3A_81 = arith.constant 0 : index
    %get3A_82 = arith.constant 0 : index
    %get3A_83 = vector.load %arg3[%get3A_80, %get3A_81, %get3A_82] : memref<3x128x128xf32, #tpu.memory_space<vmem>>, vector<1x128x128xf32>
    %get3A_84 = vector.shape_cast %get3A_83 : vector<1x128x128xf32> to vector<128x128xf32>
    %dot_general3A_85 = arith.constant dense<0.000000e+00> : vector<2048x128xf32>
    %dot_general3A_86 = tpu.matmul %mul3A_79, %get3A_84, %dot_general3A_85 {dimension_numbers = #tpu.dot_dimension_numbers<[1], [0], [0], [1], [0, 0, 1, 1], [], []>, transpose_lhs_hint = false} : vector<2048x128xf32>, vector<128x128xf32>, vector<2048x128xf32> -> vector<2048x128xf32>
    %mul3A_87 = arith.constant 0.333333343 : f32
    %mul3A_88 = vector.broadcast %mul3A_87 : f32 to vector<2048x128xf32>
    %mul3A_89 = arith.mulf %mul3A_88, %dot_general3A_86 : vector<2048x128xf32>
    %add3A_90 = arith.addf %add3A_61, %mul3A_89 : vector<2048x128xf32>
    %swap3A = arith.constant 0 : index
    %swap3A_91 = arith.constant 0 : index
    %swap3A_92 = vector.load %arg5[%swap3A, %swap3A_91] : memref<2048x128xf32, #tpu.memory_space<vmem>>, vector<2048x128xf32>
    tpu.vector_store %arg5[%swap3A, %swap3A_91], %add3A_90 {strides = array<i32>} : memref<2048x128xf32, #tpu.memory_space<vmem>>, vector<2048x128xf32>,
    return
  }
  func.func @transform_0(%arg0: i32) -> (i32, i32, i32, i32) {
    %c0_i32 = arith.constant 0 : i32
    %c0_i32_0 = arith.constant 0 : i32
    %c0_i32_1 = arith.constant 0 : i32
    %c0_i32_2 = arith.constant 0 : i32
    return %c0_i32, %c0_i32_0, %arg0, %c0_i32_1 : i32, i32, i32, i32
  }
  func.func @transform_1(%arg0: i32) -> (i32, i32) {
    %c0_i32 = arith.constant 0 : i32
    %c0_i32_0 = arith.constant 0 : i32
    return %c0_i32, %arg0 : i32, i32
  }
  func.func @transform_2(%arg0: i32) -> (i32, i32, i32) {
    %c0_i32 = arith.constant 0 : i32
    %c0_i32_0 = arith.constant 0 : i32
    %c0_i32_1 = arith.constant 0 : i32
    %c0_i32_2 = arith.constant 0 : i32
    return %c0_i32, %c0_i32_0, %c0_i32_1 : i32, i32, i32
  }
  func.func @transform_3(%arg0: i32) -> (i32, i32) {
    %c0_i32 = arith.constant 0 : i32
    %c0_i32_0 = arith.constant 0 : i32
    %c0_i32_1 = arith.constant 0 : i32
    return %c0_i32, %c0_i32_0 : i32, i32
  }
  func.func @transform_4(%arg0: i32) -> (i32, i32) {
    %c0_i32 = arith.constant 0 : i32
    %c0_i32_0 = arith.constant 0 : i32
    return %arg0, %c0_i32 : i32, i32
  }
}

</mosaic_0001>

<sc_bundles>
// kernel: kernel.6.cloned.1.call-start
scs
__scs_entry_jumppad:
0x0: {  	(pc) =	sbr.rel $0x88, $3  }
0x1: {  	(tag) =	ssettag $0x0;
	lr =	simm.s32 $0x1  }
0x2: {  	[smem:$0x3F97] =	sst lr;
	_ =	strace $0xD0000000  }
0x3: {  	_ = 	snop  }
0x4: {  	_ = 	snop  }
0x5: {  	_ = 	snop  }
0x6: {  	_ = 	snop  }
0x7: {  	_ = 	snop  }
__scs_overlays_trampoline_lowered:
0x8: {  	[smem:$0x3FA6] =	sst s0  }
0x9: {  	[smem:$0x3FA7] =	sst s1  }
0xa: {  	[smem:$0x3FA8] =	sst s2  }
0xb: {  	[smem:$0x3FA9] =	sst s3  }
0xc: {  	[smem:$0x3FAA] =	sst s4  }
0xd: {  	[smem:$0x3FAB] =	sst s5  }
0xe: {  	[smem:$0x3FAC] =	sst s6  }
0xf: {  	[smem:$0x3FAD] =	sst s7  }
0x10: {  	[smem:$0x3FAE] =	sst s8  }
0x11: {  	[smem:$0x3FAF] =	sst s9;
	s0 =	simm.s32 @!p0 $0x0  }
0x12: {  	s1 =	sld [smem:$0x3F95];
	s0 =	simm.s32 @p0 $0x1  }
0x13: {  	[smem:$0x3FB0] =	sst s0;
	s0 =	simm.s32 @!p1 $0x0  }
0x14: {  	s2 =	sld [smem:$0x3F94];
	s0 =	simm.s32 @p1 $0x1  }
0x15: {  	[smem:$0x3FB1] =	sst s0;
	s0 =	simm.s32 @!p2 $0x0  }
0x16: {  	s3 =	sld [smem:$0x3FDB];
	s0 =	simm.s32 @p2 $0x1  }
0x17: {  	s4 =	simm.s32 $0x1BF5;
	[smem:$0x3FB3] =	sst s0  }
0x18: {  	s0 =	sld [smem:$0x3F96];
	_ =	swait.ge [sflag:s4], $0x0  }
0x19: {  	s7 =	sld [smem:$0x3F97]  }
0x1a: {  	s8 =	sadd.s32 $0xFFFFE003, lr  }
0x1b: {  	s9 =	sadd.s32 $0xFFFFFEF7, lr;
	s5 =	simm.s32 $0xFFFFFFFF;
	p2 =	slt.u32 s8, $0xFFFFF086  }
0x1c: {  	p1 =	slt.u32 s9, $0xF7A;
	s5 =	simm.s32 @!p2 $0x0  }
0x1d: {  	s5 =	simm.s32 @p1 $0x1;
	p0 =	seq.s32 s7, s2  }
0x1e: {  	s7 =	smul.u32 @!p0 $0xF7A, s2;
	p2 =	seq.s32 @!p0 s5, $0x0  }
0x1f: {  	s9 =	smul.u32 $0xF7A, s1;
	s8 =	simm.s32 @!p0 $0x1BF5;
	p2 =	por !p2, p0  }
0x20: {  	[sflag:s8] =	ssyncset.s32 @!p0 $0xFFFFF086;
	s6 =	sadd.s32 @!p0 s3, s7;
	s7 =	simm.s32 @!p0 $0x108  }
0x21: {  	s3 =	sadd.s32 s3, s9;
	s6 =	sadd.s32 @!p0 $0x88, s6;
	s7 =	simm.s32 @p2 $0x1082  }
0x22: {  	[simem:s7], [sflag:s8] =	dma.local @!p0 [hbm:s6], $0xF7A  }
0x23: {  	s9 =	sor.u32 $0xD0000000, s2;
	s6 =	simm.s32 $0x108;
	_ =	swait.ge @!p0 [sflag:s8], $0x0  }
0x24: {  	s3 =	sadd.s32 $0x88, s3;
	s6 =	simm.s32 @!p1 $0x1082;
	[sflag:s4] =	ssyncset.s32 $0xFFFFF086  }
0x25: {  	[simem:s6], [sflag:s4] =	dma.local [hbm:s3], $0xF7A  }
0x26: {  	[smem:$0x3F97] =	sst s1;
	(tag) =	ssettag s2;
	_ =	strace s9  }
0x27: {  	s1 =	sld [smem:$0x3FA7]  }
0x28: {  	s2 =	sld [smem:$0x3FA8]  }
0x29: {  	s4 =	sld [smem:$0x3FAA]  }
0x2a: {  	p0 =	seq.s32 s5, $0x0;
	s5 =	sld [smem:$0x3FAB]  }
0x2b: {  	s6 =	sld [smem:$0x3FAC]  }
0x2c: {  	s7 =	sld [smem:$0x3FAD]  }
0x2d: {  	s3 =	simm.s32 $0x108;
	s8 =	sld [smem:$0x3FAE]  }
0x2e: {  	s3 =	simm.s32 @!p0 $0x1082;
	s9 =	sld [smem:$0x3FAF]  }
0x2f: {  	lr =	sadd.s32 s0, s3;
	s0 =	sld [smem:$0x3FA6]  }
0x30: {  	s3 =	sld [smem:$0x3FA9]  }
0x31: {  	[smem:$0x3FB2] =	sst s10  }
0x32: {  	s10 =	sld [smem:$0x3FB0];
	_ =	sdelay $0x3  }
0x33: {  	p0 =	seq.s32 s10, $0x1;
	s10 =	sld [smem:$0x3FB2];
	_ =	sdelay $0x3  }
0x34: {  	[smem:$0x3FB2] =	sst s10  }
0x35: {  	s10 =	sld [smem:$0x3FB1];
	_ =	sdelay $0x3  }
0x36: {  	p1 =	seq.s32 s10, $0x1;
	s10 =	sld [smem:$0x3FB2];
	_ =	sdelay $0x3  }
0x37: {  	[smem:$0x3FB2] =	sst s10  }
0x38: {  	s10 =	sld [smem:$0x3FB3]  }
0x39: {  	_ = 	snop;
	(pc) =	sbr.ind lr, $3  }
0x3a: {  	_ = 	snop  }
0x3b: {  	_ = 	snop  }
0x3c: {  	p2 =	seq.s32 s10, $0x1;
	s10 =	sld [smem:$0x3FB2]  }
0x3d: {  	_ =	shalt  }
0x3e: {  	_ =	shalt  }
0x3f: {  	_ =	shalt  }
0x40: {  	_ =	shalt  }
0x41: {  	_ =	shalt  }
0x42: {  	_ =	shalt  }
0x43: {  	_ =	shalt  }
0x44: {  	_ =	shalt  }
0x45: {  	_ =	shalt  }
0x46: {  	_ =	shalt  }
0x47: {  	_ =	shalt  }
0x48: {  	_ =	shalt  }
0x49: {  	_ =	shalt  }
0x4a: {  	_ =	shalt  }
0x4b: {  	_ =	shalt  }
0x4c: {  	_ =	shalt  }
0x4d: {  	_ =	shalt  }
0x4e: {  	_ =	shalt  }
0x4f: {  	_ =	shalt  }
0x50: {  	_ =	shalt  }
0x51: {  	_ =	shalt  }
0x52: {  	_ =	shalt  }
0x53: {  	_ =	shalt  }
0x54: {  	_ =	shalt  }
0x55: {  	_ =	shalt  }
0x56: {  	_ =	shalt  }
0x57: {  	_ =	shalt  }
0x58: {  	_ =	shalt  }
0x59: {  	_ =	shalt  }
0x5a: {  	_ =	shalt  }
0x5b: {  	_ =	shalt  }
0x5c: {  	_ =	shalt  }
0x5d: {  	_ =	shalt  }
0x5e: {  	_ =	shalt  }
0x5f: {  	_ =	shalt  }
0x60: {  	_ =	shalt  }
0x61: {  	_ =	shalt  }
0x62: {  	_ =	shalt  }
0x63: {  	_ =	shalt  }
0x64: {  	_ =	shalt  }
0x65: {  	_ =	shalt  }
0x66: {  	_ =	shalt  }
0x67: {  	_ =	shalt  }
0x68: {  	_ =	shalt  }
0x69: {  	_ =	shalt  }
0x6a: {  	_ =	shalt  }
0x6b: {  	_ =	shalt  }
0x6c: {  	_ =	shalt  }
0x6d: {  	_ =	shalt  }
0x6e: {  	_ =	shalt  }
0x6f: {  	_ =	shalt  }
0x70: {  	_ =	shalt  }
0x71: {  	_ =	shalt  }
0x72: {  	_ =	shalt  }
0x73: {  	_ =	shalt  }
0x74: {  	_ =	shalt  }
0x75: {  	_ =	shalt  }
0x76: {  	_ =	shalt  }
0x77: {  	_ =	shalt  }
0x78: {  	_ =	shalt  }
0x79: {  	_ =	shalt  }
0x7a: {  	_ =	shalt  }
0x7b: {  	_ =	shalt  }
0x7c: {  	_ =	shalt  }
0x7d: {  	_ =	shalt  }
0x7e: {  	_ =	shalt  }
0x7f: {  	_ =	shalt  }
0x80: {  	_ =	shalt  }
0x81: {  	_ =	shalt  }
0x82: {  	_ =	shalt  }
0x83: {  	_ =	shalt  }
0x84: {  	_ =	shalt  }
0x85: {  	_ =	shalt  }
0x86: {  	_ =	shalt  }
0x87: {  	_ =	shalt  }
.Lfunc_end0:
.L_simem_size_0:
called_computation_lowered:
.L_overlay_start_0:
0x88: {  	s2 =	sld [smem:$0x3FD9]  }
0x89: {  	s3 =	sld [smem:$0x3FFE];
	_ =	sdelay $0x1  }
0x8a: {  	s1 =	srdreg.scid  }
0x8b: {  	s0 =	sand.u32 $0x1, s1  }
0x8c: {  	s17 =	sshll.u32 s0, $0xA;
	s2 =	sadd.s32 s3, s2  }
0x8d: {  	s2 =	sadd.s32 s2, s17  }
0x8e: {  	[smem:$0x3FBE] =	sst s2  }
0x8f: {  	_ = 	snop  }
0x90: {  	s2 =	sld [smem:$0x3FD0];
	(tm) =	ssettm $0x1  }
0x91: {  	s18 =	sld [smem:$0x3FFB];
	_ =	sdelay $0x3  }
0x92: {  	_ =	strace s18  }
0x93: {  	s3 =	sld [smem:$0x3FFC];
	_ =	sdelay $0x3  }
0x94: {  	_ =	strace s3  }
0x95: {  	s3 =	sld [smem:$0x3FFD];
	_ =	sdelay $0x3  }
0x96: {  	_ =	strace s3  }
0x97: {  	_ =	strace $0x8FFFFFFF  }
0x98: {  	s19 =	sld [smem:$0x3FDB];
	_ =	sdelay $0x1  }
0x99: {  	s4 =	simm.s32 $_scs_section_size  }
0x9a: {  	s5 =	simm.s32 $_size__tile_overlayer_lowered;
	s6 =	simm.s32 $_tile_overlayer_lowered  }
0x9b: {  	s22 =	simm.s32 $0x1BFF;
	s21 =	sshll.u32 s6, $0x1;
	s3 =	sadd.s32 s4, s19  }
0x9c: {  	s7 =	simm.s32 $0x0;
	s20 =	sshll.u32 s5, $0x1;
	s5 =	sadd.s32 s21, s3  }
0x9d: {  	[timem:s7], [sflag:s22] =	dma.local [hbm:s5], s20  }
0x9e: {  	_ =	swait.ge [sflag:s22], s20  }
0x9f: {  	s4 =	ssub.s32 $0x0, s20;
	[sflag:s22] =	ssyncset.done $0x0  }
0xa0: {  	[sflag:s22] =	ssyncadd.s32 s4;
	_ =	sdelay $0x1  }
0xa1: {  	s23 =	simm.s32 $0x1B8B  }
0xa2: {  	_ =	swait.ge [sflag:s23], $0x1  }
0xa3: {  	[sflag:s23] =	ssyncset.done $0x0  }
0xa4: {  	s25 =	simm.s32 $0x1B8E;
	s24 =	sld [smem:$0x3FFE];
	[sflag:s23] =	ssyncadd.s32 $0xFFFFFFFF  }
0xa5: {  	s26 =	simm.s32 $execute0_lowered;
	[smem:$0x3FD2] =	sst s25  }
0xa6: {  	s5 =	sshll.u32 s26, $0x1;
	_ =	strace $0x80000046;
	[dreg:$0x1] =	wrdreg $0xFFFFFFFF  }
0xa7: {  	s28 =	simm.s32 $_size_execute0_lowered;
	s3 =	sadd.s32 s3, s5;
	[dreg:$0x0] =	wrdreg $0x0  }
0xa8: {  	s5 =	sshll.u32 s28, $0x1;
	[dreg:$0x2] =	wrdreg s3  }
0xa9: {  	[dreg:$0x3] =	wrdreg s5  }
0xaa: {  	[dreg:$0x4] =	wrdreg $0xC0  }
0xab: {  	_ =	task [dreg:s7], $0x5FFFF  }
0xac: {  	[dreg:$0x1] =	wrdreg $0xFFFFFFFF  }
0xad: {  	[dreg:$0x0] =	wrdreg $0x60  }
0xae: {  	[dreg:$0x2] =	wrdreg s2  }
0xaf: {  	[dreg:$0x3] =	wrdreg s24  }
0xb0: {  	[dreg:$0x4] =	wrdreg $0x9  }
0xb1: {  	_ =	task.clear_ibuf [dreg:s7], $0x5FFFF;
	_ =	strace $0x90000046  }
0xb2: {  	s29 =	simm.s32 $0x9;
	_ =	strace $0x80000048  }
0xb3: {  	_ =	swait.ge [sflag:s29], $0x1  }
0xb4: {  	[sflag:s29] =	ssyncadd.s32 $0xFFFFFFFF  }
0xb5: {  	_ =	strace $0x90000048  }
0xb6: {  	_ =	sfence  }
0xb7: {  	s30 =	sld [smem:$0x0];
	_ =	sdelay $0x2  }
0xb8: {  	s31 =	sshll.u32 s1, $0xD;
	s1 =	sshrl.u32 s1, $0x2  }
0xb9: {  	s3 =	sand.u32 $0x4000, s31;
	s1 =	sadd.s32 s1, s30  }
0xba: {  	s0 =	sor.u32 s3, s0;
	s1 =	sshll.u32 s1, $0x11  }
0xbb: {  	s0 =	sor.u32 s1, s0  }
0xbc: {  	s0 =	sadd.s32 $0x8F2B, s0  }
0xbd: {  	[sflag:s0] =	ssyncadd.remote.s32 $0x1  }
0xbe: {  	_ =	sfence.sel $0xFFFF  }
0xbf: {  	[dreg:$0x0] =	wrdreg $0xFFFFFFFF;
	(pc) =	sbr.abs _section_cstart, $3  }
0xc0: {  	[dreg:$0x1] =	wrdreg $0xFFFFFFFF  }
0xc1: {  	_ =	task.clear_ibuf [dreg:s7], $0x2FFFF;
	_ =	strace $0x9FFFFFFF  }
0xc2: {  	(tm) =	ssettm $0x7FFFFFFF  }
0xc3: {  	_ =	shalt  }
tec
execute0_lowered:
.L_overlay_start_1:
0x0: {  	(tag) =	ssettag $0x1  }
0x1: {  	s9 =	rddreg [dreg:$0x0]  }
0x2: {  	s3 =	rddreg [dreg:$0x1]  }
0x3: {  	s0 =	rddreg [dreg:$0x2]  }
0x4: {  	s2 =	simm.s32 $0x0;
	s4 =	srdreg.scid;
	s1 =	stileid.u32  }
0x5: {  	s19 =	simm.s32 $0x2800;
	s20 =	simm.s32 $0x2;
	s21 =	simm.s32 $0x0  }
0x6: {  	[smem:$0x7FF] =	sst s2;
	s4 =	sand.u32 $0x1, s4;
	s11 =	sadd.s32 $0x2800, s3  }
0x7: {  	s6 =	sshll.u32 s1, $0x1;
	s13 =	sadd.s32 $0x16200, s3;
	s15 =	sadd.s32 $0x29C00, s3  }
0x8: {  	p0 =	sgt.u32 s1, $0x1;
	s26 =	sshrl.u32 s1, $0x2;
	s5 =	ssub.s32 $0x2, s4  }
0x9: {  	s4 =	sor.u32 s4, s6;
	s28 =	smul.u32 $0x14000, s26;
	s7 =	sshrl.u32 s5, $0x1  }
0xa: {  	s24 =	smul.u32 $0x4E, s4;
	s25 =	smin.u32 s4, $0x4;
	s4 =	sshll.u32 s4, $0x7  }
0xb: {  	_ =	strace $0x80000047;
	s16 =	ssub.s32 s5, s7;
	s29 =	sand.u32 $0x380, s4  }
0xc: {  	s3 =	sadd.s32 s25, s24;
	s12 =	sor.u32 s28, s29;
	s16 =	smax.u32 s16, $0x1  }
0xd: {  	s10 =	sshll.u32 s3, $0x4;
	s3 =	simm.s32 $0x4E;
	s6 =	sshrl.u32 s12, $0x3  }
0xe: {  	s8 =	sadd.s32 $0x50000, s12;
	s30 =	sadd.s32 $0xA0000, s12;
	s17 =	sadd.s32 $0xF0000, s12  }
0xf: {  	s18 =	sadd.s32 $0x190000, s12;
	s3 =	simm.s32 @!p0 $0x4F;
	s4 =	sadd.s32 s9, s10  }
0x10: {  	s5 =	sadd.s32 s11, s10;
	s6 =	sadd.s32 s15, s6;
	s7 =	sadd.s32 s13, s10  }
0x11: {  	s8 =	sshrl.u32 s8, $0x3;
	s14 =	sadd.s32 $0x9C40, s10;
	s10 =	sshrl.u32 s30, $0x3  }
0x12: {  	s17 =	sshrl.u32 s17, $0x3;
	s31 =	sshrl.u32 s18, $0x3;
	s18 =	simm.s32 $0x400  }
0x13: {  	s8 =	sadd.s32 s15, s8;
	s9 =	sadd.s32 s9, s14;
	s10 =	sadd.s32 s15, s10  }
0x14: {  	s11 =	sadd.s32 s11, s14;
	s12 =	sadd.s32 s15, s17;
	s13 =	sadd.s32 s13, s14  }
0x15: {  	v0 =	vimm.f32 $0.0e+00;
	v1 =	vimm.f32 $1.000000000e+00;
	s14 =	sadd.s32 $0x28000, s6;
	s15 =	sadd.s32 s15, s31;
	s17 =	simm.s32 $0x80  }
.LBB2_1:
0x16: {  	s22 =	simm.s32 $0x0;
	s23 =	simm.s32 $0x200  }
.LBB2_2:
0x17: {  	p1 =	sne.s32 s23, $0x9E00;
	[tilespmem:s22+$0x70] =	vst v0  }
0x18: {  	[tilespmem:s22+$0x0] =	vst v0  }
0x19: {  	[tilespmem:s22+$0x10] =	vst v0  }
.Ltmp0:
0x1a: {  	[tilespmem:s22+$0x20] =	vst v0;
	(pc) =	sbr.rel @p1 .LBB2_2-.Ltmp0, $4  }
0x1b: {  	[tilespmem:s22+$0x30] =	vst v0  }
0x1c: {  	[tilespmem:s22+$0x40] =	vst v0  }
0x1d: {  	[tilespmem:s22+$0x50] =	vst v0  }
0x1e: {  	[tilespmem:s22+$0x60] =	vst v0;
	s22 =	sshra.s32 s23, $0x2;
	s23 =	sadd.s32 $0x200, s23  }
0x1f: {  	[tilespmem:s22+$0x70] =	vst v0  }
0x20: {  	[tilespmem:s22+$0x0] =	vst v0  }
0x21: {  	[tilespmem:s22+$0x10] =	vst v0  }
0x22: {  	[tilespmem:s22+$0x20] =	vst v0  }
0x23: {  	[tilespmem:s22+$0x30] =	vst v0  }
0x24: {  	[tilespmem:s22+$0x40] =	vst v0  }
0x25: {  	[tilespmem:s22+$0x50] =	vst v0  }
0x26: {  	[tilespmem:s22+$0x60] =	vst v0;
	s22 =	simm.s32 @p0 $0x0;
	s23 =	simm.s32 @p0 $0x5000  }
0x27: {  	[tilespmem:s23], [sflag:$0x1] =	stream.linear.gather @p0 [hbm4b:s4+s22], $0x2700, $0x38;
	[tilespmem:$0x9F00] =	vst v63  }
0x28: {  	s23 =	simm.s32 @p0 $0x1  }
0x29: {  	_ =	swait.ge @p0 [sflag:s23], $0x2700  }
0x2a: {  	[sflag:s23] =	ssyncset.done @p0 $0x0  }
0x2b: {  	[sflag:s23] =	ssyncadd.s32 @p0 $0xFFFFD900;
	s23 =	simm.s32 @p0 $0x7780  }
0x2c: {  	[tilespmem:s23], [sflag:$0x1] =	stream.linear.gather @p0 [hbm4b:s5+s22], $0x2700, $0x38;
	[tilespmem:$0x9F00] =	vst v63  }
0x2d: {  	s22 =	simm.s32 @!p0 $0x0;
	s23 =	simm.s32 @!p0 $0x5000  }
0x2e: {  	[tilespmem:s23], [sflag:$0x1] =	stream.linear.gather @!p0 [hbm4b:s4+s22], $0x2780, $0x38;
	[tilespmem:$0x9F00] =	vst v63  }
0x2f: {  	s23 =	simm.s32 @!p0 $0x1  }
0x30: {  	_ =	swait.ge @!p0 [sflag:s23], $0x2780  }
0x31: {  	[sflag:s23] =	ssyncset.done @!p0 $0x0  }
0x32: {  	[sflag:s23] =	ssyncadd.s32 @!p0 $0xFFFFD880;
	s23 =	simm.s32 @!p0 $0x7780  }
0x33: {  	[tilespmem:s23], [sflag:$0x1] =	stream.linear.gather @!p0 [hbm4b:s5+s22], $0x2780, $0x38;
	[tilespmem:$0x9F00] =	vst v63  }
0x34: {  	s22 =	simm.s32 $0x5040;
	s23 =	smov.u32 s3  }
.LBB2_4:
0x35: {  	v2 =	vld [tilespmem:s22+$0xFFFFFFC0];
	_ =	sdelay $0x7  }
0x36: {  	[tilespmem:v2+s2+$0x0] =	vst.idx.add.f32.msk $0xffff, v1  }
0x37: {  	v2 =	vld [tilespmem:s22+$0xFFFFFFD0];
	_ =	sdelay $0x7  }
0x38: {  	[tilespmem:v2+s2+$0x0] =	vst.idx.add.f32.msk $0xffff, v1  }
0x39: {  	v2 =	vld [tilespmem:s22+$0xFFFFFFE0];
	_ =	sdelay $0x7  }
0x3a: {  	[tilespmem:v2+s2+$0x0] =	vst.idx.add.f32.msk $0xffff, v1  }
0x3b: {  	v2 =	vld [tilespmem:s22+$0xFFFFFFF0];
	_ =	sdelay $0x7  }
0x3c: {  	[tilespmem:v2+s2+$0x0] =	vst.idx.add.f32.msk $0xffff, v1  }
0x3d: {  	v2 =	vld [tilespmem:s22+$0x0];
	_ =	sdelay $0x7  }
0x3e: {  	[tilespmem:v2+s2+$0x0] =	vst.idx.add.f32.msk $0xffff, v1  }
0x3f: {  	v2 =	vld [tilespmem:s22+$0x10];
	_ =	sdelay $0x7  }
0x40: {  	[tilespmem:v2+s2+$0x0] =	vst.idx.add.f32.msk $0xffff, v1  }
0x41: {  	v2 =	vld [tilespmem:s22+$0x20];
	_ =	sdelay $0x7  }
0x42: {  	[tilespmem:v2+s2+$0x0] =	vst.idx.add.f32.msk $0xffff, v1  }
0x43: {  	v2 =	vld [tilespmem:s22+$0x30];
	_ =	sdelay $0x2  }
0x44: {  	p1 =	sne.s32 s23, $0x1  }
.Ltmp1:
0x45: {  	_ = 	snop;
	(pc) =	sbr.rel @p1 .LBB2_4-.Ltmp1, $2  }
0x46: {  	_ =	sdelay $0x2  }
0x47: {  	s23 =	sadd.s32 $0xFFFFFFFF, s23;
	s22 =	sadd.s32 $0x80, s22;
	[tilespmem:v2+s2+$0x0] =	vst.idx.add.f32.msk $0xffff, v1  }
0x48: {  	s22 =	simm.s32 $0x0  }
0x49: {  	[hbm4b:s6+s17] =	stream.strided.scatter [tilespmem:s22], [sflag:$0x2], $0x2800, s18, s17, $0x38;
	[tilespmem:$0x9F00] =	vst v63  }
0x4a: {  	s23 =	simm.s32 $0x200;
	s22 =	simm.s32 $0x0  }
.LBB2_6:
0x4b: {  	p1 =	sne.s32 s23, $0x9E00;
	[tilespmem:s22+$0x2870] =	vst v0  }
0x4c: {  	[tilespmem:s22+$0x2800] =	vst v0  }
0x4d: {  	[tilespmem:s22+$0x2810] =	vst v0  }
.Ltmp2:
0x4e: {  	[tilespmem:s22+$0x2820] =	vst v0;
	(pc) =	sbr.rel @p1 .LBB2_6-.Ltmp2, $4  }
0x4f: {  	[tilespmem:s22+$0x2830] =	vst v0  }
0x50: {  	[tilespmem:s22+$0x2840] =	vst v0  }
0x51: {  	[tilespmem:s22+$0x2850] =	vst v0  }
0x52: {  	[tilespmem:s22+$0x2860] =	vst v0;
	s22 =	sshra.s32 s23, $0x2;
	s23 =	sadd.s32 $0x200, s23  }
0x53: {  	[tilespmem:s22+$0x2870] =	vst v0  }
0x54: {  	[tilespmem:s22+$0x2800] =	vst v0  }
0x55: {  	[tilespmem:s22+$0x2810] =	vst v0  }
0x56: {  	[tilespmem:s22+$0x2820] =	vst v0  }
0x57: {  	[tilespmem:s22+$0x2830] =	vst v0  }
0x58: {  	[tilespmem:s22+$0x2840] =	vst v0  }
0x59: {  	[tilespmem:s22+$0x2850] =	vst v0  }
0x5a: {  	[tilespmem:s22+$0x2860] =	vst v0;
	s22 =	simm.s32 @p0 $0x0;
	s23 =	simm.s32 @p0 $0x5000  }
0x5b: {  	[tilespmem:s23], [sflag:$0x1] =	stream.linear.gather @p0 [hbm4b:s7+s22], $0x2700, $0x38;
	[tilespmem:$0x9F00] =	vst v63  }
0x5c: {  	s22 =	simm.s32 @p0 $0x1  }
0x5d: {  	_ =	swait.ge @p0 [sflag:s22], $0x2700  }
0x5e: {  	[sflag:s22] =	ssyncset.done @p0 $0x0  }
0x5f: {  	s23 =	simm.s32 @!p0 $0x5000;
	[sflag:s22] =	ssyncadd.s32 @p0 $0xFFFFD900;
	s22 =	simm.s32 @!p0 $0x0  }
0x60: {  	[tilespmem:s23], [sflag:$0x1] =	stream.linear.gather @!p0 [hbm4b:s7+s22], $0x2780, $0x38;
	[tilespmem:$0x9F00] =	vst v63  }
0x61: {  	s22 =	simm.s32 @!p0 $0x1  }
0x62: {  	_ =	swait.ge @!p0 [sflag:s22], $0x2780  }
0x63: {  	[sflag:s22] =	ssyncset.done @!p0 $0x0  }
0x64: {  	s23 =	smov.u32 s3;
	[sflag:s22] =	ssyncadd.s32 @!p0 $0xFFFFD880;
	s22 =	simm.s32 $0x77C0  }
.LBB2_8:
0x65: {  	v2 =	vld [tilespmem:s22+$0xFFFFFFC0];
	_ =	sdelay $0x7  }
0x66: {  	[tilespmem:v2+s19+$0x0] =	vst.idx.add.f32.msk $0xffff, v1  }
0x67: {  	v2 =	vld [tilespmem:s22+$0xFFFFFFD0];
	_ =	sdelay $0x7  }
0x68: {  	[tilespmem:v2+s19+$0x0] =	vst.idx.add.f32.msk $0xffff, v1  }
0x69: {  	v2 =	vld [tilespmem:s22+$0xFFFFFFE0];
	_ =	sdelay $0x7  }
0x6a: {  	[tilespmem:v2+s19+$0x0] =	vst.idx.add.f32.msk $0xffff, v1  }
0x6b: {  	v2 =	vld [tilespmem:s22+$0xFFFFFFF0];
	_ =	sdelay $0x7  }
0x6c: {  	[tilespmem:v2+s19+$0x0] =	vst.idx.add.f32.msk $0xffff, v1  }
0x6d: {  	v2 =	vld [tilespmem:s22+$0x0];
	_ =	sdelay $0x7  }
0x6e: {  	[tilespmem:v2+s19+$0x0] =	vst.idx.add.f32.msk $0xffff, v1  }
0x6f: {  	v2 =	vld [tilespmem:s22+$0x10];
	_ =	sdelay $0x7  }
0x70: {  	[tilespmem:v2+s19+$0x0] =	vst.idx.add.f32.msk $0xffff, v1  }
0x71: {  	v2 =	vld [tilespmem:s22+$0x20];
	_ =	sdelay $0x7  }
0x72: {  	[tilespmem:v2+s19+$0x0] =	vst.idx.add.f32.msk $0xffff, v1  }
0x73: {  	v2 =	vld [tilespmem:s22+$0x30];
	_ =	sdelay $0x2  }
0x74: {  	p1 =	sne.s32 s23, $0x1  }
.Ltmp3:
0x75: {  	_ = 	snop;
	(pc) =	sbr.rel @p1 .LBB2_8-.Ltmp3, $2  }
0x76: {  	_ =	sdelay $0x2  }
0x77: {  	s23 =	sadd.s32 $0xFFFFFFFF, s23;
	s22 =	sadd.s32 $0x80, s22;
	[tilespmem:v2+s19+$0x0] =	vst.idx.add.f32.msk $0xffff, v1  }
0x78: {  	[hbm4b:s8+s17] =	stream.strided.scatter [tilespmem:s19], [sflag:$0x2], $0x2800, s18, s17, $0x38;
	[tilespmem:$0x9F00] =	vst v63  }
0x79: {  	_ =	swait.ge [sflag:s20], $0x2800  }
0x7a: {  	[sflag:s20] =	ssyncset.done $0x0  }
0x7b: {  	s22 =	simm.s32 $0x0;
	s23 =	simm.s32 $0x200;
	[sflag:s20] =	ssyncadd.s32 $0xFFFFD800  }
.LBB2_10:
0x7c: {  	p1 =	sne.s32 s23, $0x9E00;
	[tilespmem:s22+$0x70] =	vst v0  }
0x7d: {  	[tilespmem:s22+$0x0] =	vst v0  }
0x7e: {  	[tilespmem:s22+$0x10] =	vst v0  }
.Ltmp4:
0x7f: {  	[tilespmem:s22+$0x20] =	vst v0;
	(pc) =	sbr.rel @p1 .LBB2_10-.Ltmp4, $4  }
0x80: {  	[tilespmem:s22+$0x30] =	vst v0  }
0x81: {  	[tilespmem:s22+$0x40] =	vst v0  }
0x82: {  	[tilespmem:s22+$0x50] =	vst v0  }
0x83: {  	[tilespmem:s22+$0x60] =	vst v0;
	s22 =	sshra.s32 s23, $0x2;
	s23 =	sadd.s32 $0x200, s23  }
0x84: {  	[tilespmem:s22+$0x70] =	vst v0  }
0x85: {  	[tilespmem:s22+$0x0] =	vst v0  }
0x86: {  	[tilespmem:s22+$0x10] =	vst v0  }
0x87: {  	[tilespmem:s22+$0x20] =	vst v0  }
0x88: {  	[tilespmem:s22+$0x30] =	vst v0  }
0x89: {  	[tilespmem:s22+$0x40] =	vst v0  }
0x8a: {  	[tilespmem:s22+$0x50] =	vst v0  }
0x8b: {  	[tilespmem:s22+$0x60] =	vst v0;
	s22 =	simm.s32 @p0 $0x0;
	s23 =	simm.s32 @p0 $0x7780  }
0x8c: {  	[tilespmem:s23], [sflag:$0x1] =	stream.linear.gather @p0 [hbm4b:s9+s22], $0x2700, $0x38;
	[tilespmem:$0x9F00] =	vst v63  }
0x8d: {  	s22 =	simm.s32 @p0 $0x1  }
0x8e: {  	_ =	swait.ge @p0 [sflag:s22], $0x2700  }
0x8f: {  	[sflag:s22] =	ssyncset.done @p0 $0x0  }
0x90: {  	s23 =	simm.s32 @!p0 $0x7780;
	[sflag:s22] =	ssyncadd.s32 @p0 $0xFFFFD900;
	s22 =	simm.s32 @!p0 $0x0  }
0x91: {  	[tilespmem:s23], [sflag:$0x1] =	stream.linear.gather @!p0 [hbm4b:s9+s22], $0x2780, $0x38;
	[tilespmem:$0x9F00] =	vst v63  }
0x92: {  	s22 =	simm.s32 @!p0 $0x1  }
0x93: {  	_ =	swait.ge @!p0 [sflag:s22], $0x2780  }
0x94: {  	[sflag:s22] =	ssyncset.done @!p0 $0x0  }
0x95: {  	s23 =	smov.u32 s3;
	[sflag:s22] =	ssyncadd.s32 @!p0 $0xFFFFD880;
	s22 =	simm.s32 $0x5040  }
.LBB2_12:
0x96: {  	v2 =	vld [tilespmem:s22+$0xFFFFFFC0];
	_ =	sdelay $0x7  }
0x97: {  	[tilespmem:v2+s2+$0x0] =	vst.idx.add.f32.msk $0xffff, v1  }
0x98: {  	v2 =	vld [tilespmem:s22+$0xFFFFFFD0];
	_ =	sdelay $0x7  }
0x99: {  	[tilespmem:v2+s2+$0x0] =	vst.idx.add.f32.msk $0xffff, v1  }
0x9a: {  	v2 =	vld [tilespmem:s22+$0xFFFFFFE0];
	_ =	sdelay $0x7  }
0x9b: {  	[tilespmem:v2+s2+$0x0] =	vst.idx.add.f32.msk $0xffff, v1  }
0x9c: {  	v2 =	vld [tilespmem:s22+$0xFFFFFFF0];
	_ =	sdelay $0x7  }
0x9d: {  	[tilespmem:v2+s2+$0x0] =	vst.idx.add.f32.msk $0xffff, v1  }
0x9e: {  	v2 =	vld [tilespmem:s22+$0x0];
	_ =	sdelay $0x7  }
0x9f: {  	[tilespmem:v2+s2+$0x0] =	vst.idx.add.f32.msk $0xffff, v1  }
0xa0: {  	v2 =	vld [tilespmem:s22+$0x10];
	_ =	sdelay $0x7  }
0xa1: {  	[tilespmem:v2+s2+$0x0] =	vst.idx.add.f32.msk $0xffff, v1  }
0xa2: {  	v2 =	vld [tilespmem:s22+$0x20];
	_ =	sdelay $0x7  }
0xa3: {  	[tilespmem:v2+s2+$0x0] =	vst.idx.add.f32.msk $0xffff, v1  }
0xa4: {  	v2 =	vld [tilespmem:s22+$0x30];
	_ =	sdelay $0x2  }
0xa5: {  	p1 =	sne.s32 s23, $0x1  }
.Ltmp5:
0xa6: {  	_ = 	snop;
	(pc) =	sbr.rel @p1 .LBB2_12-.Ltmp5, $2  }
0xa7: {  	_ =	sdelay $0x2  }
0xa8: {  	s23 =	sadd.s32 $0xFFFFFFFF, s23;
	s22 =	sadd.s32 $0x80, s22;
	[tilespmem:v2+s2+$0x0] =	vst.idx.add.f32.msk $0xffff, v1  }
0xa9: {  	s22 =	simm.s32 $0x0  }
0xaa: {  	[hbm4b:s10+s17] =	stream.strided.scatter [tilespmem:s22], [sflag:$0x2], $0x2800, s18, s17, $0x38;
	[tilespmem:$0x9F00] =	vst v63  }
0xab: {  	_ =	swait.ge [sflag:s20], $0x2800  }
0xac: {  	[sflag:s20] =	ssyncset.done $0x0  }
0xad: {  	s23 =	simm.s32 $0x200;
	s22 =	simm.s32 $0x0;
	[sflag:s20] =	ssyncadd.s32 $0xFFFFD800  }
.LBB2_14:
0xae: {  	p1 =	sne.s32 s23, $0x9E00;
	[tilespmem:s22+$0x2870] =	vst v0  }
0xaf: {  	[tilespmem:s22+$0x2800] =	vst v0  }
0xb0: {  	[tilespmem:s22+$0x2810] =	vst v0  }
.Ltmp6:
0xb1: {  	[tilespmem:s22+$0x2820] =	vst v0;
	(pc) =	sbr.rel @p1 .LBB2_14-.Ltmp6, $4  }
0xb2: {  	[tilespmem:s22+$0x2830] =	vst v0  }
0xb3: {  	[tilespmem:s22+$0x2840] =	vst v0  }
0xb4: {  	[tilespmem:s22+$0x2850] =	vst v0  }
0xb5: {  	[tilespmem:s22+$0x2860] =	vst v0;
	s22 =	sshra.s32 s23, $0x2;
	s23 =	sadd.s32 $0x200, s23  }
0xb6: {  	[tilespmem:s22+$0x2870] =	vst v0  }
0xb7: {  	[tilespmem:s22+$0x2800] =	vst v0  }
0xb8: {  	[tilespmem:s22+$0x2810] =	vst v0  }
0xb9: {  	[tilespmem:s22+$0x2820] =	vst v0  }
0xba: {  	[tilespmem:s22+$0x2830] =	vst v0  }
0xbb: {  	[tilespmem:s22+$0x2840] =	vst v0  }
0xbc: {  	[tilespmem:s22+$0x2850] =	vst v0  }
0xbd: {  	[tilespmem:s22+$0x2860] =	vst v0;
	s22 =	simm.s32 @p0 $0x0;
	s23 =	simm.s32 @p0 $0x5000  }
0xbe: {  	[tilespmem:s23], [sflag:$0x1] =	stream.linear.gather @p0 [hbm4b:s11+s22], $0x2700, $0x38;
	[tilespmem:$0x9F00] =	vst v63  }
0xbf: {  	s22 =	simm.s32 @p0 $0x1  }
0xc0: {  	_ =	swait.ge @p0 [sflag:s22], $0x2700  }
0xc1: {  	[sflag:s22] =	ssyncset.done @p0 $0x0  }
0xc2: {  	s23 =	simm.s32 @!p0 $0x5000;
	[sflag:s22] =	ssyncadd.s32 @p0 $0xFFFFD900;
	s22 =	simm.s32 @!p0 $0x0  }
0xc3: {  	[tilespmem:s23], [sflag:$0x1] =	stream.linear.gather @!p0 [hbm4b:s11+s22], $0x2780, $0x38;
	[tilespmem:$0x9F00] =	vst v63  }
0xc4: {  	s22 =	simm.s32 @!p0 $0x1  }
0xc5: {  	_ =	swait.ge @!p0 [sflag:s22], $0x2780  }
0xc6: {  	[sflag:s22] =	ssyncset.done @!p0 $0x0  }
0xc7: {  	s23 =	smov.u32 s3;
	[sflag:s22] =	ssyncadd.s32 @!p0 $0xFFFFD880;
	s22 =	simm.s32 $0x77C0  }
.LBB2_16:
0xc8: {  	v2 =	vld [tilespmem:s22+$0xFFFFFFC0];
	_ =	sdelay $0x7  }
0xc9: {  	[tilespmem:v2+s19+$0x0] =	vst.idx.add.f32.msk $0xffff, v1  }
0xca: {  	v2 =	vld [tilespmem:s22+$0xFFFFFFD0];
	_ =	sdelay $0x7  }
0xcb: {  	[tilespmem:v2+s19+$0x0] =	vst.idx.add.f32.msk $0xffff, v1  }
0xcc: {  	v2 =	vld [tilespmem:s22+$0xFFFFFFE0];
	_ =	sdelay $0x7  }
0xcd: {  	[tilespmem:v2+s19+$0x0] =	vst.idx.add.f32.msk $0xffff, v1  }
0xce: {  	v2 =	vld [tilespmem:s22+$0xFFFFFFF0];
	_ =	sdelay $0x7  }
0xcf: {  	[tilespmem:v2+s19+$0x0] =	vst.idx.add.f32.msk $0xffff, v1  }
0xd0: {  	v2 =	vld [tilespmem:s22+$0x0];
	_ =	sdelay $0x7  }
0xd1: {  	[tilespmem:v2+s19+$0x0] =	vst.idx.add.f32.msk $0xffff, v1  }
0xd2: {  	v2 =	vld [tilespmem:s22+$0x10];
	_ =	sdelay $0x7  }
0xd3: {  	[tilespmem:v2+s19+$0x0] =	vst.idx.add.f32.msk $0xffff, v1  }
0xd4: {  	v2 =	vld [tilespmem:s22+$0x20];
	_ =	sdelay $0x7  }
0xd5: {  	[tilespmem:v2+s19+$0x0] =	vst.idx.add.f32.msk $0xffff, v1  }
0xd6: {  	v2 =	vld [tilespmem:s22+$0x30];
	_ =	sdelay $0x2  }
0xd7: {  	p1 =	sne.s32 s23, $0x1  }
.Ltmp7:
0xd8: {  	_ = 	snop;
	(pc) =	sbr.rel @p1 .LBB2_16-.Ltmp7, $2  }
0xd9: {  	_ =	sdelay $0x2  }
0xda: {  	s23 =	sadd.s32 $0xFFFFFFFF, s23;
	s22 =	sadd.s32 $0x80, s22;
	[tilespmem:v2+s19+$0x0] =	vst.idx.add.f32.msk $0xffff, v1  }
0xdb: {  	[hbm4b:s12+s17] =	stream.strided.scatter [tilespmem:s19], [sflag:$0x2], $0x2800, s18, s17, $0x38;
	[tilespmem:$0x9F00] =	vst v63  }
0xdc: {  	_ =	swait.ge [sflag:s20], $0x2800  }
0xdd: {  	[sflag:s20] =	ssyncset.done $0x0  }
0xde: {  	s22 =	simm.s32 $0x0;
	s23 =	simm.s32 $0x200;
	[sflag:s20] =	ssyncadd.s32 $0xFFFFD800  }
.LBB2_18:
0xdf: {  	p1 =	sne.s32 s23, $0x9E00;
	[tilespmem:s22+$0x70] =	vst v0  }
0xe0: {  	[tilespmem:s22+$0x0] =	vst v0  }
0xe1: {  	[tilespmem:s22+$0x10] =	vst v0  }
.Ltmp8:
0xe2: {  	[tilespmem:s22+$0x20] =	vst v0;
	(pc) =	sbr.rel @p1 .LBB2_18-.Ltmp8, $4  }
0xe3: {  	[tilespmem:s22+$0x30] =	vst v0  }
0xe4: {  	[tilespmem:s22+$0x40] =	vst v0  }
0xe5: {  	[tilespmem:s22+$0x50] =	vst v0  }
0xe6: {  	[tilespmem:s22+$0x60] =	vst v0;
	s22 =	sshra.s32 s23, $0x2;
	s23 =	sadd.s32 $0x200, s23  }
0xe7: {  	[tilespmem:s22+$0x70] =	vst v0  }
0xe8: {  	[tilespmem:s22+$0x0] =	vst v0  }
0xe9: {  	[tilespmem:s22+$0x10] =	vst v0  }
0xea: {  	[tilespmem:s22+$0x20] =	vst v0  }
0xeb: {  	[tilespmem:s22+$0x30] =	vst v0  }
0xec: {  	[tilespmem:s22+$0x40] =	vst v0  }
0xed: {  	[tilespmem:s22+$0x50] =	vst v0  }
0xee: {  	[tilespmem:s22+$0x60] =	vst v0;
	s22 =	simm.s32 @p0 $0x0;
	s23 =	simm.s32 @p0 $0x7780  }
0xef: {  	[tilespmem:s23], [sflag:$0x1] =	stream.linear.gather @p0 [hbm4b:s13+s22], $0x2700, $0x38;
	[tilespmem:$0x9F00] =	vst v63  }
0xf0: {  	s22 =	simm.s32 @p0 $0x1  }
0xf1: {  	_ =	swait.ge @p0 [sflag:s22], $0x2700  }
0xf2: {  	[sflag:s22] =	ssyncset.done @p0 $0x0  }
0xf3: {  	s23 =	simm.s32 @!p0 $0x7780;
	[sflag:s22] =	ssyncadd.s32 @p0 $0xFFFFD900;
	s22 =	simm.s32 @!p0 $0x0  }
0xf4: {  	[tilespmem:s23], [sflag:$0x1] =	stream.linear.gather @!p0 [hbm4b:s13+s22], $0x2780, $0x38;
	[tilespmem:$0x9F00] =	vst v63  }
0xf5: {  	s22 =	simm.s32 @!p0 $0x1  }
0xf6: {  	_ =	swait.ge @!p0 [sflag:s22], $0x2780  }
0xf7: {  	[sflag:s22] =	ssyncset.done @!p0 $0x0  }
0xf8: {  	s23 =	smov.u32 s3;
	[sflag:s22] =	ssyncadd.s32 @!p0 $0xFFFFD880;
	s22 =	simm.s32 $0x5040  }
.LBB2_20:
0xf9: {  	v2 =	vld [tilespmem:s22+$0xFFFFFFC0];
	_ =	sdelay $0x7  }
0xfa: {  	[tilespmem:v2+s2+$0x0] =	vst.idx.add.f32.msk $0xffff, v1  }
0xfb: {  	v2 =	vld [tilespmem:s22+$0xFFFFFFD0];
	_ =	sdelay $0x7  }
0xfc: {  	[tilespmem:v2+s2+$0x0] =	vst.idx.add.f32.msk $0xffff, v1  }
0xfd: {  	v2 =	vld [tilespmem:s22+$0xFFFFFFE0];
	_ =	sdelay $0x7  }
0xfe: {  	[tilespmem:v2+s2+$0x0] =	vst.idx.add.f32.msk $0xffff, v1  }
0xff: {  	v2 =	vld [tilespmem:s22+$0xFFFFFFF0];
	_ =	sdelay $0x7  }
0x100: {  	[tilespmem:v2+s2+$0x0] =	vst.idx.add.f32.msk $0xffff, v1  }
0x101: {  	v2 =	vld [tilespmem:s22+$0x0];
	_ =	sdelay $0x7  }
0x102: {  	[tilespmem:v2+s2+$0x0] =	vst.idx.add.f32.msk $0xffff, v1  }
0x103: {  	v2 =	vld [tilespmem:s22+$0x10];
	_ =	sdelay $0x7  }
0x104: {  	[tilespmem:v2+s2+$0x0] =	vst.idx.add.f32.msk $0xffff, v1  }
0x105: {  	v2 =	vld [tilespmem:s22+$0x20];
	_ =	sdelay $0x7  }
0x106: {  	[tilespmem:v2+s2+$0x0] =	vst.idx.add.f32.msk $0xffff, v1  }
0x107: {  	v2 =	vld [tilespmem:s22+$0x30];
	_ =	sdelay $0x2  }
0x108: {  	p1 =	sne.s32 s23, $0x1  }
.Ltmp9:
0x109: {  	_ = 	snop;
	(pc) =	sbr.rel @p1 .LBB2_20-.Ltmp9, $2  }
0x10a: {  	_ =	sdelay $0x2  }
0x10b: {  	s23 =	sadd.s32 $0xFFFFFFFF, s23;
	s22 =	sadd.s32 $0x80, s22;
	[tilespmem:v2+s2+$0x0] =	vst.idx.add.f32.msk $0xffff, v1  }
0x10c: {  	s22 =	simm.s32 $0x0  }
0x10d: {  	[hbm4b:s14+s17] =	stream.strided.scatter [tilespmem:s22], [sflag:$0x2], $0x2800, s18, s17, $0x38;
	[tilespmem:$0x9F00] =	vst v63  }
0x10e: {  	_ =	swait.ge [sflag:s20], $0x2800  }
0x10f: {  	[sflag:s20] =	ssyncset.done $0x0  }
0x110: {  	s23 =	simm.s32 $0x200;
	s22 =	simm.s32 $0x0;
	[sflag:s20] =	ssyncadd.s32 $0xFFFFD800  }
.LBB2_22:
0x111: {  	p1 =	sne.s32 s23, $0x9E00;
	[tilespmem:s22+$0x2870] =	vst v0  }
0x112: {  	[tilespmem:s22+$0x2800] =	vst v0  }
0x113: {  	[tilespmem:s22+$0x2810] =	vst v0  }
.Ltmp10:
0x114: {  	[tilespmem:s22+$0x2820] =	vst v0;
	(pc) =	sbr.rel @p1 .LBB2_22-.Ltmp10, $4  }
0x115: {  	[tilespmem:s22+$0x2830] =	vst v0  }
0x116: {  	[tilespmem:s22+$0x2840] =	vst v0  }
0x117: {  	[tilespmem:s22+$0x2850] =	vst v0  }
0x118: {  	[tilespmem:s22+$0x2860] =	vst v0;
	s22 =	sshra.s32 s23, $0x2;
	s23 =	sadd.s32 $0x200, s23  }
0x119: {  	[tilespmem:s22+$0x2870] =	vst v0  }
0x11a: {  	[tilespmem:s22+$0x2800] =	vst v0  }
0x11b: {  	[tilespmem:s22+$0x2810] =	vst v0  }
0x11c: {  	[tilespmem:s22+$0x2820] =	vst v0  }
0x11d: {  	[tilespmem:s22+$0x2830] =	vst v0  }
0x11e: {  	[tilespmem:s22+$0x2840] =	vst v0  }
0x11f: {  	[tilespmem:s22+$0x2850] =	vst v0  }
0x120: {  	[tilespmem:s22+$0x2860] =	vst v0;
	s22 =	simm.s32 @p0 $0x1  }
0x121: {  	_ =	swait.ge @p0 [sflag:s22], $0x2700  }
0x122: {  	[sflag:s22] =	ssyncset.done @p0 $0x0  }
0x123: {  	[sflag:s22] =	ssyncadd.s32 @p0 $0xFFFFD900;
	s22 =	simm.s32 @!p0 $0x1  }
0x124: {  	_ =	swait.ge @!p0 [sflag:s22], $0x2780  }
0x125: {  	[sflag:s22] =	ssyncset.done @!p0 $0x0  }
0x126: {  	s23 =	smov.u32 s3;
	[sflag:s22] =	ssyncadd.s32 @!p0 $0xFFFFD880;
	s22 =	simm.s32 $0x77C0  }
.LBB2_24:
0x127: {  	v2 =	vld [tilespmem:s22+$0xFFFFFFC0];
	_ =	sdelay $0x7  }
0x128: {  	[tilespmem:v2+s19+$0x0] =	vst.idx.add.f32.msk $0xffff, v1  }
0x129: {  	v2 =	vld [tilespmem:s22+$0xFFFFFFD0];
	_ =	sdelay $0x7  }
0x12a: {  	[tilespmem:v2+s19+$0x0] =	vst.idx.add.f32.msk $0xffff, v1  }
0x12b: {  	v2 =	vld [tilespmem:s22+$0xFFFFFFE0];
	_ =	sdelay $0x7  }
0x12c: {  	[tilespmem:v2+s19+$0x0] =	vst.idx.add.f32.msk $0xffff, v1  }
0x12d: {  	v2 =	vld [tilespmem:s22+$0xFFFFFFF0];
	_ =	sdelay $0x7  }
0x12e: {  	[tilespmem:v2+s19+$0x0] =	vst.idx.add.f32.msk $0xffff, v1  }
0x12f: {  	v2 =	vld [tilespmem:s22+$0x0];
	_ =	sdelay $0x7  }
0x130: {  	[tilespmem:v2+s19+$0x0] =	vst.idx.add.f32.msk $0xffff, v1  }
0x131: {  	v2 =	vld [tilespmem:s22+$0x10];
	_ =	sdelay $0x7  }
0x132: {  	[tilespmem:v2+s19+$0x0] =	vst.idx.add.f32.msk $0xffff, v1  }
0x133: {  	v2 =	vld [tilespmem:s22+$0x20];
	_ =	sdelay $0x7  }
0x134: {  	[tilespmem:v2+s19+$0x0] =	vst.idx.add.f32.msk $0xffff, v1  }
0x135: {  	v2 =	vld [tilespmem:s22+$0x30];
	_ =	sdelay $0x2  }
0x136: {  	p1 =	sne.s32 s23, $0x1  }
.Ltmp11:
0x137: {  	_ = 	snop;
	(pc) =	sbr.rel @p1 .LBB2_24-.Ltmp11, $2  }
0x138: {  	_ =	sdelay $0x2  }
0x139: {  	s23 =	sadd.s32 $0xFFFFFFFF, s23;
	s22 =	sadd.s32 $0x80, s22;
	[tilespmem:v2+s19+$0x0] =	vst.idx.add.f32.msk $0xffff, v1  }
0x13a: {  	[hbm4b:s15+s17] =	stream.strided.scatter [tilespmem:s19], [sflag:$0x2], $0x2800, s18, s17, $0x38;
	[tilespmem:$0x9F00] =	vst v63  }
0x13b: {  	s21 =	sadd.s32 $0x1, s21  }
0x13c: {  	_ =	swait.ge [sflag:s20], $0x2800;
	p1 =	sne.s32 s21, s16  }
.Ltmp12:
0x13d: {  	[sflag:s20] =	ssyncset.done $0x0;
	(pc) =	sbr.rel @p1 .LBB2_1-.Ltmp12, $4  }
0x13e: {  	[sflag:s20] =	ssyncadd.s32 $0xFFFFD800  }
0x13f: {  	_ =	swait.ge [sflag:s20], $0x2800  }
0x140: {  	[sflag:s20] =	ssyncset.done $0x0  }
0x141: {  	[sflag:s20] =	ssyncadd.s32 $0xFFFFD800  }
0x142: {  	_ =	sfence.sel $0x180000  }
0x143: {  	[bflag:$0x0] =	sbarrier.arrive $0xFFFF  }
0x144: {  	p0 =	sne.s32 s1, $0x0;
	_ =	strace $0x90000047  }
0x145: {  	s0 =	sadd.s32 @!p0 $0x100000, s0;
	[bflag:$0x2] =	sbarrier.arrive $0xFFFF  }
0x146: {  	[sflag:s0] =	ssyncadd.tile.s32 @!p0 $0x1;
	_ =	shalt  }
.Lfunc_end2:
_tile_overlayer_lowered:
.L_overlay_start_2:
0x147: {  	(tag) =	ssettag $0x2  }
0x148: {  	s0 =	rddreg [dreg:$0x0];
	s2 =	stileid.u32  }
0x149: {  	s1 =	rddreg [dreg:$0x1];
	p0 =	sne.s32 s2, $0x0  }
0x14a: {  	s3 =	rddreg [dreg:$0x2];
	[bflag:$0x3] =	sbarrier.arrive $0xFFFF;
	s2 =	simm.s32 @!p0 $0x1C03  }
0x14b: {  	[timem:s3], [sflag:s2] =	dma.local @!p0 [hbm:s0], s1  }
0x14c: {  	s0 =	simm.s32 @!p0 $0x3  }
0x14d: {  	_ =	swait.ge @!p0 [sflag:s0], s1  }
0x14e: {  	s1 =	ssub.s32 @!p0 $0x0, s1;
	[sflag:s0] =	ssyncset.done @!p0 $0x0  }
0x14f: {  	[sflag:s0] =	ssyncadd.s32 @!p0 s1  }
0x150: {  	[bflag:$0x3] =	sbarrier.arrive $0xFFFF  }
0x151: {  	_ =	shalt  }

// kernel: kernel.9.cloned.1.call-start
scs
__scs_entry_jumppad:
0x0: {  	(pc) =	sbr.rel $0x88, $3  }
0x1: {  	(tag) =	ssettag $0x0;
	lr =	simm.s32 $0x1  }
0x2: {  	[smem:$0x3F97] =	sst lr;
	_ =	strace $0xD0000000  }
0x3: {  	_ = 	snop  }
0x4: {  	_ = 	snop  }
0x5: {  	_ = 	snop  }
0x6: {  	_ = 	snop  }
0x7: {  	_ = 	snop  }
__scs_overlays_trampoline_lowered:
0x8: {  	[smem:$0x3FA6] =	sst s0  }
0x9: {  	[smem:$0x3FA7] =	sst s1  }
0xa: {  	[smem:$0x3FA8] =	sst s2  }
0xb: {  	[smem:$0x3FA9] =	sst s3  }
0xc: {  	[smem:$0x3FAA] =	sst s4  }
0xd: {  	[smem:$0x3FAB] =	sst s5  }
0xe: {  	[smem:$0x3FAC] =	sst s6  }
0xf: {  	[smem:$0x3FAD] =	sst s7  }
0x10: {  	[smem:$0x3FAE] =	sst s8  }
0x11: {  	[smem:$0x3FAF] =	sst s9;
	s0 =	simm.s32 @!p0 $0x0  }
0x12: {  	s1 =	sld [smem:$0x3F95];
	s0 =	simm.s32 @p0 $0x1  }
0x13: {  	[smem:$0x3FB0] =	sst s0;
	s0 =	simm.s32 @!p1 $0x0  }
0x14: {  	s2 =	sld [smem:$0x3F94];
	s0 =	simm.s32 @p1 $0x1  }
0x15: {  	[smem:$0x3FB1] =	sst s0;
	s0 =	simm.s32 @!p2 $0x0  }
0x16: {  	s3 =	sld [smem:$0x3FDB];
	s0 =	simm.s32 @p2 $0x1  }
0x17: {  	s4 =	simm.s32 $0x1BF5;
	[smem:$0x3FB3] =	sst s0  }
0x18: {  	s0 =	sld [smem:$0x3F96];
	_ =	swait.ge [sflag:s4], $0x0  }
0x19: {  	s7 =	sld [smem:$0x3F97]  }
0x1a: {  	s8 =	sadd.s32 $0xFFFFE003, lr  }
0x1b: {  	s9 =	sadd.s32 $0xFFFFFEF7, lr;
	s5 =	simm.s32 $0xFFFFFFFF;
	p2 =	slt.u32 s8, $0xFFFFF086  }
0x1c: {  	p1 =	slt.u32 s9, $0xF7A;
	s5 =	simm.s32 @!p2 $0x0  }
0x1d: {  	s5 =	simm.s32 @p1 $0x1;
	p0 =	seq.s32 s7, s2  }
0x1e: {  	s7 =	smul.u32 @!p0 $0xF7A, s2;
	p2 =	seq.s32 @!p0 s5, $0x0  }
0x1f: {  	s9 =	smul.u32 $0xF7A, s1;
	s8 =	simm.s32 @!p0 $0x1BF5;
	p2 =	por !p2, p0  }
0x20: {  	[sflag:s8] =	ssyncset.s32 @!p0 $0xFFFFF086;
	s6 =	sadd.s32 @!p0 s3, s7;
	s7 =	simm.s32 @!p0 $0x108  }
0x21: {  	s3 =	sadd.s32 s3, s9;
	s6 =	sadd.s32 @!p0 $0x88, s6;
	s7 =	simm.s32 @p2 $0x1082  }
0x22: {  	[simem:s7], [sflag:s8] =	dma.local @!p0 [hbm:s6], $0xF7A  }
0x23: {  	s9 =	sor.u32 $0xD0000000, s2;
	s6 =	simm.s32 $0x108;
	_ =	swait.ge @!p0 [sflag:s8], $0x0  }
0x24: {  	s3 =	sadd.s32 $0x88, s3;
	s6 =	simm.s32 @!p1 $0x1082;
	[sflag:s4] =	ssyncset.s32 $0xFFFFF086  }
0x25: {  	[simem:s6], [sflag:s4] =	dma.local [hbm:s3], $0xF7A  }
0x26: {  	[smem:$0x3F97] =	sst s1;
	(tag) =	ssettag s2;
	_ =	strace s9  }
0x27: {  	s1 =	sld [smem:$0x3FA7]  }
0x28: {  	s2 =	sld [smem:$0x3FA8]  }
0x29: {  	s4 =	sld [smem:$0x3FAA]  }
0x2a: {  	p0 =	seq.s32 s5, $0x0;
	s5 =	sld [smem:$0x3FAB]  }
0x2b: {  	s6 =	sld [smem:$0x3FAC]  }
0x2c: {  	s7 =	sld [smem:$0x3FAD]  }
0x2d: {  	s3 =	simm.s32 $0x108;
	s8 =	sld [smem:$0x3FAE]  }
0x2e: {  	s3 =	simm.s32 @!p0 $0x1082;
	s9 =	sld [smem:$0x3FAF]  }
0x2f: {  	lr =	sadd.s32 s0, s3;
	s0 =	sld [smem:$0x3FA6]  }
0x30: {  	s3 =	sld [smem:$0x3FA9]  }
0x31: {  	[smem:$0x3FB2] =	sst s10  }
0x32: {  	s10 =	sld [smem:$0x3FB0];
	_ =	sdelay $0x3  }
0x33: {  	p0 =	seq.s32 s10, $0x1;
	s10 =	sld [smem:$0x3FB2];
	_ =	sdelay $0x3  }
0x34: {  	[smem:$0x3FB2] =	sst s10  }
0x35: {  	s10 =	sld [smem:$0x3FB1];
	_ =	sdelay $0x3  }
0x36: {  	p1 =	seq.s32 s10, $0x1;
	s10 =	sld [smem:$0x3FB2];
	_ =	sdelay $0x3  }
0x37: {  	[smem:$0x3FB2] =	sst s10  }
0x38: {  	s10 =	sld [smem:$0x3FB3]  }
0x39: {  	_ = 	snop;
	(pc) =	sbr.ind lr, $3  }
0x3a: {  	_ = 	snop  }
0x3b: {  	_ = 	snop  }
0x3c: {  	p2 =	seq.s32 s10, $0x1;
	s10 =	sld [smem:$0x3FB2]  }
0x3d: {  	_ =	shalt  }
0x3e: {  	_ =	shalt  }
0x3f: {  	_ =	shalt  }
0x40: {  	_ =	shalt  }
0x41: {  	_ =	shalt  }
0x42: {  	_ =	shalt  }
0x43: {  	_ =	shalt  }
0x44: {  	_ =	shalt  }
0x45: {  	_ =	shalt  }
0x46: {  	_ =	shalt  }
0x47: {  	_ =	shalt  }
0x48: {  	_ =	shalt  }
0x49: {  	_ =	shalt  }
0x4a: {  	_ =	shalt  }
0x4b: {  	_ =	shalt  }
0x4c: {  	_ =	shalt  }
0x4d: {  	_ =	shalt  }
0x4e: {  	_ =	shalt  }
0x4f: {  	_ =	shalt  }
0x50: {  	_ =	shalt  }
0x51: {  	_ =	shalt  }
0x52: {  	_ =	shalt  }
0x53: {  	_ =	shalt  }
0x54: {  	_ =	shalt  }
0x55: {  	_ =	shalt  }
0x56: {  	_ =	shalt  }
0x57: {  	_ =	shalt  }
0x58: {  	_ =	shalt  }
0x59: {  	_ =	shalt  }
0x5a: {  	_ =	shalt  }
0x5b: {  	_ =	shalt  }
0x5c: {  	_ =	shalt  }
0x5d: {  	_ =	shalt  }
0x5e: {  	_ =	shalt  }
0x5f: {  	_ =	shalt  }
0x60: {  	_ =	shalt  }
0x61: {  	_ =	shalt  }
0x62: {  	_ =	shalt  }
0x63: {  	_ =	shalt  }
0x64: {  	_ =	shalt  }
0x65: {  	_ =	shalt  }
0x66: {  	_ =	shalt  }
0x67: {  	_ =	shalt  }
0x68: {  	_ =	shalt  }
0x69: {  	_ =	shalt  }
0x6a: {  	_ =	shalt  }
0x6b: {  	_ =	shalt  }
0x6c: {  	_ =	shalt  }
0x6d: {  	_ =	shalt  }
0x6e: {  	_ =	shalt  }
0x6f: {  	_ =	shalt  }
0x70: {  	_ =	shalt  }
0x71: {  	_ =	shalt  }
0x72: {  	_ =	shalt  }
0x73: {  	_ =	shalt  }
0x74: {  	_ =	shalt  }
0x75: {  	_ =	shalt  }
0x76: {  	_ =	shalt  }
0x77: {  	_ =	shalt  }
0x78: {  	_ =	shalt  }
0x79: {  	_ =	shalt  }
0x7a: {  	_ =	shalt  }
0x7b: {  	_ =	shalt  }
0x7c: {  	_ =	shalt  }
0x7d: {  	_ =	shalt  }
0x7e: {  	_ =	shalt  }
0x7f: {  	_ =	shalt  }
0x80: {  	_ =	shalt  }
0x81: {  	_ =	shalt  }
0x82: {  	_ =	shalt  }
0x83: {  	_ =	shalt  }
0x84: {  	_ =	shalt  }
0x85: {  	_ =	shalt  }
0x86: {  	_ =	shalt  }
0x87: {  	_ =	shalt  }
.Lfunc_end0:
.L_simem_size_0:
called_computation.1_lowered:
.L_overlay_start_0:
0x88: {  	s2 =	sld [smem:$0x3FD9]  }
0x89: {  	s3 =	sld [smem:$0x3FFE];
	_ =	sdelay $0x1  }
0x8a: {  	s1 =	srdreg.scid  }
0x8b: {  	s0 =	sand.u32 $0x1, s1  }
0x8c: {  	s17 =	sshll.u32 s0, $0xA;
	s2 =	sadd.s32 s3, s2  }
0x8d: {  	s2 =	sadd.s32 s2, s17  }
0x8e: {  	[smem:$0x3FBE] =	sst s2  }
0x8f: {  	_ = 	snop  }
0x90: {  	s2 =	sld [smem:$0x3FC8]  }
0x91: {  	s18 =	sld [smem:$0x3FC7]  }
0x92: {  	s4 =	sld [smem:$0x3FC6];
	(tm) =	ssettm $0x1  }
0x93: {  	s5 =	sld [smem:$0x3FFB];
	_ =	sdelay $0x3  }
0x94: {  	_ =	strace s5  }
0x95: {  	s5 =	sld [smem:$0x3FFC];
	_ =	sdelay $0x3  }
0x96: {  	_ =	strace s5  }
0x97: {  	s5 =	sld [smem:$0x3FFD];
	_ =	sdelay $0x3  }
0x98: {  	_ =	strace s5  }
0x99: {  	_ =	strace $0x8FFFFFFF  }
0x9a: {  	s19 =	sld [smem:$0x3FDB];
	_ =	sdelay $0x1  }
0x9b: {  	s6 =	simm.s32 $_scs_section_size  }
0x9c: {  	s7 =	simm.s32 $_size__tile_overlayer_lowered;
	s8 =	simm.s32 $_tile_overlayer_lowered  }
0x9d: {  	s22 =	simm.s32 $0x1BFF;
	s21 =	sshll.u32 s8, $0x1;
	s5 =	sadd.s32 s6, s19  }
0x9e: {  	s9 =	simm.s32 $0x0;
	s20 =	sshll.u32 s7, $0x1;
	s7 =	sadd.s32 s21, s5  }
0x9f: {  	[timem:s9], [sflag:s22] =	dma.local [hbm:s7], s20  }
0xa0: {  	_ =	swait.ge [sflag:s22], s20  }
0xa1: {  	s6 =	ssub.s32 $0x0, s20;
	[sflag:s22] =	ssyncset.done $0x0  }
0xa2: {  	[sflag:s22] =	ssyncadd.s32 s6;
	_ =	sdelay $0x1  }
0xa3: {  	s23 =	simm.s32 $0x1B8B  }
0xa4: {  	_ =	swait.ge [sflag:s23], $0x1  }
0xa5: {  	[sflag:s23] =	ssyncset.done $0x0  }
0xa6: {  	s25 =	simm.s32 $0x1B8E;
	s24 =	sld [smem:$0x3FFE];
	[sflag:s23] =	ssyncadd.s32 $0xFFFFFFFF  }
0xa7: {  	s26 =	simm.s32 $execute0_lowered;
	[smem:$0x3FD2] =	sst s25  }
0xa8: {  	s7 =	sshll.u32 s26, $0x1;
	_ =	strace $0x80000049;
	[dreg:$0x1] =	wrdreg $0xFFFFFFFF  }
0xa9: {  	s28 =	simm.s32 $_size_execute0_lowered;
	s5 =	sadd.s32 s5, s7;
	[dreg:$0x0] =	wrdreg $0x0  }
0xaa: {  	s7 =	sshll.u32 s28, $0x1;
	[dreg:$0x2] =	wrdreg s5  }
0xab: {  	[dreg:$0x3] =	wrdreg s7  }
0xac: {  	[dreg:$0x4] =	wrdreg $0xC0  }
0xad: {  	_ =	task [dreg:s9], $0x5FFFF  }
0xae: {  	[dreg:$0x1] =	wrdreg $0xFFFFFFFF  }
0xaf: {  	[dreg:$0x0] =	wrdreg $0x60  }
0xb0: {  	[dreg:$0x2] =	wrdreg s24  }
0xb1: {  	[dreg:$0x3] =	wrdreg s2  }
0xb2: {  	[dreg:$0x4] =	wrdreg s18  }
0xb3: {  	[dreg:$0x5] =	wrdreg s4  }
0xb4: {  	[dreg:$0x6] =	wrdreg $0x0  }
0xb5: {  	[dreg:$0x7] =	wrdreg $0x9  }
0xb6: {  	_ =	task.clear_ibuf [dreg:s9], $0x8FFFF;
	_ =	strace $0x90000049  }
0xb7: {  	s29 =	simm.s32 $0x9;
	_ =	strace $0x8000004B  }
0xb8: {  	_ =	swait.ge [sflag:s29], $0x1  }
0xb9: {  	[sflag:s29] =	ssyncadd.s32 $0xFFFFFFFF  }
0xba: {  	_ =	strace $0x9000004B  }
0xbb: {  	_ =	sfence  }
0xbc: {  	s30 =	sld [smem:$0x0];
	_ =	sdelay $0x2  }
0xbd: {  	s31 =	sshll.u32 s1, $0xD;
	s1 =	sshrl.u32 s1, $0x2  }
0xbe: {  	s3 =	sand.u32 $0x4000, s31;
	s1 =	sadd.s32 s1, s30  }
0xbf: {  	s0 =	sor.u32 s3, s0;
	s1 =	sshll.u32 s1, $0x11  }
0xc0: {  	s0 =	sor.u32 s1, s0  }
0xc1: {  	s0 =	sadd.s32 $0x8F2B, s0  }
0xc2: {  	[sflag:s0] =	ssyncadd.remote.s32 $0x1  }
0xc3: {  	_ =	sfence.sel $0xFFFF  }
0xc4: {  	[dreg:$0x0] =	wrdreg $0xFFFFFFFF;
	(pc) =	sbr.abs _section_cstart, $3  }
0xc5: {  	[dreg:$0x1] =	wrdreg $0xFFFFFFFF  }
0xc6: {  	_ =	task.clear_ibuf [dreg:s9], $0x2FFFF;
	_ =	strace $0x9FFFFFFF  }
0xc7: {  	(tm) =	ssettm $0x7FFFFFFF  }
tec
execute0_lowered:
.L_overlay_start_1:
0x0: {  	(tag) =	ssettag $0x1  }
0x1: {  	s0 =	rddreg [dreg:$0x0]  }
0x2: {  	s3 =	rddreg [dreg:$0x1]  }
0x3: {  	s9 =	rddreg [dreg:$0x2]  }
0x4: {  	s10 =	rddreg [dreg:$0x3]  }
0x5: {  	s1 =	rddreg [dreg:$0x4]  }
0x6: {  	s2 =	simm.s32 $0x0;
	s5 =	srdreg.scid;
	s18 =	stileid.u32  }
0x7: {  	[smem:$0x7FF] =	sst s2;
	s4 =	sadd.s32 $0x2800, s0;
	s13 =	smul.u32 $0x4E000, s18  }
0x8: {  	s11 =	sand.u32 $0x1, s5;
	s5 =	sadd.s32 $0x2A800, s0;
	s15 =	smul.u32 $0x13800, s18  }
0x9: {  	s6 =	sadd.s32 $0x52800, s0;
	s0 =	sadd.s32 $0x7A800, s0;
	s14 =	smul.u32 $0x4E2, s11  }
0xa: {  	s26 =	sshll.u32 s18, $0x8;
	s8 =	ssub.s32 $0x2, s11;
	s23 =	smul.u32 $0x138800, s11  }
0xb: {  	_ =	strace $0x8000004A;
	s11 =	smul.u32 $0x4E200, s11;
	s12 =	sshrl.u32 s8, $0x1  }
0xc: {  	s21 =	sshrl.u32 s13, $0x2;
	s12 =	ssub.s32 s8, s12;
	s22 =	sadd.s32 s18, s14  }
0xd: {  	s8 =	sadd.s32 s21, s1;
	s15 =	sadd.s32 s15, s23;
	s14 =	sshrl.u32 s23, $0x3  }
0xe: {  	s11 =	sadd.s32 s26, s11;
	s23 =	smax.u32 s12, $0x1;
	[dreg:$0x6] =	wrdreg s8  }
0xf: {  	s13 =	sshll.u32 s22, $0x5;
	s26 =	sadd.s32 $0xC000, s8;
	[dreg:$0x17] =	wrdreg s23  }
0x10: {  	s15 =	sshrl.u32 s15, $0x3;
	s16 =	sadd.s32 s3, s13;
	[dreg:$0x1a] =	wrdreg s26  }
0x11: {  	s24 =	sadd.s32 $0x200, s13;
	s29 =	sadd.s32 s9, s13;
	[dreg:$0x7] =	wrdreg s16  }
0x12: {  	s17 =	sadd.s32 $0x400, s13;
	s13 =	sadd.s32 s10, s13;
	[dreg:$0xc] =	wrdreg s29  }
0x13: {  	s15 =	sadd.s32 s0, s15;
	[dreg:$0xf] =	wrdreg s13  }
0x14: {  	s19 =	sadd.s32 s3, s24;
	[dreg:$0xa] =	wrdreg s15  }
0x15: {  	s0 =	sadd.s32 s0, s14;
	s25 =	sadd.s32 s3, s17;
	[dreg:$0x8] =	wrdreg s19  }
0x16: {  	s28 =	sadd.s32 $0x24900, s0;
	[dreg:$0x9] =	wrdreg s25  }
0x17: {  	s30 =	sadd.s32 s9, s24;
	[dreg:$0xb] =	wrdreg s28  }
0x18: {  	s11 =	sadd.s32 $0x3000, s11;
	s31 =	sadd.s32 s9, s17;
	[dreg:$0xd] =	wrdreg s30  }
0x19: {  	s11 =	sshrl.u32 s11, $0x3;
	s16 =	sadd.s32 s10, s24;
	[dreg:$0xe] =	wrdreg s31  }
0x1a: {  	s3 =	sadd.s32 s11, s3;
	[dreg:$0x10] =	wrdreg s16  }
0x1b: {  	s20 =	sadd.s32 s11, s9;
	[dreg:$0x12] =	wrdreg s3  }
0x1c: {  	s21 =	sadd.s32 s11, s10;
	[dreg:$0x13] =	wrdreg s20  }
0x1d: {  	s22 =	sadd.s32 $0x72B00, s0;
	[dreg:$0x14] =	wrdreg s21  }
0x1e: {  	s0 =	sadd.s32 $0xC0D00, s0;
	[dreg:$0x15] =	wrdreg s22  }
0x1f: {  	s7 =	simm.s32 $0x4F;
	s24 =	sadd.s32 $0x4000, s8;
	[dreg:$0x16] =	wrdreg s0  }
0x20: {  	p0 =	slt.u32 s18, $0x2;
	s29 =	sadd.s32 $0x134800, s1;
	[dreg:$0x18] =	wrdreg s24  }
0x21: {  	s7 =	simm.s32 @!p0 $0x4E;
	s19 =	sadd.s32 s10, s17;
	[dreg:$0x1c] =	wrdreg s29  }
0x22: {  	p0 =	sne.s32 s18, $0xF;
	s25 =	sadd.s32 $0x8000, s8;
	[dreg:$0x11] =	wrdreg s19  }
0x23: {  	s18 =	simm.s32 $0x3;
	s28 =	sadd.s32 $0x10000, s8;
	[dreg:$0x19] =	wrdreg s25  }
0x24: {  	s9 =	simm.s32 $0x13C80;
	s30 =	sadd.s32 $0x4E200, s15;
	[dreg:$0x1b] =	wrdreg s28  }
0x25: {  	s31 =	sadd.s32 $0x9C400, s15;
	s10 =	simm.s32 $0x4;
	[dreg:$0x1d] =	wrdreg s30  }
0x26: {  	v0 =	vimm.f32 $0.0e+00;
	s15 =	simm.s32 $0x80;
	s17 =	simm.s32 $0x1;
	[dreg:$0x1e] =	wrdreg s31  }
.LBB2_1:
0x27: {  	s0 =	simm.s32 $0x0;
	s3 =	simm.s32 $0x200  }
.LBB2_2:
0x28: {  	p1 =	sne.s32 s3, $0xFE00;
	[tilespmem:s0+$0x13CF0] =	vst v0  }
0x29: {  	[tilespmem:s0+$0x13C80] =	vst v0  }
0x2a: {  	[tilespmem:s0+$0x13C90] =	vst v0  }
.Ltmp0:
0x2b: {  	[tilespmem:s0+$0x13CA0] =	vst v0;
	(pc) =	sbr.rel @p1 .LBB2_2-.Ltmp0, $4  }
0x2c: {  	[tilespmem:s0+$0x13CB0] =	vst v0  }
0x2d: {  	[tilespmem:s0+$0x13CC0] =	vst v0  }
0x2e: {  	[tilespmem:s0+$0x13CD0] =	vst v0  }
0x2f: {  	[tilespmem:s0+$0x13CE0] =	vst v0;
	s0 =	sshra.s32 s3, $0x2;
	s3 =	sadd.s32 $0x200, s3  }
0x30: {  	[tilespmem:s0+$0x13CF0] =	vst v0  }
0x31: {  	[tilespmem:s0+$0x13C80] =	vst v0  }
0x32: {  	[tilespmem:s0+$0x13C90] =	vst v0  }
0x33: {  	[tilespmem:s0+$0x13CA0] =	vst v0  }
0x34: {  	[tilespmem:s0+$0x13CB0] =	vst v0  }
0x35: {  	[tilespmem:s0+$0x13CC0] =	vst v0  }
0x36: {  	[tilespmem:s0+$0x13CD0] =	vst v0  }
0x37: {  	[tilespmem:s0+$0x13CE0] =	vst v0  }
0x38: {  	[spmem:s8] =	stream.linear.scatter [tilespmem:s9], [sflag:$0x4], $0x4000, $0x38;
	[tilespmem:$0x1FC80] =	vst v63  }
0x39: {  	_ =	swait.ge [sflag:s10], $0x4000  }
0x3a: {  	[sflag:s10] =	ssyncset.done $0x0  }
0x3b: {  	s14 =	rddreg [dreg:$0x18];
	[sflag:s10] =	ssyncadd.s32 $0xFFFFC000  }
0x3c: {  	[spmem:s14] =	stream.linear.scatter [tilespmem:s9], [sflag:$0x4], $0x4000, $0x38;
	[tilespmem:$0x1FC80] =	vst v63  }
0x3d: {  	_ =	swait.ge [sflag:s10], $0x4000  }
0x3e: {  	[sflag:s10] =	ssyncset.done $0x0  }
0x3f: {  	s16 =	rddreg [dreg:$0x19];
	[sflag:s10] =	ssyncadd.s32 $0xFFFFC000  }
0x40: {  	[spmem:s16] =	stream.linear.scatter [tilespmem:s9], [sflag:$0x4], $0x4000, $0x38;
	[tilespmem:$0x1FC80] =	vst v63  }
0x41: {  	_ =	swait.ge [sflag:s10], $0x4000  }
0x42: {  	[sflag:s10] =	ssyncset.done $0x0  }
0x43: {  	s19 =	rddreg [dreg:$0x1a];
	[sflag:s10] =	ssyncadd.s32 $0xFFFFC000  }
0x44: {  	[spmem:s19] =	stream.linear.scatter [tilespmem:s9], [sflag:$0x4], $0x4000, $0x38;
	[tilespmem:$0x1FC80] =	vst v63  }
0x45: {  	_ =	swait.ge [sflag:s10], $0x4000  }
0x46: {  	s0 =	simm.s32 @p0 $0x13C80;
	[sflag:s10] =	ssyncset.done $0x0  }
0x47: {  	s24 =	simm.s32 @p0 $0x4;
	s3 =	rddreg [dreg:$0x1b];
	[sflag:s10] =	ssyncadd.s32 $0xFFFFC000  }
0x48: {  	[spmem:s3] =	stream.linear.scatter @p0 [tilespmem:s0], [sflag:$0x4], $0x3800, $0x38;
	[tilespmem:$0x1FC80] =	vst v63  }
0x49: {  	_ =	swait.ge @p0 [sflag:s24], $0x3800  }
0x4a: {  	s25 =	simm.s32 @!p0 $0x4;
	[sflag:s24] =	ssyncset.done @p0 $0x0  }
0x4b: {  	s0 =	simm.s32 @!p0 $0x13C80;
	s3 =	rddreg [dreg:$0x1c];
	[sflag:s24] =	ssyncadd.s32 @p0 $0xFFFFC800  }
0x4c: {  	[spmem:s3] =	stream.linear.scatter @!p0 [tilespmem:s0], [sflag:$0x4], $0x4000, $0x38;
	[tilespmem:$0x1FC80] =	vst v63  }
0x4d: {  	_ =	swait.ge @!p0 [sflag:s25], $0x4000  }
0x4e: {  	[sflag:s25] =	ssyncset.done @!p0 $0x0  }
0x4f: {  	[sflag:s25] =	ssyncadd.s32 @!p0 $0xFFFFC000  }
0x50: {  	[bflag:$0x0] =	sbarrier.arrive $0xFFFF  }
0x51: {  	s21 =	simm.s32 $0x0;
	s22 =	simm.s32 $0x13880;
	s20 =	rddreg [dreg:$0x7]  }
0x52: {  	[tilespmem:s22], [sflag:$0x4] =	stream.linear.gather [hbm4b:s20+s21], $0x100, $0x38;
	[tilespmem:$0x1FC80] =	vst v63  }
0x53: {  	s11 =	simm.s32 $0x13980;
	_ =	swait.ge [sflag:s10], $0x100  }
0x54: {  	s12 =	simm.s32 $0x13A80;
	s28 =	simm.s32 $0x17C80;
	[sflag:s10] =	ssyncset.done $0x0  }
0x55: {  	s29 =	simm.s32 $0x2;
	s23 =	rddreg [dreg:$0x8];
	[sflag:s10] =	ssyncadd.s32 $0xFFFFFF00  }
0x56: {  	[tilespmem:s11], [sflag:$0x4] =	stream.linear.gather [hbm4b:s23+s21], $0x100, $0x38;
	[tilespmem:$0x1FC80] =	vst v63  }
0x57: {  	p1 =	por $0x1, $0x1;
	s16 =	smulhi.u32 $0xAAAAAAAB, s29;
	_ =	swait.ge [sflag:s10], $0x100  }
0x58: {  	p3 =	sle.u32 s7, $0x2;
	p4 =	sle.u32 s7, $0x3;
	[sflag:s10] =	ssyncset.done $0x0  }
0x59: {  	s16 =	sshrl.u32 s16, $0x1;
	s26 =	rddreg [dreg:$0x9];
	[sflag:s10] =	ssyncadd.s32 $0xFFFFFF00  }
0x5a: {  	[tilespmem:s12], [sflag:$0x4] =	stream.linear.gather [hbm4b:s26+s21], $0x100, $0x38;
	[tilespmem:$0x1FC80] =	vst v63  }
0x5b: {  	p2 =	sle.u32 @!p1 s7, $0x2;
	s16 =	smul.u32 $0xFFFD0000, s16;
	_ =	swait.ge [sflag:s10], $0x100  }
0x5c: {  	p2 =	por p2, p1;
	p1 =	sne.s32 s7, $0x1;
	[sflag:s10] =	ssyncset.done $0x0  }
0x5d: {  	s16 =	sshra.s32 s16, $0x2;
	s0 =	simm.s32 $0x13C80;
	[sflag:s10] =	ssyncadd.s32 $0xFFFFFF00  }
0x5e: {  	[tilespmem:s0], [sflag:$0x1] =	stream.indirect.gather [hbm4b:s4+s15], $0x80, s22, s15, $0xb8;
	[tilespmem:$0x1FC80] =	vst v63  }
0x5f: {  	s14 =	simm.s32 @!p2 $0x2;
	s19 =	smulhi.u32 $0xAAAAAAAB, s21;
	s16 =	sadd.s32 $0x1BC80, s16  }
0x60: {  	[tilespmem:s28], [sflag:$0x1] =	stream.indirect.gather [hbm4b:s4+s15], $0x80, s11, s15, $0xb8;
	[tilespmem:$0x1FC80] =	vst v63  }
0x61: {  	s30 =	sshrl.u32 s19, $0x1;
	s20 =	simm.s32 @!p3 $0x800;
	_ =	swait.ge @!p2 [sflag:s14], $0x100  }
0x62: {  	s31 =	smul.u32 $0xFFFD0000, s30;
	s20 =	sand.u32 @!p3 $0xC00, s20;
	[sflag:s14] =	ssyncset.done @!p2 $0x0  }
0x63: {  	s20 =	sshrl.u32 @!p3 s20, $0x2;
	[sflag:s14] =	ssyncadd.s32 @!p2 $0xFFFFFF00;
	s14 =	simm.s32 @!p2 $0x3  }
0x64: {  	s3 =	simm.s32 $0x1;
	s20 =	sor.u32 @!p3 $0x13880, s20;
	_ =	swait.ge @!p2 [sflag:s14], $0x4000  }
0x65: {  	s12 =	simm.s32 $0x3;
	s22 =	simm.s32 @!p4 $0xC00;
	[sflag:s14] =	ssyncset.done @!p2 $0x0  }
0x66: {  	s22 =	sand.u32 @!p4 $0xC00, s22;
	[sflag:s14] =	ssyncadd.s32 @!p2 $0xFFFFC000;
	s14 =	simm.s32 @!p3 $0x80  }
0x67: {  	[tilespmem:s16], [sflag:$0x1] =	stream.indirect.gather @!p3 [hbm4b:s4+s14], $0x80, s20, s14, $0xb8;
	[tilespmem:$0x1FC80] =	vst v63  }
.Ltmp1:
0x68: {  	s21 =	sand.u32 $0xC00, s21;
	s19 =	sshrl.u32 @!p4 s22, $0x2;
	(pc) =	sbr.rel @!p1 .LBB2_5-.Ltmp1, $4  }
0x69: {  	s22 =	sshra.s32 s31, $0x2;
	s11 =	rddreg [dreg:$0x12];
	s14 =	simm.s32 $0x17C80  }
0x6a: {  	s16 =	sor.u32 @!p4 $0x13880, s19;
	s19 =	simm.s32 @!p4 $0x0;
	s20 =	sadd.s32 $0x200, s11  }
0x6b: {  	[tilespmem:s16], [sflag:$0x2] =	stream.linear.gather @!p4 [hbm4b:s11+s19], $0x100, $0x38;
	[tilespmem:$0x1FC80] =	vst v63  }
0x6c: {  	s16 =	simm.s32 $0x400;
	s19 =	simm.s32 $0x1FC80;
	_ =	swait.ge [sflag:s17], $0x4000  }
.LBB2_4:
0x6d: {  	[sflag:s17] =	ssyncset.done $0x0;
	s23 =	sshrl.u32 s21, $0x2;
	s26 =	smov.u32 s3  }
0x6e: {  	s3 =	sadd.s32 $0x1, s3;
	s28 =	smov.u32 s12;
	s21 =	smov.u32 s16  }
0x6f: {  	s0 =	sadd.s32 s22, s0;
	[sflag:s17] =	ssyncadd.s32 $0xFFFFC000;
	s22 =	sadd.s32 $0x13900, s23  }
0x70: {  	[spmem:s1] =	stream.indirect.scatter.add.f32 [tilespmem:s0], [sflag:$0x3], $0x80, s22, s15, $0xb8;
	[tilespmem:$0x1FC80] =	vst v63  }
0x71: {  	p1 =	sne.s32 s3, s7;
	s0 =	smov.u32 s14;
	s22 =	smov.u32 s19  }
0x72: {  	p2 =	seq.s32 s16, $0x0;
	s23 =	smov.u32 s20  }
0x73: {  	s12 =	sadd.s32 $0x1, s12;
	s16 =	sadd.s32 $0x400, s16;
	s29 =	sadd.s32 $0x2, s26  }
0x74: {  	s28 =	smulhi.u32 $0xAAAAAAAB, s28;
	p3 =	sge.u32 @!p2 s29, s7;
	s14 =	sadd.s32 $0x4000, s14  }
0x75: {  	s20 =	sadd.s32 $0x200, s20;
	s19 =	sadd.s32 $0x4000, s19;
	p2 =	por p3, p2  }
0x76: {  	s31 =	smulhi.u32 $0xAAAAAAAB, s26;
	s26 =	sadd.s32 $0x3, s26;
	s30 =	simm.s32 @!p2 $0x2  }
0x77: {  	p4 =	sge.u32 s26, s7;
	_ =	swait.ge @!p2 [sflag:s30], $0x100  }
0x78: {  	s28 =	sshrl.u32 s28, $0x1;
	p3 =	sge.u32 s29, s7;
	[sflag:s30] =	ssyncset.done @!p2 $0x0  }
0x79: {  	s29 =	sshrl.u32 s31, $0x1;
	[sflag:s30] =	ssyncadd.s32 @!p2 $0xFFFFFF00;
	s30 =	simm.s32 @!p2 $0x3  }
0x7a: {  	s28 =	smul.u32 $0xFFFD0000, s28;
	s31 =	sadd.s32 @!p3 $0x800, s21;
	_ =	swait.ge @!p2 [sflag:s30], $0x4000  }
0x7b: {  	s26 =	simm.s32 @!p3 $0x80;
	s31 =	sand.u32 @!p3 $0xC00, s31;
	[sflag:s30] =	ssyncset.done @!p2 $0x0  }
0x7c: {  	s28 =	sshra.s32 s28, $0x2;
	[sflag:s30] =	ssyncadd.s32 @!p2 $0xFFFFC000;
	s30 =	sadd.s32 @!p4 $0xC00, s21  }
0x7d: {  	s31 =	sshrl.u32 @!p3 s31, $0x2;
	s22 =	sadd.s32 s28, s22;
	s30 =	sand.u32 @!p4 $0xC00, s30  }
.Ltmp2:
0x7e: {  	s28 =	sor.u32 @!p3 $0x13880, s31;
	s30 =	sshrl.u32 @!p4 s30, $0x2;
	(pc) =	sbr.rel @p1 .LBB2_4-.Ltmp2, $4  }
0x7f: {  	[tilespmem:s22], [sflag:$0x1] =	stream.indirect.gather @!p3 [hbm4b:s4+s26], $0x80, s28, s26, $0xb8;
	[tilespmem:$0x1FC80] =	vst v63  }
0x80: {  	s22 =	smul.u32 $0xFFFD0000, s29;
	s26 =	sor.u32 @!p4 $0x13880, s30;
	s28 =	simm.s32 @!p4 $0x0  }
0x81: {  	[tilespmem:s26], [sflag:$0x2] =	stream.linear.gather @!p4 [hbm4b:s23+s28], $0x100, $0x38;
	[tilespmem:$0x1FC80] =	vst v63  }
0x82: {  	s21 =	sand.u32 $0xC00, s21;
	s22 =	sshra.s32 s22, $0x2;
	_ =	swait.ge [sflag:s17], $0x4000  }
.LBB2_5:
0x83: {  	[sflag:s17] =	ssyncset.done $0x0;
	s3 =	sshrl.u32 s21, $0x2  }
0x84: {  	s0 =	sadd.s32 s22, s0;
	[sflag:s17] =	ssyncadd.s32 $0xFFFFC000;
	s3 =	sadd.s32 $0x13900, s3  }
0x85: {  	[spmem:s1] =	stream.indirect.scatter.add.f32 [tilespmem:s0], [sflag:$0x3], $0x80, s3, s15, $0xb8;
	[tilespmem:$0x1FC80] =	vst v63  }
0x86: {  	_ =	swait.ge [sflag:s18], $0x4000  }
0x87: {  	[sflag:s18] =	ssyncset.done $0x0  }
0x88: {  	[sflag:s18] =	ssyncadd.s32 $0xFFFFC000  }
0x89: {  	_ =	swait.ge [sflag:s18], $0x4000  }
0x8a: {  	[sflag:s18] =	ssyncset.done $0x0  }
0x8b: {  	[sflag:s18] =	ssyncadd.s32 $0xFFFFC000  }
0x8c: {  	_ =	swait.ge [sflag:s18], $0x4000  }
0x8d: {  	[sflag:s18] =	ssyncset.done $0x0  }
0x8e: {  	s0 =	stileid.u32;
	[sflag:s18] =	ssyncadd.s32 $0xFFFFC000  }
0x8f: {  	s0 =	sshll.u32 @p0 s0, $0x6;
	[bflag:$0x0] =	sbarrier.arrive $0xFFFF  }
0x90: {  	s23 =	sshrl.u32 @p0 s8, $0x3;
	s19 =	sor.u32 @p0 $0x1C04, s0;
	s0 =	rddreg [dreg:$0xa]  }
0x91: {  	[hbm:s0], [sflag:s19] =	dma.local @p0 [spmem:s23], $0x2700  }
0x92: {  	_ =	swait.ge @p0 [sflag:s24], $0x2700  }
0x93: {  	s0 =	simm.s32 @!p0 $0x1FC4;
	[sflag:s24] =	ssyncset.done @p0 $0x0  }
0x94: {  	s3 =	rddreg [dreg:$0xb];
	[sflag:s24] =	ssyncadd.s32 @p0 $0xFFFFD900;
	s24 =	sshrl.u32 @!p0 s8, $0x3  }
0x95: {  	[hbm:s3], [sflag:s0] =	dma.local @!p0 [spmem:s24], $0x2800  }
0x96: {  	_ =	swait.ge @!p0 [sflag:s25], $0x2800  }
0x97: {  	[sflag:s25] =	ssyncset.done @!p0 $0x0  }
0x98: {  	s0 =	simm.s32 $0x0;
	s3 =	simm.s32 $0x200;
	[sflag:s25] =	ssyncadd.s32 @!p0 $0xFFFFD800  }
.LBB2_6:
0x99: {  	p1 =	sne.s32 s3, $0xFE00;
	[tilespmem:s0+$0x13CF0] =	vst v0  }
0x9a: {  	[tilespmem:s0+$0x13C80] =	vst v0  }
0x9b: {  	[tilespmem:s0+$0x13C90] =	vst v0  }
.Ltmp3:
0x9c: {  	[tilespmem:s0+$0x13CA0] =	vst v0;
	(pc) =	sbr.rel @p1 .LBB2_6-.Ltmp3, $4  }
0x9d: {  	[tilespmem:s0+$0x13CB0] =	vst v0  }
0x9e: {  	[tilespmem:s0+$0x13CC0] =	vst v0  }
0x9f: {  	[tilespmem:s0+$0x13CD0] =	vst v0  }
0xa0: {  	[tilespmem:s0+$0x13CE0] =	vst v0;
	s0 =	sshra.s32 s3, $0x2;
	s3 =	sadd.s32 $0x200, s3  }
0xa1: {  	[tilespmem:s0+$0x13CF0] =	vst v0  }
0xa2: {  	[tilespmem:s0+$0x13C80] =	vst v0  }
0xa3: {  	[tilespmem:s0+$0x13C90] =	vst v0  }
0xa4: {  	[tilespmem:s0+$0x13CA0] =	vst v0  }
0xa5: {  	[tilespmem:s0+$0x13CB0] =	vst v0  }
0xa6: {  	[tilespmem:s0+$0x13CC0] =	vst v0  }
0xa7: {  	[tilespmem:s0+$0x13CD0] =	vst v0  }
0xa8: {  	[tilespmem:s0+$0x13CE0] =	vst v0  }
0xa9: {  	[spmem:s8] =	stream.linear.scatter [tilespmem:s9], [sflag:$0x4], $0x4000, $0x38;
	[tilespmem:$0x1FC80] =	vst v63  }
0xaa: {  	_ =	swait.ge [sflag:s10], $0x4000  }
0xab: {  	[sflag:s10] =	ssyncset.done $0x0  }
0xac: {  	s13 =	rddreg [dreg:$0x18];
	[sflag:s10] =	ssyncadd.s32 $0xFFFFC000  }
0xad: {  	[spmem:s13] =	stream.linear.scatter [tilespmem:s9], [sflag:$0x4], $0x4000, $0x38;
	[tilespmem:$0x1FC80] =	vst v63  }
0xae: {  	_ =	swait.ge [sflag:s10], $0x4000  }
0xaf: {  	[sflag:s10] =	ssyncset.done $0x0  }
0xb0: {  	s14 =	rddreg [dreg:$0x19];
	[sflag:s10] =	ssyncadd.s32 $0xFFFFC000  }
0xb1: {  	[spmem:s14] =	stream.linear.scatter [tilespmem:s9], [sflag:$0x4], $0x4000, $0x38;
	[tilespmem:$0x1FC80] =	vst v63  }
0xb2: {  	_ =	swait.ge [sflag:s10], $0x4000  }
0xb3: {  	[sflag:s10] =	ssyncset.done $0x0  }
0xb4: {  	s16 =	rddreg [dreg:$0x1a];
	[sflag:s10] =	ssyncadd.s32 $0xFFFFC000  }
0xb5: {  	[spmem:s16] =	stream.linear.scatter [tilespmem:s9], [sflag:$0x4], $0x4000, $0x38;
	[tilespmem:$0x1FC80] =	vst v63  }
0xb6: {  	_ =	swait.ge [sflag:s10], $0x4000  }
0xb7: {  	s0 =	simm.s32 @p0 $0x13C80;
	[sflag:s10] =	ssyncset.done $0x0  }
0xb8: {  	s25 =	simm.s32 @p0 $0x4;
	s3 =	rddreg [dreg:$0x1b];
	[sflag:s10] =	ssyncadd.s32 $0xFFFFC000  }
0xb9: {  	[spmem:s3] =	stream.linear.scatter @p0 [tilespmem:s0], [sflag:$0x4], $0x3800, $0x38;
	[tilespmem:$0x1FC80] =	vst v63  }
0xba: {  	_ =	swait.ge @p0 [sflag:s25], $0x3800  }
0xbb: {  	[sflag:s25] =	ssyncset.done @p0 $0x0  }
0xbc: {  	s0 =	simm.s32 @!p0 $0x13C80;
	s3 =	rddreg [dreg:$0x1c];
	[sflag:s25] =	ssyncadd.s32 @p0 $0xFFFFC800  }
0xbd: {  	[spmem:s3] =	stream.linear.scatter @!p0 [tilespmem:s0], [sflag:$0x4], $0x4000, $0x38;
	[tilespmem:$0x1FC80] =	vst v63  }
0xbe: {  	s0 =	simm.s32 @!p0 $0x4  }
0xbf: {  	_ =	swait.ge @!p0 [sflag:s0], $0x4000  }
0xc0: {  	[sflag:s0] =	ssyncset.done @!p0 $0x0  }
0xc1: {  	[sflag:s0] =	ssyncadd.s32 @!p0 $0xFFFFC000  }
0xc2: {  	[bflag:$0x0] =	sbarrier.arrive $0xFFFF  }
0xc3: {  	s26 =	simm.s32 $0x0;
	s21 =	simm.s32 $0x13880;
	s20 =	rddreg [dreg:$0xc]  }
0xc4: {  	[tilespmem:s21], [sflag:$0x4] =	stream.linear.gather [hbm4b:s20+s26], $0x100, $0x38;
	[tilespmem:$0x1FC80] =	vst v63  }
0xc5: {  	s11 =	simm.s32 $0x13980;
	_ =	swait.ge [sflag:s10], $0x100  }
0xc6: {  	s12 =	simm.s32 $0x13A80;
	s30 =	simm.s32 $0x17C80;
	[sflag:s10] =	ssyncset.done $0x0  }
0xc7: {  	p1 =	por $0x1, $0x1;
	s22 =	rddreg [dreg:$0xd];
	[sflag:s10] =	ssyncadd.s32 $0xFFFFFF00  }
0xc8: {  	[tilespmem:s11], [sflag:$0x4] =	stream.linear.gather [hbm4b:s22+s26], $0x100, $0x38;
	[tilespmem:$0x1FC80] =	vst v63  }
0xc9: {  	p3 =	sle.u32 s7, $0x2;
	p4 =	sle.u32 s7, $0x3;
	_ =	swait.ge [sflag:s10], $0x100  }
0xca: {  	p2 =	sle.u32 @!p1 s7, $0x2;
	s28 =	simm.s32 @!p4 $0xC00;
	[sflag:s10] =	ssyncset.done $0x0  }
0xcb: {  	s14 =	simm.s32 $0x2;
	s29 =	rddreg [dreg:$0xe];
	[sflag:s10] =	ssyncadd.s32 $0xFFFFFF00  }
0xcc: {  	[tilespmem:s12], [sflag:$0x4] =	stream.linear.gather [hbm4b:s29+s26], $0x100, $0x38;
	[tilespmem:$0x1FC80] =	vst v63  }
0xcd: {  	p2 =	por p2, p1;
	s20 =	smulhi.u32 $0xAAAAAAAB, s14;
	_ =	swait.ge [sflag:s10], $0x100  }
0xce: {  	p1 =	sne.s32 s7, $0x1;
	s28 =	sand.u32 @!p4 $0xC00, s28;
	[sflag:s10] =	ssyncset.done $0x0  }
0xcf: {  	s3 =	simm.s32 $0x13C80;
	s20 =	sshrl.u32 s20, $0x1;
	[sflag:s10] =	ssyncadd.s32 $0xFFFFFF00  }
0xd0: {  	[tilespmem:s3], [sflag:$0x1] =	stream.indirect.gather [hbm4b:s5+s15], $0x80, s21, s15, $0xb8;
	[tilespmem:$0x1FC80] =	vst v63  }
0xd1: {  	s16 =	simm.s32 @!p2 $0x2;
	s20 =	smul.u32 $0xFFFD0000, s20;
	s22 =	simm.s32 @!p3 $0x800  }
0xd2: {  	[tilespmem:s30], [sflag:$0x1] =	stream.indirect.gather [hbm4b:s5+s15], $0x80, s11, s15, $0xb8;
	[tilespmem:$0x1FC80] =	vst v63  }
0xd3: {  	s14 =	simm.s32 $0x3;
	s22 =	sand.u32 @!p3 $0xC00, s22;
	_ =	swait.ge @!p2 [sflag:s16], $0x100  }
0xd4: {  	s20 =	sshra.s32 s20, $0x2;
	s22 =	sshrl.u32 @!p3 s22, $0x2;
	[sflag:s16] =	ssyncset.done @!p2 $0x0  }
0xd5: {  	s21 =	smulhi.u32 $0xAAAAAAAB, s26;
	[sflag:s16] =	ssyncadd.s32 @!p2 $0xFFFFFF00;
	s16 =	simm.s32 @!p2 $0x3  }
0xd6: {  	s20 =	sadd.s32 $0x1BC80, s20;
	s22 =	sor.u32 @!p3 $0x13880, s22;
	_ =	swait.ge @!p2 [sflag:s16], $0x4000  }
0xd7: {  	s31 =	sshrl.u32 s21, $0x1;
	s21 =	sshrl.u32 @!p4 s28, $0x2;
	[sflag:s16] =	ssyncset.done @!p2 $0x0  }
0xd8: {  	s28 =	smul.u32 $0xFFFD0000, s31;
	[sflag:s16] =	ssyncadd.s32 @!p2 $0xFFFFC000;
	s16 =	simm.s32 @!p3 $0x80  }
0xd9: {  	[tilespmem:s20], [sflag:$0x1] =	stream.indirect.gather @!p3 [hbm4b:s5+s16], $0x80, s22, s16, $0xb8;
	[tilespmem:$0x1FC80] =	vst v63  }
.Ltmp4:
0xda: {  	s12 =	simm.s32 $0x1;
	s26 =	sand.u32 $0xC00, s26;
	(pc) =	sbr.rel @!p1 .LBB2_9-.Ltmp4, $4  }
0xdb: {  	s28 =	sshra.s32 s28, $0x2;
	s8 =	rddreg [dreg:$0x13];
	s16 =	simm.s32 $0x17C80  }
0xdc: {  	s20 =	sor.u32 @!p4 $0x13880, s21;
	s21 =	simm.s32 @!p4 $0x0;
	s22 =	sadd.s32 $0x200, s8  }
0xdd: {  	[tilespmem:s20], [sflag:$0x2] =	stream.linear.gather @!p4 [hbm4b:s8+s21], $0x100, $0x38;
	[tilespmem:$0x1FC80] =	vst v63  }
0xde: {  	s20 =	simm.s32 $0x400;
	s21 =	simm.s32 $0x1FC80;
	_ =	swait.ge [sflag:s17], $0x4000  }
.LBB2_8:
0xdf: {  	[sflag:s17] =	ssyncset.done $0x0;
	s29 =	sshrl.u32 s26, $0x2;
	s30 =	smov.u32 s12  }
0xe0: {  	s12 =	sadd.s32 $0x1, s12;
	s31 =	smov.u32 s14;
	s26 =	smov.u32 s20  }
0xe1: {  	s3 =	sadd.s32 s28, s3;
	[sflag:s17] =	ssyncadd.s32 $0xFFFFC000;
	s28 =	sadd.s32 $0x13900, s29  }
0xe2: {  	[spmem:s1] =	stream.indirect.scatter.add.f32 [tilespmem:s3], [sflag:$0x3], $0x80, s28, s15, $0xb8;
	[tilespmem:$0x1FC80] =	vst v63  }
0xe3: {  	p1 =	sne.s32 s12, s7;
	s3 =	smov.u32 s16;
	s28 =	smov.u32 s21  }
0xe4: {  	p2 =	seq.s32 s20, $0x0;
	s29 =	smov.u32 s22  }
0xe5: {  	s14 =	sadd.s32 $0x1, s14;
	s20 =	sadd.s32 $0x400, s20;
	s11 =	sadd.s32 $0x2, s30  }
0xe6: {  	s31 =	smulhi.u32 $0xAAAAAAAB, s31;
	p3 =	sge.u32 @!p2 s11, s7;
	s16 =	sadd.s32 $0x4000, s16  }
0xe7: {  	s22 =	sadd.s32 $0x200, s22;
	s21 =	sadd.s32 $0x4000, s21;
	p2 =	por p3, p2  }
0xe8: {  	s8 =	smulhi.u32 $0xAAAAAAAB, s30;
	s30 =	sadd.s32 $0x3, s30;
	s13 =	simm.s32 @!p2 $0x2  }
0xe9: {  	p4 =	sge.u32 s30, s7;
	_ =	swait.ge @!p2 [sflag:s13], $0x100  }
0xea: {  	s31 =	sshrl.u32 s31, $0x1;
	p3 =	sge.u32 s11, s7;
	[sflag:s13] =	ssyncset.done @!p2 $0x0  }
0xeb: {  	s8 =	sshrl.u32 s8, $0x1;
	s11 =	simm.s32 @!p2 $0x3;
	[sflag:s13] =	ssyncadd.s32 @!p2 $0xFFFFFF00  }
0xec: {  	s13 =	smul.u32 $0xFFFD0000, s31;
	s31 =	sadd.s32 @!p3 $0x800, s26;
	_ =	swait.ge @!p2 [sflag:s11], $0x4000  }
0xed: {  	s30 =	sadd.s32 @!p4 $0xC00, s26;
	s31 =	sand.u32 @!p3 $0xC00, s31;
	[sflag:s11] =	ssyncset.done @!p2 $0x0  }
0xee: {  	s30 =	sand.u32 @!p4 $0xC00, s30;
	[sflag:s11] =	ssyncadd.s32 @!p2 $0xFFFFC000;
	s11 =	simm.s32 @!p3 $0x80  }
0xef: {  	s30 =	sshrl.u32 @!p4 s30, $0x2;
	s13 =	sshra.s32 s13, $0x2;
	s31 =	sshrl.u32 @!p3 s31, $0x2  }
.Ltmp5:
0xf0: {  	s13 =	sadd.s32 s13, s28;
	s28 =	sor.u32 @!p3 $0x13880, s31;
	(pc) =	sbr.rel @p1 .LBB2_8-.Ltmp5, $4  }
0xf1: {  	[tilespmem:s13], [sflag:$0x1] =	stream.indirect.gather @!p3 [hbm4b:s5+s11], $0x80, s28, s11, $0xb8;
	[tilespmem:$0x1FC80] =	vst v63  }
0xf2: {  	s8 =	smul.u32 $0xFFFD0000, s8;
	s11 =	sor.u32 @!p4 $0x13880, s30;
	s13 =	simm.s32 @!p4 $0x0  }
0xf3: {  	[tilespmem:s11], [sflag:$0x2] =	stream.linear.gather @!p4 [hbm4b:s29+s13], $0x100, $0x38;
	[tilespmem:$0x1FC80] =	vst v63  }
0xf4: {  	s26 =	sand.u32 $0xC00, s26;
	s28 =	sshra.s32 s8, $0x2;
	_ =	swait.ge [sflag:s17], $0x4000  }
.LBB2_9:
0xf5: {  	[sflag:s17] =	ssyncset.done $0x0;
	s8 =	sshrl.u32 s26, $0x2  }
0xf6: {  	s3 =	sadd.s32 s28, s3;
	[sflag:s17] =	ssyncadd.s32 $0xFFFFC000;
	s8 =	sadd.s32 $0x13900, s8  }
0xf7: {  	[spmem:s1] =	stream.indirect.scatter.add.f32 [tilespmem:s3], [sflag:$0x3], $0x80, s8, s15, $0xb8;
	[tilespmem:$0x1FC80] =	vst v63  }
0xf8: {  	_ =	swait.ge [sflag:s18], $0x4000  }
0xf9: {  	[sflag:s18] =	ssyncset.done $0x0  }
0xfa: {  	[sflag:s18] =	ssyncadd.s32 $0xFFFFC000  }
0xfb: {  	_ =	swait.ge [sflag:s18], $0x4000  }
0xfc: {  	[sflag:s18] =	ssyncset.done $0x0  }
0xfd: {  	[sflag:s18] =	ssyncadd.s32 $0xFFFFC000  }
0xfe: {  	_ =	swait.ge [sflag:s18], $0x4000  }
0xff: {  	[sflag:s18] =	ssyncset.done $0x0  }
0x100: {  	[sflag:s18] =	ssyncadd.s32 $0xFFFFC000  }
0x101: {  	[bflag:$0x0] =	sbarrier.arrive $0xFFFF  }
0x102: {  	s3 =	rddreg [dreg:$0x1d]  }
0x103: {  	[hbm:s3], [sflag:s19] =	dma.local @p0 [spmem:s23], $0x2700  }
0x104: {  	_ =	swait.ge @p0 [sflag:s25], $0x2700  }
0x105: {  	[sflag:s25] =	ssyncset.done @p0 $0x0  }
0x106: {  	s3 =	simm.s32 @!p0 $0x1FC4;
	s8 =	rddreg [dreg:$0x15];
	[sflag:s25] =	ssyncadd.s32 @p0 $0xFFFFD900  }
0x107: {  	[hbm:s8], [sflag:s3] =	dma.local @!p0 [spmem:s24], $0x2800  }
0x108: {  	_ =	swait.ge @!p0 [sflag:s0], $0x2800  }
0x109: {  	[sflag:s0] =	ssyncset.done @!p0 $0x0  }
0x10a: {  	s3 =	simm.s32 $0x200;
	[sflag:s0] =	ssyncadd.s32 @!p0 $0xFFFFD800;
	s0 =	simm.s32 $0x0  }
.LBB2_10:
0x10b: {  	p1 =	sne.s32 s3, $0xFE00;
	[tilespmem:s0+$0x13CF0] =	vst v0  }
0x10c: {  	[tilespmem:s0+$0x13C80] =	vst v0  }
0x10d: {  	[tilespmem:s0+$0x13C90] =	vst v0  }
.Ltmp6:
0x10e: {  	[tilespmem:s0+$0x13CA0] =	vst v0;
	(pc) =	sbr.rel @p1 .LBB2_10-.Ltmp6, $4  }
0x10f: {  	[tilespmem:s0+$0x13CB0] =	vst v0  }
0x110: {  	[tilespmem:s0+$0x13CC0] =	vst v0  }
0x111: {  	[tilespmem:s0+$0x13CD0] =	vst v0  }
0x112: {  	[tilespmem:s0+$0x13CE0] =	vst v0;
	s0 =	sshra.s32 s3, $0x2;
	s3 =	sadd.s32 $0x200, s3  }
0x113: {  	[tilespmem:s0+$0x13CF0] =	vst v0  }
0x114: {  	[tilespmem:s0+$0x13C80] =	vst v0  }
0x115: {  	[tilespmem:s0+$0x13C90] =	vst v0  }
0x116: {  	[tilespmem:s0+$0x13CA0] =	vst v0  }
0x117: {  	[tilespmem:s0+$0x13CB0] =	vst v0  }
0x118: {  	[tilespmem:s0+$0x13CC0] =	vst v0  }
0x119: {  	[tilespmem:s0+$0x13CD0] =	vst v0  }
0x11a: {  	[tilespmem:s0+$0x13CE0] =	vst v0;
	s13 =	rddreg [dreg:$0x6]  }
0x11b: {  	[spmem:s13] =	stream.linear.scatter [tilespmem:s9], [sflag:$0x4], $0x4000, $0x38;
	[tilespmem:$0x1FC80] =	vst v63  }
0x11c: {  	_ =	swait.ge [sflag:s10], $0x4000  }
0x11d: {  	[sflag:s10] =	ssyncset.done $0x0  }
0x11e: {  	s14 =	rddreg [dreg:$0x18];
	[sflag:s10] =	ssyncadd.s32 $0xFFFFC000  }
0x11f: {  	[spmem:s14] =	stream.linear.scatter [tilespmem:s9], [sflag:$0x4], $0x4000, $0x38;
	[tilespmem:$0x1FC80] =	vst v63  }
0x120: {  	_ =	swait.ge [sflag:s10], $0x4000  }
0x121: {  	[sflag:s10] =	ssyncset.done $0x0  }
0x122: {  	s16 =	rddreg [dreg:$0x19];
	[sflag:s10] =	ssyncadd.s32 $0xFFFFC000  }
0x123: {  	[spmem:s16] =	stream.linear.scatter [tilespmem:s9], [sflag:$0x4], $0x4000, $0x38;
	[tilespmem:$0x1FC80] =	vst v63  }
0x124: {  	_ =	swait.ge [sflag:s10], $0x4000  }
0x125: {  	[sflag:s10] =	ssyncset.done $0x0  }
0x126: {  	s20 =	rddreg [dreg:$0x1a];
	[sflag:s10] =	ssyncadd.s32 $0xFFFFC000  }
0x127: {  	[spmem:s20] =	stream.linear.scatter [tilespmem:s9], [sflag:$0x4], $0x4000, $0x38;
	[tilespmem:$0x1FC80] =	vst v63  }
0x128: {  	_ =	swait.ge [sflag:s10], $0x4000  }
0x129: {  	[sflag:s10] =	ssyncset.done $0x0  }
0x12a: {  	s0 =	simm.s32 @p0 $0x13C80;
	s3 =	rddreg [dreg:$0x1b];
	[sflag:s10] =	ssyncadd.s32 $0xFFFFC000  }
0x12b: {  	[spmem:s3] =	stream.linear.scatter @p0 [tilespmem:s0], [sflag:$0x4], $0x3800, $0x38;
	[tilespmem:$0x1FC80] =	vst v63  }
0x12c: {  	s0 =	simm.s32 @p0 $0x4  }
0x12d: {  	_ =	swait.ge @p0 [sflag:s0], $0x3800  }
0x12e: {  	s25 =	simm.s32 @!p0 $0x4;
	[sflag:s0] =	ssyncset.done @p0 $0x0  }
0x12f: {  	s3 =	simm.s32 @!p0 $0x13C80;
	s8 =	rddreg [dreg:$0x1c];
	[sflag:s0] =	ssyncadd.s32 @p0 $0xFFFFC800  }
0x130: {  	[spmem:s8] =	stream.linear.scatter @!p0 [tilespmem:s3], [sflag:$0x4], $0x4000, $0x38;
	[tilespmem:$0x1FC80] =	vst v63  }
0x131: {  	_ =	swait.ge @!p0 [sflag:s25], $0x4000  }
0x132: {  	[sflag:s25] =	ssyncset.done @!p0 $0x0  }
0x133: {  	[sflag:s25] =	ssyncadd.s32 @!p0 $0xFFFFC000  }
0x134: {  	[bflag:$0x0] =	sbarrier.arrive $0xFFFF  }
0x135: {  	s11 =	simm.s32 $0x13880;
	s8 =	simm.s32 $0x0;
	s21 =	rddreg [dreg:$0xf]  }
0x136: {  	[tilespmem:s11], [sflag:$0x4] =	stream.linear.gather [hbm4b:s21+s8], $0x100, $0x38;
	[tilespmem:$0x1FC80] =	vst v63  }
0x137: {  	s12 =	simm.s32 $0x13980;
	_ =	swait.ge [sflag:s10], $0x100  }
0x138: {  	s29 =	simm.s32 $0x17C80;
	p1 =	por $0x1, $0x1;
	[sflag:s10] =	ssyncset.done $0x0  }
0x139: {  	s30 =	simm.s32 $0x2;
	s22 =	rddreg [dreg:$0x10];
	[sflag:s10] =	ssyncadd.s32 $0xFFFFFF00  }
0x13a: {  	[tilespmem:s12], [sflag:$0x4] =	stream.linear.gather [hbm4b:s22+s8], $0x100, $0x38;
	[tilespmem:$0x1FC80] =	vst v63  }
0x13b: {  	p3 =	sle.u32 s7, $0x2;
	p4 =	sle.u32 s7, $0x3;
	_ =	swait.ge [sflag:s10], $0x100  }
0x13c: {  	s13 =	simm.s32 $0x13A80;
	p2 =	sle.u32 @!p1 s7, $0x2;
	[sflag:s10] =	ssyncset.done $0x0  }
0x13d: {  	p2 =	por p2, p1;
	s26 =	rddreg [dreg:$0x11];
	[sflag:s10] =	ssyncadd.s32 $0xFFFFFF00  }
0x13e: {  	[tilespmem:s13], [sflag:$0x4] =	stream.linear.gather [hbm4b:s26+s8], $0x100, $0x38;
	[tilespmem:$0x1FC80] =	vst v63  }
0x13f: {  	p1 =	sne.s32 s7, $0x1;
	s16 =	simm.s32 @!p3 $0x800;
	_ =	swait.ge [sflag:s10], $0x100  }
0x140: {  	s14 =	simm.s32 $0x3;
	s16 =	sand.u32 @!p3 $0xC00, s16;
	[sflag:s10] =	ssyncset.done $0x0  }
0x141: {  	s3 =	simm.s32 $0x13C80;
	s20 =	smulhi.u32 $0xAAAAAAAB, s8;
	[sflag:s10] =	ssyncadd.s32 $0xFFFFFF00  }
0x142: {  	[tilespmem:s3], [sflag:$0x1] =	stream.indirect.gather [hbm4b:s6+s15], $0x80, s11, s15, $0xb8;
	[tilespmem:$0x1FC80] =	vst v63  }
0x143: {  	s16 =	sshrl.u32 @!p3 s16, $0x2;
	s13 =	simm.s32 @!p2 $0x2;
	s11 =	smulhi.u32 $0xAAAAAAAB, s30  }
0x144: {  	[tilespmem:s29], [sflag:$0x1] =	stream.indirect.gather [hbm4b:s6+s15], $0x80, s12, s15, $0xb8;
	[tilespmem:$0x1FC80] =	vst v63  }
0x145: {  	s16 =	sor.u32 @!p3 $0x13880, s16;
	s31 =	sshrl.u32 s20, $0x1;
	_ =	swait.ge @!p2 [sflag:s13], $0x100  }
0x146: {  	s21 =	simm.s32 @!p4 $0xC00;
	s11 =	sshrl.u32 s11, $0x1;
	[sflag:s13] =	ssyncset.done @!p2 $0x0  }
0x147: {  	s11 =	smul.u32 $0xFFFD0000, s11;
	[sflag:s13] =	ssyncadd.s32 @!p2 $0xFFFFFF00;
	s13 =	simm.s32 @!p2 $0x3  }
0x148: {  	s20 =	simm.s32 @!p4 $0x0;
	s21 =	sand.u32 @!p4 $0xC00, s21;
	_ =	swait.ge @!p2 [sflag:s13], $0x4000  }
0x149: {  	s26 =	sand.u32 $0xC00, s8;
	s11 =	sshra.s32 s11, $0x2;
	[sflag:s13] =	ssyncset.done @!p2 $0x0  }
0x14a: {  	s11 =	sadd.s32 $0x1BC80, s11;
	[sflag:s13] =	ssyncadd.s32 @!p2 $0xFFFFC000;
	s13 =	simm.s32 @!p3 $0x80  }
0x14b: {  	[tilespmem:s11], [sflag:$0x1] =	stream.indirect.gather @!p3 [hbm4b:s6+s13], $0x80, s16, s13, $0xb8;
	[tilespmem:$0x1FC80] =	vst v63  }
.Ltmp7:
0x14c: {  	s12 =	simm.s32 $0x1;
	s13 =	sshrl.u32 @!p4 s21, $0x2;
	(pc) =	sbr.rel @!p1 .LBB2_13-.Ltmp7, $4  }
0x14d: {  	s22 =	rddreg [dreg:$0x14];
	s11 =	smul.u32 $0xFFFD0000, s31;
	s13 =	sor.u32 @!p4 $0x13880, s13  }
0x14e: {  	[tilespmem:s13], [sflag:$0x2] =	stream.linear.gather @!p4 [hbm4b:s22+s20], $0x100, $0x38;
	[tilespmem:$0x1FC80] =	vst v63  }
0x14f: {  	s16 =	simm.s32 $0x17C80;
	s21 =	simm.s32 $0x1FC80;
	s20 =	simm.s32 $0x400  }
0x150: {  	s22 =	sadd.s32 $0x200, s22;
	s28 =	sshra.s32 s11, $0x2;
	_ =	swait.ge [sflag:s17], $0x4000  }
.LBB2_12:
0x151: {  	[sflag:s17] =	ssyncset.done $0x0;
	s8 =	sshrl.u32 s26, $0x2;
	s11 =	smov.u32 s12  }
0x152: {  	s12 =	sadd.s32 $0x1, s12;
	s13 =	smov.u32 s14;
	s26 =	smov.u32 s20  }
0x153: {  	s3 =	sadd.s32 s28, s3;
	[sflag:s17] =	ssyncadd.s32 $0xFFFFC000;
	s8 =	sadd.s32 $0x13900, s8  }
0x154: {  	[spmem:s1] =	stream.indirect.scatter.add.f32 [tilespmem:s3], [sflag:$0x3], $0x80, s8, s15, $0xb8;
	[tilespmem:$0x1FC80] =	vst v63  }
0x155: {  	p1 =	sne.s32 s12, s7;
	s3 =	smov.u32 s16;
	s8 =	smov.u32 s21  }
0x156: {  	s28 =	smov.u32 s22;
	p2 =	seq.s32 s20, $0x0  }
0x157: {  	s14 =	sadd.s32 $0x1, s14;
	s20 =	sadd.s32 $0x400, s20;
	s29 =	sadd.s32 $0x2, s11  }
0x158: {  	s22 =	sadd.s32 $0x200, s22;
	p3 =	sge.u32 @!p2 s29, s7;
	s16 =	sadd.s32 $0x4000, s16  }
0x159: {  	s13 =	smulhi.u32 $0xAAAAAAAB, s13;
	s21 =	sadd.s32 $0x4000, s21;
	p2 =	por p3, p2  }
0x15a: {  	s31 =	smulhi.u32 $0xAAAAAAAB, s11;
	s11 =	sadd.s32 $0x3, s11;
	s30 =	simm.s32 @!p2 $0x2  }
0x15b: {  	p4 =	sge.u32 s11, s7;
	_ =	swait.ge @!p2 [sflag:s30], $0x100  }
0x15c: {  	s13 =	sshrl.u32 s13, $0x1;
	p3 =	sge.u32 s29, s7;
	[sflag:s30] =	ssyncset.done @!p2 $0x0  }
0x15d: {  	s29 =	sshrl.u32 s31, $0x1;
	[sflag:s30] =	ssyncadd.s32 @!p2 $0xFFFFFF00;
	s30 =	simm.s32 @!p2 $0x3  }
0x15e: {  	s13 =	smul.u32 $0xFFFD0000, s13;
	s31 =	sadd.s32 @!p3 $0x800, s26;
	_ =	swait.ge @!p2 [sflag:s30], $0x4000  }
0x15f: {  	s11 =	simm.s32 @!p3 $0x80;
	s31 =	sand.u32 @!p3 $0xC00, s31;
	[sflag:s30] =	ssyncset.done @!p2 $0x0  }
0x160: {  	s13 =	sshra.s32 s13, $0x2;
	[sflag:s30] =	ssyncadd.s32 @!p2 $0xFFFFC000;
	s30 =	sadd.s32 @!p4 $0xC00, s26  }
0x161: {  	s31 =	sshrl.u32 @!p3 s31, $0x2;
	s8 =	sadd.s32 s13, s8;
	s30 =	sand.u32 @!p4 $0xC00, s30  }
.Ltmp8:
0x162: {  	s13 =	sor.u32 @!p3 $0x13880, s31;
	s30 =	sshrl.u32 @!p4 s30, $0x2;
	(pc) =	sbr.rel @p1 .LBB2_12-.Ltmp8, $4  }
0x163: {  	[tilespmem:s8], [sflag:$0x1] =	stream.indirect.gather @!p3 [hbm4b:s6+s11], $0x80, s13, s11, $0xb8;
	[tilespmem:$0x1FC80] =	vst v63  }
0x164: {  	s8 =	smul.u32 $0xFFFD0000, s29;
	s11 =	sor.u32 @!p4 $0x13880, s30;
	s13 =	simm.s32 @!p4 $0x0  }
0x165: {  	[tilespmem:s11], [sflag:$0x2] =	stream.linear.gather @!p4 [hbm4b:s28+s13], $0x100, $0x38;
	[tilespmem:$0x1FC80] =	vst v63  }
0x166: {  	s26 =	sand.u32 $0xC00, s26;
	s28 =	sshra.s32 s8, $0x2;
	_ =	swait.ge [sflag:s17], $0x4000  }
.LBB2_13:
0x167: {  	[sflag:s17] =	ssyncset.done $0x0;
	s8 =	sshrl.u32 s26, $0x2  }
0x168: {  	s3 =	sadd.s32 s28, s3;
	[sflag:s17] =	ssyncadd.s32 $0xFFFFC000;
	s8 =	sadd.s32 $0x13900, s8  }
0x169: {  	[spmem:s1] =	stream.indirect.scatter.add.f32 [tilespmem:s3], [sflag:$0x3], $0x80, s8, s15, $0xb8;
	[tilespmem:$0x1FC80] =	vst v63  }
0x16a: {  	_ =	swait.ge [sflag:s18], $0x4000  }
0x16b: {  	[sflag:s18] =	ssyncset.done $0x0  }
0x16c: {  	[sflag:s18] =	ssyncadd.s32 $0xFFFFC000  }
0x16d: {  	_ =	swait.ge [sflag:s18], $0x4000  }
0x16e: {  	[sflag:s18] =	ssyncset.done $0x0  }
0x16f: {  	[sflag:s18] =	ssyncadd.s32 $0xFFFFC000  }
0x170: {  	_ =	swait.ge [sflag:s18], $0x4000  }
0x171: {  	[sflag:s18] =	ssyncset.done $0x0  }
0x172: {  	[sflag:s18] =	ssyncadd.s32 $0xFFFFC000  }
0x173: {  	[bflag:$0x0] =	sbarrier.arrive $0xFFFF  }
0x174: {  	s3 =	rddreg [dreg:$0x1e]  }
0x175: {  	[hbm:s3], [sflag:s19] =	dma.local @p0 [spmem:s23], $0x2700  }
0x176: {  	_ =	swait.ge @p0 [sflag:s0], $0x2700  }
0x177: {  	[sflag:s0] =	ssyncset.done @p0 $0x0  }
0x178: {  	s3 =	rddreg [dreg:$0x16];
	[sflag:s0] =	ssyncadd.s32 @p0 $0xFFFFD900;
	s0 =	simm.s32 @!p0 $0x1FC4  }
0x179: {  	[hbm:s3], [sflag:s0] =	dma.local @!p0 [spmem:s24], $0x2800  }
0x17a: {  	_ =	swait.ge @!p0 [sflag:s25], $0x2800  }
0x17b: {  	s2 =	sadd.s32 $0x1, s2;
	s31 =	rddreg [dreg:$0x17]  }
0x17c: {  	p1 =	sne.s32 s2, s31  }
.Ltmp9:
0x17d: {  	_ = 	snop;
	(pc) =	sbr.rel @p1 .LBB2_1-.Ltmp9, $3  }
0x17e: {  	_ =	sdelay $0x1  }
0x17f: {  	[sflag:s25] =	ssyncset.done @!p0 $0x0  }
0x180: {  	s8 =	rddreg [dreg:$0x6];
	[sflag:s25] =	ssyncadd.s32 @!p0 $0xFFFFD800  }
0x181: {  	_ =	sfence.sel $0x180000  }
0x182: {  	[bflag:$0x0] =	sbarrier.arrive $0xFFFF  }
0x183: {  	_ =	strace $0x9000004A  }
0x184: {  	s0 =	stileid.u32;
	[bflag:$0x2] =	sbarrier.arrive $0xFFFF  }
0x185: {  	p0 =	sne.s32 s0, $0x0;
	s0 =	rddreg [dreg:$0x5]  }
0x186: {  	s0 =	sadd.s32 @!p0 $0x100000, s0  }
0x187: {  	[sflag:s0] =	ssyncadd.tile.s32 @!p0 $0x1;
	_ =	shalt  }
.Lfunc_end2:
_tile_overlayer_lowered:
.L_overlay_start_2:
0x188: {  	(tag) =	ssettag $0x2  }
0x189: {  	s0 =	rddreg [dreg:$0x0];
	s2 =	stileid.u32  }
0x18a: {  	s1 =	rddreg [dreg:$0x1];
	p0 =	sne.s32 s2, $0x0  }
0x18b: {  	s3 =	rddreg [dreg:$0x2];
	[bflag:$0x3] =	sbarrier.arrive $0xFFFF;
	s2 =	simm.s32 @!p0 $0x1C04  }
0x18c: {  	[timem:s3], [sflag:s2] =	dma.local @!p0 [hbm:s0], s1  }
0x18d: {  	s0 =	simm.s32 @!p0 $0x4  }
0x18e: {  	_ =	swait.ge @!p0 [sflag:s0], s1  }
0x18f: {  	s1 =	ssub.s32 @!p0 $0x0, s1;
	[sflag:s0] =	ssyncset.done @!p0 $0x0  }
0x190: {  	[sflag:s0] =	ssyncadd.s32 @!p0 s1  }
0x191: {  	[bflag:$0x3] =	sbarrier.arrive $0xFFFF  }
0x192: {  	_ =	shalt  }

</sc_bundles>
